<compile_context>
chip_gen: v7x
topology: tpu7x:2x2x1
jax: 0.10.2.dev20260603
libtpu: 0.0.44.dev20260713+nightly
codegen_flags: <defaults>
</compile_context>

<pallas_src>
import jax
import jax.numpy as jnp
from jax import lax
from jax.experimental import pallas as pl
from jax.experimental.pallas import tpu as pltpu
from jax.experimental.pallas import tpu_sc as plsc

_GRID_R, _GRID_C = 28, 28
_CELLS = _GRID_R * _GRID_C
_BOX_NUM = 3
_CLASS_NUM = 80
_F = 5 * _BOX_NUM + _CLASS_NUM
_B = 64
_N = _B * _CELLS
_RP = 32

_TC_STEPS = 14
_RB = _GRID_R // _TC_STEPS

_NC, _NS, _L = 2, 16, 16
_NW = _NC * _NS
_B_W = _B // _NW
_CB = 4


def _tc_body(p_ref, gt_ref, loc_ref, out_ref, acc_ref):
    g = pl.program_id(0)

    @pl.when(g == 0)
    def _init():
        acc_ref[0] = 0.0
        acc_ref[1] = 0.0

    p = p_ref[...]
    gt = gt_ref[...]
    loc_ref[..., 0:16] = p[..., 0:16]
    loc_ref[..., 16:32] = gt[..., 0:16]

    pos = (gt[..., 0:1] > 0.0).astype(jnp.float32)
    d = p[..., 15:_F] - gt[..., 15:_F]
    acc_ref[0] = acc_ref[0] + jnp.sum(d * d * pos)
    acc_ref[1] = acc_ref[1] + jnp.sum(pos)

    @pl.when(g == _TC_STEPS - 1)
    def _fin():
        out_ref[0] = acc_ref[0]
        out_ref[1] = acc_ref[1]


def _tc_class(pT, gtT):
    return pl.pallas_call(
        _tc_body,
        grid=(_TC_STEPS,),
        in_specs=[
            pl.BlockSpec((_RB, _GRID_C, _B, _F), lambda g: (g, 0, 0, 0)),
            pl.BlockSpec((_RB, _GRID_C, _B, _F), lambda g: (g, 0, 0, 0)),
        ],
        out_specs=[
            pl.BlockSpec((_RB, _GRID_C, _B, 128), lambda g: (g, 0, 0, 0)),
            pl.BlockSpec(memory_space=pltpu.SMEM),
        ],
        out_shape=[
            jax.ShapeDtypeStruct((_GRID_R, _GRID_C, _B, 128), jnp.float32),
            jax.ShapeDtypeStruct((2,), jnp.float32),
        ],
        scratch_shapes=[pltpu.SMEM((2,), jnp.float32)],
    )(pT, gtT)


def _loc_math(pc, gc, ii, jj):
    c0, c1, c2 = pc[0], pc[5], pc[10]
    best = (
        (c0 >= c1) & (c0 >= c2),
        (c1 > c0) & (c1 >= c2),
        (c2 > c0) & (c2 > c1),
    )
    pos = gc[0] > 0.0

    zero = jnp.zeros_like(c0)
    xy_p = zero
    wh_p = zero
    pc_p = zero
    nc_p = zero
    for k in range(_BOX_NUM):
        ck = (c0, c1, c2)[k]
        m = jnp.where(pos & best[k], 1.0, 0.0)
        px, py, pw, ph = pc[5 * k + 1], pc[5 * k + 2], pc[5 * k + 3], pc[5 * k + 4]
        gx, gy, gw, gh = gc[5 * k + 1], gc[5 * k + 2], gc[5 * k + 3], gc[5 * k + 4]

        dx = px - (gx * float(_GRID_C) - jj)
        dy = py - (gy * float(_GRID_R) - ii)
        dw = pw - gw
        dh = ph - gh
        xy_p = xy_p + m * (dx * dx + dy * dy)
        wh_p = wh_p + m * (dw * dw + dh * dh)

        pxg = (px + jj) / float(_GRID_C)
        pyg = (py + ii) / float(_GRID_R)
        ax1 = pxg - pw * 0.5
        ax2 = pxg + pw * 0.5
        ay1 = pyg - ph * 0.5
        ay2 = pyg + ph * 0.5
        bx1 = gx - gw * 0.5
        bx2 = gx + gw * 0.5
        by1 = gy - gh * 0.5
        by2 = gy + gh * 0.5
        iw = jnp.maximum(jnp.minimum(ax2, bx2) - jnp.maximum(ax1, bx1), 0.0)
        ih = jnp.maximum(jnp.minimum(ay2, by2) - jnp.maximum(ay1, by1), 0.0)
        inter = iw * ih
        area_a = jnp.maximum(pw, 0.0) * jnp.maximum(ph, 0.0)
        area_b = jnp.maximum(gw, 0.0) * jnp.maximum(gh, 0.0)
        iou = inter / (area_a + area_b - inter + 1e-10)

        dc = ck - iou
        pc_p = pc_p + m * dc * dc
        nc_p = nc_p + (1.0 - m) * ck * ck
    return xy_p, wh_p, pc_p, nc_p


def _sc_body(loc_hbm, o_hbm, lv0, lv1, ov, sem0, sem1, sem_o):
    wid = lax.axis_index("s") * _NC + lax.axis_index("c")

    lane = lax.iota(jnp.int32, _L)
    z = jnp.zeros((_L,), jnp.float32)
    bufs = (lv0, lv1)
    sems = (sem0, sem1)
    n_chunks = _GRID_C // _CB

    @pl.when(wid < _GRID_R)
    def _work():
        def issue(ci):
            return pltpu.async_copy(
                loc_hbm.at[wid, pl.ds(ci * _CB, _CB), :, :],
                bufs[ci % 2], sems[ci % 2])

        ii_f = jnp.full((_L,), wid, jnp.int32).astype(jnp.float32)

        def compute(ci, buf, carry):
            def cl_loop(c_l, carry1):
                jj_f = jnp.full((_L,), ci * _CB, jnp.int32).astype(
                    jnp.float32) + c_l.astype(jnp.float32)
                cl_v = jnp.full((_L,), c_l, jnp.int32)

                def bh_loop(bh, carry2):
                    xy_a, wh_a, pc_a, nc_a = carry2
                    b_idx = bh * _L + lane
                    pc = [plsc.load_gather(
                              buf, [cl_v, b_idx, jnp.full((_L,), j, jnp.int32)])
                          for j in range(15)]
                    gc = [plsc.load_gather(
                              buf, [cl_v, b_idx,
                                    jnp.full((_L,), _L + j, jnp.int32)])
                          for j in range(15)]
                    xy_p, wh_p, pc_p, nc_p = _loc_math(pc, gc, ii_f, jj_f)
                    return (xy_a + xy_p, wh_a + wh_p,
                            pc_a + pc_p, nc_a + nc_p)

                return lax.fori_loop(0, _B // _L, bh_loop, carry1)

            return lax.fori_loop(0, _CB, cl_loop, carry)

        acc = (z, z, z, z)
        cps = {0: issue(0)}
        for ci in range(n_chunks):
            if ci + 1 < n_chunks:
                cps[ci + 1] = issue(ci + 1)
            cps[ci].wait()
            acc = compute(ci, bufs[ci % 2], acc)

        xy_a, wh_a, pc_a, nc_a = acc
        ov[0, pl.ds(0, _L)] = xy_a
        ov[0, pl.ds(_L, _L)] = wh_a
        ov[0, pl.ds(2 * _L, _L)] = pc_a
        ov[0, pl.ds(3 * _L, _L)] = nc_a
        pltpu.async_copy(ov, o_hbm.at[wid], sem_o).wait()


def _sc_loc(loc):
    mesh = plsc.VectorSubcoreMesh(core_axis_name="c", subcore_axis_name="s")
    f = pl.kernel(
        _sc_body,
        out_type=jax.ShapeDtypeStruct((_NW, 1, 4 * _L), jnp.float32),
        mesh=mesh,
        compiler_params=pltpu.CompilerParams(needs_layout_passes=False),
        scratch_types=[
            pltpu.VMEM((_CB, _B, 128), jnp.float32),
            pltpu.VMEM((_CB, _B, 128), jnp.float32),
            pltpu.VMEM((1, 4 * _L), jnp.float32),
            pltpu.SemaphoreType.DMA,
            pltpu.SemaphoreType.DMA,
            pltpu.SemaphoreType.DMA,
        ],
    )
    return f(loc)


def _combine_body(sc_ref, tc_ref, out_ref):
    xy_sum = jnp.sum(sc_ref[0:_GRID_R, 0, 0:_L])
    wh_sum = jnp.sum(sc_ref[0:_GRID_R, 0, _L:2 * _L])
    pc_sum = jnp.sum(sc_ref[0:_GRID_R, 0, 2 * _L:3 * _L])
    nc_sum = jnp.sum(sc_ref[0:_GRID_R, 0, 3 * _L:4 * _L])
    class_sum = tc_ref[0]
    npos = tc_ref[1]
    class_loss = class_sum / jnp.maximum(float(_CLASS_NUM) * npos, 1.0)
    xy_loss = xy_sum / jnp.maximum(2.0 * npos, 1.0)
    wh_loss = wh_sum / jnp.maximum(2.0 * npos, 1.0)
    pos_conf = pc_sum / jnp.maximum(npos, 1.0)
    neg_conf = nc_sum / jnp.maximum(float(_BOX_NUM * _N) - npos, 1.0)
    out_ref[0] = (class_loss + 2.0 * pos_conf + 0.5 * neg_conf
                  + 5.0 * xy_loss + 5.0 * wh_loss)
    out_ref[1] = class_loss
    out_ref[2] = xy_loss
    out_ref[3] = wh_loss
    out_ref[4] = pos_conf
    out_ref[5] = neg_conf


def _combine(sc_out, tc_out):
    return pl.pallas_call(
        _combine_body,
        in_specs=[
            pl.BlockSpec(memory_space=pltpu.VMEM),
            pl.BlockSpec(memory_space=pltpu.SMEM),
        ],
        out_specs=pl.BlockSpec(memory_space=pltpu.SMEM),
        out_shape=jax.ShapeDtypeStruct((6,), jnp.float32),
    )(sc_out, tc_out)


@jax.jit
def _yolo_loss(p, gt):
    pT = jnp.transpose(p, (1, 2, 0, 3))
    gtT = jnp.transpose(gt, (1, 2, 0, 3))
    loc, tc_out = _tc_class(pT, gtT)
    sc_out = _sc_loc(loc)
    out = _combine(sc_out, tc_out)
    return (out[0], out[1], out[2], out[3], out[4], out[5])


def kernel(p, gt):
    return _yolo_loss(p, gt)

# --- scband reference (transcript-rebuilt; emitter-appended) ---
"""Pipeline reference for scband-yololoss-36928128811176 (READ-ONLY COPY).

The authoritative reference and input builder live on the scoring server;
editing this copy changes nothing except your own understanding.
"""

import jax, jax.numpy as jnp
import numpy as np

GRID = (28, 28)
BOX_NUM = 3
CLASS_NUM = 80


def setup_inputs(seed: int = 0) -> dict:
    key = jax.random.key(seed)
    k1, k2 = jax.random.split(key)
    B = 64
    R, C = GRID
    F = 5 * BOX_NUM + CLASS_NUM
    p = jax.random.normal(k1, (B, R, C, F), dtype=jnp.float32)
    gt = jax.random.uniform(k2, (B, R, C, F), dtype=jnp.float32)
    return {"p": p, "gt": gt}


def _grid_offsets(rows, cols):
    ii = jnp.arange(rows, dtype=jnp.float32).reshape(1, rows, 1, 1)
    jj = jnp.arange(cols, dtype=jnp.float32).reshape(1, 1, cols, 1)
    return ii, jj


def _global_to_cell(box, rows, cols):
    # box: (B, rows, cols, box_num, 4) in global normalized (cx, cy, w, h)
    ii, jj = _grid_offsets(rows, cols)
    x = box[..., 0] * cols - jj
    y = box[..., 1] * rows - ii
    return jnp.stack([x, y, box[..., 2], box[..., 3]], axis=-1)


def _cell_to_global(box, rows, cols):
    ii, jj = _grid_offsets(rows, cols)
    x = (box[..., 0] + jj) / cols
    y = (box[..., 1] + ii) / rows
    return jnp.stack([x, y, box[..., 2], box[..., 3]], axis=-1)


def _calc_iou(a, b):
    # boxes in (cx, cy, w, h)
    ax1 = a[..., 0] - a[..., 2] / 2.0
    ax2 = a[..., 0] + a[..., 2] / 2.0
    ay1 = a[..., 1] - a[..., 3] / 2.0
    ay2 = a[..., 1] + a[..., 3] / 2.0
    bx1 = b[..., 0] - b[..., 2] / 2.0
    bx2 = b[..., 0] + b[..., 2] / 2.0
    by1 = b[..., 1] - b[..., 3] / 2.0
    by2 = b[..., 1] + b[..., 3] / 2.0
    iw = jnp.maximum(jnp.minimum(ax2, bx2) - jnp.maximum(ax1, bx1), 0.0)
    ih = jnp.maximum(jnp.minimum(ay2, by2) - jnp.maximum(ay1, by1), 0.0)
    inter = iw * ih
    area_a = jnp.maximum(a[..., 2], 0.0) * jnp.maximum(a[..., 3], 0.0)
    area_b = jnp.maximum(b[..., 2], 0.0) * jnp.maximum(b[..., 3], 0.0)
    union = area_a + area_b - inter
    return inter / (union + 1e-10)


def _masked_mean(x, mask):
    # equivalent to F.mse_loss(x[mask_sel], y[mask_sel]) when x = (p - y)**2
    m = jnp.broadcast_to(mask, x.shape).astype(x.dtype)
    return jnp.sum(x * m) / jnp.maximum(jnp.sum(m), 1.0)


def reference(p, gt):
    rows, cols = GRID
    Bn = BOX_NUM
    p_loc = p[..., : 5 * Bn].reshape(-1, rows, cols, Bn, 5)
    p_class = p[..., 5 * Bn :]
    p_conf = p_loc[..., 0]
    p_box = p_loc[..., 1:5]
    gt_loc = gt[..., : 5 * Bn].reshape(-1, rows, cols, Bn, 5)
    gt_class = gt[..., 5 * Bn :]
    gt_response = gt_loc[..., 0]
    gt_box = gt_loc[..., 1:5]

    # box_mask: one-hot of argmax of predicted conf over box dim (scatter_ in torch)
    best = jnp.argmax(p_conf, axis=-1)
    box_mask = jnp.arange(Bn)[None, None, None, :] == best[..., None]
    pos_mask = gt_response[..., 0] > 0
    pos_cell_mask = pos_mask[..., None] & box_mask
    neg_cell_mask = ~pos_cell_mask

    # class loss over positive cells
    class_loss = _masked_mean((p_class - gt_class) ** 2, pos_mask[..., None])

    # coord loss over responsible boxes in positive cells
    gt_box_cell = _global_to_cell(gt_box, rows, cols)
    xy_loss = _masked_mean((p_box[..., :2] - gt_box_cell[..., :2]) ** 2, pos_cell_mask[..., None])
    wh_loss = _masked_mean((p_box[..., 2:] - gt_box_cell[..., 2:]) ** 2, pos_cell_mask[..., None])

    # conf loss: target IoU (no grad through box conversion / IoU, matching torch.no_grad)
    p_box_global = jax.lax.stop_gradient(_cell_to_global(p_box, rows, cols))
    iou = jax.lax.stop_gradient(_calc_iou(p_box_global, gt_box))
    pos_conf_loss = _masked_mean((p_conf - iou) ** 2, pos_cell_mask)
    neg_conf_loss = _masked_mean(p_conf ** 2, neg_cell_mask)

    loss = class_loss + 2.0 * pos_conf_loss + 0.5 * neg_conf_loss + 5.0 * xy_loss + 5.0 * wh_loss
    return (loss, class_loss, xy_loss, wh_loss, pos_conf_loss, neg_conf_loss)

if __name__ == "__main__":
    import jax
    _d = setup_inputs()
    print(jax.jit(kernel)(*tuple(_d.values())))

</pallas_src>

<mosaic_0001>
#map = affine_map<(d0, d1) -> (0, 0, 0, 0)>
#map1 = affine_map<(d0, d1) -> (0, 0, 0)>
module attributes {stable_mosaic.version = 14 : i64} {
  func.func @_sc_body(%arg0: i32, %arg1: i32, %arg2: memref<28x28x64x128xf32, #tpu.memory_space<hbm>>, %arg3: memref<32x1x64xf32, #tpu.memory_space<hbm>>, %arg4: memref<4x64x128xf32, #tpu.memory_space<vmem>>, %arg5: memref<4x64x128xf32, #tpu.memory_space<vmem>>, %arg6: memref<1x64xf32, #tpu.memory_space<vmem>>, %arg7: memref<!tpu.dma_semaphore, #tpu.memory_space<semaphore_mem>>, %arg8: memref<!tpu.dma_semaphore, #tpu.memory_space<semaphore_mem>>, %arg9: memref<!tpu.dma_semaphore, #tpu.memory_space<semaphore_mem>>) attributes {dimension_semantics = [#tpu.dimension_semantics<core_parallel>, #tpu.dimension_semantics<subcore_parallel>], iteration_bounds = array<i64: 2, 16>, scalar_prefetch = 0 : i64, scratch_operands = 6 : i64, tpu.core_type = #tpu.core_type<sc_vector_subcore>, window_params = [{transform_indices = #map}, {transform_indices = #map1}]} {
    %mul3A = arith.constant 2 : i32
    %mul3A_0 = arith.muli %arg1, %mul3A : i32
    %add3A = arith.addi %mul3A_0, %arg0 : i32
    %iota3A = tpu.iota {dimensions = array<i32: 0>} : vector<16xi32>
    %broadcast_in_dim3A = arith.constant 0.000000e+00 : f32
    %broadcast_in_dim3A_1 = vector.broadcast %broadcast_in_dim3A : f32 to vector<16xf32>
    %lt3A = arith.constant 28 : i32
    %lt3A_2 = arith.cmpi slt, %add3A, %lt3A : i32
    %convert_element_type3A = arith.extui %lt3A_2 : i1 to i32
    %cond3A = arith.constant 0 : i32
    %cond3A_3 = arith.cmpi ne, %convert_element_type3A, %cond3A : i32
    scf.if %cond3A_3 {
      %broadcast_in_dim3A_4 = vector.broadcast %add3A : i32 to vector<16xi32>
      %convert_element_type3A_5 = arith.sitofp %broadcast_in_dim3A_4 : vector<16xi32> to vector<16xf32>
      %dma_start3A = arith.constant 0 : i32
      %dma_start3A_6 = arith.constant 0 : i32
      %dma_start3A_7 = arith.constant 0 : i32
      %dma_start3A_8 = tpu.memref_slice %arg2[%add3A, %dma_start3A, %dma_start3A_6, %dma_start3A_7] : memref<28x28x64x128xf32, #tpu.memory_space<hbm>> -> memref<1x4x64x128xf32, #tpu.memory_space<hbm>>
      %dma_start3A_9 = tpu.memref_squeeze %dma_start3A_8 : memref<1x4x64x128xf32, #tpu.memory_space<hbm>> -> memref<4x64x128xf32, #tpu.memory_space<hbm>>
      %dma_start3A_10 = arith.constant 0 : i32
      %dma_start3A_11 = arith.constant 0 : i32
      %dma_start3A_12 = arith.constant 0 : i32
      %dma_start3A_13 = tpu.memref_slice %arg2[%add3A, %dma_start3A_10, %dma_start3A_11, %dma_start3A_12] : memref<28x28x64x128xf32, #tpu.memory_space<hbm>> -> memref<1x4x64x128xf32, #tpu.memory_space<hbm>>
      %dma_start3A_14 = tpu.memref_squeeze %dma_start3A_13 : memref<1x4x64x128xf32, #tpu.memory_space<hbm>> -> memref<4x64x128xf32, #tpu.memory_space<hbm>>
      tpu.enqueue_dma source(%dma_start3A_14 : memref<4x64x128xf32, #tpu.memory_space<hbm>>) target(%arg4 : memref<4x64x128xf32, #tpu.memory_space<vmem>>) target_semaphore(%arg7 : memref<!tpu.dma_semaphore, #tpu.memory_space<semaphore_mem>>)
      %dma_start3A_15 = arith.constant 4 : i32
      %dma_start3A_16 = arith.constant 0 : i32
      %dma_start3A_17 = arith.constant 0 : i32
      %dma_start3A_18 = tpu.memref_slice %arg2[%add3A, %dma_start3A_15, %dma_start3A_16, %dma_start3A_17] : memref<28x28x64x128xf32, #tpu.memory_space<hbm>> -> memref<1x4x64x128xf32, #tpu.memory_space<hbm>>
      %dma_start3A_19 = tpu.memref_squeeze %dma_start3A_18 : memref<1x4x64x128xf32, #tpu.memory_space<hbm>> -> memref<4x64x128xf32, #tpu.memory_space<hbm>>
      %dma_start3A_20 = arith.constant 4 : i32
      %dma_start3A_21 = arith.constant 0 : i32
      %dma_start3A_22 = arith.constant 0 : i32
      %dma_start3A_23 = tpu.memref_slice %arg2[%add3A, %dma_start3A_20, %dma_start3A_21, %dma_start3A_22] : memref<28x28x64x128xf32, #tpu.memory_space<hbm>> -> memref<1x4x64x128xf32, #tpu.memory_space<hbm>>
      %dma_start3A_24 = tpu.memref_squeeze %dma_start3A_23 : memref<1x4x64x128xf32, #tpu.memory_space<hbm>> -> memref<4x64x128xf32, #tpu.memory_space<hbm>>
      tpu.enqueue_dma source(%dma_start3A_24 : memref<4x64x128xf32, #tpu.memory_space<hbm>>) target(%arg5 : memref<4x64x128xf32, #tpu.memory_space<vmem>>) target_semaphore(%arg8 : memref<!tpu.dma_semaphore, #tpu.memory_space<semaphore_mem>>)
      %dma_wait3A = arith.constant 0 : i32
      %dma_wait3A_25 = arith.constant 0 : i32
      %dma_wait3A_26 = arith.constant 0 : i32
      %dma_wait3A_27 = tpu.memref_slice %arg2[%add3A, %dma_wait3A, %dma_wait3A_25, %dma_wait3A_26] : memref<28x28x64x128xf32, #tpu.memory_space<hbm>> -> memref<1x4x64x128xf32, #tpu.memory_space<hbm>>
      %dma_wait3A_28 = tpu.memref_squeeze %dma_wait3A_27 : memref<1x4x64x128xf32, #tpu.memory_space<hbm>> -> memref<4x64x128xf32, #tpu.memory_space<hbm>>
      %dma_wait3A_29 = arith.constant 0 : i32
      %dma_wait3A_30 = arith.constant 0 : i32
      %dma_wait3A_31 = arith.constant 0 : i32
      %dma_wait3A_32 = tpu.memref_slice %arg2[%add3A, %dma_wait3A_29, %dma_wait3A_30, %dma_wait3A_31] : memref<28x28x64x128xf32, #tpu.memory_space<hbm>> -> memref<1x4x64x128xf32, #tpu.memory_space<hbm>>
      %dma_wait3A_33 = tpu.memref_squeeze %dma_wait3A_32 : memref<1x4x64x128xf32, #tpu.memory_space<hbm>> -> memref<4x64x128xf32, #tpu.memory_space<hbm>>
      tpu.wait_dma2 semaphore(%arg7 : memref<!tpu.dma_semaphore, #tpu.memory_space<semaphore_mem>>) src(%dma_wait3A_33 : memref<4x64x128xf32, #tpu.memory_space<hbm>>) dst(%arg4 : memref<4x64x128xf32, #tpu.memory_space<vmem>>)
      %scan3A = arith.constant 0 : i32
      %scan3A_34 = arith.constant 4 : i32
      %scan3A_35 = arith.addi %scan3A, %scan3A_34 : i32
      %scan3A_36 = arith.constant 1 : i32
      %scan3A_37:4 = scf.for %scan3A_216 = %scan3A to %scan3A_35 step %scan3A_36 iter_args(%scan3A_217 = %broadcast_in_dim3A_1, %scan3A_218 = %broadcast_in_dim3A_1, %scan3A_219 = %broadcast_in_dim3A_1, %scan3A_220 = %broadcast_in_dim3A_1) -> (vector<16xf32>, vector<16xf32>, vector<16xf32>, vector<16xf32>)  : i32 {
        %broadcast_in_dim3A_221 = arith.constant 0 : i32
        %broadcast_in_dim3A_222 = vector.broadcast %broadcast_in_dim3A_221 : i32 to vector<16xi32>
        %convert_element_type3A_223 = arith.sitofp %broadcast_in_dim3A_222 : vector<16xi32> to vector<16xf32>
        %convert_element_type3A_224 = arith.sitofp %scan3A_216 : i32 to f32
        %add3A_225 = vector.broadcast %convert_element_type3A_224 : f32 to vector<16xf32>
        %add3A_226 = arith.addf %convert_element_type3A_223, %add3A_225 : vector<16xf32>
        %broadcast_in_dim3A_227 = vector.broadcast %scan3A_216 : i32 to vector<16xi32>
        %scan3A_228 = arith.constant 0 : i32
        %scan3A_229 = arith.constant 4 : i32
        %scan3A_230 = arith.addi %scan3A_228, %scan3A_229 : i32
        %scan3A_231 = arith.constant 1 : i32
        %scan3A_232:4 = scf.for %scan3A_234 = %scan3A_228 to %scan3A_230 step %scan3A_231 iter_args(%scan3A_235 = %scan3A_217, %scan3A_236 = %scan3A_218, %scan3A_237 = %scan3A_219, %scan3A_238 = %scan3A_220) -> (vector<16xf32>, vector<16xf32>, vector<16xf32>, vector<16xf32>)  : i32 {
          %mul3A_239 = arith.constant 16 : i32
          %mul3A_240 = arith.muli %scan3A_234, %mul3A_239 : i32
          %add3A_241 = vector.broadcast %mul3A_240 : i32 to vector<16xi32>
          %add3A_242 = arith.addi %add3A_241, %iota3A : vector<16xi32>
          %broadcast_in_dim3A_243 = arith.constant 0 : i32
          %broadcast_in_dim3A_244 = vector.broadcast %broadcast_in_dim3A_243 : i32 to vector<16xi32>
          %gather3A = tpu.vector_load_idx %arg4[%broadcast_in_dim3A_227, %add3A_242, %broadcast_in_dim3A_244] : memref<4x64x128xf32, #tpu.memory_space<vmem>>[vector<16xi32>, vector<16xi32>, vector<16xi32>], vector<16xf32>,
          %broadcast_in_dim3A_245 = arith.constant 1 : i32
          %broadcast_in_dim3A_246 = vector.broadcast %broadcast_in_dim3A_245 : i32 to vector<16xi32>
          %gather3A_247 = tpu.vector_load_idx %arg4[%broadcast_in_dim3A_227, %add3A_242, %broadcast_in_dim3A_246] : memref<4x64x128xf32, #tpu.memory_space<vmem>>[vector<16xi32>, vector<16xi32>, vector<16xi32>], vector<16xf32>,
          %broadcast_in_dim3A_248 = arith.constant 2 : i32
          %broadcast_in_dim3A_249 = vector.broadcast %broadcast_in_dim3A_248 : i32 to vector<16xi32>
          %gather3A_250 = tpu.vector_load_idx %arg4[%broadcast_in_dim3A_227, %add3A_242, %broadcast_in_dim3A_249] : memref<4x64x128xf32, #tpu.memory_space<vmem>>[vector<16xi32>, vector<16xi32>, vector<16xi32>], vector<16xf32>,
          %broadcast_in_dim3A_251 = arith.constant 3 : i32
          %broadcast_in_dim3A_252 = vector.broadcast %broadcast_in_dim3A_251 : i32 to vector<16xi32>
          %gather3A_253 = tpu.vector_load_idx %arg4[%broadcast_in_dim3A_227, %add3A_242, %broadcast_in_dim3A_252] : memref<4x64x128xf32, #tpu.memory_space<vmem>>[vector<16xi32>, vector<16xi32>, vector<16xi32>], vector<16xf32>,
          %broadcast_in_dim3A_254 = arith.constant 4 : i32
          %broadcast_in_dim3A_255 = vector.broadcast %broadcast_in_dim3A_254 : i32 to vector<16xi32>
          %gather3A_256 = tpu.vector_load_idx %arg4[%broadcast_in_dim3A_227, %add3A_242, %broadcast_in_dim3A_255] : memref<4x64x128xf32, #tpu.memory_space<vmem>>[vector<16xi32>, vector<16xi32>, vector<16xi32>], vector<16xf32>,
          %broadcast_in_dim3A_257 = arith.constant 5 : i32
          %broadcast_in_dim3A_258 = vector.broadcast %broadcast_in_dim3A_257 : i32 to vector<16xi32>
          %gather3A_259 = tpu.vector_load_idx %arg4[%broadcast_in_dim3A_227, %add3A_242, %broadcast_in_dim3A_258] : memref<4x64x128xf32, #tpu.memory_space<vmem>>[vector<16xi32>, vector<16xi32>, vector<16xi32>], vector<16xf32>,
          %broadcast_in_dim3A_260 = arith.constant 6 : i32
          %broadcast_in_dim3A_261 = vector.broadcast %broadcast_in_dim3A_260 : i32 to vector<16xi32>
          %gather3A_262 = tpu.vector_load_idx %arg4[%broadcast_in_dim3A_227, %add3A_242, %broadcast_in_dim3A_261] : memref<4x64x128xf32, #tpu.memory_space<vmem>>[vector<16xi32>, vector<16xi32>, vector<16xi32>], vector<16xf32>,
          %broadcast_in_dim3A_263 = arith.constant 7 : i32
          %broadcast_in_dim3A_264 = vector.broadcast %broadcast_in_dim3A_263 : i32 to vector<16xi32>
          %gather3A_265 = tpu.vector_load_idx %arg4[%broadcast_in_dim3A_227, %add3A_242, %broadcast_in_dim3A_264] : memref<4x64x128xf32, #tpu.memory_space<vmem>>[vector<16xi32>, vector<16xi32>, vector<16xi32>], vector<16xf32>,
          %broadcast_in_dim3A_266 = arith.constant 8 : i32
          %broadcast_in_dim3A_267 = vector.broadcast %broadcast_in_dim3A_266 : i32 to vector<16xi32>
          %gather3A_268 = tpu.vector_load_idx %arg4[%broadcast_in_dim3A_227, %add3A_242, %broadcast_in_dim3A_267] : memref<4x64x128xf32, #tpu.memory_space<vmem>>[vector<16xi32>, vector<16xi32>, vector<16xi32>], vector<16xf32>,
          %broadcast_in_dim3A_269 = arith.constant 9 : i32
          %broadcast_in_dim3A_270 = vector.broadcast %broadcast_in_dim3A_269 : i32 to vector<16xi32>
          %gather3A_271 = tpu.vector_load_idx %arg4[%broadcast_in_dim3A_227, %add3A_242, %broadcast_in_dim3A_270] : memref<4x64x128xf32, #tpu.memory_space<vmem>>[vector<16xi32>, vector<16xi32>, vector<16xi32>], vector<16xf32>,
          %broadcast_in_dim3A_272 = arith.constant 10 : i32
          %broadcast_in_dim3A_273 = vector.broadcast %broadcast_in_dim3A_272 : i32 to vector<16xi32>
          %gather3A_274 = tpu.vector_load_idx %arg4[%broadcast_in_dim3A_227, %add3A_242, %broadcast_in_dim3A_273] : memref<4x64x128xf32, #tpu.memory_space<vmem>>[vector<16xi32>, vector<16xi32>, vector<16xi32>], vector<16xf32>,
          %broadcast_in_dim3A_275 = arith.constant 11 : i32
          %broadcast_in_dim3A_276 = vector.broadcast %broadcast_in_dim3A_275 : i32 to vector<16xi32>
          %gather3A_277 = tpu.vector_load_idx %arg4[%broadcast_in_dim3A_227, %add3A_242, %broadcast_in_dim3A_276] : memref<4x64x128xf32, #tpu.memory_space<vmem>>[vector<16xi32>, vector<16xi32>, vector<16xi32>], vector<16xf32>,
          %broadcast_in_dim3A_278 = arith.constant 12 : i32
          %broadcast_in_dim3A_279 = vector.broadcast %broadcast_in_dim3A_278 : i32 to vector<16xi32>
          %gather3A_280 = tpu.vector_load_idx %arg4[%broadcast_in_dim3A_227, %add3A_242, %broadcast_in_dim3A_279] : memref<4x64x128xf32, #tpu.memory_space<vmem>>[vector<16xi32>, vector<16xi32>, vector<16xi32>], vector<16xf32>,
          %broadcast_in_dim3A_281 = arith.constant 13 : i32
          %broadcast_in_dim3A_282 = vector.broadcast %broadcast_in_dim3A_281 : i32 to vector<16xi32>
          %gather3A_283 = tpu.vector_load_idx %arg4[%broadcast_in_dim3A_227, %add3A_242, %broadcast_in_dim3A_282] : memref<4x64x128xf32, #tpu.memory_space<vmem>>[vector<16xi32>, vector<16xi32>, vector<16xi32>], vector<16xf32>,
          %broadcast_in_dim3A_284 = arith.constant 14 : i32
          %broadcast_in_dim3A_285 = vector.broadcast %broadcast_in_dim3A_284 : i32 to vector<16xi32>
          %gather3A_286 = tpu.vector_load_idx %arg4[%broadcast_in_dim3A_227, %add3A_242, %broadcast_in_dim3A_285] : memref<4x64x128xf32, #tpu.memory_space<vmem>>[vector<16xi32>, vector<16xi32>, vector<16xi32>], vector<16xf32>,
          %broadcast_in_dim3A_287 = arith.constant 16 : i32
          %broadcast_in_dim3A_288 = vector.broadcast %broadcast_in_dim3A_287 : i32 to vector<16xi32>
          %gather3A_289 = tpu.vector_load_idx %arg4[%broadcast_in_dim3A_227, %add3A_242, %broadcast_in_dim3A_288] : memref<4x64x128xf32, #tpu.memory_space<vmem>>[vector<16xi32>, vector<16xi32>, vector<16xi32>], vector<16xf32>,
          %broadcast_in_dim3A_290 = arith.constant 17 : i32
          %broadcast_in_dim3A_291 = vector.broadcast %broadcast_in_dim3A_290 : i32 to vector<16xi32>
          %gather3A_292 = tpu.vector_load_idx %arg4[%broadcast_in_dim3A_227, %add3A_242, %broadcast_in_dim3A_291] : memref<4x64x128xf32, #tpu.memory_space<vmem>>[vector<16xi32>, vector<16xi32>, vector<16xi32>], vector<16xf32>,
          %broadcast_in_dim3A_293 = arith.constant 18 : i32
          %broadcast_in_dim3A_294 = vector.broadcast %broadcast_in_dim3A_293 : i32 to vector<16xi32>
          %gather3A_295 = tpu.vector_load_idx %arg4[%broadcast_in_dim3A_227, %add3A_242, %broadcast_in_dim3A_294] : memref<4x64x128xf32, #tpu.memory_space<vmem>>[vector<16xi32>, vector<16xi32>, vector<16xi32>], vector<16xf32>,
          %broadcast_in_dim3A_296 = arith.constant 19 : i32
          %broadcast_in_dim3A_297 = vector.broadcast %broadcast_in_dim3A_296 : i32 to vector<16xi32>
          %gather3A_298 = tpu.vector_load_idx %arg4[%broadcast_in_dim3A_227, %add3A_242, %broadcast_in_dim3A_297] : memref<4x64x128xf32, #tpu.memory_space<vmem>>[vector<16xi32>, vector<16xi32>, vector<16xi32>], vector<16xf32>,
          %broadcast_in_dim3A_299 = arith.constant 20 : i32
          %broadcast_in_dim3A_300 = vector.broadcast %broadcast_in_dim3A_299 : i32 to vector<16xi32>
          %gather3A_301 = tpu.vector_load_idx %arg4[%broadcast_in_dim3A_227, %add3A_242, %broadcast_in_dim3A_300] : memref<4x64x128xf32, #tpu.memory_space<vmem>>[vector<16xi32>, vector<16xi32>, vector<16xi32>], vector<16xf32>,
          %broadcast_in_dim3A_302 = arith.constant 21 : i32
          %broadcast_in_dim3A_303 = vector.broadcast %broadcast_in_dim3A_302 : i32 to vector<16xi32>
          %gather3A_304 = tpu.vector_load_idx %arg4[%broadcast_in_dim3A_227, %add3A_242, %broadcast_in_dim3A_303] : memref<4x64x128xf32, #tpu.memory_space<vmem>>[vector<16xi32>, vector<16xi32>, vector<16xi32>], vector<16xf32>,
          %broadcast_in_dim3A_305 = arith.constant 22 : i32
          %broadcast_in_dim3A_306 = vector.broadcast %broadcast_in_dim3A_305 : i32 to vector<16xi32>
          %gather3A_307 = tpu.vector_load_idx %arg4[%broadcast_in_dim3A_227, %add3A_242, %broadcast_in_dim3A_306] : memref<4x64x128xf32, #tpu.memory_space<vmem>>[vector<16xi32>, vector<16xi32>, vector<16xi32>], vector<16xf32>,
          %broadcast_in_dim3A_308 = arith.constant 23 : i32
          %broadcast_in_dim3A_309 = vector.broadcast %broadcast_in_dim3A_308 : i32 to vector<16xi32>
          %gather3A_310 = tpu.vector_load_idx %arg4[%broadcast_in_dim3A_227, %add3A_242, %broadcast_in_dim3A_309] : memref<4x64x128xf32, #tpu.memory_space<vmem>>[vector<16xi32>, vector<16xi32>, vector<16xi32>], vector<16xf32>,
          %broadcast_in_dim3A_311 = arith.constant 24 : i32
          %broadcast_in_dim3A_312 = vector.broadcast %broadcast_in_dim3A_311 : i32 to vector<16xi32>
          %gather3A_313 = tpu.vector_load_idx %arg4[%broadcast_in_dim3A_227, %add3A_242, %broadcast_in_dim3A_312] : memref<4x64x128xf32, #tpu.memory_space<vmem>>[vector<16xi32>, vector<16xi32>, vector<16xi32>], vector<16xf32>,
          %broadcast_in_dim3A_314 = arith.constant 25 : i32
          %broadcast_in_dim3A_315 = vector.broadcast %broadcast_in_dim3A_314 : i32 to vector<16xi32>
          %gather3A_316 = tpu.vector_load_idx %arg4[%broadcast_in_dim3A_227, %add3A_242, %broadcast_in_dim3A_315] : memref<4x64x128xf32, #tpu.memory_space<vmem>>[vector<16xi32>, vector<16xi32>, vector<16xi32>], vector<16xf32>,
          %broadcast_in_dim3A_317 = arith.constant 26 : i32
          %broadcast_in_dim3A_318 = vector.broadcast %broadcast_in_dim3A_317 : i32 to vector<16xi32>
          %gather3A_319 = tpu.vector_load_idx %arg4[%broadcast_in_dim3A_227, %add3A_242, %broadcast_in_dim3A_318] : memref<4x64x128xf32, #tpu.memory_space<vmem>>[vector<16xi32>, vector<16xi32>, vector<16xi32>], vector<16xf32>,
          %broadcast_in_dim3A_320 = arith.constant 27 : i32
          %broadcast_in_dim3A_321 = vector.broadcast %broadcast_in_dim3A_320 : i32 to vector<16xi32>
          %gather3A_322 = tpu.vector_load_idx %arg4[%broadcast_in_dim3A_227, %add3A_242, %broadcast_in_dim3A_321] : memref<4x64x128xf32, #tpu.memory_space<vmem>>[vector<16xi32>, vector<16xi32>, vector<16xi32>], vector<16xf32>,
          %broadcast_in_dim3A_323 = arith.constant 28 : i32
          %broadcast_in_dim3A_324 = vector.broadcast %broadcast_in_dim3A_323 : i32 to vector<16xi32>
          %gather3A_325 = tpu.vector_load_idx %arg4[%broadcast_in_dim3A_227, %add3A_242, %broadcast_in_dim3A_324] : memref<4x64x128xf32, #tpu.memory_space<vmem>>[vector<16xi32>, vector<16xi32>, vector<16xi32>], vector<16xf32>,
          %broadcast_in_dim3A_326 = arith.constant 29 : i32
          %broadcast_in_dim3A_327 = vector.broadcast %broadcast_in_dim3A_326 : i32 to vector<16xi32>
          %gather3A_328 = tpu.vector_load_idx %arg4[%broadcast_in_dim3A_227, %add3A_242, %broadcast_in_dim3A_327] : memref<4x64x128xf32, #tpu.memory_space<vmem>>[vector<16xi32>, vector<16xi32>, vector<16xi32>], vector<16xf32>,
          %broadcast_in_dim3A_329 = arith.constant 30 : i32
          %broadcast_in_dim3A_330 = vector.broadcast %broadcast_in_dim3A_329 : i32 to vector<16xi32>
          %gather3A_331 = tpu.vector_load_idx %arg4[%broadcast_in_dim3A_227, %add3A_242, %broadcast_in_dim3A_330] : memref<4x64x128xf32, #tpu.memory_space<vmem>>[vector<16xi32>, vector<16xi32>, vector<16xi32>], vector<16xf32>,
          %ge3A = arith.cmpf oge, %gather3A, %gather3A_259 : vector<16xf32>
          %ge3A_332 = arith.cmpf oge, %gather3A, %gather3A_274 : vector<16xf32>
          %and3A = arith.andi %ge3A, %ge3A_332 : vector<16xi1>
          %gt3A = arith.cmpf ogt, %gather3A_259, %gather3A : vector<16xf32>
          %ge3A_333 = arith.cmpf oge, %gather3A_259, %gather3A_274 : vector<16xf32>
          %and3A_334 = arith.andi %gt3A, %ge3A_333 : vector<16xi1>
          %gt3A_335 = arith.cmpf ogt, %gather3A_274, %gather3A : vector<16xf32>
          %gt3A_336 = arith.cmpf ogt, %gather3A_274, %gather3A_259 : vector<16xf32>
          %and3A_337 = arith.andi %gt3A_335, %gt3A_336 : vector<16xi1>
          %gt3A_338 = arith.constant 0.000000e+00 : f32
          %gt3A_339 = vector.broadcast %gt3A_338 : f32 to vector<16xf32>
          %gt3A_340 = arith.cmpf ogt, %gather3A_289, %gt3A_339 : vector<16xf32>
          %broadcast_in_dim3A_341 = arith.constant 0.000000e+00 : f32
          %broadcast_in_dim3A_342 = vector.broadcast %broadcast_in_dim3A_341 : f32 to vector<16xf32>
          %and3A_343 = arith.andi %gt3A_340, %and3A : vector<16xi1>
          %jit3A = arith.constant 1.000000e+00 : f32
          %jit3A_344 = arith.constant 0.000000e+00 : f32
          %broadcast_in_dim3A_345 = vector.broadcast %jit3A : f32 to vector<16xf32>
          %broadcast_in_dim3A_346 = vector.broadcast %jit3A_344 : f32 to vector<16xf32>
          %select_n3A = arith.select %and3A_343, %broadcast_in_dim3A_345, %broadcast_in_dim3A_346 : vector<16xi1>, vector<16xf32>
          %mul3A_347 = arith.constant 2.800000e+01 : f32
          %mul3A_348 = vector.broadcast %mul3A_347 : f32 to vector<16xf32>
          %mul3A_349 = arith.mulf %gather3A_292, %mul3A_348 : vector<16xf32>
          %sub3A = arith.subf %mul3A_349, %add3A_226 : vector<16xf32>
          %sub3A_350 = arith.subf %gather3A_247, %sub3A : vector<16xf32>
          %mul3A_351 = arith.constant 2.800000e+01 : f32
          %mul3A_352 = vector.broadcast %mul3A_351 : f32 to vector<16xf32>
          %mul3A_353 = arith.mulf %gather3A_295, %mul3A_352 : vector<16xf32>
          %sub3A_354 = arith.subf %mul3A_353, %convert_element_type3A_5 : vector<16xf32>
          %sub3A_355 = arith.subf %gather3A_250, %sub3A_354 : vector<16xf32>
          %sub3A_356 = arith.subf %gather3A_253, %gather3A_298 : vector<16xf32>
          %sub3A_357 = arith.subf %gather3A_256, %gather3A_301 : vector<16xf32>
          %mul3A_358 = arith.mulf %sub3A_350, %sub3A_350 : vector<16xf32>
          %mul3A_359 = arith.mulf %sub3A_355, %sub3A_355 : vector<16xf32>
          %add3A_360 = arith.addf %mul3A_358, %mul3A_359 : vector<16xf32>
          %mul3A_361 = arith.mulf %select_n3A, %add3A_360 : vector<16xf32>
          %add3A_362 = arith.addf %broadcast_in_dim3A_342, %mul3A_361 : vector<16xf32>
          %mul3A_363 = arith.mulf %sub3A_356, %sub3A_356 : vector<16xf32>
          %mul3A_364 = arith.mulf %sub3A_357, %sub3A_357 : vector<16xf32>
          %add3A_365 = arith.addf %mul3A_363, %mul3A_364 : vector<16xf32>
          %mul3A_366 = arith.mulf %select_n3A, %add3A_365 : vector<16xf32>
          %add3A_367 = arith.addf %broadcast_in_dim3A_342, %mul3A_366 : vector<16xf32>
          %add3A_368 = arith.addf %gather3A_247, %add3A_226 : vector<16xf32>
          %div3A = arith.constant 2.800000e+01 : f32
          %div3A_369 = vector.broadcast %div3A : f32 to vector<16xf32>
          %div3A_370 = arith.divf %add3A_368, %div3A_369 : vector<16xf32>
          %add3A_371 = arith.addf %gather3A_250, %convert_element_type3A_5 : vector<16xf32>
          %div3A_372 = arith.constant 2.800000e+01 : f32
          %div3A_373 = vector.broadcast %div3A_372 : f32 to vector<16xf32>
          %div3A_374 = arith.divf %add3A_371, %div3A_373 : vector<16xf32>
          %mul3A_375 = arith.constant 5.000000e-01 : f32
          %mul3A_376 = vector.broadcast %mul3A_375 : f32 to vector<16xf32>
          %mul3A_377 = arith.mulf %gather3A_253, %mul3A_376 : vector<16xf32>
          %sub3A_378 = arith.subf %div3A_370, %mul3A_377 : vector<16xf32>
          %mul3A_379 = arith.constant 5.000000e-01 : f32
          %mul3A_380 = vector.broadcast %mul3A_379 : f32 to vector<16xf32>
          %mul3A_381 = arith.mulf %gather3A_253, %mul3A_380 : vector<16xf32>
          %add3A_382 = arith.addf %div3A_370, %mul3A_381 : vector<16xf32>
          %mul3A_383 = arith.constant 5.000000e-01 : f32
          %mul3A_384 = vector.broadcast %mul3A_383 : f32 to vector<16xf32>
          %mul3A_385 = arith.mulf %gather3A_256, %mul3A_384 : vector<16xf32>
          %sub3A_386 = arith.subf %div3A_374, %mul3A_385 : vector<16xf32>
          %mul3A_387 = arith.constant 5.000000e-01 : f32
          %mul3A_388 = vector.broadcast %mul3A_387 : f32 to vector<16xf32>
          %mul3A_389 = arith.mulf %gather3A_256, %mul3A_388 : vector<16xf32>
          %add3A_390 = arith.addf %div3A_374, %mul3A_389 : vector<16xf32>
          %mul3A_391 = arith.constant 5.000000e-01 : f32
          %mul3A_392 = vector.broadcast %mul3A_391 : f32 to vector<16xf32>
          %mul3A_393 = arith.mulf %gather3A_298, %mul3A_392 : vector<16xf32>
          %sub3A_394 = arith.subf %gather3A_292, %mul3A_393 : vector<16xf32>
          %mul3A_395 = arith.constant 5.000000e-01 : f32
          %mul3A_396 = vector.broadcast %mul3A_395 : f32 to vector<16xf32>
          %mul3A_397 = arith.mulf %gather3A_298, %mul3A_396 : vector<16xf32>
          %add3A_398 = arith.addf %gather3A_292, %mul3A_397 : vector<16xf32>
          %mul3A_399 = arith.constant 5.000000e-01 : f32
          %mul3A_400 = vector.broadcast %mul3A_399 : f32 to vector<16xf32>
          %mul3A_401 = arith.mulf %gather3A_301, %mul3A_400 : vector<16xf32>
          %sub3A_402 = arith.subf %gather3A_295, %mul3A_401 : vector<16xf32>
          %mul3A_403 = arith.constant 5.000000e-01 : f32
          %mul3A_404 = vector.broadcast %mul3A_403 : f32 to vector<16xf32>
          %mul3A_405 = arith.mulf %gather3A_301, %mul3A_404 : vector<16xf32>
          %add3A_406 = arith.addf %gather3A_295, %mul3A_405 : vector<16xf32>
          %min3A = arith.minimumf %add3A_382, %add3A_398 : vector<16xf32>
          %max3A = arith.maximumf %sub3A_378, %sub3A_394 : vector<16xf32>
          %sub3A_407 = arith.subf %min3A, %max3A : vector<16xf32>
          %max3A_408 = arith.constant 0.000000e+00 : f32
          %max3A_409 = vector.broadcast %max3A_408 : f32 to vector<16xf32>
          %max3A_410 = arith.maximumf %sub3A_407, %max3A_409 : vector<16xf32>
          %min3A_411 = arith.minimumf %add3A_390, %add3A_406 : vector<16xf32>
          %max3A_412 = arith.maximumf %sub3A_386, %sub3A_402 : vector<16xf32>
          %sub3A_413 = arith.subf %min3A_411, %max3A_412 : vector<16xf32>
          %max3A_414 = arith.constant 0.000000e+00 : f32
          %max3A_415 = vector.broadcast %max3A_414 : f32 to vector<16xf32>
          %max3A_416 = arith.maximumf %sub3A_413, %max3A_415 : vector<16xf32>
          %mul3A_417 = arith.mulf %max3A_410, %max3A_416 : vector<16xf32>
          %max3A_418 = arith.constant 0.000000e+00 : f32
          %max3A_419 = vector.broadcast %max3A_418 : f32 to vector<16xf32>
          %max3A_420 = arith.maximumf %gather3A_253, %max3A_419 : vector<16xf32>
          %max3A_421 = arith.constant 0.000000e+00 : f32
          %max3A_422 = vector.broadcast %max3A_421 : f32 to vector<16xf32>
          %max3A_423 = arith.maximumf %gather3A_256, %max3A_422 : vector<16xf32>
          %mul3A_424 = arith.mulf %max3A_420, %max3A_423 : vector<16xf32>
          %max3A_425 = arith.constant 0.000000e+00 : f32
          %max3A_426 = vector.broadcast %max3A_425 : f32 to vector<16xf32>
          %max3A_427 = arith.maximumf %gather3A_298, %max3A_426 : vector<16xf32>
          %max3A_428 = arith.constant 0.000000e+00 : f32
          %max3A_429 = vector.broadcast %max3A_428 : f32 to vector<16xf32>
          %max3A_430 = arith.maximumf %gather3A_301, %max3A_429 : vector<16xf32>
          %mul3A_431 = arith.mulf %max3A_427, %max3A_430 : vector<16xf32>
          %add3A_432 = arith.addf %mul3A_424, %mul3A_431 : vector<16xf32>
          %sub3A_433 = arith.subf %add3A_432, %mul3A_417 : vector<16xf32>
          %add3A_434 = arith.constant 1.000000e-10 : f32
          %add3A_435 = vector.broadcast %add3A_434 : f32 to vector<16xf32>
          %add3A_436 = arith.addf %sub3A_433, %add3A_435 : vector<16xf32>
          %div3A_437 = arith.divf %mul3A_417, %add3A_436 : vector<16xf32>
          %sub3A_438 = arith.subf %gather3A, %div3A_437 : vector<16xf32>
          %mul3A_439 = arith.mulf %select_n3A, %sub3A_438 : vector<16xf32>
          %mul3A_440 = arith.mulf %mul3A_439, %sub3A_438 : vector<16xf32>
          %add3A_441 = arith.addf %broadcast_in_dim3A_342, %mul3A_440 : vector<16xf32>
          %sub3A_442 = arith.constant 1.000000e+00 : f32
          %sub3A_443 = vector.broadcast %sub3A_442 : f32 to vector<16xf32>
          %sub3A_444 = arith.subf %sub3A_443, %select_n3A : vector<16xf32>
          %mul3A_445 = arith.mulf %sub3A_444, %gather3A : vector<16xf32>
          %mul3A_446 = arith.mulf %mul3A_445, %gather3A : vector<16xf32>
          %add3A_447 = arith.addf %broadcast_in_dim3A_342, %mul3A_446 : vector<16xf32>
          %and3A_448 = arith.andi %gt3A_340, %and3A_334 : vector<16xi1>
          %jit3A_449 = arith.constant 1.000000e+00 : f32
          %jit3A_450 = arith.constant 0.000000e+00 : f32
          %broadcast_in_dim3A_451 = vector.broadcast %jit3A_449 : f32 to vector<16xf32>
          %broadcast_in_dim3A_452 = vector.broadcast %jit3A_450 : f32 to vector<16xf32>
          %select_n3A_453 = arith.select %and3A_448, %broadcast_in_dim3A_451, %broadcast_in_dim3A_452 : vector<16xi1>, vector<16xf32>
          %mul3A_454 = arith.constant 2.800000e+01 : f32
          %mul3A_455 = vector.broadcast %mul3A_454 : f32 to vector<16xf32>
          %mul3A_456 = arith.mulf %gather3A_307, %mul3A_455 : vector<16xf32>
          %sub3A_457 = arith.subf %mul3A_456, %add3A_226 : vector<16xf32>
          %sub3A_458 = arith.subf %gather3A_262, %sub3A_457 : vector<16xf32>
          %mul3A_459 = arith.constant 2.800000e+01 : f32
          %mul3A_460 = vector.broadcast %mul3A_459 : f32 to vector<16xf32>
          %mul3A_461 = arith.mulf %gather3A_310, %mul3A_460 : vector<16xf32>
          %sub3A_462 = arith.subf %mul3A_461, %convert_element_type3A_5 : vector<16xf32>
          %sub3A_463 = arith.subf %gather3A_265, %sub3A_462 : vector<16xf32>
          %sub3A_464 = arith.subf %gather3A_268, %gather3A_313 : vector<16xf32>
          %sub3A_465 = arith.subf %gather3A_271, %gather3A_316 : vector<16xf32>
          %mul3A_466 = arith.mulf %sub3A_458, %sub3A_458 : vector<16xf32>
          %mul3A_467 = arith.mulf %sub3A_463, %sub3A_463 : vector<16xf32>
          %add3A_468 = arith.addf %mul3A_466, %mul3A_467 : vector<16xf32>
          %mul3A_469 = arith.mulf %select_n3A_453, %add3A_468 : vector<16xf32>
          %add3A_470 = arith.addf %add3A_362, %mul3A_469 : vector<16xf32>
          %mul3A_471 = arith.mulf %sub3A_464, %sub3A_464 : vector<16xf32>
          %mul3A_472 = arith.mulf %sub3A_465, %sub3A_465 : vector<16xf32>
          %add3A_473 = arith.addf %mul3A_471, %mul3A_472 : vector<16xf32>
          %mul3A_474 = arith.mulf %select_n3A_453, %add3A_473 : vector<16xf32>
          %add3A_475 = arith.addf %add3A_367, %mul3A_474 : vector<16xf32>
          %add3A_476 = arith.addf %gather3A_262, %add3A_226 : vector<16xf32>
          %div3A_477 = arith.constant 2.800000e+01 : f32
          %div3A_478 = vector.broadcast %div3A_477 : f32 to vector<16xf32>
          %div3A_479 = arith.divf %add3A_476, %div3A_478 : vector<16xf32>
          %add3A_480 = arith.addf %gather3A_265, %convert_element_type3A_5 : vector<16xf32>
          %div3A_481 = arith.constant 2.800000e+01 : f32
          %div3A_482 = vector.broadcast %div3A_481 : f32 to vector<16xf32>
          %div3A_483 = arith.divf %add3A_480, %div3A_482 : vector<16xf32>
          %mul3A_484 = arith.constant 5.000000e-01 : f32
          %mul3A_485 = vector.broadcast %mul3A_484 : f32 to vector<16xf32>
          %mul3A_486 = arith.mulf %gather3A_268, %mul3A_485 : vector<16xf32>
          %sub3A_487 = arith.subf %div3A_479, %mul3A_486 : vector<16xf32>
          %mul3A_488 = arith.constant 5.000000e-01 : f32
          %mul3A_489 = vector.broadcast %mul3A_488 : f32 to vector<16xf32>
          %mul3A_490 = arith.mulf %gather3A_268, %mul3A_489 : vector<16xf32>
          %add3A_491 = arith.addf %div3A_479, %mul3A_490 : vector<16xf32>
          %mul3A_492 = arith.constant 5.000000e-01 : f32
          %mul3A_493 = vector.broadcast %mul3A_492 : f32 to vector<16xf32>
          %mul3A_494 = arith.mulf %gather3A_271, %mul3A_493 : vector<16xf32>
          %sub3A_495 = arith.subf %div3A_483, %mul3A_494 : vector<16xf32>
          %mul3A_496 = arith.constant 5.000000e-01 : f32
          %mul3A_497 = vector.broadcast %mul3A_496 : f32 to vector<16xf32>
          %mul3A_498 = arith.mulf %gather3A_271, %mul3A_497 : vector<16xf32>
          %add3A_499 = arith.addf %div3A_483, %mul3A_498 : vector<16xf32>
          %mul3A_500 = arith.constant 5.000000e-01 : f32
          %mul3A_501 = vector.broadcast %mul3A_500 : f32 to vector<16xf32>
          %mul3A_502 = arith.mulf %gather3A_313, %mul3A_501 : vector<16xf32>
          %sub3A_503 = arith.subf %gather3A_307, %mul3A_502 : vector<16xf32>
          %mul3A_504 = arith.constant 5.000000e-01 : f32
          %mul3A_505 = vector.broadcast %mul3A_504 : f32 to vector<16xf32>
          %mul3A_506 = arith.mulf %gather3A_313, %mul3A_505 : vector<16xf32>
          %add3A_507 = arith.addf %gather3A_307, %mul3A_506 : vector<16xf32>
          %mul3A_508 = arith.constant 5.000000e-01 : f32
          %mul3A_509 = vector.broadcast %mul3A_508 : f32 to vector<16xf32>
          %mul3A_510 = arith.mulf %gather3A_316, %mul3A_509 : vector<16xf32>
          %sub3A_511 = arith.subf %gather3A_310, %mul3A_510 : vector<16xf32>
          %mul3A_512 = arith.constant 5.000000e-01 : f32
          %mul3A_513 = vector.broadcast %mul3A_512 : f32 to vector<16xf32>
          %mul3A_514 = arith.mulf %gather3A_316, %mul3A_513 : vector<16xf32>
          %add3A_515 = arith.addf %gather3A_310, %mul3A_514 : vector<16xf32>
          %min3A_516 = arith.minimumf %add3A_491, %add3A_507 : vector<16xf32>
          %max3A_517 = arith.maximumf %sub3A_487, %sub3A_503 : vector<16xf32>
          %sub3A_518 = arith.subf %min3A_516, %max3A_517 : vector<16xf32>
          %max3A_519 = arith.constant 0.000000e+00 : f32
          %max3A_520 = vector.broadcast %max3A_519 : f32 to vector<16xf32>
          %max3A_521 = arith.maximumf %sub3A_518, %max3A_520 : vector<16xf32>
          %min3A_522 = arith.minimumf %add3A_499, %add3A_515 : vector<16xf32>
          %max3A_523 = arith.maximumf %sub3A_495, %sub3A_511 : vector<16xf32>
          %sub3A_524 = arith.subf %min3A_522, %max3A_523 : vector<16xf32>
          %max3A_525 = arith.constant 0.000000e+00 : f32
          %max3A_526 = vector.broadcast %max3A_525 : f32 to vector<16xf32>
          %max3A_527 = arith.maximumf %sub3A_524, %max3A_526 : vector<16xf32>
          %mul3A_528 = arith.mulf %max3A_521, %max3A_527 : vector<16xf32>
          %max3A_529 = arith.constant 0.000000e+00 : f32
          %max3A_530 = vector.broadcast %max3A_529 : f32 to vector<16xf32>
          %max3A_531 = arith.maximumf %gather3A_268, %max3A_530 : vector<16xf32>
          %max3A_532 = arith.constant 0.000000e+00 : f32
          %max3A_533 = vector.broadcast %max3A_532 : f32 to vector<16xf32>
          %max3A_534 = arith.maximumf %gather3A_271, %max3A_533 : vector<16xf32>
          %mul3A_535 = arith.mulf %max3A_531, %max3A_534 : vector<16xf32>
          %max3A_536 = arith.constant 0.000000e+00 : f32
          %max3A_537 = vector.broadcast %max3A_536 : f32 to vector<16xf32>
          %max3A_538 = arith.maximumf %gather3A_313, %max3A_537 : vector<16xf32>
          %max3A_539 = arith.constant 0.000000e+00 : f32
          %max3A_540 = vector.broadcast %max3A_539 : f32 to vector<16xf32>
          %max3A_541 = arith.maximumf %gather3A_316, %max3A_540 : vector<16xf32>
          %mul3A_542 = arith.mulf %max3A_538, %max3A_541 : vector<16xf32>
          %add3A_543 = arith.addf %mul3A_535, %mul3A_542 : vector<16xf32>
          %sub3A_544 = arith.subf %add3A_543, %mul3A_528 : vector<16xf32>
          %add3A_545 = arith.constant 1.000000e-10 : f32
          %add3A_546 = vector.broadcast %add3A_545 : f32 to vector<16xf32>
          %add3A_547 = arith.addf %sub3A_544, %add3A_546 : vector<16xf32>
          %div3A_548 = arith.divf %mul3A_528, %add3A_547 : vector<16xf32>
          %sub3A_549 = arith.subf %gather3A_259, %div3A_548 : vector<16xf32>
          %mul3A_550 = arith.mulf %select_n3A_453, %sub3A_549 : vector<16xf32>
          %mul3A_551 = arith.mulf %mul3A_550, %sub3A_549 : vector<16xf32>
          %add3A_552 = arith.addf %add3A_441, %mul3A_551 : vector<16xf32>
          %sub3A_553 = arith.constant 1.000000e+00 : f32
          %sub3A_554 = vector.broadcast %sub3A_553 : f32 to vector<16xf32>
          %sub3A_555 = arith.subf %sub3A_554, %select_n3A_453 : vector<16xf32>
          %mul3A_556 = arith.mulf %sub3A_555, %gather3A_259 : vector<16xf32>
          %mul3A_557 = arith.mulf %mul3A_556, %gather3A_259 : vector<16xf32>
          %add3A_558 = arith.addf %add3A_447, %mul3A_557 : vector<16xf32>
          %and3A_559 = arith.andi %gt3A_340, %and3A_337 : vector<16xi1>
          %jit3A_560 = arith.constant 1.000000e+00 : f32
          %jit3A_561 = arith.constant 0.000000e+00 : f32
          %broadcast_in_dim3A_562 = vector.broadcast %jit3A_560 : f32 to vector<16xf32>
          %broadcast_in_dim3A_563 = vector.broadcast %jit3A_561 : f32 to vector<16xf32>
          %select_n3A_564 = arith.select %and3A_559, %broadcast_in_dim3A_562, %broadcast_in_dim3A_563 : vector<16xi1>, vector<16xf32>
          %mul3A_565 = arith.constant 2.800000e+01 : f32
          %mul3A_566 = vector.broadcast %mul3A_565 : f32 to vector<16xf32>
          %mul3A_567 = arith.mulf %gather3A_322, %mul3A_566 : vector<16xf32>
          %sub3A_568 = arith.subf %mul3A_567, %add3A_226 : vector<16xf32>
          %sub3A_569 = arith.subf %gather3A_277, %sub3A_568 : vector<16xf32>
          %mul3A_570 = arith.constant 2.800000e+01 : f32
          %mul3A_571 = vector.broadcast %mul3A_570 : f32 to vector<16xf32>
          %mul3A_572 = arith.mulf %gather3A_325, %mul3A_571 : vector<16xf32>
          %sub3A_573 = arith.subf %mul3A_572, %convert_element_type3A_5 : vector<16xf32>
          %sub3A_574 = arith.subf %gather3A_280, %sub3A_573 : vector<16xf32>
          %sub3A_575 = arith.subf %gather3A_283, %gather3A_328 : vector<16xf32>
          %sub3A_576 = arith.subf %gather3A_286, %gather3A_331 : vector<16xf32>
          %mul3A_577 = arith.mulf %sub3A_569, %sub3A_569 : vector<16xf32>
          %mul3A_578 = arith.mulf %sub3A_574, %sub3A_574 : vector<16xf32>
          %add3A_579 = arith.addf %mul3A_577, %mul3A_578 : vector<16xf32>
          %mul3A_580 = arith.mulf %select_n3A_564, %add3A_579 : vector<16xf32>
          %add3A_581 = arith.addf %add3A_470, %mul3A_580 : vector<16xf32>
          %mul3A_582 = arith.mulf %sub3A_575, %sub3A_575 : vector<16xf32>
          %mul3A_583 = arith.mulf %sub3A_576, %sub3A_576 : vector<16xf32>
          %add3A_584 = arith.addf %mul3A_582, %mul3A_583 : vector<16xf32>
          %mul3A_585 = arith.mulf %select_n3A_564, %add3A_584 : vector<16xf32>
          %add3A_586 = arith.addf %add3A_475, %mul3A_585 : vector<16xf32>
          %add3A_587 = arith.addf %gather3A_277, %add3A_226 : vector<16xf32>
          %div3A_588 = arith.constant 2.800000e+01 : f32
          %div3A_589 = vector.broadcast %div3A_588 : f32 to vector<16xf32>
          %div3A_590 = arith.divf %add3A_587, %div3A_589 : vector<16xf32>
          %add3A_591 = arith.addf %gather3A_280, %convert_element_type3A_5 : vector<16xf32>
          %div3A_592 = arith.constant 2.800000e+01 : f32
          %div3A_593 = vector.broadcast %div3A_592 : f32 to vector<16xf32>
          %div3A_594 = arith.divf %add3A_591, %div3A_593 : vector<16xf32>
          %mul3A_595 = arith.constant 5.000000e-01 : f32
          %mul3A_596 = vector.broadcast %mul3A_595 : f32 to vector<16xf32>
          %mul3A_597 = arith.mulf %gather3A_283, %mul3A_596 : vector<16xf32>
          %sub3A_598 = arith.subf %div3A_590, %mul3A_597 : vector<16xf32>
          %mul3A_599 = arith.constant 5.000000e-01 : f32
          %mul3A_600 = vector.broadcast %mul3A_599 : f32 to vector<16xf32>
          %mul3A_601 = arith.mulf %gather3A_283, %mul3A_600 : vector<16xf32>
          %add3A_602 = arith.addf %div3A_590, %mul3A_601 : vector<16xf32>
          %mul3A_603 = arith.constant 5.000000e-01 : f32
          %mul3A_604 = vector.broadcast %mul3A_603 : f32 to vector<16xf32>
          %mul3A_605 = arith.mulf %gather3A_286, %mul3A_604 : vector<16xf32>
          %sub3A_606 = arith.subf %div3A_594, %mul3A_605 : vector<16xf32>
          %mul3A_607 = arith.constant 5.000000e-01 : f32
          %mul3A_608 = vector.broadcast %mul3A_607 : f32 to vector<16xf32>
          %mul3A_609 = arith.mulf %gather3A_286, %mul3A_608 : vector<16xf32>
          %add3A_610 = arith.addf %div3A_594, %mul3A_609 : vector<16xf32>
          %mul3A_611 = arith.constant 5.000000e-01 : f32
          %mul3A_612 = vector.broadcast %mul3A_611 : f32 to vector<16xf32>
          %mul3A_613 = arith.mulf %gather3A_328, %mul3A_612 : vector<16xf32>
          %sub3A_614 = arith.subf %gather3A_322, %mul3A_613 : vector<16xf32>
          %mul3A_615 = arith.constant 5.000000e-01 : f32
          %mul3A_616 = vector.broadcast %mul3A_615 : f32 to vector<16xf32>
          %mul3A_617 = arith.mulf %gather3A_328, %mul3A_616 : vector<16xf32>
          %add3A_618 = arith.addf %gather3A_322, %mul3A_617 : vector<16xf32>
          %mul3A_619 = arith.constant 5.000000e-01 : f32
          %mul3A_620 = vector.broadcast %mul3A_619 : f32 to vector<16xf32>
          %mul3A_621 = arith.mulf %gather3A_331, %mul3A_620 : vector<16xf32>
          %sub3A_622 = arith.subf %gather3A_325, %mul3A_621 : vector<16xf32>
          %mul3A_623 = arith.constant 5.000000e-01 : f32
          %mul3A_624 = vector.broadcast %mul3A_623 : f32 to vector<16xf32>
          %mul3A_625 = arith.mulf %gather3A_331, %mul3A_624 : vector<16xf32>
          %add3A_626 = arith.addf %gather3A_325, %mul3A_625 : vector<16xf32>
          %min3A_627 = arith.minimumf %add3A_602, %add3A_618 : vector<16xf32>
          %max3A_628 = arith.maximumf %sub3A_598, %sub3A_614 : vector<16xf32>
          %sub3A_629 = arith.subf %min3A_627, %max3A_628 : vector<16xf32>
          %max3A_630 = arith.constant 0.000000e+00 : f32
          %max3A_631 = vector.broadcast %max3A_630 : f32 to vector<16xf32>
          %max3A_632 = arith.maximumf %sub3A_629, %max3A_631 : vector<16xf32>
          %min3A_633 = arith.minimumf %add3A_610, %add3A_626 : vector<16xf32>
          %max3A_634 = arith.maximumf %sub3A_606, %sub3A_622 : vector<16xf32>
          %sub3A_635 = arith.subf %min3A_633, %max3A_634 : vector<16xf32>
          %max3A_636 = arith.constant 0.000000e+00 : f32
          %max3A_637 = vector.broadcast %max3A_636 : f32 to vector<16xf32>
          %max3A_638 = arith.maximumf %sub3A_635, %max3A_637 : vector<16xf32>
          %mul3A_639 = arith.mulf %max3A_632, %max3A_638 : vector<16xf32>
          %max3A_640 = arith.constant 0.000000e+00 : f32
          %max3A_641 = vector.broadcast %max3A_640 : f32 to vector<16xf32>
          %max3A_642 = arith.maximumf %gather3A_283, %max3A_641 : vector<16xf32>
          %max3A_643 = arith.constant 0.000000e+00 : f32
          %max3A_644 = vector.broadcast %max3A_643 : f32 to vector<16xf32>
          %max3A_645 = arith.maximumf %gather3A_286, %max3A_644 : vector<16xf32>
          %mul3A_646 = arith.mulf %max3A_642, %max3A_645 : vector<16xf32>
          %max3A_647 = arith.constant 0.000000e+00 : f32
          %max3A_648 = vector.broadcast %max3A_647 : f32 to vector<16xf32>
          %max3A_649 = arith.maximumf %gather3A_328, %max3A_648 : vector<16xf32>
          %max3A_650 = arith.constant 0.000000e+00 : f32
          %max3A_651 = vector.broadcast %max3A_650 : f32 to vector<16xf32>
          %max3A_652 = arith.maximumf %gather3A_331, %max3A_651 : vector<16xf32>
          %mul3A_653 = arith.mulf %max3A_649, %max3A_652 : vector<16xf32>
          %add3A_654 = arith.addf %mul3A_646, %mul3A_653 : vector<16xf32>
          %sub3A_655 = arith.subf %add3A_654, %mul3A_639 : vector<16xf32>
          %add3A_656 = arith.constant 1.000000e-10 : f32
          %add3A_657 = vector.broadcast %add3A_656 : f32 to vector<16xf32>
          %add3A_658 = arith.addf %sub3A_655, %add3A_657 : vector<16xf32>
          %div3A_659 = arith.divf %mul3A_639, %add3A_658 : vector<16xf32>
          %sub3A_660 = arith.subf %gather3A_274, %div3A_659 : vector<16xf32>
          %mul3A_661 = arith.mulf %select_n3A_564, %sub3A_660 : vector<16xf32>
          %mul3A_662 = arith.mulf %mul3A_661, %sub3A_660 : vector<16xf32>
          %add3A_663 = arith.addf %add3A_552, %mul3A_662 : vector<16xf32>
          %sub3A_664 = arith.constant 1.000000e+00 : f32
          %sub3A_665 = vector.broadcast %sub3A_664 : f32 to vector<16xf32>
          %sub3A_666 = arith.subf %sub3A_665, %select_n3A_564 : vector<16xf32>
          %mul3A_667 = arith.mulf %sub3A_666, %gather3A_274 : vector<16xf32>
          %mul3A_668 = arith.mulf %mul3A_667, %gather3A_274 : vector<16xf32>
          %add3A_669 = arith.addf %add3A_558, %mul3A_668 : vector<16xf32>
          %add3A_670 = arith.addf %scan3A_235, %add3A_581 : vector<16xf32>
          %add3A_671 = arith.addf %scan3A_236, %add3A_586 : vector<16xf32>
          %add3A_672 = arith.addf %scan3A_237, %add3A_663 : vector<16xf32>
          %add3A_673 = arith.addf %scan3A_238, %add3A_669 : vector<16xf32>
          scf.yield %add3A_670, %add3A_671, %add3A_672, %add3A_673 : vector<16xf32>, vector<16xf32>, vector<16xf32>, vector<16xf32>
        }
        %scan3A_233 = arith.constant 4 : i32
        scf.yield %scan3A_232#0, %scan3A_232#1, %scan3A_232#2, %scan3A_232#3 : vector<16xf32>, vector<16xf32>, vector<16xf32>, vector<16xf32>
      }
      %scan3A_38 = arith.constant 4 : i32
      %dma_start3A_39 = arith.constant 8 : i32
      %dma_start3A_40 = arith.constant 0 : i32
      %dma_start3A_41 = arith.constant 0 : i32
      %dma_start3A_42 = tpu.memref_slice %arg2[%add3A, %dma_start3A_39, %dma_start3A_40, %dma_start3A_41] : memref<28x28x64x128xf32, #tpu.memory_space<hbm>> -> memref<1x4x64x128xf32, #tpu.memory_space<hbm>>
      %dma_start3A_43 = tpu.memref_squeeze %dma_start3A_42 : memref<1x4x64x128xf32, #tpu.memory_space<hbm>> -> memref<4x64x128xf32, #tpu.memory_space<hbm>>
      %dma_start3A_44 = arith.constant 8 : i32
      %dma_start3A_45 = arith.constant 0 : i32
      %dma_start3A_46 = arith.constant 0 : i32
      %dma_start3A_47 = tpu.memref_slice %arg2[%add3A, %dma_start3A_44, %dma_start3A_45, %dma_start3A_46] : memref<28x28x64x128xf32, #tpu.memory_space<hbm>> -> memref<1x4x64x128xf32, #tpu.memory_space<hbm>>
      %dma_start3A_48 = tpu.memref_squeeze %dma_start3A_47 : memref<1x4x64x128xf32, #tpu.memory_space<hbm>> -> memref<4x64x128xf32, #tpu.memory_space<hbm>>
      tpu.enqueue_dma source(%dma_start3A_48 : memref<4x64x128xf32, #tpu.memory_space<hbm>>) target(%arg4 : memref<4x64x128xf32, #tpu.memory_space<vmem>>) target_semaphore(%arg7 : memref<!tpu.dma_semaphore, #tpu.memory_space<semaphore_mem>>)
      %dma_wait3A_49 = arith.constant 4 : i32
      %dma_wait3A_50 = arith.constant 0 : i32
      %dma_wait3A_51 = arith.constant 0 : i32
      %dma_wait3A_52 = tpu.memref_slice %arg2[%add3A, %dma_wait3A_49, %dma_wait3A_50, %dma_wait3A_51] : memref<28x28x64x128xf32, #tpu.memory_space<hbm>> -> memref<1x4x64x128xf32, #tpu.memory_space<hbm>>
      %dma_wait3A_53 = tpu.memref_squeeze %dma_wait3A_52 : memref<1x4x64x128xf32, #tpu.memory_space<hbm>> -> memref<4x64x128xf32, #tpu.memory_space<hbm>>
      %dma_wait3A_54 = arith.constant 4 : i32
      %dma_wait3A_55 = arith.constant 0 : i32
      %dma_wait3A_56 = arith.constant 0 : i32
      %dma_wait3A_57 = tpu.memref_slice %arg2[%add3A, %dma_wait3A_54, %dma_wait3A_55, %dma_wait3A_56] : memref<28x28x64x128xf32, #tpu.memory_space<hbm>> -> memref<1x4x64x128xf32, #tpu.memory_space<hbm>>
      %dma_wait3A_58 = tpu.memref_squeeze %dma_wait3A_57 : memref<1x4x64x128xf32, #tpu.memory_space<hbm>> -> memref<4x64x128xf32, #tpu.memory_space<hbm>>
      tpu.wait_dma2 semaphore(%arg8 : memref<!tpu.dma_semaphore, #tpu.memory_space<semaphore_mem>>) src(%dma_wait3A_58 : memref<4x64x128xf32, #tpu.memory_space<hbm>>) dst(%arg5 : memref<4x64x128xf32, #tpu.memory_space<vmem>>)
      %scan3A_59 = arith.constant 0 : i32
      %scan3A_60 = arith.constant 4 : i32
      %scan3A_61 = arith.addi %scan3A_59, %scan3A_60 : i32
      %scan3A_62 = arith.constant 1 : i32
      %scan3A_63:4 = scf.for %scan3A_216 = %scan3A_59 to %scan3A_61 step %scan3A_62 iter_args(%scan3A_217 = %scan3A_37#0, %scan3A_218 = %scan3A_37#1, %scan3A_219 = %scan3A_37#2, %scan3A_220 = %scan3A_37#3) -> (vector<16xf32>, vector<16xf32>, vector<16xf32>, vector<16xf32>)  : i32 {
        %broadcast_in_dim3A_221 = arith.constant 4 : i32
        %broadcast_in_dim3A_222 = vector.broadcast %broadcast_in_dim3A_221 : i32 to vector<16xi32>
        %convert_element_type3A_223 = arith.sitofp %broadcast_in_dim3A_222 : vector<16xi32> to vector<16xf32>
        %convert_element_type3A_224 = arith.sitofp %scan3A_216 : i32 to f32
        %add3A_225 = vector.broadcast %convert_element_type3A_224 : f32 to vector<16xf32>
        %add3A_226 = arith.addf %convert_element_type3A_223, %add3A_225 : vector<16xf32>
        %broadcast_in_dim3A_227 = vector.broadcast %scan3A_216 : i32 to vector<16xi32>
        %scan3A_228 = arith.constant 0 : i32
        %scan3A_229 = arith.constant 4 : i32
        %scan3A_230 = arith.addi %scan3A_228, %scan3A_229 : i32
        %scan3A_231 = arith.constant 1 : i32
        %scan3A_232:4 = scf.for %scan3A_234 = %scan3A_228 to %scan3A_230 step %scan3A_231 iter_args(%scan3A_235 = %scan3A_217, %scan3A_236 = %scan3A_218, %scan3A_237 = %scan3A_219, %scan3A_238 = %scan3A_220) -> (vector<16xf32>, vector<16xf32>, vector<16xf32>, vector<16xf32>)  : i32 {
          %mul3A_239 = arith.constant 16 : i32
          %mul3A_240 = arith.muli %scan3A_234, %mul3A_239 : i32
          %add3A_241 = vector.broadcast %mul3A_240 : i32 to vector<16xi32>
          %add3A_242 = arith.addi %add3A_241, %iota3A : vector<16xi32>
          %broadcast_in_dim3A_243 = arith.constant 0 : i32
          %broadcast_in_dim3A_244 = vector.broadcast %broadcast_in_dim3A_243 : i32 to vector<16xi32>
          %gather3A = tpu.vector_load_idx %arg5[%broadcast_in_dim3A_227, %add3A_242, %broadcast_in_dim3A_244] : memref<4x64x128xf32, #tpu.memory_space<vmem>>[vector<16xi32>, vector<16xi32>, vector<16xi32>], vector<16xf32>,
          %broadcast_in_dim3A_245 = arith.constant 1 : i32
          %broadcast_in_dim3A_246 = vector.broadcast %broadcast_in_dim3A_245 : i32 to vector<16xi32>
          %gather3A_247 = tpu.vector_load_idx %arg5[%broadcast_in_dim3A_227, %add3A_242, %broadcast_in_dim3A_246] : memref<4x64x128xf32, #tpu.memory_space<vmem>>[vector<16xi32>, vector<16xi32>, vector<16xi32>], vector<16xf32>,
          %broadcast_in_dim3A_248 = arith.constant 2 : i32
          %broadcast_in_dim3A_249 = vector.broadcast %broadcast_in_dim3A_248 : i32 to vector<16xi32>
          %gather3A_250 = tpu.vector_load_idx %arg5[%broadcast_in_dim3A_227, %add3A_242, %broadcast_in_dim3A_249] : memref<4x64x128xf32, #tpu.memory_space<vmem>>[vector<16xi32>, vector<16xi32>, vector<16xi32>], vector<16xf32>,
          %broadcast_in_dim3A_251 = arith.constant 3 : i32
          %broadcast_in_dim3A_252 = vector.broadcast %broadcast_in_dim3A_251 : i32 to vector<16xi32>
          %gather3A_253 = tpu.vector_load_idx %arg5[%broadcast_in_dim3A_227, %add3A_242, %broadcast_in_dim3A_252] : memref<4x64x128xf32, #tpu.memory_space<vmem>>[vector<16xi32>, vector<16xi32>, vector<16xi32>], vector<16xf32>,
          %broadcast_in_dim3A_254 = arith.constant 4 : i32
          %broadcast_in_dim3A_255 = vector.broadcast %broadcast_in_dim3A_254 : i32 to vector<16xi32>
          %gather3A_256 = tpu.vector_load_idx %arg5[%broadcast_in_dim3A_227, %add3A_242, %broadcast_in_dim3A_255] : memref<4x64x128xf32, #tpu.memory_space<vmem>>[vector<16xi32>, vector<16xi32>, vector<16xi32>], vector<16xf32>,
          %broadcast_in_dim3A_257 = arith.constant 5 : i32
          %broadcast_in_dim3A_258 = vector.broadcast %broadcast_in_dim3A_257 : i32 to vector<16xi32>
          %gather3A_259 = tpu.vector_load_idx %arg5[%broadcast_in_dim3A_227, %add3A_242, %broadcast_in_dim3A_258] : memref<4x64x128xf32, #tpu.memory_space<vmem>>[vector<16xi32>, vector<16xi32>, vector<16xi32>], vector<16xf32>,
          %broadcast_in_dim3A_260 = arith.constant 6 : i32
          %broadcast_in_dim3A_261 = vector.broadcast %broadcast_in_dim3A_260 : i32 to vector<16xi32>
          %gather3A_262 = tpu.vector_load_idx %arg5[%broadcast_in_dim3A_227, %add3A_242, %broadcast_in_dim3A_261] : memref<4x64x128xf32, #tpu.memory_space<vmem>>[vector<16xi32>, vector<16xi32>, vector<16xi32>], vector<16xf32>,
          %broadcast_in_dim3A_263 = arith.constant 7 : i32
          %broadcast_in_dim3A_264 = vector.broadcast %broadcast_in_dim3A_263 : i32 to vector<16xi32>
          %gather3A_265 = tpu.vector_load_idx %arg5[%broadcast_in_dim3A_227, %add3A_242, %broadcast_in_dim3A_264] : memref<4x64x128xf32, #tpu.memory_space<vmem>>[vector<16xi32>, vector<16xi32>, vector<16xi32>], vector<16xf32>,
          %broadcast_in_dim3A_266 = arith.constant 8 : i32
          %broadcast_in_dim3A_267 = vector.broadcast %broadcast_in_dim3A_266 : i32 to vector<16xi32>
          %gather3A_268 = tpu.vector_load_idx %arg5[%broadcast_in_dim3A_227, %add3A_242, %broadcast_in_dim3A_267] : memref<4x64x128xf32, #tpu.memory_space<vmem>>[vector<16xi32>, vector<16xi32>, vector<16xi32>], vector<16xf32>,
          %broadcast_in_dim3A_269 = arith.constant 9 : i32
          %broadcast_in_dim3A_270 = vector.broadcast %broadcast_in_dim3A_269 : i32 to vector<16xi32>
          %gather3A_271 = tpu.vector_load_idx %arg5[%broadcast_in_dim3A_227, %add3A_242, %broadcast_in_dim3A_270] : memref<4x64x128xf32, #tpu.memory_space<vmem>>[vector<16xi32>, vector<16xi32>, vector<16xi32>], vector<16xf32>,
          %broadcast_in_dim3A_272 = arith.constant 10 : i32
          %broadcast_in_dim3A_273 = vector.broadcast %broadcast_in_dim3A_272 : i32 to vector<16xi32>
          %gather3A_274 = tpu.vector_load_idx %arg5[%broadcast_in_dim3A_227, %add3A_242, %broadcast_in_dim3A_273] : memref<4x64x128xf32, #tpu.memory_space<vmem>>[vector<16xi32>, vector<16xi32>, vector<16xi32>], vector<16xf32>,
          %broadcast_in_dim3A_275 = arith.constant 11 : i32
          %broadcast_in_dim3A_276 = vector.broadcast %broadcast_in_dim3A_275 : i32 to vector<16xi32>
          %gather3A_277 = tpu.vector_load_idx %arg5[%broadcast_in_dim3A_227, %add3A_242, %broadcast_in_dim3A_276] : memref<4x64x128xf32, #tpu.memory_space<vmem>>[vector<16xi32>, vector<16xi32>, vector<16xi32>], vector<16xf32>,
          %broadcast_in_dim3A_278 = arith.constant 12 : i32
          %broadcast_in_dim3A_279 = vector.broadcast %broadcast_in_dim3A_278 : i32 to vector<16xi32>
          %gather3A_280 = tpu.vector_load_idx %arg5[%broadcast_in_dim3A_227, %add3A_242, %broadcast_in_dim3A_279] : memref<4x64x128xf32, #tpu.memory_space<vmem>>[vector<16xi32>, vector<16xi32>, vector<16xi32>], vector<16xf32>,
          %broadcast_in_dim3A_281 = arith.constant 13 : i32
          %broadcast_in_dim3A_282 = vector.broadcast %broadcast_in_dim3A_281 : i32 to vector<16xi32>
          %gather3A_283 = tpu.vector_load_idx %arg5[%broadcast_in_dim3A_227, %add3A_242, %broadcast_in_dim3A_282] : memref<4x64x128xf32, #tpu.memory_space<vmem>>[vector<16xi32>, vector<16xi32>, vector<16xi32>], vector<16xf32>,
          %broadcast_in_dim3A_284 = arith.constant 14 : i32
          %broadcast_in_dim3A_285 = vector.broadcast %broadcast_in_dim3A_284 : i32 to vector<16xi32>
          %gather3A_286 = tpu.vector_load_idx %arg5[%broadcast_in_dim3A_227, %add3A_242, %broadcast_in_dim3A_285] : memref<4x64x128xf32, #tpu.memory_space<vmem>>[vector<16xi32>, vector<16xi32>, vector<16xi32>], vector<16xf32>,
          %broadcast_in_dim3A_287 = arith.constant 16 : i32
          %broadcast_in_dim3A_288 = vector.broadcast %broadcast_in_dim3A_287 : i32 to vector<16xi32>
          %gather3A_289 = tpu.vector_load_idx %arg5[%broadcast_in_dim3A_227, %add3A_242, %broadcast_in_dim3A_288] : memref<4x64x128xf32, #tpu.memory_space<vmem>>[vector<16xi32>, vector<16xi32>, vector<16xi32>], vector<16xf32>,
          %broadcast_in_dim3A_290 = arith.constant 17 : i32
          %broadcast_in_dim3A_291 = vector.broadcast %broadcast_in_dim3A_290 : i32 to vector<16xi32>
          %gather3A_292 = tpu.vector_load_idx %arg5[%broadcast_in_dim3A_227, %add3A_242, %broadcast_in_dim3A_291] : memref<4x64x128xf32, #tpu.memory_space<vmem>>[vector<16xi32>, vector<16xi32>, vector<16xi32>], vector<16xf32>,
          %broadcast_in_dim3A_293 = arith.constant 18 : i32
          %broadcast_in_dim3A_294 = vector.broadcast %broadcast_in_dim3A_293 : i32 to vector<16xi32>
          %gather3A_295 = tpu.vector_load_idx %arg5[%broadcast_in_dim3A_227, %add3A_242, %broadcast_in_dim3A_294] : memref<4x64x128xf32, #tpu.memory_space<vmem>>[vector<16xi32>, vector<16xi32>, vector<16xi32>], vector<16xf32>,
          %broadcast_in_dim3A_296 = arith.constant 19 : i32
          %broadcast_in_dim3A_297 = vector.broadcast %broadcast_in_dim3A_296 : i32 to vector<16xi32>
          %gather3A_298 = tpu.vector_load_idx %arg5[%broadcast_in_dim3A_227, %add3A_242, %broadcast_in_dim3A_297] : memref<4x64x128xf32, #tpu.memory_space<vmem>>[vector<16xi32>, vector<16xi32>, vector<16xi32>], vector<16xf32>,
          %broadcast_in_dim3A_299 = arith.constant 20 : i32
          %broadcast_in_dim3A_300 = vector.broadcast %broadcast_in_dim3A_299 : i32 to vector<16xi32>
          %gather3A_301 = tpu.vector_load_idx %arg5[%broadcast_in_dim3A_227, %add3A_242, %broadcast_in_dim3A_300] : memref<4x64x128xf32, #tpu.memory_space<vmem>>[vector<16xi32>, vector<16xi32>, vector<16xi32>], vector<16xf32>,
          %broadcast_in_dim3A_302 = arith.constant 21 : i32
          %broadcast_in_dim3A_303 = vector.broadcast %broadcast_in_dim3A_302 : i32 to vector<16xi32>
          %gather3A_304 = tpu.vector_load_idx %arg5[%broadcast_in_dim3A_227, %add3A_242, %broadcast_in_dim3A_303] : memref<4x64x128xf32, #tpu.memory_space<vmem>>[vector<16xi32>, vector<16xi32>, vector<16xi32>], vector<16xf32>,
          %broadcast_in_dim3A_305 = arith.constant 22 : i32
          %broadcast_in_dim3A_306 = vector.broadcast %broadcast_in_dim3A_305 : i32 to vector<16xi32>
          %gather3A_307 = tpu.vector_load_idx %arg5[%broadcast_in_dim3A_227, %add3A_242, %broadcast_in_dim3A_306] : memref<4x64x128xf32, #tpu.memory_space<vmem>>[vector<16xi32>, vector<16xi32>, vector<16xi32>], vector<16xf32>,
          %broadcast_in_dim3A_308 = arith.constant 23 : i32
          %broadcast_in_dim3A_309 = vector.broadcast %broadcast_in_dim3A_308 : i32 to vector<16xi32>
          %gather3A_310 = tpu.vector_load_idx %arg5[%broadcast_in_dim3A_227, %add3A_242, %broadcast_in_dim3A_309] : memref<4x64x128xf32, #tpu.memory_space<vmem>>[vector<16xi32>, vector<16xi32>, vector<16xi32>], vector<16xf32>,
          %broadcast_in_dim3A_311 = arith.constant 24 : i32
          %broadcast_in_dim3A_312 = vector.broadcast %broadcast_in_dim3A_311 : i32 to vector<16xi32>
          %gather3A_313 = tpu.vector_load_idx %arg5[%broadcast_in_dim3A_227, %add3A_242, %broadcast_in_dim3A_312] : memref<4x64x128xf32, #tpu.memory_space<vmem>>[vector<16xi32>, vector<16xi32>, vector<16xi32>], vector<16xf32>,
          %broadcast_in_dim3A_314 = arith.constant 25 : i32
          %broadcast_in_dim3A_315 = vector.broadcast %broadcast_in_dim3A_314 : i32 to vector<16xi32>
          %gather3A_316 = tpu.vector_load_idx %arg5[%broadcast_in_dim3A_227, %add3A_242, %broadcast_in_dim3A_315] : memref<4x64x128xf32, #tpu.memory_space<vmem>>[vector<16xi32>, vector<16xi32>, vector<16xi32>], vector<16xf32>,
          %broadcast_in_dim3A_317 = arith.constant 26 : i32
          %broadcast_in_dim3A_318 = vector.broadcast %broadcast_in_dim3A_317 : i32 to vector<16xi32>
          %gather3A_319 = tpu.vector_load_idx %arg5[%broadcast_in_dim3A_227, %add3A_242, %broadcast_in_dim3A_318] : memref<4x64x128xf32, #tpu.memory_space<vmem>>[vector<16xi32>, vector<16xi32>, vector<16xi32>], vector<16xf32>,
          %broadcast_in_dim3A_320 = arith.constant 27 : i32
          %broadcast_in_dim3A_321 = vector.broadcast %broadcast_in_dim3A_320 : i32 to vector<16xi32>
          %gather3A_322 = tpu.vector_load_idx %arg5[%broadcast_in_dim3A_227, %add3A_242, %broadcast_in_dim3A_321] : memref<4x64x128xf32, #tpu.memory_space<vmem>>[vector<16xi32>, vector<16xi32>, vector<16xi32>], vector<16xf32>,
          %broadcast_in_dim3A_323 = arith.constant 28 : i32
          %broadcast_in_dim3A_324 = vector.broadcast %broadcast_in_dim3A_323 : i32 to vector<16xi32>
          %gather3A_325 = tpu.vector_load_idx %arg5[%broadcast_in_dim3A_227, %add3A_242, %broadcast_in_dim3A_324] : memref<4x64x128xf32, #tpu.memory_space<vmem>>[vector<16xi32>, vector<16xi32>, vector<16xi32>], vector<16xf32>,
          %broadcast_in_dim3A_326 = arith.constant 29 : i32
          %broadcast_in_dim3A_327 = vector.broadcast %broadcast_in_dim3A_326 : i32 to vector<16xi32>
          %gather3A_328 = tpu.vector_load_idx %arg5[%broadcast_in_dim3A_227, %add3A_242, %broadcast_in_dim3A_327] : memref<4x64x128xf32, #tpu.memory_space<vmem>>[vector<16xi32>, vector<16xi32>, vector<16xi32>], vector<16xf32>,
          %broadcast_in_dim3A_329 = arith.constant 30 : i32
          %broadcast_in_dim3A_330 = vector.broadcast %broadcast_in_dim3A_329 : i32 to vector<16xi32>
          %gather3A_331 = tpu.vector_load_idx %arg5[%broadcast_in_dim3A_227, %add3A_242, %broadcast_in_dim3A_330] : memref<4x64x128xf32, #tpu.memory_space<vmem>>[vector<16xi32>, vector<16xi32>, vector<16xi32>], vector<16xf32>,
          %ge3A = arith.cmpf oge, %gather3A, %gather3A_259 : vector<16xf32>
          %ge3A_332 = arith.cmpf oge, %gather3A, %gather3A_274 : vector<16xf32>
          %and3A = arith.andi %ge3A, %ge3A_332 : vector<16xi1>
          %gt3A = arith.cmpf ogt, %gather3A_259, %gather3A : vector<16xf32>
          %ge3A_333 = arith.cmpf oge, %gather3A_259, %gather3A_274 : vector<16xf32>
          %and3A_334 = arith.andi %gt3A, %ge3A_333 : vector<16xi1>
          %gt3A_335 = arith.cmpf ogt, %gather3A_274, %gather3A : vector<16xf32>
          %gt3A_336 = arith.cmpf ogt, %gather3A_274, %gather3A_259 : vector<16xf32>
          %and3A_337 = arith.andi %gt3A_335, %gt3A_336 : vector<16xi1>
          %gt3A_338 = arith.constant 0.000000e+00 : f32
          %gt3A_339 = vector.broadcast %gt3A_338 : f32 to vector<16xf32>
          %gt3A_340 = arith.cmpf ogt, %gather3A_289, %gt3A_339 : vector<16xf32>
          %broadcast_in_dim3A_341 = arith.constant 0.000000e+00 : f32
          %broadcast_in_dim3A_342 = vector.broadcast %broadcast_in_dim3A_341 : f32 to vector<16xf32>
          %and3A_343 = arith.andi %gt3A_340, %and3A : vector<16xi1>
          %jit3A = arith.constant 1.000000e+00 : f32
          %jit3A_344 = arith.constant 0.000000e+00 : f32
          %broadcast_in_dim3A_345 = vector.broadcast %jit3A : f32 to vector<16xf32>
          %broadcast_in_dim3A_346 = vector.broadcast %jit3A_344 : f32 to vector<16xf32>
          %select_n3A = arith.select %and3A_343, %broadcast_in_dim3A_345, %broadcast_in_dim3A_346 : vector<16xi1>, vector<16xf32>
          %mul3A_347 = arith.constant 2.800000e+01 : f32
          %mul3A_348 = vector.broadcast %mul3A_347 : f32 to vector<16xf32>
          %mul3A_349 = arith.mulf %gather3A_292, %mul3A_348 : vector<16xf32>
          %sub3A = arith.subf %mul3A_349, %add3A_226 : vector<16xf32>
          %sub3A_350 = arith.subf %gather3A_247, %sub3A : vector<16xf32>
          %mul3A_351 = arith.constant 2.800000e+01 : f32
          %mul3A_352 = vector.broadcast %mul3A_351 : f32 to vector<16xf32>
          %mul3A_353 = arith.mulf %gather3A_295, %mul3A_352 : vector<16xf32>
          %sub3A_354 = arith.subf %mul3A_353, %convert_element_type3A_5 : vector<16xf32>
          %sub3A_355 = arith.subf %gather3A_250, %sub3A_354 : vector<16xf32>
          %sub3A_356 = arith.subf %gather3A_253, %gather3A_298 : vector<16xf32>
          %sub3A_357 = arith.subf %gather3A_256, %gather3A_301 : vector<16xf32>
          %mul3A_358 = arith.mulf %sub3A_350, %sub3A_350 : vector<16xf32>
          %mul3A_359 = arith.mulf %sub3A_355, %sub3A_355 : vector<16xf32>
          %add3A_360 = arith.addf %mul3A_358, %mul3A_359 : vector<16xf32>
          %mul3A_361 = arith.mulf %select_n3A, %add3A_360 : vector<16xf32>
          %add3A_362 = arith.addf %broadcast_in_dim3A_342, %mul3A_361 : vector<16xf32>
          %mul3A_363 = arith.mulf %sub3A_356, %sub3A_356 : vector<16xf32>
          %mul3A_364 = arith.mulf %sub3A_357, %sub3A_357 : vector<16xf32>
          %add3A_365 = arith.addf %mul3A_363, %mul3A_364 : vector<16xf32>
          %mul3A_366 = arith.mulf %select_n3A, %add3A_365 : vector<16xf32>
          %add3A_367 = arith.addf %broadcast_in_dim3A_342, %mul3A_366 : vector<16xf32>
          %add3A_368 = arith.addf %gather3A_247, %add3A_226 : vector<16xf32>
          %div3A = arith.constant 2.800000e+01 : f32
          %div3A_369 = vector.broadcast %div3A : f32 to vector<16xf32>
          %div3A_370 = arith.divf %add3A_368, %div3A_369 : vector<16xf32>
          %add3A_371 = arith.addf %gather3A_250, %convert_element_type3A_5 : vector<16xf32>
          %div3A_372 = arith.constant 2.800000e+01 : f32
          %div3A_373 = vector.broadcast %div3A_372 : f32 to vector<16xf32>
          %div3A_374 = arith.divf %add3A_371, %div3A_373 : vector<16xf32>
          %mul3A_375 = arith.constant 5.000000e-01 : f32
          %mul3A_376 = vector.broadcast %mul3A_375 : f32 to vector<16xf32>
          %mul3A_377 = arith.mulf %gather3A_253, %mul3A_376 : vector<16xf32>
          %sub3A_378 = arith.subf %div3A_370, %mul3A_377 : vector<16xf32>
          %mul3A_379 = arith.constant 5.000000e-01 : f32
          %mul3A_380 = vector.broadcast %mul3A_379 : f32 to vector<16xf32>
          %mul3A_381 = arith.mulf %gather3A_253, %mul3A_380 : vector<16xf32>
          %add3A_382 = arith.addf %div3A_370, %mul3A_381 : vector<16xf32>
          %mul3A_383 = arith.constant 5.000000e-01 : f32
          %mul3A_384 = vector.broadcast %mul3A_383 : f32 to vector<16xf32>
          %mul3A_385 = arith.mulf %gather3A_256, %mul3A_384 : vector<16xf32>
          %sub3A_386 = arith.subf %div3A_374, %mul3A_385 : vector<16xf32>
          %mul3A_387 = arith.constant 5.000000e-01 : f32
          %mul3A_388 = vector.broadcast %mul3A_387 : f32 to vector<16xf32>
          %mul3A_389 = arith.mulf %gather3A_256, %mul3A_388 : vector<16xf32>
          %add3A_390 = arith.addf %div3A_374, %mul3A_389 : vector<16xf32>
          %mul3A_391 = arith.constant 5.000000e-01 : f32
          %mul3A_392 = vector.broadcast %mul3A_391 : f32 to vector<16xf32>
          %mul3A_393 = arith.mulf %gather3A_298, %mul3A_392 : vector<16xf32>
          %sub3A_394 = arith.subf %gather3A_292, %mul3A_393 : vector<16xf32>
          %mul3A_395 = arith.constant 5.000000e-01 : f32
          %mul3A_396 = vector.broadcast %mul3A_395 : f32 to vector<16xf32>
          %mul3A_397 = arith.mulf %gather3A_298, %mul3A_396 : vector<16xf32>
          %add3A_398 = arith.addf %gather3A_292, %mul3A_397 : vector<16xf32>
          %mul3A_399 = arith.constant 5.000000e-01 : f32
          %mul3A_400 = vector.broadcast %mul3A_399 : f32 to vector<16xf32>
          %mul3A_401 = arith.mulf %gather3A_301, %mul3A_400 : vector<16xf32>
          %sub3A_402 = arith.subf %gather3A_295, %mul3A_401 : vector<16xf32>
          %mul3A_403 = arith.constant 5.000000e-01 : f32
          %mul3A_404 = vector.broadcast %mul3A_403 : f32 to vector<16xf32>
          %mul3A_405 = arith.mulf %gather3A_301, %mul3A_404 : vector<16xf32>
          %add3A_406 = arith.addf %gather3A_295, %mul3A_405 : vector<16xf32>
          %min3A = arith.minimumf %add3A_382, %add3A_398 : vector<16xf32>
          %max3A = arith.maximumf %sub3A_378, %sub3A_394 : vector<16xf32>
          %sub3A_407 = arith.subf %min3A, %max3A : vector<16xf32>
          %max3A_408 = arith.constant 0.000000e+00 : f32
          %max3A_409 = vector.broadcast %max3A_408 : f32 to vector<16xf32>
          %max3A_410 = arith.maximumf %sub3A_407, %max3A_409 : vector<16xf32>
          %min3A_411 = arith.minimumf %add3A_390, %add3A_406 : vector<16xf32>
          %max3A_412 = arith.maximumf %sub3A_386, %sub3A_402 : vector<16xf32>
          %sub3A_413 = arith.subf %min3A_411, %max3A_412 : vector<16xf32>
          %max3A_414 = arith.constant 0.000000e+00 : f32
          %max3A_415 = vector.broadcast %max3A_414 : f32 to vector<16xf32>
          %max3A_416 = arith.maximumf %sub3A_413, %max3A_415 : vector<16xf32>
          %mul3A_417 = arith.mulf %max3A_410, %max3A_416 : vector<16xf32>
          %max3A_418 = arith.constant 0.000000e+00 : f32
          %max3A_419 = vector.broadcast %max3A_418 : f32 to vector<16xf32>
          %max3A_420 = arith.maximumf %gather3A_253, %max3A_419 : vector<16xf32>
          %max3A_421 = arith.constant 0.000000e+00 : f32
          %max3A_422 = vector.broadcast %max3A_421 : f32 to vector<16xf32>
          %max3A_423 = arith.maximumf %gather3A_256, %max3A_422 : vector<16xf32>
          %mul3A_424 = arith.mulf %max3A_420, %max3A_423 : vector<16xf32>
          %max3A_425 = arith.constant 0.000000e+00 : f32
          %max3A_426 = vector.broadcast %max3A_425 : f32 to vector<16xf32>
          %max3A_427 = arith.maximumf %gather3A_298, %max3A_426 : vector<16xf32>
          %max3A_428 = arith.constant 0.000000e+00 : f32
          %max3A_429 = vector.broadcast %max3A_428 : f32 to vector<16xf32>
          %max3A_430 = arith.maximumf %gather3A_301, %max3A_429 : vector<16xf32>
          %mul3A_431 = arith.mulf %max3A_427, %max3A_430 : vector<16xf32>
          %add3A_432 = arith.addf %mul3A_424, %mul3A_431 : vector<16xf32>
          %sub3A_433 = arith.subf %add3A_432, %mul3A_417 : vector<16xf32>
          %add3A_434 = arith.constant 1.000000e-10 : f32
          %add3A_435 = vector.broadcast %add3A_434 : f32 to vector<16xf32>
          %add3A_436 = arith.addf %sub3A_433, %add3A_435 : vector<16xf32>
          %div3A_437 = arith.divf %mul3A_417, %add3A_436 : vector<16xf32>
          %sub3A_438 = arith.subf %gather3A, %div3A_437 : vector<16xf32>
          %mul3A_439 = arith.mulf %select_n3A, %sub3A_438 : vector<16xf32>
          %mul3A_440 = arith.mulf %mul3A_439, %sub3A_438 : vector<16xf32>
          %add3A_441 = arith.addf %broadcast_in_dim3A_342, %mul3A_440 : vector<16xf32>
          %sub3A_442 = arith.constant 1.000000e+00 : f32
          %sub3A_443 = vector.broadcast %sub3A_442 : f32 to vector<16xf32>
          %sub3A_444 = arith.subf %sub3A_443, %select_n3A : vector<16xf32>
          %mul3A_445 = arith.mulf %sub3A_444, %gather3A : vector<16xf32>
          %mul3A_446 = arith.mulf %mul3A_445, %gather3A : vector<16xf32>
          %add3A_447 = arith.addf %broadcast_in_dim3A_342, %mul3A_446 : vector<16xf32>
          %and3A_448 = arith.andi %gt3A_340, %and3A_334 : vector<16xi1>
          %jit3A_449 = arith.constant 1.000000e+00 : f32
          %jit3A_450 = arith.constant 0.000000e+00 : f32
          %broadcast_in_dim3A_451 = vector.broadcast %jit3A_449 : f32 to vector<16xf32>
          %broadcast_in_dim3A_452 = vector.broadcast %jit3A_450 : f32 to vector<16xf32>
          %select_n3A_453 = arith.select %and3A_448, %broadcast_in_dim3A_451, %broadcast_in_dim3A_452 : vector<16xi1>, vector<16xf32>
          %mul3A_454 = arith.constant 2.800000e+01 : f32
          %mul3A_455 = vector.broadcast %mul3A_454 : f32 to vector<16xf32>
          %mul3A_456 = arith.mulf %gather3A_307, %mul3A_455 : vector<16xf32>
          %sub3A_457 = arith.subf %mul3A_456, %add3A_226 : vector<16xf32>
          %sub3A_458 = arith.subf %gather3A_262, %sub3A_457 : vector<16xf32>
          %mul3A_459 = arith.constant 2.800000e+01 : f32
          %mul3A_460 = vector.broadcast %mul3A_459 : f32 to vector<16xf32>
          %mul3A_461 = arith.mulf %gather3A_310, %mul3A_460 : vector<16xf32>
          %sub3A_462 = arith.subf %mul3A_461, %convert_element_type3A_5 : vector<16xf32>
          %sub3A_463 = arith.subf %gather3A_265, %sub3A_462 : vector<16xf32>
          %sub3A_464 = arith.subf %gather3A_268, %gather3A_313 : vector<16xf32>
          %sub3A_465 = arith.subf %gather3A_271, %gather3A_316 : vector<16xf32>
          %mul3A_466 = arith.mulf %sub3A_458, %sub3A_458 : vector<16xf32>
          %mul3A_467 = arith.mulf %sub3A_463, %sub3A_463 : vector<16xf32>
          %add3A_468 = arith.addf %mul3A_466, %mul3A_467 : vector<16xf32>
          %mul3A_469 = arith.mulf %select_n3A_453, %add3A_468 : vector<16xf32>
          %add3A_470 = arith.addf %add3A_362, %mul3A_469 : vector<16xf32>
          %mul3A_471 = arith.mulf %sub3A_464, %sub3A_464 : vector<16xf32>
          %mul3A_472 = arith.mulf %sub3A_465, %sub3A_465 : vector<16xf32>
          %add3A_473 = arith.addf %mul3A_471, %mul3A_472 : vector<16xf32>
          %mul3A_474 = arith.mulf %select_n3A_453, %add3A_473 : vector<16xf32>
          %add3A_475 = arith.addf %add3A_367, %mul3A_474 : vector<16xf32>
          %add3A_476 = arith.addf %gather3A_262, %add3A_226 : vector<16xf32>
          %div3A_477 = arith.constant 2.800000e+01 : f32
          %div3A_478 = vector.broadcast %div3A_477 : f32 to vector<16xf32>
          %div3A_479 = arith.divf %add3A_476, %div3A_478 : vector<16xf32>
          %add3A_480 = arith.addf %gather3A_265, %convert_element_type3A_5 : vector<16xf32>
          %div3A_481 = arith.constant 2.800000e+01 : f32
          %div3A_482 = vector.broadcast %div3A_481 : f32 to vector<16xf32>
          %div3A_483 = arith.divf %add3A_480, %div3A_482 : vector<16xf32>
          %mul3A_484 = arith.constant 5.000000e-01 : f32
          %mul3A_485 = vector.broadcast %mul3A_484 : f32 to vector<16xf32>
          %mul3A_486 = arith.mulf %gather3A_268, %mul3A_485 : vector<16xf32>
          %sub3A_487 = arith.subf %div3A_479, %mul3A_486 : vector<16xf32>
          %mul3A_488 = arith.constant 5.000000e-01 : f32
          %mul3A_489 = vector.broadcast %mul3A_488 : f32 to vector<16xf32>
          %mul3A_490 = arith.mulf %gather3A_268, %mul3A_489 : vector<16xf32>
          %add3A_491 = arith.addf %div3A_479, %mul3A_490 : vector<16xf32>
          %mul3A_492 = arith.constant 5.000000e-01 : f32
          %mul3A_493 = vector.broadcast %mul3A_492 : f32 to vector<16xf32>
          %mul3A_494 = arith.mulf %gather3A_271, %mul3A_493 : vector<16xf32>
          %sub3A_495 = arith.subf %div3A_483, %mul3A_494 : vector<16xf32>
          %mul3A_496 = arith.constant 5.000000e-01 : f32
          %mul3A_497 = vector.broadcast %mul3A_496 : f32 to vector<16xf32>
          %mul3A_498 = arith.mulf %gather3A_271, %mul3A_497 : vector<16xf32>
          %add3A_499 = arith.addf %div3A_483, %mul3A_498 : vector<16xf32>
          %mul3A_500 = arith.constant 5.000000e-01 : f32
          %mul3A_501 = vector.broadcast %mul3A_500 : f32 to vector<16xf32>
          %mul3A_502 = arith.mulf %gather3A_313, %mul3A_501 : vector<16xf32>
          %sub3A_503 = arith.subf %gather3A_307, %mul3A_502 : vector<16xf32>
          %mul3A_504 = arith.constant 5.000000e-01 : f32
          %mul3A_505 = vector.broadcast %mul3A_504 : f32 to vector<16xf32>
          %mul3A_506 = arith.mulf %gather3A_313, %mul3A_505 : vector<16xf32>
          %add3A_507 = arith.addf %gather3A_307, %mul3A_506 : vector<16xf32>
          %mul3A_508 = arith.constant 5.000000e-01 : f32
          %mul3A_509 = vector.broadcast %mul3A_508 : f32 to vector<16xf32>
          %mul3A_510 = arith.mulf %gather3A_316, %mul3A_509 : vector<16xf32>
          %sub3A_511 = arith.subf %gather3A_310, %mul3A_510 : vector<16xf32>
          %mul3A_512 = arith.constant 5.000000e-01 : f32
          %mul3A_513 = vector.broadcast %mul3A_512 : f32 to vector<16xf32>
          %mul3A_514 = arith.mulf %gather3A_316, %mul3A_513 : vector<16xf32>
          %add3A_515 = arith.addf %gather3A_310, %mul3A_514 : vector<16xf32>
          %min3A_516 = arith.minimumf %add3A_491, %add3A_507 : vector<16xf32>
          %max3A_517 = arith.maximumf %sub3A_487, %sub3A_503 : vector<16xf32>
          %sub3A_518 = arith.subf %min3A_516, %max3A_517 : vector<16xf32>
          %max3A_519 = arith.constant 0.000000e+00 : f32
          %max3A_520 = vector.broadcast %max3A_519 : f32 to vector<16xf32>
          %max3A_521 = arith.maximumf %sub3A_518, %max3A_520 : vector<16xf32>
          %min3A_522 = arith.minimumf %add3A_499, %add3A_515 : vector<16xf32>
          %max3A_523 = arith.maximumf %sub3A_495, %sub3A_511 : vector<16xf32>
          %sub3A_524 = arith.subf %min3A_522, %max3A_523 : vector<16xf32>
          %max3A_525 = arith.constant 0.000000e+00 : f32
          %max3A_526 = vector.broadcast %max3A_525 : f32 to vector<16xf32>
          %max3A_527 = arith.maximumf %sub3A_524, %max3A_526 : vector<16xf32>
          %mul3A_528 = arith.mulf %max3A_521, %max3A_527 : vector<16xf32>
          %max3A_529 = arith.constant 0.000000e+00 : f32
          %max3A_530 = vector.broadcast %max3A_529 : f32 to vector<16xf32>
          %max3A_531 = arith.maximumf %gather3A_268, %max3A_530 : vector<16xf32>
          %max3A_532 = arith.constant 0.000000e+00 : f32
          %max3A_533 = vector.broadcast %max3A_532 : f32 to vector<16xf32>
          %max3A_534 = arith.maximumf %gather3A_271, %max3A_533 : vector<16xf32>
          %mul3A_535 = arith.mulf %max3A_531, %max3A_534 : vector<16xf32>
          %max3A_536 = arith.constant 0.000000e+00 : f32
          %max3A_537 = vector.broadcast %max3A_536 : f32 to vector<16xf32>
          %max3A_538 = arith.maximumf %gather3A_313, %max3A_537 : vector<16xf32>
          %max3A_539 = arith.constant 0.000000e+00 : f32
          %max3A_540 = vector.broadcast %max3A_539 : f32 to vector<16xf32>
          %max3A_541 = arith.maximumf %gather3A_316, %max3A_540 : vector<16xf32>
          %mul3A_542 = arith.mulf %max3A_538, %max3A_541 : vector<16xf32>
          %add3A_543 = arith.addf %mul3A_535, %mul3A_542 : vector<16xf32>
          %sub3A_544 = arith.subf %add3A_543, %mul3A_528 : vector<16xf32>
          %add3A_545 = arith.constant 1.000000e-10 : f32
          %add3A_546 = vector.broadcast %add3A_545 : f32 to vector<16xf32>
          %add3A_547 = arith.addf %sub3A_544, %add3A_546 : vector<16xf32>
          %div3A_548 = arith.divf %mul3A_528, %add3A_547 : vector<16xf32>
          %sub3A_549 = arith.subf %gather3A_259, %div3A_548 : vector<16xf32>
          %mul3A_550 = arith.mulf %select_n3A_453, %sub3A_549 : vector<16xf32>
          %mul3A_551 = arith.mulf %mul3A_550, %sub3A_549 : vector<16xf32>
          %add3A_552 = arith.addf %add3A_441, %mul3A_551 : vector<16xf32>
          %sub3A_553 = arith.constant 1.000000e+00 : f32
          %sub3A_554 = vector.broadcast %sub3A_553 : f32 to vector<16xf32>
          %sub3A_555 = arith.subf %sub3A_554, %select_n3A_453 : vector<16xf32>
          %mul3A_556 = arith.mulf %sub3A_555, %gather3A_259 : vector<16xf32>
          %mul3A_557 = arith.mulf %mul3A_556, %gather3A_259 : vector<16xf32>
          %add3A_558 = arith.addf %add3A_447, %mul3A_557 : vector<16xf32>
          %and3A_559 = arith.andi %gt3A_340, %and3A_337 : vector<16xi1>
          %jit3A_560 = arith.constant 1.000000e+00 : f32
          %jit3A_561 = arith.constant 0.000000e+00 : f32
          %broadcast_in_dim3A_562 = vector.broadcast %jit3A_560 : f32 to vector<16xf32>
          %broadcast_in_dim3A_563 = vector.broadcast %jit3A_561 : f32 to vector<16xf32>
          %select_n3A_564 = arith.select %and3A_559, %broadcast_in_dim3A_562, %broadcast_in_dim3A_563 : vector<16xi1>, vector<16xf32>
          %mul3A_565 = arith.constant 2.800000e+01 : f32
          %mul3A_566 = vector.broadcast %mul3A_565 : f32 to vector<16xf32>
          %mul3A_567 = arith.mulf %gather3A_322, %mul3A_566 : vector<16xf32>
          %sub3A_568 = arith.subf %mul3A_567, %add3A_226 : vector<16xf32>
          %sub3A_569 = arith.subf %gather3A_277, %sub3A_568 : vector<16xf32>
          %mul3A_570 = arith.constant 2.800000e+01 : f32
          %mul3A_571 = vector.broadcast %mul3A_570 : f32 to vector<16xf32>
          %mul3A_572 = arith.mulf %gather3A_325, %mul3A_571 : vector<16xf32>
          %sub3A_573 = arith.subf %mul3A_572, %convert_element_type3A_5 : vector<16xf32>
          %sub3A_574 = arith.subf %gather3A_280, %sub3A_573 : vector<16xf32>
          %sub3A_575 = arith.subf %gather3A_283, %gather3A_328 : vector<16xf32>
          %sub3A_576 = arith.subf %gather3A_286, %gather3A_331 : vector<16xf32>
          %mul3A_577 = arith.mulf %sub3A_569, %sub3A_569 : vector<16xf32>
          %mul3A_578 = arith.mulf %sub3A_574, %sub3A_574 : vector<16xf32>
          %add3A_579 = arith.addf %mul3A_577, %mul3A_578 : vector<16xf32>
          %mul3A_580 = arith.mulf %select_n3A_564, %add3A_579 : vector<16xf32>
          %add3A_581 = arith.addf %add3A_470, %mul3A_580 : vector<16xf32>
          %mul3A_582 = arith.mulf %sub3A_575, %sub3A_575 : vector<16xf32>
          %mul3A_583 = arith.mulf %sub3A_576, %sub3A_576 : vector<16xf32>
          %add3A_584 = arith.addf %mul3A_582, %mul3A_583 : vector<16xf32>
          %mul3A_585 = arith.mulf %select_n3A_564, %add3A_584 : vector<16xf32>
          %add3A_586 = arith.addf %add3A_475, %mul3A_585 : vector<16xf32>
          %add3A_587 = arith.addf %gather3A_277, %add3A_226 : vector<16xf32>
          %div3A_588 = arith.constant 2.800000e+01 : f32
          %div3A_589 = vector.broadcast %div3A_588 : f32 to vector<16xf32>
          %div3A_590 = arith.divf %add3A_587, %div3A_589 : vector<16xf32>
          %add3A_591 = arith.addf %gather3A_280, %convert_element_type3A_5 : vector<16xf32>
          %div3A_592 = arith.constant 2.800000e+01 : f32
          %div3A_593 = vector.broadcast %div3A_592 : f32 to vector<16xf32>
          %div3A_594 = arith.divf %add3A_591, %div3A_593 : vector<16xf32>
          %mul3A_595 = arith.constant 5.000000e-01 : f32
          %mul3A_596 = vector.broadcast %mul3A_595 : f32 to vector<16xf32>
          %mul3A_597 = arith.mulf %gather3A_283, %mul3A_596 : vector<16xf32>
          %sub3A_598 = arith.subf %div3A_590, %mul3A_597 : vector<16xf32>
          %mul3A_599 = arith.constant 5.000000e-01 : f32
          %mul3A_600 = vector.broadcast %mul3A_599 : f32 to vector<16xf32>
          %mul3A_601 = arith.mulf %gather3A_283, %mul3A_600 : vector<16xf32>
          %add3A_602 = arith.addf %div3A_590, %mul3A_601 : vector<16xf32>
          %mul3A_603 = arith.constant 5.000000e-01 : f32
          %mul3A_604 = vector.broadcast %mul3A_603 : f32 to vector<16xf32>
          %mul3A_605 = arith.mulf %gather3A_286, %mul3A_604 : vector<16xf32>
          %sub3A_606 = arith.subf %div3A_594, %mul3A_605 : vector<16xf32>
          %mul3A_607 = arith.constant 5.000000e-01 : f32
          %mul3A_608 = vector.broadcast %mul3A_607 : f32 to vector<16xf32>
          %mul3A_609 = arith.mulf %gather3A_286, %mul3A_608 : vector<16xf32>
          %add3A_610 = arith.addf %div3A_594, %mul3A_609 : vector<16xf32>
          %mul3A_611 = arith.constant 5.000000e-01 : f32
          %mul3A_612 = vector.broadcast %mul3A_611 : f32 to vector<16xf32>
          %mul3A_613 = arith.mulf %gather3A_328, %mul3A_612 : vector<16xf32>
          %sub3A_614 = arith.subf %gather3A_322, %mul3A_613 : vector<16xf32>
          %mul3A_615 = arith.constant 5.000000e-01 : f32
          %mul3A_616 = vector.broadcast %mul3A_615 : f32 to vector<16xf32>
          %mul3A_617 = arith.mulf %gather3A_328, %mul3A_616 : vector<16xf32>
          %add3A_618 = arith.addf %gather3A_322, %mul3A_617 : vector<16xf32>
          %mul3A_619 = arith.constant 5.000000e-01 : f32
          %mul3A_620 = vector.broadcast %mul3A_619 : f32 to vector<16xf32>
          %mul3A_621 = arith.mulf %gather3A_331, %mul3A_620 : vector<16xf32>
          %sub3A_622 = arith.subf %gather3A_325, %mul3A_621 : vector<16xf32>
          %mul3A_623 = arith.constant 5.000000e-01 : f32
          %mul3A_624 = vector.broadcast %mul3A_623 : f32 to vector<16xf32>
          %mul3A_625 = arith.mulf %gather3A_331, %mul3A_624 : vector<16xf32>
          %add3A_626 = arith.addf %gather3A_325, %mul3A_625 : vector<16xf32>
          %min3A_627 = arith.minimumf %add3A_602, %add3A_618 : vector<16xf32>
          %max3A_628 = arith.maximumf %sub3A_598, %sub3A_614 : vector<16xf32>
          %sub3A_629 = arith.subf %min3A_627, %max3A_628 : vector<16xf32>
          %max3A_630 = arith.constant 0.000000e+00 : f32
          %max3A_631 = vector.broadcast %max3A_630 : f32 to vector<16xf32>
          %max3A_632 = arith.maximumf %sub3A_629, %max3A_631 : vector<16xf32>
          %min3A_633 = arith.minimumf %add3A_610, %add3A_626 : vector<16xf32>
          %max3A_634 = arith.maximumf %sub3A_606, %sub3A_622 : vector<16xf32>
          %sub3A_635 = arith.subf %min3A_633, %max3A_634 : vector<16xf32>
          %max3A_636 = arith.constant 0.000000e+00 : f32
          %max3A_637 = vector.broadcast %max3A_636 : f32 to vector<16xf32>
          %max3A_638 = arith.maximumf %sub3A_635, %max3A_637 : vector<16xf32>
          %mul3A_639 = arith.mulf %max3A_632, %max3A_638 : vector<16xf32>
          %max3A_640 = arith.constant 0.000000e+00 : f32
          %max3A_641 = vector.broadcast %max3A_640 : f32 to vector<16xf32>
          %max3A_642 = arith.maximumf %gather3A_283, %max3A_641 : vector<16xf32>
          %max3A_643 = arith.constant 0.000000e+00 : f32
          %max3A_644 = vector.broadcast %max3A_643 : f32 to vector<16xf32>
          %max3A_645 = arith.maximumf %gather3A_286, %max3A_644 : vector<16xf32>
          %mul3A_646 = arith.mulf %max3A_642, %max3A_645 : vector<16xf32>
          %max3A_647 = arith.constant 0.000000e+00 : f32
          %max3A_648 = vector.broadcast %max3A_647 : f32 to vector<16xf32>
          %max3A_649 = arith.maximumf %gather3A_328, %max3A_648 : vector<16xf32>
          %max3A_650 = arith.constant 0.000000e+00 : f32
          %max3A_651 = vector.broadcast %max3A_650 : f32 to vector<16xf32>
          %max3A_652 = arith.maximumf %gather3A_331, %max3A_651 : vector<16xf32>
          %mul3A_653 = arith.mulf %max3A_649, %max3A_652 : vector<16xf32>
          %add3A_654 = arith.addf %mul3A_646, %mul3A_653 : vector<16xf32>
          %sub3A_655 = arith.subf %add3A_654, %mul3A_639 : vector<16xf32>
          %add3A_656 = arith.constant 1.000000e-10 : f32
          %add3A_657 = vector.broadcast %add3A_656 : f32 to vector<16xf32>
          %add3A_658 = arith.addf %sub3A_655, %add3A_657 : vector<16xf32>
          %div3A_659 = arith.divf %mul3A_639, %add3A_658 : vector<16xf32>
          %sub3A_660 = arith.subf %gather3A_274, %div3A_659 : vector<16xf32>
          %mul3A_661 = arith.mulf %select_n3A_564, %sub3A_660 : vector<16xf32>
          %mul3A_662 = arith.mulf %mul3A_661, %sub3A_660 : vector<16xf32>
          %add3A_663 = arith.addf %add3A_552, %mul3A_662 : vector<16xf32>
          %sub3A_664 = arith.constant 1.000000e+00 : f32
          %sub3A_665 = vector.broadcast %sub3A_664 : f32 to vector<16xf32>
          %sub3A_666 = arith.subf %sub3A_665, %select_n3A_564 : vector<16xf32>
          %mul3A_667 = arith.mulf %sub3A_666, %gather3A_274 : vector<16xf32>
          %mul3A_668 = arith.mulf %mul3A_667, %gather3A_274 : vector<16xf32>
          %add3A_669 = arith.addf %add3A_558, %mul3A_668 : vector<16xf32>
          %add3A_670 = arith.addf %scan3A_235, %add3A_581 : vector<16xf32>
          %add3A_671 = arith.addf %scan3A_236, %add3A_586 : vector<16xf32>
          %add3A_672 = arith.addf %scan3A_237, %add3A_663 : vector<16xf32>
          %add3A_673 = arith.addf %scan3A_238, %add3A_669 : vector<16xf32>
          scf.yield %add3A_670, %add3A_671, %add3A_672, %add3A_673 : vector<16xf32>, vector<16xf32>, vector<16xf32>, vector<16xf32>
        }
        %scan3A_233 = arith.constant 4 : i32
        scf.yield %scan3A_232#0, %scan3A_232#1, %scan3A_232#2, %scan3A_232#3 : vector<16xf32>, vector<16xf32>, vector<16xf32>, vector<16xf32>
      }
      %scan3A_64 = arith.constant 4 : i32
      %dma_start3A_65 = arith.constant 12 : i32
      %dma_start3A_66 = arith.constant 0 : i32
      %dma_start3A_67 = arith.constant 0 : i32
      %dma_start3A_68 = tpu.memref_slice %arg2[%add3A, %dma_start3A_65, %dma_start3A_66, %dma_start3A_67] : memref<28x28x64x128xf32, #tpu.memory_space<hbm>> -> memref<1x4x64x128xf32, #tpu.memory_space<hbm>>
      %dma_start3A_69 = tpu.memref_squeeze %dma_start3A_68 : memref<1x4x64x128xf32, #tpu.memory_space<hbm>> -> memref<4x64x128xf32, #tpu.memory_space<hbm>>
      %dma_start3A_70 = arith.constant 12 : i32
      %dma_start3A_71 = arith.constant 0 : i32
      %dma_start3A_72 = arith.constant 0 : i32
      %dma_start3A_73 = tpu.memref_slice %arg2[%add3A, %dma_start3A_70, %dma_start3A_71, %dma_start3A_72] : memref<28x28x64x128xf32, #tpu.memory_space<hbm>> -> memref<1x4x64x128xf32, #tpu.memory_space<hbm>>
      %dma_start3A_74 = tpu.memref_squeeze %dma_start3A_73 : memref<1x4x64x128xf32, #tpu.memory_space<hbm>> -> memref<4x64x128xf32, #tpu.memory_space<hbm>>
      tpu.enqueue_dma source(%dma_start3A_74 : memref<4x64x128xf32, #tpu.memory_space<hbm>>) target(%arg5 : memref<4x64x128xf32, #tpu.memory_space<vmem>>) target_semaphore(%arg8 : memref<!tpu.dma_semaphore, #tpu.memory_space<semaphore_mem>>)
      %dma_wait3A_75 = arith.constant 8 : i32
      %dma_wait3A_76 = arith.constant 0 : i32
      %dma_wait3A_77 = arith.constant 0 : i32
      %dma_wait3A_78 = tpu.memref_slice %arg2[%add3A, %dma_wait3A_75, %dma_wait3A_76, %dma_wait3A_77] : memref<28x28x64x128xf32, #tpu.memory_space<hbm>> -> memref<1x4x64x128xf32, #tpu.memory_space<hbm>>
      %dma_wait3A_79 = tpu.memref_squeeze %dma_wait3A_78 : memref<1x4x64x128xf32, #tpu.memory_space<hbm>> -> memref<4x64x128xf32, #tpu.memory_space<hbm>>
      %dma_wait3A_80 = arith.constant 8 : i32
      %dma_wait3A_81 = arith.constant 0 : i32
      %dma_wait3A_82 = arith.constant 0 : i32
      %dma_wait3A_83 = tpu.memref_slice %arg2[%add3A, %dma_wait3A_80, %dma_wait3A_81, %dma_wait3A_82] : memref<28x28x64x128xf32, #tpu.memory_space<hbm>> -> memref<1x4x64x128xf32, #tpu.memory_space<hbm>>
      %dma_wait3A_84 = tpu.memref_squeeze %dma_wait3A_83 : memref<1x4x64x128xf32, #tpu.memory_space<hbm>> -> memref<4x64x128xf32, #tpu.memory_space<hbm>>
      tpu.wait_dma2 semaphore(%arg7 : memref<!tpu.dma_semaphore, #tpu.memory_space<semaphore_mem>>) src(%dma_wait3A_84 : memref<4x64x128xf32, #tpu.memory_space<hbm>>) dst(%arg4 : memref<4x64x128xf32, #tpu.memory_space<vmem>>)
      %scan3A_85 = arith.constant 0 : i32
      %scan3A_86 = arith.constant 4 : i32
      %scan3A_87 = arith.addi %scan3A_85, %scan3A_86 : i32
      %scan3A_88 = arith.constant 1 : i32
      %scan3A_89:4 = scf.for %scan3A_216 = %scan3A_85 to %scan3A_87 step %scan3A_88 iter_args(%scan3A_217 = %scan3A_63#0, %scan3A_218 = %scan3A_63#1, %scan3A_219 = %scan3A_63#2, %scan3A_220 = %scan3A_63#3) -> (vector<16xf32>, vector<16xf32>, vector<16xf32>, vector<16xf32>)  : i32 {
        %broadcast_in_dim3A_221 = arith.constant 8 : i32
        %broadcast_in_dim3A_222 = vector.broadcast %broadcast_in_dim3A_221 : i32 to vector<16xi32>
        %convert_element_type3A_223 = arith.sitofp %broadcast_in_dim3A_222 : vector<16xi32> to vector<16xf32>
        %convert_element_type3A_224 = arith.sitofp %scan3A_216 : i32 to f32
        %add3A_225 = vector.broadcast %convert_element_type3A_224 : f32 to vector<16xf32>
        %add3A_226 = arith.addf %convert_element_type3A_223, %add3A_225 : vector<16xf32>
        %broadcast_in_dim3A_227 = vector.broadcast %scan3A_216 : i32 to vector<16xi32>
        %scan3A_228 = arith.constant 0 : i32
        %scan3A_229 = arith.constant 4 : i32
        %scan3A_230 = arith.addi %scan3A_228, %scan3A_229 : i32
        %scan3A_231 = arith.constant 1 : i32
        %scan3A_232:4 = scf.for %scan3A_234 = %scan3A_228 to %scan3A_230 step %scan3A_231 iter_args(%scan3A_235 = %scan3A_217, %scan3A_236 = %scan3A_218, %scan3A_237 = %scan3A_219, %scan3A_238 = %scan3A_220) -> (vector<16xf32>, vector<16xf32>, vector<16xf32>, vector<16xf32>)  : i32 {
          %mul3A_239 = arith.constant 16 : i32
          %mul3A_240 = arith.muli %scan3A_234, %mul3A_239 : i32
          %add3A_241 = vector.broadcast %mul3A_240 : i32 to vector<16xi32>
          %add3A_242 = arith.addi %add3A_241, %iota3A : vector<16xi32>
          %broadcast_in_dim3A_243 = arith.constant 0 : i32
          %broadcast_in_dim3A_244 = vector.broadcast %broadcast_in_dim3A_243 : i32 to vector<16xi32>
          %gather3A = tpu.vector_load_idx %arg4[%broadcast_in_dim3A_227, %add3A_242, %broadcast_in_dim3A_244] : memref<4x64x128xf32, #tpu.memory_space<vmem>>[vector<16xi32>, vector<16xi32>, vector<16xi32>], vector<16xf32>,
          %broadcast_in_dim3A_245 = arith.constant 1 : i32
          %broadcast_in_dim3A_246 = vector.broadcast %broadcast_in_dim3A_245 : i32 to vector<16xi32>
          %gather3A_247 = tpu.vector_load_idx %arg4[%broadcast_in_dim3A_227, %add3A_242, %broadcast_in_dim3A_246] : memref<4x64x128xf32, #tpu.memory_space<vmem>>[vector<16xi32>, vector<16xi32>, vector<16xi32>], vector<16xf32>,
          %broadcast_in_dim3A_248 = arith.constant 2 : i32
          %broadcast_in_dim3A_249 = vector.broadcast %broadcast_in_dim3A_248 : i32 to vector<16xi32>
          %gather3A_250 = tpu.vector_load_idx %arg4[%broadcast_in_dim3A_227, %add3A_242, %broadcast_in_dim3A_249] : memref<4x64x128xf32, #tpu.memory_space<vmem>>[vector<16xi32>, vector<16xi32>, vector<16xi32>], vector<16xf32>,
          %broadcast_in_dim3A_251 = arith.constant 3 : i32
          %broadcast_in_dim3A_252 = vector.broadcast %broadcast_in_dim3A_251 : i32 to vector<16xi32>
          %gather3A_253 = tpu.vector_load_idx %arg4[%broadcast_in_dim3A_227, %add3A_242, %broadcast_in_dim3A_252] : memref<4x64x128xf32, #tpu.memory_space<vmem>>[vector<16xi32>, vector<16xi32>, vector<16xi32>], vector<16xf32>,
          %broadcast_in_dim3A_254 = arith.constant 4 : i32
          %broadcast_in_dim3A_255 = vector.broadcast %broadcast_in_dim3A_254 : i32 to vector<16xi32>
          %gather3A_256 = tpu.vector_load_idx %arg4[%broadcast_in_dim3A_227, %add3A_242, %broadcast_in_dim3A_255] : memref<4x64x128xf32, #tpu.memory_space<vmem>>[vector<16xi32>, vector<16xi32>, vector<16xi32>], vector<16xf32>,
          %broadcast_in_dim3A_257 = arith.constant 5 : i32
          %broadcast_in_dim3A_258 = vector.broadcast %broadcast_in_dim3A_257 : i32 to vector<16xi32>
          %gather3A_259 = tpu.vector_load_idx %arg4[%broadcast_in_dim3A_227, %add3A_242, %broadcast_in_dim3A_258] : memref<4x64x128xf32, #tpu.memory_space<vmem>>[vector<16xi32>, vector<16xi32>, vector<16xi32>], vector<16xf32>,
          %broadcast_in_dim3A_260 = arith.constant 6 : i32
          %broadcast_in_dim3A_261 = vector.broadcast %broadcast_in_dim3A_260 : i32 to vector<16xi32>
          %gather3A_262 = tpu.vector_load_idx %arg4[%broadcast_in_dim3A_227, %add3A_242, %broadcast_in_dim3A_261] : memref<4x64x128xf32, #tpu.memory_space<vmem>>[vector<16xi32>, vector<16xi32>, vector<16xi32>], vector<16xf32>,
          %broadcast_in_dim3A_263 = arith.constant 7 : i32
          %broadcast_in_dim3A_264 = vector.broadcast %broadcast_in_dim3A_263 : i32 to vector<16xi32>
          %gather3A_265 = tpu.vector_load_idx %arg4[%broadcast_in_dim3A_227, %add3A_242, %broadcast_in_dim3A_264] : memref<4x64x128xf32, #tpu.memory_space<vmem>>[vector<16xi32>, vector<16xi32>, vector<16xi32>], vector<16xf32>,
          %broadcast_in_dim3A_266 = arith.constant 8 : i32
          %broadcast_in_dim3A_267 = vector.broadcast %broadcast_in_dim3A_266 : i32 to vector<16xi32>
          %gather3A_268 = tpu.vector_load_idx %arg4[%broadcast_in_dim3A_227, %add3A_242, %broadcast_in_dim3A_267] : memref<4x64x128xf32, #tpu.memory_space<vmem>>[vector<16xi32>, vector<16xi32>, vector<16xi32>], vector<16xf32>,
          %broadcast_in_dim3A_269 = arith.constant 9 : i32
          %broadcast_in_dim3A_270 = vector.broadcast %broadcast_in_dim3A_269 : i32 to vector<16xi32>
          %gather3A_271 = tpu.vector_load_idx %arg4[%broadcast_in_dim3A_227, %add3A_242, %broadcast_in_dim3A_270] : memref<4x64x128xf32, #tpu.memory_space<vmem>>[vector<16xi32>, vector<16xi32>, vector<16xi32>], vector<16xf32>,
          %broadcast_in_dim3A_272 = arith.constant 10 : i32
          %broadcast_in_dim3A_273 = vector.broadcast %broadcast_in_dim3A_272 : i32 to vector<16xi32>
          %gather3A_274 = tpu.vector_load_idx %arg4[%broadcast_in_dim3A_227, %add3A_242, %broadcast_in_dim3A_273] : memref<4x64x128xf32, #tpu.memory_space<vmem>>[vector<16xi32>, vector<16xi32>, vector<16xi32>], vector<16xf32>,
          %broadcast_in_dim3A_275 = arith.constant 11 : i32
          %broadcast_in_dim3A_276 = vector.broadcast %broadcast_in_dim3A_275 : i32 to vector<16xi32>
          %gather3A_277 = tpu.vector_load_idx %arg4[%broadcast_in_dim3A_227, %add3A_242, %broadcast_in_dim3A_276] : memref<4x64x128xf32, #tpu.memory_space<vmem>>[vector<16xi32>, vector<16xi32>, vector<16xi32>], vector<16xf32>,
          %broadcast_in_dim3A_278 = arith.constant 12 : i32
          %broadcast_in_dim3A_279 = vector.broadcast %broadcast_in_dim3A_278 : i32 to vector<16xi32>
          %gather3A_280 = tpu.vector_load_idx %arg4[%broadcast_in_dim3A_227, %add3A_242, %broadcast_in_dim3A_279] : memref<4x64x128xf32, #tpu.memory_space<vmem>>[vector<16xi32>, vector<16xi32>, vector<16xi32>], vector<16xf32>,
          %broadcast_in_dim3A_281 = arith.constant 13 : i32
          %broadcast_in_dim3A_282 = vector.broadcast %broadcast_in_dim3A_281 : i32 to vector<16xi32>
          %gather3A_283 = tpu.vector_load_idx %arg4[%broadcast_in_dim3A_227, %add3A_242, %broadcast_in_dim3A_282] : memref<4x64x128xf32, #tpu.memory_space<vmem>>[vector<16xi32>, vector<16xi32>, vector<16xi32>], vector<16xf32>,
          %broadcast_in_dim3A_284 = arith.constant 14 : i32
          %broadcast_in_dim3A_285 = vector.broadcast %broadcast_in_dim3A_284 : i32 to vector<16xi32>
          %gather3A_286 = tpu.vector_load_idx %arg4[%broadcast_in_dim3A_227, %add3A_242, %broadcast_in_dim3A_285] : memref<4x64x128xf32, #tpu.memory_space<vmem>>[vector<16xi32>, vector<16xi32>, vector<16xi32>], vector<16xf32>,
          %broadcast_in_dim3A_287 = arith.constant 16 : i32
          %broadcast_in_dim3A_288 = vector.broadcast %broadcast_in_dim3A_287 : i32 to vector<16xi32>
          %gather3A_289 = tpu.vector_load_idx %arg4[%broadcast_in_dim3A_227, %add3A_242, %broadcast_in_dim3A_288] : memref<4x64x128xf32, #tpu.memory_space<vmem>>[vector<16xi32>, vector<16xi32>, vector<16xi32>], vector<16xf32>,
          %broadcast_in_dim3A_290 = arith.constant 17 : i32
          %broadcast_in_dim3A_291 = vector.broadcast %broadcast_in_dim3A_290 : i32 to vector<16xi32>
          %gather3A_292 = tpu.vector_load_idx %arg4[%broadcast_in_dim3A_227, %add3A_242, %broadcast_in_dim3A_291] : memref<4x64x128xf32, #tpu.memory_space<vmem>>[vector<16xi32>, vector<16xi32>, vector<16xi32>], vector<16xf32>,
          %broadcast_in_dim3A_293 = arith.constant 18 : i32
          %broadcast_in_dim3A_294 = vector.broadcast %broadcast_in_dim3A_293 : i32 to vector<16xi32>
          %gather3A_295 = tpu.vector_load_idx %arg4[%broadcast_in_dim3A_227, %add3A_242, %broadcast_in_dim3A_294] : memref<4x64x128xf32, #tpu.memory_space<vmem>>[vector<16xi32>, vector<16xi32>, vector<16xi32>], vector<16xf32>,
          %broadcast_in_dim3A_296 = arith.constant 19 : i32
          %broadcast_in_dim3A_297 = vector.broadcast %broadcast_in_dim3A_296 : i32 to vector<16xi32>
          %gather3A_298 = tpu.vector_load_idx %arg4[%broadcast_in_dim3A_227, %add3A_242, %broadcast_in_dim3A_297] : memref<4x64x128xf32, #tpu.memory_space<vmem>>[vector<16xi32>, vector<16xi32>, vector<16xi32>], vector<16xf32>,
          %broadcast_in_dim3A_299 = arith.constant 20 : i32
          %broadcast_in_dim3A_300 = vector.broadcast %broadcast_in_dim3A_299 : i32 to vector<16xi32>
          %gather3A_301 = tpu.vector_load_idx %arg4[%broadcast_in_dim3A_227, %add3A_242, %broadcast_in_dim3A_300] : memref<4x64x128xf32, #tpu.memory_space<vmem>>[vector<16xi32>, vector<16xi32>, vector<16xi32>], vector<16xf32>,
          %broadcast_in_dim3A_302 = arith.constant 21 : i32
          %broadcast_in_dim3A_303 = vector.broadcast %broadcast_in_dim3A_302 : i32 to vector<16xi32>
          %gather3A_304 = tpu.vector_load_idx %arg4[%broadcast_in_dim3A_227, %add3A_242, %broadcast_in_dim3A_303] : memref<4x64x128xf32, #tpu.memory_space<vmem>>[vector<16xi32>, vector<16xi32>, vector<16xi32>], vector<16xf32>,
          %broadcast_in_dim3A_305 = arith.constant 22 : i32
          %broadcast_in_dim3A_306 = vector.broadcast %broadcast_in_dim3A_305 : i32 to vector<16xi32>
          %gather3A_307 = tpu.vector_load_idx %arg4[%broadcast_in_dim3A_227, %add3A_242, %broadcast_in_dim3A_306] : memref<4x64x128xf32, #tpu.memory_space<vmem>>[vector<16xi32>, vector<16xi32>, vector<16xi32>], vector<16xf32>,
          %broadcast_in_dim3A_308 = arith.constant 23 : i32
          %broadcast_in_dim3A_309 = vector.broadcast %broadcast_in_dim3A_308 : i32 to vector<16xi32>
          %gather3A_310 = tpu.vector_load_idx %arg4[%broadcast_in_dim3A_227, %add3A_242, %broadcast_in_dim3A_309] : memref<4x64x128xf32, #tpu.memory_space<vmem>>[vector<16xi32>, vector<16xi32>, vector<16xi32>], vector<16xf32>,
          %broadcast_in_dim3A_311 = arith.constant 24 : i32
          %broadcast_in_dim3A_312 = vector.broadcast %broadcast_in_dim3A_311 : i32 to vector<16xi32>
          %gather3A_313 = tpu.vector_load_idx %arg4[%broadcast_in_dim3A_227, %add3A_242, %broadcast_in_dim3A_312] : memref<4x64x128xf32, #tpu.memory_space<vmem>>[vector<16xi32>, vector<16xi32>, vector<16xi32>], vector<16xf32>,
          %broadcast_in_dim3A_314 = arith.constant 25 : i32
          %broadcast_in_dim3A_315 = vector.broadcast %broadcast_in_dim3A_314 : i32 to vector<16xi32>
          %gather3A_316 = tpu.vector_load_idx %arg4[%broadcast_in_dim3A_227, %add3A_242, %broadcast_in_dim3A_315] : memref<4x64x128xf32, #tpu.memory_space<vmem>>[vector<16xi32>, vector<16xi32>, vector<16xi32>], vector<16xf32>,
          %broadcast_in_dim3A_317 = arith.constant 26 : i32
          %broadcast_in_dim3A_318 = vector.broadcast %broadcast_in_dim3A_317 : i32 to vector<16xi32>
          %gather3A_319 = tpu.vector_load_idx %arg4[%broadcast_in_dim3A_227, %add3A_242, %broadcast_in_dim3A_318] : memref<4x64x128xf32, #tpu.memory_space<vmem>>[vector<16xi32>, vector<16xi32>, vector<16xi32>], vector<16xf32>,
          %broadcast_in_dim3A_320 = arith.constant 27 : i32
          %broadcast_in_dim3A_321 = vector.broadcast %broadcast_in_dim3A_320 : i32 to vector<16xi32>
          %gather3A_322 = tpu.vector_load_idx %arg4[%broadcast_in_dim3A_227, %add3A_242, %broadcast_in_dim3A_321] : memref<4x64x128xf32, #tpu.memory_space<vmem>>[vector<16xi32>, vector<16xi32>, vector<16xi32>], vector<16xf32>,
          %broadcast_in_dim3A_323 = arith.constant 28 : i32
          %broadcast_in_dim3A_324 = vector.broadcast %broadcast_in_dim3A_323 : i32 to vector<16xi32>
          %gather3A_325 = tpu.vector_load_idx %arg4[%broadcast_in_dim3A_227, %add3A_242, %broadcast_in_dim3A_324] : memref<4x64x128xf32, #tpu.memory_space<vmem>>[vector<16xi32>, vector<16xi32>, vector<16xi32>], vector<16xf32>,
          %broadcast_in_dim3A_326 = arith.constant 29 : i32
          %broadcast_in_dim3A_327 = vector.broadcast %broadcast_in_dim3A_326 : i32 to vector<16xi32>
          %gather3A_328 = tpu.vector_load_idx %arg4[%broadcast_in_dim3A_227, %add3A_242, %broadcast_in_dim3A_327] : memref<4x64x128xf32, #tpu.memory_space<vmem>>[vector<16xi32>, vector<16xi32>, vector<16xi32>], vector<16xf32>,
          %broadcast_in_dim3A_329 = arith.constant 30 : i32
          %broadcast_in_dim3A_330 = vector.broadcast %broadcast_in_dim3A_329 : i32 to vector<16xi32>
          %gather3A_331 = tpu.vector_load_idx %arg4[%broadcast_in_dim3A_227, %add3A_242, %broadcast_in_dim3A_330] : memref<4x64x128xf32, #tpu.memory_space<vmem>>[vector<16xi32>, vector<16xi32>, vector<16xi32>], vector<16xf32>,
          %ge3A = arith.cmpf oge, %gather3A, %gather3A_259 : vector<16xf32>
          %ge3A_332 = arith.cmpf oge, %gather3A, %gather3A_274 : vector<16xf32>
          %and3A = arith.andi %ge3A, %ge3A_332 : vector<16xi1>
          %gt3A = arith.cmpf ogt, %gather3A_259, %gather3A : vector<16xf32>
          %ge3A_333 = arith.cmpf oge, %gather3A_259, %gather3A_274 : vector<16xf32>
          %and3A_334 = arith.andi %gt3A, %ge3A_333 : vector<16xi1>
          %gt3A_335 = arith.cmpf ogt, %gather3A_274, %gather3A : vector<16xf32>
          %gt3A_336 = arith.cmpf ogt, %gather3A_274, %gather3A_259 : vector<16xf32>
          %and3A_337 = arith.andi %gt3A_335, %gt3A_336 : vector<16xi1>
          %gt3A_338 = arith.constant 0.000000e+00 : f32
          %gt3A_339 = vector.broadcast %gt3A_338 : f32 to vector<16xf32>
          %gt3A_340 = arith.cmpf ogt, %gather3A_289, %gt3A_339 : vector<16xf32>
          %broadcast_in_dim3A_341 = arith.constant 0.000000e+00 : f32
          %broadcast_in_dim3A_342 = vector.broadcast %broadcast_in_dim3A_341 : f32 to vector<16xf32>
          %and3A_343 = arith.andi %gt3A_340, %and3A : vector<16xi1>
          %jit3A = arith.constant 1.000000e+00 : f32
          %jit3A_344 = arith.constant 0.000000e+00 : f32
          %broadcast_in_dim3A_345 = vector.broadcast %jit3A : f32 to vector<16xf32>
          %broadcast_in_dim3A_346 = vector.broadcast %jit3A_344 : f32 to vector<16xf32>
          %select_n3A = arith.select %and3A_343, %broadcast_in_dim3A_345, %broadcast_in_dim3A_346 : vector<16xi1>, vector<16xf32>
          %mul3A_347 = arith.constant 2.800000e+01 : f32
          %mul3A_348 = vector.broadcast %mul3A_347 : f32 to vector<16xf32>
          %mul3A_349 = arith.mulf %gather3A_292, %mul3A_348 : vector<16xf32>
          %sub3A = arith.subf %mul3A_349, %add3A_226 : vector<16xf32>
          %sub3A_350 = arith.subf %gather3A_247, %sub3A : vector<16xf32>
          %mul3A_351 = arith.constant 2.800000e+01 : f32
          %mul3A_352 = vector.broadcast %mul3A_351 : f32 to vector<16xf32>
          %mul3A_353 = arith.mulf %gather3A_295, %mul3A_352 : vector<16xf32>
          %sub3A_354 = arith.subf %mul3A_353, %convert_element_type3A_5 : vector<16xf32>
          %sub3A_355 = arith.subf %gather3A_250, %sub3A_354 : vector<16xf32>
          %sub3A_356 = arith.subf %gather3A_253, %gather3A_298 : vector<16xf32>
          %sub3A_357 = arith.subf %gather3A_256, %gather3A_301 : vector<16xf32>
          %mul3A_358 = arith.mulf %sub3A_350, %sub3A_350 : vector<16xf32>
          %mul3A_359 = arith.mulf %sub3A_355, %sub3A_355 : vector<16xf32>
          %add3A_360 = arith.addf %mul3A_358, %mul3A_359 : vector<16xf32>
          %mul3A_361 = arith.mulf %select_n3A, %add3A_360 : vector<16xf32>
          %add3A_362 = arith.addf %broadcast_in_dim3A_342, %mul3A_361 : vector<16xf32>
          %mul3A_363 = arith.mulf %sub3A_356, %sub3A_356 : vector<16xf32>
          %mul3A_364 = arith.mulf %sub3A_357, %sub3A_357 : vector<16xf32>
          %add3A_365 = arith.addf %mul3A_363, %mul3A_364 : vector<16xf32>
          %mul3A_366 = arith.mulf %select_n3A, %add3A_365 : vector<16xf32>
          %add3A_367 = arith.addf %broadcast_in_dim3A_342, %mul3A_366 : vector<16xf32>
          %add3A_368 = arith.addf %gather3A_247, %add3A_226 : vector<16xf32>
          %div3A = arith.constant 2.800000e+01 : f32
          %div3A_369 = vector.broadcast %div3A : f32 to vector<16xf32>
          %div3A_370 = arith.divf %add3A_368, %div3A_369 : vector<16xf32>
          %add3A_371 = arith.addf %gather3A_250, %convert_element_type3A_5 : vector<16xf32>
          %div3A_372 = arith.constant 2.800000e+01 : f32
          %div3A_373 = vector.broadcast %div3A_372 : f32 to vector<16xf32>
          %div3A_374 = arith.divf %add3A_371, %div3A_373 : vector<16xf32>
          %mul3A_375 = arith.constant 5.000000e-01 : f32
          %mul3A_376 = vector.broadcast %mul3A_375 : f32 to vector<16xf32>
          %mul3A_377 = arith.mulf %gather3A_253, %mul3A_376 : vector<16xf32>
          %sub3A_378 = arith.subf %div3A_370, %mul3A_377 : vector<16xf32>
          %mul3A_379 = arith.constant 5.000000e-01 : f32
          %mul3A_380 = vector.broadcast %mul3A_379 : f32 to vector<16xf32>
          %mul3A_381 = arith.mulf %gather3A_253, %mul3A_380 : vector<16xf32>
          %add3A_382 = arith.addf %div3A_370, %mul3A_381 : vector<16xf32>
          %mul3A_383 = arith.constant 5.000000e-01 : f32
          %mul3A_384 = vector.broadcast %mul3A_383 : f32 to vector<16xf32>
          %mul3A_385 = arith.mulf %gather3A_256, %mul3A_384 : vector<16xf32>
          %sub3A_386 = arith.subf %div3A_374, %mul3A_385 : vector<16xf32>
          %mul3A_387 = arith.constant 5.000000e-01 : f32
          %mul3A_388 = vector.broadcast %mul3A_387 : f32 to vector<16xf32>
          %mul3A_389 = arith.mulf %gather3A_256, %mul3A_388 : vector<16xf32>
          %add3A_390 = arith.addf %div3A_374, %mul3A_389 : vector<16xf32>
          %mul3A_391 = arith.constant 5.000000e-01 : f32
          %mul3A_392 = vector.broadcast %mul3A_391 : f32 to vector<16xf32>
          %mul3A_393 = arith.mulf %gather3A_298, %mul3A_392 : vector<16xf32>
          %sub3A_394 = arith.subf %gather3A_292, %mul3A_393 : vector<16xf32>
          %mul3A_395 = arith.constant 5.000000e-01 : f32
          %mul3A_396 = vector.broadcast %mul3A_395 : f32 to vector<16xf32>
          %mul3A_397 = arith.mulf %gather3A_298, %mul3A_396 : vector<16xf32>
          %add3A_398 = arith.addf %gather3A_292, %mul3A_397 : vector<16xf32>
          %mul3A_399 = arith.constant 5.000000e-01 : f32
          %mul3A_400 = vector.broadcast %mul3A_399 : f32 to vector<16xf32>
          %mul3A_401 = arith.mulf %gather3A_301, %mul3A_400 : vector<16xf32>
          %sub3A_402 = arith.subf %gather3A_295, %mul3A_401 : vector<16xf32>
          %mul3A_403 = arith.constant 5.000000e-01 : f32
          %mul3A_404 = vector.broadcast %mul3A_403 : f32 to vector<16xf32>
          %mul3A_405 = arith.mulf %gather3A_301, %mul3A_404 : vector<16xf32>
          %add3A_406 = arith.addf %gather3A_295, %mul3A_405 : vector<16xf32>
          %min3A = arith.minimumf %add3A_382, %add3A_398 : vector<16xf32>
          %max3A = arith.maximumf %sub3A_378, %sub3A_394 : vector<16xf32>
          %sub3A_407 = arith.subf %min3A, %max3A : vector<16xf32>
          %max3A_408 = arith.constant 0.000000e+00 : f32
          %max3A_409 = vector.broadcast %max3A_408 : f32 to vector<16xf32>
          %max3A_410 = arith.maximumf %sub3A_407, %max3A_409 : vector<16xf32>
          %min3A_411 = arith.minimumf %add3A_390, %add3A_406 : vector<16xf32>
          %max3A_412 = arith.maximumf %sub3A_386, %sub3A_402 : vector<16xf32>
          %sub3A_413 = arith.subf %min3A_411, %max3A_412 : vector<16xf32>
          %max3A_414 = arith.constant 0.000000e+00 : f32
          %max3A_415 = vector.broadcast %max3A_414 : f32 to vector<16xf32>
          %max3A_416 = arith.maximumf %sub3A_413, %max3A_415 : vector<16xf32>
          %mul3A_417 = arith.mulf %max3A_410, %max3A_416 : vector<16xf32>
          %max3A_418 = arith.constant 0.000000e+00 : f32
          %max3A_419 = vector.broadcast %max3A_418 : f32 to vector<16xf32>
          %max3A_420 = arith.maximumf %gather3A_253, %max3A_419 : vector<16xf32>
          %max3A_421 = arith.constant 0.000000e+00 : f32
          %max3A_422 = vector.broadcast %max3A_421 : f32 to vector<16xf32>
          %max3A_423 = arith.maximumf %gather3A_256, %max3A_422 : vector<16xf32>
          %mul3A_424 = arith.mulf %max3A_420, %max3A_423 : vector<16xf32>
          %max3A_425 = arith.constant 0.000000e+00 : f32
          %max3A_426 = vector.broadcast %max3A_425 : f32 to vector<16xf32>
          %max3A_427 = arith.maximumf %gather3A_298, %max3A_426 : vector<16xf32>
          %max3A_428 = arith.constant 0.000000e+00 : f32
          %max3A_429 = vector.broadcast %max3A_428 : f32 to vector<16xf32>
          %max3A_430 = arith.maximumf %gather3A_301, %max3A_429 : vector<16xf32>
          %mul3A_431 = arith.mulf %max3A_427, %max3A_430 : vector<16xf32>
          %add3A_432 = arith.addf %mul3A_424, %mul3A_431 : vector<16xf32>
          %sub3A_433 = arith.subf %add3A_432, %mul3A_417 : vector<16xf32>
          %add3A_434 = arith.constant 1.000000e-10 : f32
          %add3A_435 = vector.broadcast %add3A_434 : f32 to vector<16xf32>
          %add3A_436 = arith.addf %sub3A_433, %add3A_435 : vector<16xf32>
          %div3A_437 = arith.divf %mul3A_417, %add3A_436 : vector<16xf32>
          %sub3A_438 = arith.subf %gather3A, %div3A_437 : vector<16xf32>
          %mul3A_439 = arith.mulf %select_n3A, %sub3A_438 : vector<16xf32>
          %mul3A_440 = arith.mulf %mul3A_439, %sub3A_438 : vector<16xf32>
          %add3A_441 = arith.addf %broadcast_in_dim3A_342, %mul3A_440 : vector<16xf32>
          %sub3A_442 = arith.constant 1.000000e+00 : f32
          %sub3A_443 = vector.broadcast %sub3A_442 : f32 to vector<16xf32>
          %sub3A_444 = arith.subf %sub3A_443, %select_n3A : vector<16xf32>
          %mul3A_445 = arith.mulf %sub3A_444, %gather3A : vector<16xf32>
          %mul3A_446 = arith.mulf %mul3A_445, %gather3A : vector<16xf32>
          %add3A_447 = arith.addf %broadcast_in_dim3A_342, %mul3A_446 : vector<16xf32>
          %and3A_448 = arith.andi %gt3A_340, %and3A_334 : vector<16xi1>
          %jit3A_449 = arith.constant 1.000000e+00 : f32
          %jit3A_450 = arith.constant 0.000000e+00 : f32
          %broadcast_in_dim3A_451 = vector.broadcast %jit3A_449 : f32 to vector<16xf32>
          %broadcast_in_dim3A_452 = vector.broadcast %jit3A_450 : f32 to vector<16xf32>
          %select_n3A_453 = arith.select %and3A_448, %broadcast_in_dim3A_451, %broadcast_in_dim3A_452 : vector<16xi1>, vector<16xf32>
          %mul3A_454 = arith.constant 2.800000e+01 : f32
          %mul3A_455 = vector.broadcast %mul3A_454 : f32 to vector<16xf32>
          %mul3A_456 = arith.mulf %gather3A_307, %mul3A_455 : vector<16xf32>
          %sub3A_457 = arith.subf %mul3A_456, %add3A_226 : vector<16xf32>
          %sub3A_458 = arith.subf %gather3A_262, %sub3A_457 : vector<16xf32>
          %mul3A_459 = arith.constant 2.800000e+01 : f32
          %mul3A_460 = vector.broadcast %mul3A_459 : f32 to vector<16xf32>
          %mul3A_461 = arith.mulf %gather3A_310, %mul3A_460 : vector<16xf32>
          %sub3A_462 = arith.subf %mul3A_461, %convert_element_type3A_5 : vector<16xf32>
          %sub3A_463 = arith.subf %gather3A_265, %sub3A_462 : vector<16xf32>
          %sub3A_464 = arith.subf %gather3A_268, %gather3A_313 : vector<16xf32>
          %sub3A_465 = arith.subf %gather3A_271, %gather3A_316 : vector<16xf32>
          %mul3A_466 = arith.mulf %sub3A_458, %sub3A_458 : vector<16xf32>
          %mul3A_467 = arith.mulf %sub3A_463, %sub3A_463 : vector<16xf32>
          %add3A_468 = arith.addf %mul3A_466, %mul3A_467 : vector<16xf32>
          %mul3A_469 = arith.mulf %select_n3A_453, %add3A_468 : vector<16xf32>
          %add3A_470 = arith.addf %add3A_362, %mul3A_469 : vector<16xf32>
          %mul3A_471 = arith.mulf %sub3A_464, %sub3A_464 : vector<16xf32>
          %mul3A_472 = arith.mulf %sub3A_465, %sub3A_465 : vector<16xf32>
          %add3A_473 = arith.addf %mul3A_471, %mul3A_472 : vector<16xf32>
          %mul3A_474 = arith.mulf %select_n3A_453, %add3A_473 : vector<16xf32>
          %add3A_475 = arith.addf %add3A_367, %mul3A_474 : vector<16xf32>
          %add3A_476 = arith.addf %gather3A_262, %add3A_226 : vector<16xf32>
          %div3A_477 = arith.constant 2.800000e+01 : f32
          %div3A_478 = vector.broadcast %div3A_477 : f32 to vector<16xf32>
          %div3A_479 = arith.divf %add3A_476, %div3A_478 : vector<16xf32>
          %add3A_480 = arith.addf %gather3A_265, %convert_element_type3A_5 : vector<16xf32>
          %div3A_481 = arith.constant 2.800000e+01 : f32
          %div3A_482 = vector.broadcast %div3A_481 : f32 to vector<16xf32>
          %div3A_483 = arith.divf %add3A_480, %div3A_482 : vector<16xf32>
          %mul3A_484 = arith.constant 5.000000e-01 : f32
          %mul3A_485 = vector.broadcast %mul3A_484 : f32 to vector<16xf32>
          %mul3A_486 = arith.mulf %gather3A_268, %mul3A_485 : vector<16xf32>
          %sub3A_487 = arith.subf %div3A_479, %mul3A_486 : vector<16xf32>
          %mul3A_488 = arith.constant 5.000000e-01 : f32
          %mul3A_489 = vector.broadcast %mul3A_488 : f32 to vector<16xf32>
          %mul3A_490 = arith.mulf %gather3A_268, %mul3A_489 : vector<16xf32>
          %add3A_491 = arith.addf %div3A_479, %mul3A_490 : vector<16xf32>
          %mul3A_492 = arith.constant 5.000000e-01 : f32
          %mul3A_493 = vector.broadcast %mul3A_492 : f32 to vector<16xf32>
          %mul3A_494 = arith.mulf %gather3A_271, %mul3A_493 : vector<16xf32>
          %sub3A_495 = arith.subf %div3A_483, %mul3A_494 : vector<16xf32>
          %mul3A_496 = arith.constant 5.000000e-01 : f32
          %mul3A_497 = vector.broadcast %mul3A_496 : f32 to vector<16xf32>
          %mul3A_498 = arith.mulf %gather3A_271, %mul3A_497 : vector<16xf32>
          %add3A_499 = arith.addf %div3A_483, %mul3A_498 : vector<16xf32>
          %mul3A_500 = arith.constant 5.000000e-01 : f32
          %mul3A_501 = vector.broadcast %mul3A_500 : f32 to vector<16xf32>
          %mul3A_502 = arith.mulf %gather3A_313, %mul3A_501 : vector<16xf32>
          %sub3A_503 = arith.subf %gather3A_307, %mul3A_502 : vector<16xf32>
          %mul3A_504 = arith.constant 5.000000e-01 : f32
          %mul3A_505 = vector.broadcast %mul3A_504 : f32 to vector<16xf32>
          %mul3A_506 = arith.mulf %gather3A_313, %mul3A_505 : vector<16xf32>
          %add3A_507 = arith.addf %gather3A_307, %mul3A_506 : vector<16xf32>
          %mul3A_508 = arith.constant 5.000000e-01 : f32
          %mul3A_509 = vector.broadcast %mul3A_508 : f32 to vector<16xf32>
          %mul3A_510 = arith.mulf %gather3A_316, %mul3A_509 : vector<16xf32>
          %sub3A_511 = arith.subf %gather3A_310, %mul3A_510 : vector<16xf32>
          %mul3A_512 = arith.constant 5.000000e-01 : f32
          %mul3A_513 = vector.broadcast %mul3A_512 : f32 to vector<16xf32>
          %mul3A_514 = arith.mulf %gather3A_316, %mul3A_513 : vector<16xf32>
          %add3A_515 = arith.addf %gather3A_310, %mul3A_514 : vector<16xf32>
          %min3A_516 = arith.minimumf %add3A_491, %add3A_507 : vector<16xf32>
          %max3A_517 = arith.maximumf %sub3A_487, %sub3A_503 : vector<16xf32>
          %sub3A_518 = arith.subf %min3A_516, %max3A_517 : vector<16xf32>
          %max3A_519 = arith.constant 0.000000e+00 : f32
          %max3A_520 = vector.broadcast %max3A_519 : f32 to vector<16xf32>
          %max3A_521 = arith.maximumf %sub3A_518, %max3A_520 : vector<16xf32>
          %min3A_522 = arith.minimumf %add3A_499, %add3A_515 : vector<16xf32>
          %max3A_523 = arith.maximumf %sub3A_495, %sub3A_511 : vector<16xf32>
          %sub3A_524 = arith.subf %min3A_522, %max3A_523 : vector<16xf32>
          %max3A_525 = arith.constant 0.000000e+00 : f32
          %max3A_526 = vector.broadcast %max3A_525 : f32 to vector<16xf32>
          %max3A_527 = arith.maximumf %sub3A_524, %max3A_526 : vector<16xf32>
          %mul3A_528 = arith.mulf %max3A_521, %max3A_527 : vector<16xf32>
          %max3A_529 = arith.constant 0.000000e+00 : f32
          %max3A_530 = vector.broadcast %max3A_529 : f32 to vector<16xf32>
          %max3A_531 = arith.maximumf %gather3A_268, %max3A_530 : vector<16xf32>
          %max3A_532 = arith.constant 0.000000e+00 : f32
          %max3A_533 = vector.broadcast %max3A_532 : f32 to vector<16xf32>
          %max3A_534 = arith.maximumf %gather3A_271, %max3A_533 : vector<16xf32>
          %mul3A_535 = arith.mulf %max3A_531, %max3A_534 : vector<16xf32>
          %max3A_536 = arith.constant 0.000000e+00 : f32
          %max3A_537 = vector.broadcast %max3A_536 : f32 to vector<16xf32>
          %max3A_538 = arith.maximumf %gather3A_313, %max3A_537 : vector<16xf32>
          %max3A_539 = arith.constant 0.000000e+00 : f32
          %max3A_540 = vector.broadcast %max3A_539 : f32 to vector<16xf32>
          %max3A_541 = arith.maximumf %gather3A_316, %max3A_540 : vector<16xf32>
          %mul3A_542 = arith.mulf %max3A_538, %max3A_541 : vector<16xf32>
          %add3A_543 = arith.addf %mul3A_535, %mul3A_542 : vector<16xf32>
          %sub3A_544 = arith.subf %add3A_543, %mul3A_528 : vector<16xf32>
          %add3A_545 = arith.constant 1.000000e-10 : f32
          %add3A_546 = vector.broadcast %add3A_545 : f32 to vector<16xf32>
          %add3A_547 = arith.addf %sub3A_544, %add3A_546 : vector<16xf32>
          %div3A_548 = arith.divf %mul3A_528, %add3A_547 : vector<16xf32>
          %sub3A_549 = arith.subf %gather3A_259, %div3A_548 : vector<16xf32>
          %mul3A_550 = arith.mulf %select_n3A_453, %sub3A_549 : vector<16xf32>
          %mul3A_551 = arith.mulf %mul3A_550, %sub3A_549 : vector<16xf32>
          %add3A_552 = arith.addf %add3A_441, %mul3A_551 : vector<16xf32>
          %sub3A_553 = arith.constant 1.000000e+00 : f32
          %sub3A_554 = vector.broadcast %sub3A_553 : f32 to vector<16xf32>
          %sub3A_555 = arith.subf %sub3A_554, %select_n3A_453 : vector<16xf32>
          %mul3A_556 = arith.mulf %sub3A_555, %gather3A_259 : vector<16xf32>
          %mul3A_557 = arith.mulf %mul3A_556, %gather3A_259 : vector<16xf32>
          %add3A_558 = arith.addf %add3A_447, %mul3A_557 : vector<16xf32>
          %and3A_559 = arith.andi %gt3A_340, %and3A_337 : vector<16xi1>
          %jit3A_560 = arith.constant 1.000000e+00 : f32
          %jit3A_561 = arith.constant 0.000000e+00 : f32
          %broadcast_in_dim3A_562 = vector.broadcast %jit3A_560 : f32 to vector<16xf32>
          %broadcast_in_dim3A_563 = vector.broadcast %jit3A_561 : f32 to vector<16xf32>
          %select_n3A_564 = arith.select %and3A_559, %broadcast_in_dim3A_562, %broadcast_in_dim3A_563 : vector<16xi1>, vector<16xf32>
          %mul3A_565 = arith.constant 2.800000e+01 : f32
          %mul3A_566 = vector.broadcast %mul3A_565 : f32 to vector<16xf32>
          %mul3A_567 = arith.mulf %gather3A_322, %mul3A_566 : vector<16xf32>
          %sub3A_568 = arith.subf %mul3A_567, %add3A_226 : vector<16xf32>
          %sub3A_569 = arith.subf %gather3A_277, %sub3A_568 : vector<16xf32>
          %mul3A_570 = arith.constant 2.800000e+01 : f32
          %mul3A_571 = vector.broadcast %mul3A_570 : f32 to vector<16xf32>
          %mul3A_572 = arith.mulf %gather3A_325, %mul3A_571 : vector<16xf32>
          %sub3A_573 = arith.subf %mul3A_572, %convert_element_type3A_5 : vector<16xf32>
          %sub3A_574 = arith.subf %gather3A_280, %sub3A_573 : vector<16xf32>
          %sub3A_575 = arith.subf %gather3A_283, %gather3A_328 : vector<16xf32>
          %sub3A_576 = arith.subf %gather3A_286, %gather3A_331 : vector<16xf32>
          %mul3A_577 = arith.mulf %sub3A_569, %sub3A_569 : vector<16xf32>
          %mul3A_578 = arith.mulf %sub3A_574, %sub3A_574 : vector<16xf32>
          %add3A_579 = arith.addf %mul3A_577, %mul3A_578 : vector<16xf32>
          %mul3A_580 = arith.mulf %select_n3A_564, %add3A_579 : vector<16xf32>
          %add3A_581 = arith.addf %add3A_470, %mul3A_580 : vector<16xf32>
          %mul3A_582 = arith.mulf %sub3A_575, %sub3A_575 : vector<16xf32>
          %mul3A_583 = arith.mulf %sub3A_576, %sub3A_576 : vector<16xf32>
          %add3A_584 = arith.addf %mul3A_582, %mul3A_583 : vector<16xf32>
          %mul3A_585 = arith.mulf %select_n3A_564, %add3A_584 : vector<16xf32>
          %add3A_586 = arith.addf %add3A_475, %mul3A_585 : vector<16xf32>
          %add3A_587 = arith.addf %gather3A_277, %add3A_226 : vector<16xf32>
          %div3A_588 = arith.constant 2.800000e+01 : f32
          %div3A_589 = vector.broadcast %div3A_588 : f32 to vector<16xf32>
          %div3A_590 = arith.divf %add3A_587, %div3A_589 : vector<16xf32>
          %add3A_591 = arith.addf %gather3A_280, %convert_element_type3A_5 : vector<16xf32>
          %div3A_592 = arith.constant 2.800000e+01 : f32
          %div3A_593 = vector.broadcast %div3A_592 : f32 to vector<16xf32>
          %div3A_594 = arith.divf %add3A_591, %div3A_593 : vector<16xf32>
          %mul3A_595 = arith.constant 5.000000e-01 : f32
          %mul3A_596 = vector.broadcast %mul3A_595 : f32 to vector<16xf32>
          %mul3A_597 = arith.mulf %gather3A_283, %mul3A_596 : vector<16xf32>
          %sub3A_598 = arith.subf %div3A_590, %mul3A_597 : vector<16xf32>
          %mul3A_599 = arith.constant 5.000000e-01 : f32
          %mul3A_600 = vector.broadcast %mul3A_599 : f32 to vector<16xf32>
          %mul3A_601 = arith.mulf %gather3A_283, %mul3A_600 : vector<16xf32>
          %add3A_602 = arith.addf %div3A_590, %mul3A_601 : vector<16xf32>
          %mul3A_603 = arith.constant 5.000000e-01 : f32
          %mul3A_604 = vector.broadcast %mul3A_603 : f32 to vector<16xf32>
          %mul3A_605 = arith.mulf %gather3A_286, %mul3A_604 : vector<16xf32>
          %sub3A_606 = arith.subf %div3A_594, %mul3A_605 : vector<16xf32>
          %mul3A_607 = arith.constant 5.000000e-01 : f32
          %mul3A_608 = vector.broadcast %mul3A_607 : f32 to vector<16xf32>
          %mul3A_609 = arith.mulf %gather3A_286, %mul3A_608 : vector<16xf32>
          %add3A_610 = arith.addf %div3A_594, %mul3A_609 : vector<16xf32>
          %mul3A_611 = arith.constant 5.000000e-01 : f32
          %mul3A_612 = vector.broadcast %mul3A_611 : f32 to vector<16xf32>
          %mul3A_613 = arith.mulf %gather3A_328, %mul3A_612 : vector<16xf32>
          %sub3A_614 = arith.subf %gather3A_322, %mul3A_613 : vector<16xf32>
          %mul3A_615 = arith.constant 5.000000e-01 : f32
          %mul3A_616 = vector.broadcast %mul3A_615 : f32 to vector<16xf32>
          %mul3A_617 = arith.mulf %gather3A_328, %mul3A_616 : vector<16xf32>
          %add3A_618 = arith.addf %gather3A_322, %mul3A_617 : vector<16xf32>
          %mul3A_619 = arith.constant 5.000000e-01 : f32
          %mul3A_620 = vector.broadcast %mul3A_619 : f32 to vector<16xf32>
          %mul3A_621 = arith.mulf %gather3A_331, %mul3A_620 : vector<16xf32>
          %sub3A_622 = arith.subf %gather3A_325, %mul3A_621 : vector<16xf32>
          %mul3A_623 = arith.constant 5.000000e-01 : f32
          %mul3A_624 = vector.broadcast %mul3A_623 : f32 to vector<16xf32>
          %mul3A_625 = arith.mulf %gather3A_331, %mul3A_624 : vector<16xf32>
          %add3A_626 = arith.addf %gather3A_325, %mul3A_625 : vector<16xf32>
          %min3A_627 = arith.minimumf %add3A_602, %add3A_618 : vector<16xf32>
          %max3A_628 = arith.maximumf %sub3A_598, %sub3A_614 : vector<16xf32>
          %sub3A_629 = arith.subf %min3A_627, %max3A_628 : vector<16xf32>
          %max3A_630 = arith.constant 0.000000e+00 : f32
          %max3A_631 = vector.broadcast %max3A_630 : f32 to vector<16xf32>
          %max3A_632 = arith.maximumf %sub3A_629, %max3A_631 : vector<16xf32>
          %min3A_633 = arith.minimumf %add3A_610, %add3A_626 : vector<16xf32>
          %max3A_634 = arith.maximumf %sub3A_606, %sub3A_622 : vector<16xf32>
          %sub3A_635 = arith.subf %min3A_633, %max3A_634 : vector<16xf32>
          %max3A_636 = arith.constant 0.000000e+00 : f32
          %max3A_637 = vector.broadcast %max3A_636 : f32 to vector<16xf32>
          %max3A_638 = arith.maximumf %sub3A_635, %max3A_637 : vector<16xf32>
          %mul3A_639 = arith.mulf %max3A_632, %max3A_638 : vector<16xf32>
          %max3A_640 = arith.constant 0.000000e+00 : f32
          %max3A_641 = vector.broadcast %max3A_640 : f32 to vector<16xf32>
          %max3A_642 = arith.maximumf %gather3A_283, %max3A_641 : vector<16xf32>
          %max3A_643 = arith.constant 0.000000e+00 : f32
          %max3A_644 = vector.broadcast %max3A_643 : f32 to vector<16xf32>
          %max3A_645 = arith.maximumf %gather3A_286, %max3A_644 : vector<16xf32>
          %mul3A_646 = arith.mulf %max3A_642, %max3A_645 : vector<16xf32>
          %max3A_647 = arith.constant 0.000000e+00 : f32
          %max3A_648 = vector.broadcast %max3A_647 : f32 to vector<16xf32>
          %max3A_649 = arith.maximumf %gather3A_328, %max3A_648 : vector<16xf32>
          %max3A_650 = arith.constant 0.000000e+00 : f32
          %max3A_651 = vector.broadcast %max3A_650 : f32 to vector<16xf32>
          %max3A_652 = arith.maximumf %gather3A_331, %max3A_651 : vector<16xf32>
          %mul3A_653 = arith.mulf %max3A_649, %max3A_652 : vector<16xf32>
          %add3A_654 = arith.addf %mul3A_646, %mul3A_653 : vector<16xf32>
          %sub3A_655 = arith.subf %add3A_654, %mul3A_639 : vector<16xf32>
          %add3A_656 = arith.constant 1.000000e-10 : f32
          %add3A_657 = vector.broadcast %add3A_656 : f32 to vector<16xf32>
          %add3A_658 = arith.addf %sub3A_655, %add3A_657 : vector<16xf32>
          %div3A_659 = arith.divf %mul3A_639, %add3A_658 : vector<16xf32>
          %sub3A_660 = arith.subf %gather3A_274, %div3A_659 : vector<16xf32>
          %mul3A_661 = arith.mulf %select_n3A_564, %sub3A_660 : vector<16xf32>
          %mul3A_662 = arith.mulf %mul3A_661, %sub3A_660 : vector<16xf32>
          %add3A_663 = arith.addf %add3A_552, %mul3A_662 : vector<16xf32>
          %sub3A_664 = arith.constant 1.000000e+00 : f32
          %sub3A_665 = vector.broadcast %sub3A_664 : f32 to vector<16xf32>
          %sub3A_666 = arith.subf %sub3A_665, %select_n3A_564 : vector<16xf32>
          %mul3A_667 = arith.mulf %sub3A_666, %gather3A_274 : vector<16xf32>
          %mul3A_668 = arith.mulf %mul3A_667, %gather3A_274 : vector<16xf32>
          %add3A_669 = arith.addf %add3A_558, %mul3A_668 : vector<16xf32>
          %add3A_670 = arith.addf %scan3A_235, %add3A_581 : vector<16xf32>
          %add3A_671 = arith.addf %scan3A_236, %add3A_586 : vector<16xf32>
          %add3A_672 = arith.addf %scan3A_237, %add3A_663 : vector<16xf32>
          %add3A_673 = arith.addf %scan3A_238, %add3A_669 : vector<16xf32>
          scf.yield %add3A_670, %add3A_671, %add3A_672, %add3A_673 : vector<16xf32>, vector<16xf32>, vector<16xf32>, vector<16xf32>
        }
        %scan3A_233 = arith.constant 4 : i32
        scf.yield %scan3A_232#0, %scan3A_232#1, %scan3A_232#2, %scan3A_232#3 : vector<16xf32>, vector<16xf32>, vector<16xf32>, vector<16xf32>
      }
      %scan3A_90 = arith.constant 4 : i32
      %dma_start3A_91 = arith.constant 16 : i32
      %dma_start3A_92 = arith.constant 0 : i32
      %dma_start3A_93 = arith.constant 0 : i32
      %dma_start3A_94 = tpu.memref_slice %arg2[%add3A, %dma_start3A_91, %dma_start3A_92, %dma_start3A_93] : memref<28x28x64x128xf32, #tpu.memory_space<hbm>> -> memref<1x4x64x128xf32, #tpu.memory_space<hbm>>
      %dma_start3A_95 = tpu.memref_squeeze %dma_start3A_94 : memref<1x4x64x128xf32, #tpu.memory_space<hbm>> -> memref<4x64x128xf32, #tpu.memory_space<hbm>>
      %dma_start3A_96 = arith.constant 16 : i32
      %dma_start3A_97 = arith.constant 0 : i32
      %dma_start3A_98 = arith.constant 0 : i32
      %dma_start3A_99 = tpu.memref_slice %arg2[%add3A, %dma_start3A_96, %dma_start3A_97, %dma_start3A_98] : memref<28x28x64x128xf32, #tpu.memory_space<hbm>> -> memref<1x4x64x128xf32, #tpu.memory_space<hbm>>
      %dma_start3A_100 = tpu.memref_squeeze %dma_start3A_99 : memref<1x4x64x128xf32, #tpu.memory_space<hbm>> -> memref<4x64x128xf32, #tpu.memory_space<hbm>>
      tpu.enqueue_dma source(%dma_start3A_100 : memref<4x64x128xf32, #tpu.memory_space<hbm>>) target(%arg4 : memref<4x64x128xf32, #tpu.memory_space<vmem>>) target_semaphore(%arg7 : memref<!tpu.dma_semaphore, #tpu.memory_space<semaphore_mem>>)
      %dma_wait3A_101 = arith.constant 12 : i32
      %dma_wait3A_102 = arith.constant 0 : i32
      %dma_wait3A_103 = arith.constant 0 : i32
      %dma_wait3A_104 = tpu.memref_slice %arg2[%add3A, %dma_wait3A_101, %dma_wait3A_102, %dma_wait3A_103] : memref<28x28x64x128xf32, #tpu.memory_space<hbm>> -> memref<1x4x64x128xf32, #tpu.memory_space<hbm>>
      %dma_wait3A_105 = tpu.memref_squeeze %dma_wait3A_104 : memref<1x4x64x128xf32, #tpu.memory_space<hbm>> -> memref<4x64x128xf32, #tpu.memory_space<hbm>>
      %dma_wait3A_106 = arith.constant 12 : i32
      %dma_wait3A_107 = arith.constant 0 : i32
      %dma_wait3A_108 = arith.constant 0 : i32
      %dma_wait3A_109 = tpu.memref_slice %arg2[%add3A, %dma_wait3A_106, %dma_wait3A_107, %dma_wait3A_108] : memref<28x28x64x128xf32, #tpu.memory_space<hbm>> -> memref<1x4x64x128xf32, #tpu.memory_space<hbm>>
      %dma_wait3A_110 = tpu.memref_squeeze %dma_wait3A_109 : memref<1x4x64x128xf32, #tpu.memory_space<hbm>> -> memref<4x64x128xf32, #tpu.memory_space<hbm>>
      tpu.wait_dma2 semaphore(%arg8 : memref<!tpu.dma_semaphore, #tpu.memory_space<semaphore_mem>>) src(%dma_wait3A_110 : memref<4x64x128xf32, #tpu.memory_space<hbm>>) dst(%arg5 : memref<4x64x128xf32, #tpu.memory_space<vmem>>)
      %scan3A_111 = arith.constant 0 : i32
      %scan3A_112 = arith.constant 4 : i32
      %scan3A_113 = arith.addi %scan3A_111, %scan3A_112 : i32
      %scan3A_114 = arith.constant 1 : i32
      %scan3A_115:4 = scf.for %scan3A_216 = %scan3A_111 to %scan3A_113 step %scan3A_114 iter_args(%scan3A_217 = %scan3A_89#0, %scan3A_218 = %scan3A_89#1, %scan3A_219 = %scan3A_89#2, %scan3A_220 = %scan3A_89#3) -> (vector<16xf32>, vector<16xf32>, vector<16xf32>, vector<16xf32>)  : i32 {
        %broadcast_in_dim3A_221 = arith.constant 12 : i32
        %broadcast_in_dim3A_222 = vector.broadcast %broadcast_in_dim3A_221 : i32 to vector<16xi32>
        %convert_element_type3A_223 = arith.sitofp %broadcast_in_dim3A_222 : vector<16xi32> to vector<16xf32>
        %convert_element_type3A_224 = arith.sitofp %scan3A_216 : i32 to f32
        %add3A_225 = vector.broadcast %convert_element_type3A_224 : f32 to vector<16xf32>
        %add3A_226 = arith.addf %convert_element_type3A_223, %add3A_225 : vector<16xf32>
        %broadcast_in_dim3A_227 = vector.broadcast %scan3A_216 : i32 to vector<16xi32>
        %scan3A_228 = arith.constant 0 : i32
        %scan3A_229 = arith.constant 4 : i32
        %scan3A_230 = arith.addi %scan3A_228, %scan3A_229 : i32
        %scan3A_231 = arith.constant 1 : i32
        %scan3A_232:4 = scf.for %scan3A_234 = %scan3A_228 to %scan3A_230 step %scan3A_231 iter_args(%scan3A_235 = %scan3A_217, %scan3A_236 = %scan3A_218, %scan3A_237 = %scan3A_219, %scan3A_238 = %scan3A_220) -> (vector<16xf32>, vector<16xf32>, vector<16xf32>, vector<16xf32>)  : i32 {
          %mul3A_239 = arith.constant 16 : i32
          %mul3A_240 = arith.muli %scan3A_234, %mul3A_239 : i32
          %add3A_241 = vector.broadcast %mul3A_240 : i32 to vector<16xi32>
          %add3A_242 = arith.addi %add3A_241, %iota3A : vector<16xi32>
          %broadcast_in_dim3A_243 = arith.constant 0 : i32
          %broadcast_in_dim3A_244 = vector.broadcast %broadcast_in_dim3A_243 : i32 to vector<16xi32>
          %gather3A = tpu.vector_load_idx %arg5[%broadcast_in_dim3A_227, %add3A_242, %broadcast_in_dim3A_244] : memref<4x64x128xf32, #tpu.memory_space<vmem>>[vector<16xi32>, vector<16xi32>, vector<16xi32>], vector<16xf32>,
          %broadcast_in_dim3A_245 = arith.constant 1 : i32
          %broadcast_in_dim3A_246 = vector.broadcast %broadcast_in_dim3A_245 : i32 to vector<16xi32>
          %gather3A_247 = tpu.vector_load_idx %arg5[%broadcast_in_dim3A_227, %add3A_242, %broadcast_in_dim3A_246] : memref<4x64x128xf32, #tpu.memory_space<vmem>>[vector<16xi32>, vector<16xi32>, vector<16xi32>], vector<16xf32>,
          %broadcast_in_dim3A_248 = arith.constant 2 : i32
          %broadcast_in_dim3A_249 = vector.broadcast %broadcast_in_dim3A_248 : i32 to vector<16xi32>
          %gather3A_250 = tpu.vector_load_idx %arg5[%broadcast_in_dim3A_227, %add3A_242, %broadcast_in_dim3A_249] : memref<4x64x128xf32, #tpu.memory_space<vmem>>[vector<16xi32>, vector<16xi32>, vector<16xi32>], vector<16xf32>,
          %broadcast_in_dim3A_251 = arith.constant 3 : i32
          %broadcast_in_dim3A_252 = vector.broadcast %broadcast_in_dim3A_251 : i32 to vector<16xi32>
          %gather3A_253 = tpu.vector_load_idx %arg5[%broadcast_in_dim3A_227, %add3A_242, %broadcast_in_dim3A_252] : memref<4x64x128xf32, #tpu.memory_space<vmem>>[vector<16xi32>, vector<16xi32>, vector<16xi32>], vector<16xf32>,
          %broadcast_in_dim3A_254 = arith.constant 4 : i32
          %broadcast_in_dim3A_255 = vector.broadcast %broadcast_in_dim3A_254 : i32 to vector<16xi32>
          %gather3A_256 = tpu.vector_load_idx %arg5[%broadcast_in_dim3A_227, %add3A_242, %broadcast_in_dim3A_255] : memref<4x64x128xf32, #tpu.memory_space<vmem>>[vector<16xi32>, vector<16xi32>, vector<16xi32>], vector<16xf32>,
          %broadcast_in_dim3A_257 = arith.constant 5 : i32
          %broadcast_in_dim3A_258 = vector.broadcast %broadcast_in_dim3A_257 : i32 to vector<16xi32>
          %gather3A_259 = tpu.vector_load_idx %arg5[%broadcast_in_dim3A_227, %add3A_242, %broadcast_in_dim3A_258] : memref<4x64x128xf32, #tpu.memory_space<vmem>>[vector<16xi32>, vector<16xi32>, vector<16xi32>], vector<16xf32>,
          %broadcast_in_dim3A_260 = arith.constant 6 : i32
          %broadcast_in_dim3A_261 = vector.broadcast %broadcast_in_dim3A_260 : i32 to vector<16xi32>
          %gather3A_262 = tpu.vector_load_idx %arg5[%broadcast_in_dim3A_227, %add3A_242, %broadcast_in_dim3A_261] : memref<4x64x128xf32, #tpu.memory_space<vmem>>[vector<16xi32>, vector<16xi32>, vector<16xi32>], vector<16xf32>,
          %broadcast_in_dim3A_263 = arith.constant 7 : i32
          %broadcast_in_dim3A_264 = vector.broadcast %broadcast_in_dim3A_263 : i32 to vector<16xi32>
          %gather3A_265 = tpu.vector_load_idx %arg5[%broadcast_in_dim3A_227, %add3A_242, %broadcast_in_dim3A_264] : memref<4x64x128xf32, #tpu.memory_space<vmem>>[vector<16xi32>, vector<16xi32>, vector<16xi32>], vector<16xf32>,
          %broadcast_in_dim3A_266 = arith.constant 8 : i32
          %broadcast_in_dim3A_267 = vector.broadcast %broadcast_in_dim3A_266 : i32 to vector<16xi32>
          %gather3A_268 = tpu.vector_load_idx %arg5[%broadcast_in_dim3A_227, %add3A_242, %broadcast_in_dim3A_267] : memref<4x64x128xf32, #tpu.memory_space<vmem>>[vector<16xi32>, vector<16xi32>, vector<16xi32>], vector<16xf32>,
          %broadcast_in_dim3A_269 = arith.constant 9 : i32
          %broadcast_in_dim3A_270 = vector.broadcast %broadcast_in_dim3A_269 : i32 to vector<16xi32>
          %gather3A_271 = tpu.vector_load_idx %arg5[%broadcast_in_dim3A_227, %add3A_242, %broadcast_in_dim3A_270] : memref<4x64x128xf32, #tpu.memory_space<vmem>>[vector<16xi32>, vector<16xi32>, vector<16xi32>], vector<16xf32>,
          %broadcast_in_dim3A_272 = arith.constant 10 : i32
          %broadcast_in_dim3A_273 = vector.broadcast %broadcast_in_dim3A_272 : i32 to vector<16xi32>
          %gather3A_274 = tpu.vector_load_idx %arg5[%broadcast_in_dim3A_227, %add3A_242, %broadcast_in_dim3A_273] : memref<4x64x128xf32, #tpu.memory_space<vmem>>[vector<16xi32>, vector<16xi32>, vector<16xi32>], vector<16xf32>,
          %broadcast_in_dim3A_275 = arith.constant 11 : i32
          %broadcast_in_dim3A_276 = vector.broadcast %broadcast_in_dim3A_275 : i32 to vector<16xi32>
          %gather3A_277 = tpu.vector_load_idx %arg5[%broadcast_in_dim3A_227, %add3A_242, %broadcast_in_dim3A_276] : memref<4x64x128xf32, #tpu.memory_space<vmem>>[vector<16xi32>, vector<16xi32>, vector<16xi32>], vector<16xf32>,
          %broadcast_in_dim3A_278 = arith.constant 12 : i32
          %broadcast_in_dim3A_279 = vector.broadcast %broadcast_in_dim3A_278 : i32 to vector<16xi32>
          %gather3A_280 = tpu.vector_load_idx %arg5[%broadcast_in_dim3A_227, %add3A_242, %broadcast_in_dim3A_279] : memref<4x64x128xf32, #tpu.memory_space<vmem>>[vector<16xi32>, vector<16xi32>, vector<16xi32>], vector<16xf32>,
          %broadcast_in_dim3A_281 = arith.constant 13 : i32
          %broadcast_in_dim3A_282 = vector.broadcast %broadcast_in_dim3A_281 : i32 to vector<16xi32>
          %gather3A_283 = tpu.vector_load_idx %arg5[%broadcast_in_dim3A_227, %add3A_242, %broadcast_in_dim3A_282] : memref<4x64x128xf32, #tpu.memory_space<vmem>>[vector<16xi32>, vector<16xi32>, vector<16xi32>], vector<16xf32>,
          %broadcast_in_dim3A_284 = arith.constant 14 : i32
          %broadcast_in_dim3A_285 = vector.broadcast %broadcast_in_dim3A_284 : i32 to vector<16xi32>
          %gather3A_286 = tpu.vector_load_idx %arg5[%broadcast_in_dim3A_227, %add3A_242, %broadcast_in_dim3A_285] : memref<4x64x128xf32, #tpu.memory_space<vmem>>[vector<16xi32>, vector<16xi32>, vector<16xi32>], vector<16xf32>,
          %broadcast_in_dim3A_287 = arith.constant 16 : i32
          %broadcast_in_dim3A_288 = vector.broadcast %broadcast_in_dim3A_287 : i32 to vector<16xi32>
          %gather3A_289 = tpu.vector_load_idx %arg5[%broadcast_in_dim3A_227, %add3A_242, %broadcast_in_dim3A_288] : memref<4x64x128xf32, #tpu.memory_space<vmem>>[vector<16xi32>, vector<16xi32>, vector<16xi32>], vector<16xf32>,
          %broadcast_in_dim3A_290 = arith.constant 17 : i32
          %broadcast_in_dim3A_291 = vector.broadcast %broadcast_in_dim3A_290 : i32 to vector<16xi32>
          %gather3A_292 = tpu.vector_load_idx %arg5[%broadcast_in_dim3A_227, %add3A_242, %broadcast_in_dim3A_291] : memref<4x64x128xf32, #tpu.memory_space<vmem>>[vector<16xi32>, vector<16xi32>, vector<16xi32>], vector<16xf32>,
          %broadcast_in_dim3A_293 = arith.constant 18 : i32
          %broadcast_in_dim3A_294 = vector.broadcast %broadcast_in_dim3A_293 : i32 to vector<16xi32>
          %gather3A_295 = tpu.vector_load_idx %arg5[%broadcast_in_dim3A_227, %add3A_242, %broadcast_in_dim3A_294] : memref<4x64x128xf32, #tpu.memory_space<vmem>>[vector<16xi32>, vector<16xi32>, vector<16xi32>], vector<16xf32>,
          %broadcast_in_dim3A_296 = arith.constant 19 : i32
          %broadcast_in_dim3A_297 = vector.broadcast %broadcast_in_dim3A_296 : i32 to vector<16xi32>
          %gather3A_298 = tpu.vector_load_idx %arg5[%broadcast_in_dim3A_227, %add3A_242, %broadcast_in_dim3A_297] : memref<4x64x128xf32, #tpu.memory_space<vmem>>[vector<16xi32>, vector<16xi32>, vector<16xi32>], vector<16xf32>,
          %broadcast_in_dim3A_299 = arith.constant 20 : i32
          %broadcast_in_dim3A_300 = vector.broadcast %broadcast_in_dim3A_299 : i32 to vector<16xi32>
          %gather3A_301 = tpu.vector_load_idx %arg5[%broadcast_in_dim3A_227, %add3A_242, %broadcast_in_dim3A_300] : memref<4x64x128xf32, #tpu.memory_space<vmem>>[vector<16xi32>, vector<16xi32>, vector<16xi32>], vector<16xf32>,
          %broadcast_in_dim3A_302 = arith.constant 21 : i32
          %broadcast_in_dim3A_303 = vector.broadcast %broadcast_in_dim3A_302 : i32 to vector<16xi32>
          %gather3A_304 = tpu.vector_load_idx %arg5[%broadcast_in_dim3A_227, %add3A_242, %broadcast_in_dim3A_303] : memref<4x64x128xf32, #tpu.memory_space<vmem>>[vector<16xi32>, vector<16xi32>, vector<16xi32>], vector<16xf32>,
          %broadcast_in_dim3A_305 = arith.constant 22 : i32
          %broadcast_in_dim3A_306 = vector.broadcast %broadcast_in_dim3A_305 : i32 to vector<16xi32>
          %gather3A_307 = tpu.vector_load_idx %arg5[%broadcast_in_dim3A_227, %add3A_242, %broadcast_in_dim3A_306] : memref<4x64x128xf32, #tpu.memory_space<vmem>>[vector<16xi32>, vector<16xi32>, vector<16xi32>], vector<16xf32>,
          %broadcast_in_dim3A_308 = arith.constant 23 : i32
          %broadcast_in_dim3A_309 = vector.broadcast %broadcast_in_dim3A_308 : i32 to vector<16xi32>
          %gather3A_310 = tpu.vector_load_idx %arg5[%broadcast_in_dim3A_227, %add3A_242, %broadcast_in_dim3A_309] : memref<4x64x128xf32, #tpu.memory_space<vmem>>[vector<16xi32>, vector<16xi32>, vector<16xi32>], vector<16xf32>,
          %broadcast_in_dim3A_311 = arith.constant 24 : i32
          %broadcast_in_dim3A_312 = vector.broadcast %broadcast_in_dim3A_311 : i32 to vector<16xi32>
          %gather3A_313 = tpu.vector_load_idx %arg5[%broadcast_in_dim3A_227, %add3A_242, %broadcast_in_dim3A_312] : memref<4x64x128xf32, #tpu.memory_space<vmem>>[vector<16xi32>, vector<16xi32>, vector<16xi32>], vector<16xf32>,
          %broadcast_in_dim3A_314 = arith.constant 25 : i32
          %broadcast_in_dim3A_315 = vector.broadcast %broadcast_in_dim3A_314 : i32 to vector<16xi32>
          %gather3A_316 = tpu.vector_load_idx %arg5[%broadcast_in_dim3A_227, %add3A_242, %broadcast_in_dim3A_315] : memref<4x64x128xf32, #tpu.memory_space<vmem>>[vector<16xi32>, vector<16xi32>, vector<16xi32>], vector<16xf32>,
          %broadcast_in_dim3A_317 = arith.constant 26 : i32
          %broadcast_in_dim3A_318 = vector.broadcast %broadcast_in_dim3A_317 : i32 to vector<16xi32>
          %gather3A_319 = tpu.vector_load_idx %arg5[%broadcast_in_dim3A_227, %add3A_242, %broadcast_in_dim3A_318] : memref<4x64x128xf32, #tpu.memory_space<vmem>>[vector<16xi32>, vector<16xi32>, vector<16xi32>], vector<16xf32>,
          %broadcast_in_dim3A_320 = arith.constant 27 : i32
          %broadcast_in_dim3A_321 = vector.broadcast %broadcast_in_dim3A_320 : i32 to vector<16xi32>
          %gather3A_322 = tpu.vector_load_idx %arg5[%broadcast_in_dim3A_227, %add3A_242, %broadcast_in_dim3A_321] : memref<4x64x128xf32, #tpu.memory_space<vmem>>[vector<16xi32>, vector<16xi32>, vector<16xi32>], vector<16xf32>,
          %broadcast_in_dim3A_323 = arith.constant 28 : i32
          %broadcast_in_dim3A_324 = vector.broadcast %broadcast_in_dim3A_323 : i32 to vector<16xi32>
          %gather3A_325 = tpu.vector_load_idx %arg5[%broadcast_in_dim3A_227, %add3A_242, %broadcast_in_dim3A_324] : memref<4x64x128xf32, #tpu.memory_space<vmem>>[vector<16xi32>, vector<16xi32>, vector<16xi32>], vector<16xf32>,
          %broadcast_in_dim3A_326 = arith.constant 29 : i32
          %broadcast_in_dim3A_327 = vector.broadcast %broadcast_in_dim3A_326 : i32 to vector<16xi32>
          %gather3A_328 = tpu.vector_load_idx %arg5[%broadcast_in_dim3A_227, %add3A_242, %broadcast_in_dim3A_327] : memref<4x64x128xf32, #tpu.memory_space<vmem>>[vector<16xi32>, vector<16xi32>, vector<16xi32>], vector<16xf32>,
          %broadcast_in_dim3A_329 = arith.constant 30 : i32
          %broadcast_in_dim3A_330 = vector.broadcast %broadcast_in_dim3A_329 : i32 to vector<16xi32>
          %gather3A_331 = tpu.vector_load_idx %arg5[%broadcast_in_dim3A_227, %add3A_242, %broadcast_in_dim3A_330] : memref<4x64x128xf32, #tpu.memory_space<vmem>>[vector<16xi32>, vector<16xi32>, vector<16xi32>], vector<16xf32>,
          %ge3A = arith.cmpf oge, %gather3A, %gather3A_259 : vector<16xf32>
          %ge3A_332 = arith.cmpf oge, %gather3A, %gather3A_274 : vector<16xf32>
          %and3A = arith.andi %ge3A, %ge3A_332 : vector<16xi1>
          %gt3A = arith.cmpf ogt, %gather3A_259, %gather3A : vector<16xf32>
          %ge3A_333 = arith.cmpf oge, %gather3A_259, %gather3A_274 : vector<16xf32>
          %and3A_334 = arith.andi %gt3A, %ge3A_333 : vector<16xi1>
          %gt3A_335 = arith.cmpf ogt, %gather3A_274, %gather3A : vector<16xf32>
          %gt3A_336 = arith.cmpf ogt, %gather3A_274, %gather3A_259 : vector<16xf32>
          %and3A_337 = arith.andi %gt3A_335, %gt3A_336 : vector<16xi1>
          %gt3A_338 = arith.constant 0.000000e+00 : f32
          %gt3A_339 = vector.broadcast %gt3A_338 : f32 to vector<16xf32>
          %gt3A_340 = arith.cmpf ogt, %gather3A_289, %gt3A_339 : vector<16xf32>
          %broadcast_in_dim3A_341 = arith.constant 0.000000e+00 : f32
          %broadcast_in_dim3A_342 = vector.broadcast %broadcast_in_dim3A_341 : f32 to vector<16xf32>
          %and3A_343 = arith.andi %gt3A_340, %and3A : vector<16xi1>
          %jit3A = arith.constant 1.000000e+00 : f32
          %jit3A_344 = arith.constant 0.000000e+00 : f32
          %broadcast_in_dim3A_345 = vector.broadcast %jit3A : f32 to vector<16xf32>
          %broadcast_in_dim3A_346 = vector.broadcast %jit3A_344 : f32 to vector<16xf32>
          %select_n3A = arith.select %and3A_343, %broadcast_in_dim3A_345, %broadcast_in_dim3A_346 : vector<16xi1>, vector<16xf32>
          %mul3A_347 = arith.constant 2.800000e+01 : f32
          %mul3A_348 = vector.broadcast %mul3A_347 : f32 to vector<16xf32>
          %mul3A_349 = arith.mulf %gather3A_292, %mul3A_348 : vector<16xf32>
          %sub3A = arith.subf %mul3A_349, %add3A_226 : vector<16xf32>
          %sub3A_350 = arith.subf %gather3A_247, %sub3A : vector<16xf32>
          %mul3A_351 = arith.constant 2.800000e+01 : f32
          %mul3A_352 = vector.broadcast %mul3A_351 : f32 to vector<16xf32>
          %mul3A_353 = arith.mulf %gather3A_295, %mul3A_352 : vector<16xf32>
          %sub3A_354 = arith.subf %mul3A_353, %convert_element_type3A_5 : vector<16xf32>
          %sub3A_355 = arith.subf %gather3A_250, %sub3A_354 : vector<16xf32>
          %sub3A_356 = arith.subf %gather3A_253, %gather3A_298 : vector<16xf32>
          %sub3A_357 = arith.subf %gather3A_256, %gather3A_301 : vector<16xf32>
          %mul3A_358 = arith.mulf %sub3A_350, %sub3A_350 : vector<16xf32>
          %mul3A_359 = arith.mulf %sub3A_355, %sub3A_355 : vector<16xf32>
          %add3A_360 = arith.addf %mul3A_358, %mul3A_359 : vector<16xf32>
          %mul3A_361 = arith.mulf %select_n3A, %add3A_360 : vector<16xf32>
          %add3A_362 = arith.addf %broadcast_in_dim3A_342, %mul3A_361 : vector<16xf32>
          %mul3A_363 = arith.mulf %sub3A_356, %sub3A_356 : vector<16xf32>
          %mul3A_364 = arith.mulf %sub3A_357, %sub3A_357 : vector<16xf32>
          %add3A_365 = arith.addf %mul3A_363, %mul3A_364 : vector<16xf32>
          %mul3A_366 = arith.mulf %select_n3A, %add3A_365 : vector<16xf32>
          %add3A_367 = arith.addf %broadcast_in_dim3A_342, %mul3A_366 : vector<16xf32>
          %add3A_368 = arith.addf %gather3A_247, %add3A_226 : vector<16xf32>
          %div3A = arith.constant 2.800000e+01 : f32
          %div3A_369 = vector.broadcast %div3A : f32 to vector<16xf32>
          %div3A_370 = arith.divf %add3A_368, %div3A_369 : vector<16xf32>
          %add3A_371 = arith.addf %gather3A_250, %convert_element_type3A_5 : vector<16xf32>
          %div3A_372 = arith.constant 2.800000e+01 : f32
          %div3A_373 = vector.broadcast %div3A_372 : f32 to vector<16xf32>
          %div3A_374 = arith.divf %add3A_371, %div3A_373 : vector<16xf32>
          %mul3A_375 = arith.constant 5.000000e-01 : f32
          %mul3A_376 = vector.broadcast %mul3A_375 : f32 to vector<16xf32>
          %mul3A_377 = arith.mulf %gather3A_253, %mul3A_376 : vector<16xf32>
          %sub3A_378 = arith.subf %div3A_370, %mul3A_377 : vector<16xf32>
          %mul3A_379 = arith.constant 5.000000e-01 : f32
          %mul3A_380 = vector.broadcast %mul3A_379 : f32 to vector<16xf32>
          %mul3A_381 = arith.mulf %gather3A_253, %mul3A_380 : vector<16xf32>
          %add3A_382 = arith.addf %div3A_370, %mul3A_381 : vector<16xf32>
          %mul3A_383 = arith.constant 5.000000e-01 : f32
          %mul3A_384 = vector.broadcast %mul3A_383 : f32 to vector<16xf32>
          %mul3A_385 = arith.mulf %gather3A_256, %mul3A_384 : vector<16xf32>
          %sub3A_386 = arith.subf %div3A_374, %mul3A_385 : vector<16xf32>
          %mul3A_387 = arith.constant 5.000000e-01 : f32
          %mul3A_388 = vector.broadcast %mul3A_387 : f32 to vector<16xf32>
          %mul3A_389 = arith.mulf %gather3A_256, %mul3A_388 : vector<16xf32>
          %add3A_390 = arith.addf %div3A_374, %mul3A_389 : vector<16xf32>
          %mul3A_391 = arith.constant 5.000000e-01 : f32
          %mul3A_392 = vector.broadcast %mul3A_391 : f32 to vector<16xf32>
          %mul3A_393 = arith.mulf %gather3A_298, %mul3A_392 : vector<16xf32>
          %sub3A_394 = arith.subf %gather3A_292, %mul3A_393 : vector<16xf32>
          %mul3A_395 = arith.constant 5.000000e-01 : f32
          %mul3A_396 = vector.broadcast %mul3A_395 : f32 to vector<16xf32>
          %mul3A_397 = arith.mulf %gather3A_298, %mul3A_396 : vector<16xf32>
          %add3A_398 = arith.addf %gather3A_292, %mul3A_397 : vector<16xf32>
          %mul3A_399 = arith.constant 5.000000e-01 : f32
          %mul3A_400 = vector.broadcast %mul3A_399 : f32 to vector<16xf32>
          %mul3A_401 = arith.mulf %gather3A_301, %mul3A_400 : vector<16xf32>
          %sub3A_402 = arith.subf %gather3A_295, %mul3A_401 : vector<16xf32>
          %mul3A_403 = arith.constant 5.000000e-01 : f32
          %mul3A_404 = vector.broadcast %mul3A_403 : f32 to vector<16xf32>
          %mul3A_405 = arith.mulf %gather3A_301, %mul3A_404 : vector<16xf32>
          %add3A_406 = arith.addf %gather3A_295, %mul3A_405 : vector<16xf32>
          %min3A = arith.minimumf %add3A_382, %add3A_398 : vector<16xf32>
          %max3A = arith.maximumf %sub3A_378, %sub3A_394 : vector<16xf32>
          %sub3A_407 = arith.subf %min3A, %max3A : vector<16xf32>
          %max3A_408 = arith.constant 0.000000e+00 : f32
          %max3A_409 = vector.broadcast %max3A_408 : f32 to vector<16xf32>
          %max3A_410 = arith.maximumf %sub3A_407, %max3A_409 : vector<16xf32>
          %min3A_411 = arith.minimumf %add3A_390, %add3A_406 : vector<16xf32>
          %max3A_412 = arith.maximumf %sub3A_386, %sub3A_402 : vector<16xf32>
          %sub3A_413 = arith.subf %min3A_411, %max3A_412 : vector<16xf32>
          %max3A_414 = arith.constant 0.000000e+00 : f32
          %max3A_415 = vector.broadcast %max3A_414 : f32 to vector<16xf32>
          %max3A_416 = arith.maximumf %sub3A_413, %max3A_415 : vector<16xf32>
          %mul3A_417 = arith.mulf %max3A_410, %max3A_416 : vector<16xf32>
          %max3A_418 = arith.constant 0.000000e+00 : f32
          %max3A_419 = vector.broadcast %max3A_418 : f32 to vector<16xf32>
          %max3A_420 = arith.maximumf %gather3A_253, %max3A_419 : vector<16xf32>
          %max3A_421 = arith.constant 0.000000e+00 : f32
          %max3A_422 = vector.broadcast %max3A_421 : f32 to vector<16xf32>
          %max3A_423 = arith.maximumf %gather3A_256, %max3A_422 : vector<16xf32>
          %mul3A_424 = arith.mulf %max3A_420, %max3A_423 : vector<16xf32>
          %max3A_425 = arith.constant 0.000000e+00 : f32
          %max3A_426 = vector.broadcast %max3A_425 : f32 to vector<16xf32>
          %max3A_427 = arith.maximumf %gather3A_298, %max3A_426 : vector<16xf32>
          %max3A_428 = arith.constant 0.000000e+00 : f32
          %max3A_429 = vector.broadcast %max3A_428 : f32 to vector<16xf32>
          %max3A_430 = arith.maximumf %gather3A_301, %max3A_429 : vector<16xf32>
          %mul3A_431 = arith.mulf %max3A_427, %max3A_430 : vector<16xf32>
          %add3A_432 = arith.addf %mul3A_424, %mul3A_431 : vector<16xf32>
          %sub3A_433 = arith.subf %add3A_432, %mul3A_417 : vector<16xf32>
          %add3A_434 = arith.constant 1.000000e-10 : f32
          %add3A_435 = vector.broadcast %add3A_434 : f32 to vector<16xf32>
          %add3A_436 = arith.addf %sub3A_433, %add3A_435 : vector<16xf32>
          %div3A_437 = arith.divf %mul3A_417, %add3A_436 : vector<16xf32>
          %sub3A_438 = arith.subf %gather3A, %div3A_437 : vector<16xf32>
          %mul3A_439 = arith.mulf %select_n3A, %sub3A_438 : vector<16xf32>
          %mul3A_440 = arith.mulf %mul3A_439, %sub3A_438 : vector<16xf32>
          %add3A_441 = arith.addf %broadcast_in_dim3A_342, %mul3A_440 : vector<16xf32>
          %sub3A_442 = arith.constant 1.000000e+00 : f32
          %sub3A_443 = vector.broadcast %sub3A_442 : f32 to vector<16xf32>
          %sub3A_444 = arith.subf %sub3A_443, %select_n3A : vector<16xf32>
          %mul3A_445 = arith.mulf %sub3A_444, %gather3A : vector<16xf32>
          %mul3A_446 = arith.mulf %mul3A_445, %gather3A : vector<16xf32>
          %add3A_447 = arith.addf %broadcast_in_dim3A_342, %mul3A_446 : vector<16xf32>
          %and3A_448 = arith.andi %gt3A_340, %and3A_334 : vector<16xi1>
          %jit3A_449 = arith.constant 1.000000e+00 : f32
          %jit3A_450 = arith.constant 0.000000e+00 : f32
          %broadcast_in_dim3A_451 = vector.broadcast %jit3A_449 : f32 to vector<16xf32>
          %broadcast_in_dim3A_452 = vector.broadcast %jit3A_450 : f32 to vector<16xf32>
          %select_n3A_453 = arith.select %and3A_448, %broadcast_in_dim3A_451, %broadcast_in_dim3A_452 : vector<16xi1>, vector<16xf32>
          %mul3A_454 = arith.constant 2.800000e+01 : f32
          %mul3A_455 = vector.broadcast %mul3A_454 : f32 to vector<16xf32>
          %mul3A_456 = arith.mulf %gather3A_307, %mul3A_455 : vector<16xf32>
          %sub3A_457 = arith.subf %mul3A_456, %add3A_226 : vector<16xf32>
          %sub3A_458 = arith.subf %gather3A_262, %sub3A_457 : vector<16xf32>
          %mul3A_459 = arith.constant 2.800000e+01 : f32
          %mul3A_460 = vector.broadcast %mul3A_459 : f32 to vector<16xf32>
          %mul3A_461 = arith.mulf %gather3A_310, %mul3A_460 : vector<16xf32>
          %sub3A_462 = arith.subf %mul3A_461, %convert_element_type3A_5 : vector<16xf32>
          %sub3A_463 = arith.subf %gather3A_265, %sub3A_462 : vector<16xf32>
          %sub3A_464 = arith.subf %gather3A_268, %gather3A_313 : vector<16xf32>
          %sub3A_465 = arith.subf %gather3A_271, %gather3A_316 : vector<16xf32>
          %mul3A_466 = arith.mulf %sub3A_458, %sub3A_458 : vector<16xf32>
          %mul3A_467 = arith.mulf %sub3A_463, %sub3A_463 : vector<16xf32>
          %add3A_468 = arith.addf %mul3A_466, %mul3A_467 : vector<16xf32>
          %mul3A_469 = arith.mulf %select_n3A_453, %add3A_468 : vector<16xf32>
          %add3A_470 = arith.addf %add3A_362, %mul3A_469 : vector<16xf32>
          %mul3A_471 = arith.mulf %sub3A_464, %sub3A_464 : vector<16xf32>
          %mul3A_472 = arith.mulf %sub3A_465, %sub3A_465 : vector<16xf32>
          %add3A_473 = arith.addf %mul3A_471, %mul3A_472 : vector<16xf32>
          %mul3A_474 = arith.mulf %select_n3A_453, %add3A_473 : vector<16xf32>
          %add3A_475 = arith.addf %add3A_367, %mul3A_474 : vector<16xf32>
          %add3A_476 = arith.addf %gather3A_262, %add3A_226 : vector<16xf32>
          %div3A_477 = arith.constant 2.800000e+01 : f32
          %div3A_478 = vector.broadcast %div3A_477 : f32 to vector<16xf32>
          %div3A_479 = arith.divf %add3A_476, %div3A_478 : vector<16xf32>
          %add3A_480 = arith.addf %gather3A_265, %convert_element_type3A_5 : vector<16xf32>
          %div3A_481 = arith.constant 2.800000e+01 : f32
          %div3A_482 = vector.broadcast %div3A_481 : f32 to vector<16xf32>
          %div3A_483 = arith.divf %add3A_480, %div3A_482 : vector<16xf32>
          %mul3A_484 = arith.constant 5.000000e-01 : f32
          %mul3A_485 = vector.broadcast %mul3A_484 : f32 to vector<16xf32>
          %mul3A_486 = arith.mulf %gather3A_268, %mul3A_485 : vector<16xf32>
          %sub3A_487 = arith.subf %div3A_479, %mul3A_486 : vector<16xf32>
          %mul3A_488 = arith.constant 5.000000e-01 : f32
          %mul3A_489 = vector.broadcast %mul3A_488 : f32 to vector<16xf32>
          %mul3A_490 = arith.mulf %gather3A_268, %mul3A_489 : vector<16xf32>
          %add3A_491 = arith.addf %div3A_479, %mul3A_490 : vector<16xf32>
          %mul3A_492 = arith.constant 5.000000e-01 : f32
          %mul3A_493 = vector.broadcast %mul3A_492 : f32 to vector<16xf32>
          %mul3A_494 = arith.mulf %gather3A_271, %mul3A_493 : vector<16xf32>
          %sub3A_495 = arith.subf %div3A_483, %mul3A_494 : vector<16xf32>
          %mul3A_496 = arith.constant 5.000000e-01 : f32
          %mul3A_497 = vector.broadcast %mul3A_496 : f32 to vector<16xf32>
          %mul3A_498 = arith.mulf %gather3A_271, %mul3A_497 : vector<16xf32>
          %add3A_499 = arith.addf %div3A_483, %mul3A_498 : vector<16xf32>
          %mul3A_500 = arith.constant 5.000000e-01 : f32
          %mul3A_501 = vector.broadcast %mul3A_500 : f32 to vector<16xf32>
          %mul3A_502 = arith.mulf %gather3A_313, %mul3A_501 : vector<16xf32>
          %sub3A_503 = arith.subf %gather3A_307, %mul3A_502 : vector<16xf32>
          %mul3A_504 = arith.constant 5.000000e-01 : f32
          %mul3A_505 = vector.broadcast %mul3A_504 : f32 to vector<16xf32>
          %mul3A_506 = arith.mulf %gather3A_313, %mul3A_505 : vector<16xf32>
          %add3A_507 = arith.addf %gather3A_307, %mul3A_506 : vector<16xf32>
          %mul3A_508 = arith.constant 5.000000e-01 : f32
          %mul3A_509 = vector.broadcast %mul3A_508 : f32 to vector<16xf32>
          %mul3A_510 = arith.mulf %gather3A_316, %mul3A_509 : vector<16xf32>
          %sub3A_511 = arith.subf %gather3A_310, %mul3A_510 : vector<16xf32>
          %mul3A_512 = arith.constant 5.000000e-01 : f32
          %mul3A_513 = vector.broadcast %mul3A_512 : f32 to vector<16xf32>
          %mul3A_514 = arith.mulf %gather3A_316, %mul3A_513 : vector<16xf32>
          %add3A_515 = arith.addf %gather3A_310, %mul3A_514 : vector<16xf32>
          %min3A_516 = arith.minimumf %add3A_491, %add3A_507 : vector<16xf32>
          %max3A_517 = arith.maximumf %sub3A_487, %sub3A_503 : vector<16xf32>
          %sub3A_518 = arith.subf %min3A_516, %max3A_517 : vector<16xf32>
          %max3A_519 = arith.constant 0.000000e+00 : f32
          %max3A_520 = vector.broadcast %max3A_519 : f32 to vector<16xf32>
          %max3A_521 = arith.maximumf %sub3A_518, %max3A_520 : vector<16xf32>
          %min3A_522 = arith.minimumf %add3A_499, %add3A_515 : vector<16xf32>
          %max3A_523 = arith.maximumf %sub3A_495, %sub3A_511 : vector<16xf32>
          %sub3A_524 = arith.subf %min3A_522, %max3A_523 : vector<16xf32>
          %max3A_525 = arith.constant 0.000000e+00 : f32
          %max3A_526 = vector.broadcast %max3A_525 : f32 to vector<16xf32>
          %max3A_527 = arith.maximumf %sub3A_524, %max3A_526 : vector<16xf32>
          %mul3A_528 = arith.mulf %max3A_521, %max3A_527 : vector<16xf32>
          %max3A_529 = arith.constant 0.000000e+00 : f32
          %max3A_530 = vector.broadcast %max3A_529 : f32 to vector<16xf32>
          %max3A_531 = arith.maximumf %gather3A_268, %max3A_530 : vector<16xf32>
          %max3A_532 = arith.constant 0.000000e+00 : f32
          %max3A_533 = vector.broadcast %max3A_532 : f32 to vector<16xf32>
          %max3A_534 = arith.maximumf %gather3A_271, %max3A_533 : vector<16xf32>
          %mul3A_535 = arith.mulf %max3A_531, %max3A_534 : vector<16xf32>
          %max3A_536 = arith.constant 0.000000e+00 : f32
          %max3A_537 = vector.broadcast %max3A_536 : f32 to vector<16xf32>
          %max3A_538 = arith.maximumf %gather3A_313, %max3A_537 : vector<16xf32>
          %max3A_539 = arith.constant 0.000000e+00 : f32
          %max3A_540 = vector.broadcast %max3A_539 : f32 to vector<16xf32>
          %max3A_541 = arith.maximumf %gather3A_316, %max3A_540 : vector<16xf32>
          %mul3A_542 = arith.mulf %max3A_538, %max3A_541 : vector<16xf32>
          %add3A_543 = arith.addf %mul3A_535, %mul3A_542 : vector<16xf32>
          %sub3A_544 = arith.subf %add3A_543, %mul3A_528 : vector<16xf32>
          %add3A_545 = arith.constant 1.000000e-10 : f32
          %add3A_546 = vector.broadcast %add3A_545 : f32 to vector<16xf32>
          %add3A_547 = arith.addf %sub3A_544, %add3A_546 : vector<16xf32>
          %div3A_548 = arith.divf %mul3A_528, %add3A_547 : vector<16xf32>
          %sub3A_549 = arith.subf %gather3A_259, %div3A_548 : vector<16xf32>
          %mul3A_550 = arith.mulf %select_n3A_453, %sub3A_549 : vector<16xf32>
          %mul3A_551 = arith.mulf %mul3A_550, %sub3A_549 : vector<16xf32>
          %add3A_552 = arith.addf %add3A_441, %mul3A_551 : vector<16xf32>
          %sub3A_553 = arith.constant 1.000000e+00 : f32
          %sub3A_554 = vector.broadcast %sub3A_553 : f32 to vector<16xf32>
          %sub3A_555 = arith.subf %sub3A_554, %select_n3A_453 : vector<16xf32>
          %mul3A_556 = arith.mulf %sub3A_555, %gather3A_259 : vector<16xf32>
          %mul3A_557 = arith.mulf %mul3A_556, %gather3A_259 : vector<16xf32>
          %add3A_558 = arith.addf %add3A_447, %mul3A_557 : vector<16xf32>
          %and3A_559 = arith.andi %gt3A_340, %and3A_337 : vector<16xi1>
          %jit3A_560 = arith.constant 1.000000e+00 : f32
          %jit3A_561 = arith.constant 0.000000e+00 : f32
          %broadcast_in_dim3A_562 = vector.broadcast %jit3A_560 : f32 to vector<16xf32>
          %broadcast_in_dim3A_563 = vector.broadcast %jit3A_561 : f32 to vector<16xf32>
          %select_n3A_564 = arith.select %and3A_559, %broadcast_in_dim3A_562, %broadcast_in_dim3A_563 : vector<16xi1>, vector<16xf32>
          %mul3A_565 = arith.constant 2.800000e+01 : f32
          %mul3A_566 = vector.broadcast %mul3A_565 : f32 to vector<16xf32>
          %mul3A_567 = arith.mulf %gather3A_322, %mul3A_566 : vector<16xf32>
          %sub3A_568 = arith.subf %mul3A_567, %add3A_226 : vector<16xf32>
          %sub3A_569 = arith.subf %gather3A_277, %sub3A_568 : vector<16xf32>
          %mul3A_570 = arith.constant 2.800000e+01 : f32
          %mul3A_571 = vector.broadcast %mul3A_570 : f32 to vector<16xf32>
          %mul3A_572 = arith.mulf %gather3A_325, %mul3A_571 : vector<16xf32>
          %sub3A_573 = arith.subf %mul3A_572, %convert_element_type3A_5 : vector<16xf32>
          %sub3A_574 = arith.subf %gather3A_280, %sub3A_573 : vector<16xf32>
          %sub3A_575 = arith.subf %gather3A_283, %gather3A_328 : vector<16xf32>
          %sub3A_576 = arith.subf %gather3A_286, %gather3A_331 : vector<16xf32>
          %mul3A_577 = arith.mulf %sub3A_569, %sub3A_569 : vector<16xf32>
          %mul3A_578 = arith.mulf %sub3A_574, %sub3A_574 : vector<16xf32>
          %add3A_579 = arith.addf %mul3A_577, %mul3A_578 : vector<16xf32>
          %mul3A_580 = arith.mulf %select_n3A_564, %add3A_579 : vector<16xf32>
          %add3A_581 = arith.addf %add3A_470, %mul3A_580 : vector<16xf32>
          %mul3A_582 = arith.mulf %sub3A_575, %sub3A_575 : vector<16xf32>
          %mul3A_583 = arith.mulf %sub3A_576, %sub3A_576 : vector<16xf32>
          %add3A_584 = arith.addf %mul3A_582, %mul3A_583 : vector<16xf32>
          %mul3A_585 = arith.mulf %select_n3A_564, %add3A_584 : vector<16xf32>
          %add3A_586 = arith.addf %add3A_475, %mul3A_585 : vector<16xf32>
          %add3A_587 = arith.addf %gather3A_277, %add3A_226 : vector<16xf32>
          %div3A_588 = arith.constant 2.800000e+01 : f32
          %div3A_589 = vector.broadcast %div3A_588 : f32 to vector<16xf32>
          %div3A_590 = arith.divf %add3A_587, %div3A_589 : vector<16xf32>
          %add3A_591 = arith.addf %gather3A_280, %convert_element_type3A_5 : vector<16xf32>
          %div3A_592 = arith.constant 2.800000e+01 : f32
          %div3A_593 = vector.broadcast %div3A_592 : f32 to vector<16xf32>
          %div3A_594 = arith.divf %add3A_591, %div3A_593 : vector<16xf32>
          %mul3A_595 = arith.constant 5.000000e-01 : f32
          %mul3A_596 = vector.broadcast %mul3A_595 : f32 to vector<16xf32>
          %mul3A_597 = arith.mulf %gather3A_283, %mul3A_596 : vector<16xf32>
          %sub3A_598 = arith.subf %div3A_590, %mul3A_597 : vector<16xf32>
          %mul3A_599 = arith.constant 5.000000e-01 : f32
          %mul3A_600 = vector.broadcast %mul3A_599 : f32 to vector<16xf32>
          %mul3A_601 = arith.mulf %gather3A_283, %mul3A_600 : vector<16xf32>
          %add3A_602 = arith.addf %div3A_590, %mul3A_601 : vector<16xf32>
          %mul3A_603 = arith.constant 5.000000e-01 : f32
          %mul3A_604 = vector.broadcast %mul3A_603 : f32 to vector<16xf32>
          %mul3A_605 = arith.mulf %gather3A_286, %mul3A_604 : vector<16xf32>
          %sub3A_606 = arith.subf %div3A_594, %mul3A_605 : vector<16xf32>
          %mul3A_607 = arith.constant 5.000000e-01 : f32
          %mul3A_608 = vector.broadcast %mul3A_607 : f32 to vector<16xf32>
          %mul3A_609 = arith.mulf %gather3A_286, %mul3A_608 : vector<16xf32>
          %add3A_610 = arith.addf %div3A_594, %mul3A_609 : vector<16xf32>
          %mul3A_611 = arith.constant 5.000000e-01 : f32
          %mul3A_612 = vector.broadcast %mul3A_611 : f32 to vector<16xf32>
          %mul3A_613 = arith.mulf %gather3A_328, %mul3A_612 : vector<16xf32>
          %sub3A_614 = arith.subf %gather3A_322, %mul3A_613 : vector<16xf32>
          %mul3A_615 = arith.constant 5.000000e-01 : f32
          %mul3A_616 = vector.broadcast %mul3A_615 : f32 to vector<16xf32>
          %mul3A_617 = arith.mulf %gather3A_328, %mul3A_616 : vector<16xf32>
          %add3A_618 = arith.addf %gather3A_322, %mul3A_617 : vector<16xf32>
          %mul3A_619 = arith.constant 5.000000e-01 : f32
          %mul3A_620 = vector.broadcast %mul3A_619 : f32 to vector<16xf32>
          %mul3A_621 = arith.mulf %gather3A_331, %mul3A_620 : vector<16xf32>
          %sub3A_622 = arith.subf %gather3A_325, %mul3A_621 : vector<16xf32>
          %mul3A_623 = arith.constant 5.000000e-01 : f32
          %mul3A_624 = vector.broadcast %mul3A_623 : f32 to vector<16xf32>
          %mul3A_625 = arith.mulf %gather3A_331, %mul3A_624 : vector<16xf32>
          %add3A_626 = arith.addf %gather3A_325, %mul3A_625 : vector<16xf32>
          %min3A_627 = arith.minimumf %add3A_602, %add3A_618 : vector<16xf32>
          %max3A_628 = arith.maximumf %sub3A_598, %sub3A_614 : vector<16xf32>
          %sub3A_629 = arith.subf %min3A_627, %max3A_628 : vector<16xf32>
          %max3A_630 = arith.constant 0.000000e+00 : f32
          %max3A_631 = vector.broadcast %max3A_630 : f32 to vector<16xf32>
          %max3A_632 = arith.maximumf %sub3A_629, %max3A_631 : vector<16xf32>
          %min3A_633 = arith.minimumf %add3A_610, %add3A_626 : vector<16xf32>
          %max3A_634 = arith.maximumf %sub3A_606, %sub3A_622 : vector<16xf32>
          %sub3A_635 = arith.subf %min3A_633, %max3A_634 : vector<16xf32>
          %max3A_636 = arith.constant 0.000000e+00 : f32
          %max3A_637 = vector.broadcast %max3A_636 : f32 to vector<16xf32>
          %max3A_638 = arith.maximumf %sub3A_635, %max3A_637 : vector<16xf32>
          %mul3A_639 = arith.mulf %max3A_632, %max3A_638 : vector<16xf32>
          %max3A_640 = arith.constant 0.000000e+00 : f32
          %max3A_641 = vector.broadcast %max3A_640 : f32 to vector<16xf32>
          %max3A_642 = arith.maximumf %gather3A_283, %max3A_641 : vector<16xf32>
          %max3A_643 = arith.constant 0.000000e+00 : f32
          %max3A_644 = vector.broadcast %max3A_643 : f32 to vector<16xf32>
          %max3A_645 = arith.maximumf %gather3A_286, %max3A_644 : vector<16xf32>
          %mul3A_646 = arith.mulf %max3A_642, %max3A_645 : vector<16xf32>
          %max3A_647 = arith.constant 0.000000e+00 : f32
          %max3A_648 = vector.broadcast %max3A_647 : f32 to vector<16xf32>
          %max3A_649 = arith.maximumf %gather3A_328, %max3A_648 : vector<16xf32>
          %max3A_650 = arith.constant 0.000000e+00 : f32
          %max3A_651 = vector.broadcast %max3A_650 : f32 to vector<16xf32>
          %max3A_652 = arith.maximumf %gather3A_331, %max3A_651 : vector<16xf32>
          %mul3A_653 = arith.mulf %max3A_649, %max3A_652 : vector<16xf32>
          %add3A_654 = arith.addf %mul3A_646, %mul3A_653 : vector<16xf32>
          %sub3A_655 = arith.subf %add3A_654, %mul3A_639 : vector<16xf32>
          %add3A_656 = arith.constant 1.000000e-10 : f32
          %add3A_657 = vector.broadcast %add3A_656 : f32 to vector<16xf32>
          %add3A_658 = arith.addf %sub3A_655, %add3A_657 : vector<16xf32>
          %div3A_659 = arith.divf %mul3A_639, %add3A_658 : vector<16xf32>
          %sub3A_660 = arith.subf %gather3A_274, %div3A_659 : vector<16xf32>
          %mul3A_661 = arith.mulf %select_n3A_564, %sub3A_660 : vector<16xf32>
          %mul3A_662 = arith.mulf %mul3A_661, %sub3A_660 : vector<16xf32>
          %add3A_663 = arith.addf %add3A_552, %mul3A_662 : vector<16xf32>
          %sub3A_664 = arith.constant 1.000000e+00 : f32
          %sub3A_665 = vector.broadcast %sub3A_664 : f32 to vector<16xf32>
          %sub3A_666 = arith.subf %sub3A_665, %select_n3A_564 : vector<16xf32>
          %mul3A_667 = arith.mulf %sub3A_666, %gather3A_274 : vector<16xf32>
          %mul3A_668 = arith.mulf %mul3A_667, %gather3A_274 : vector<16xf32>
          %add3A_669 = arith.addf %add3A_558, %mul3A_668 : vector<16xf32>
          %add3A_670 = arith.addf %scan3A_235, %add3A_581 : vector<16xf32>
          %add3A_671 = arith.addf %scan3A_236, %add3A_586 : vector<16xf32>
          %add3A_672 = arith.addf %scan3A_237, %add3A_663 : vector<16xf32>
          %add3A_673 = arith.addf %scan3A_238, %add3A_669 : vector<16xf32>
          scf.yield %add3A_670, %add3A_671, %add3A_672, %add3A_673 : vector<16xf32>, vector<16xf32>, vector<16xf32>, vector<16xf32>
        }
        %scan3A_233 = arith.constant 4 : i32
        scf.yield %scan3A_232#0, %scan3A_232#1, %scan3A_232#2, %scan3A_232#3 : vector<16xf32>, vector<16xf32>, vector<16xf32>, vector<16xf32>
      }
      %scan3A_116 = arith.constant 4 : i32
      %dma_start3A_117 = arith.constant 20 : i32
      %dma_start3A_118 = arith.constant 0 : i32
      %dma_start3A_119 = arith.constant 0 : i32
      %dma_start3A_120 = tpu.memref_slice %arg2[%add3A, %dma_start3A_117, %dma_start3A_118, %dma_start3A_119] : memref<28x28x64x128xf32, #tpu.memory_space<hbm>> -> memref<1x4x64x128xf32, #tpu.memory_space<hbm>>
      %dma_start3A_121 = tpu.memref_squeeze %dma_start3A_120 : memref<1x4x64x128xf32, #tpu.memory_space<hbm>> -> memref<4x64x128xf32, #tpu.memory_space<hbm>>
      %dma_start3A_122 = arith.constant 20 : i32
      %dma_start3A_123 = arith.constant 0 : i32
      %dma_start3A_124 = arith.constant 0 : i32
      %dma_start3A_125 = tpu.memref_slice %arg2[%add3A, %dma_start3A_122, %dma_start3A_123, %dma_start3A_124] : memref<28x28x64x128xf32, #tpu.memory_space<hbm>> -> memref<1x4x64x128xf32, #tpu.memory_space<hbm>>
      %dma_start3A_126 = tpu.memref_squeeze %dma_start3A_125 : memref<1x4x64x128xf32, #tpu.memory_space<hbm>> -> memref<4x64x128xf32, #tpu.memory_space<hbm>>
      tpu.enqueue_dma source(%dma_start3A_126 : memref<4x64x128xf32, #tpu.memory_space<hbm>>) target(%arg5 : memref<4x64x128xf32, #tpu.memory_space<vmem>>) target_semaphore(%arg8 : memref<!tpu.dma_semaphore, #tpu.memory_space<semaphore_mem>>)
      %dma_wait3A_127 = arith.constant 16 : i32
      %dma_wait3A_128 = arith.constant 0 : i32
      %dma_wait3A_129 = arith.constant 0 : i32
      %dma_wait3A_130 = tpu.memref_slice %arg2[%add3A, %dma_wait3A_127, %dma_wait3A_128, %dma_wait3A_129] : memref<28x28x64x128xf32, #tpu.memory_space<hbm>> -> memref<1x4x64x128xf32, #tpu.memory_space<hbm>>
      %dma_wait3A_131 = tpu.memref_squeeze %dma_wait3A_130 : memref<1x4x64x128xf32, #tpu.memory_space<hbm>> -> memref<4x64x128xf32, #tpu.memory_space<hbm>>
      %dma_wait3A_132 = arith.constant 16 : i32
      %dma_wait3A_133 = arith.constant 0 : i32
      %dma_wait3A_134 = arith.constant 0 : i32
      %dma_wait3A_135 = tpu.memref_slice %arg2[%add3A, %dma_wait3A_132, %dma_wait3A_133, %dma_wait3A_134] : memref<28x28x64x128xf32, #tpu.memory_space<hbm>> -> memref<1x4x64x128xf32, #tpu.memory_space<hbm>>
      %dma_wait3A_136 = tpu.memref_squeeze %dma_wait3A_135 : memref<1x4x64x128xf32, #tpu.memory_space<hbm>> -> memref<4x64x128xf32, #tpu.memory_space<hbm>>
      tpu.wait_dma2 semaphore(%arg7 : memref<!tpu.dma_semaphore, #tpu.memory_space<semaphore_mem>>) src(%dma_wait3A_136 : memref<4x64x128xf32, #tpu.memory_space<hbm>>) dst(%arg4 : memref<4x64x128xf32, #tpu.memory_space<vmem>>)
      %scan3A_137 = arith.constant 0 : i32
      %scan3A_138 = arith.constant 4 : i32
      %scan3A_139 = arith.addi %scan3A_137, %scan3A_138 : i32
      %scan3A_140 = arith.constant 1 : i32
      %scan3A_141:4 = scf.for %scan3A_216 = %scan3A_137 to %scan3A_139 step %scan3A_140 iter_args(%scan3A_217 = %scan3A_115#0, %scan3A_218 = %scan3A_115#1, %scan3A_219 = %scan3A_115#2, %scan3A_220 = %scan3A_115#3) -> (vector<16xf32>, vector<16xf32>, vector<16xf32>, vector<16xf32>)  : i32 {
        %broadcast_in_dim3A_221 = arith.constant 16 : i32
        %broadcast_in_dim3A_222 = vector.broadcast %broadcast_in_dim3A_221 : i32 to vector<16xi32>
        %convert_element_type3A_223 = arith.sitofp %broadcast_in_dim3A_222 : vector<16xi32> to vector<16xf32>
        %convert_element_type3A_224 = arith.sitofp %scan3A_216 : i32 to f32
        %add3A_225 = vector.broadcast %convert_element_type3A_224 : f32 to vector<16xf32>
        %add3A_226 = arith.addf %convert_element_type3A_223, %add3A_225 : vector<16xf32>
        %broadcast_in_dim3A_227 = vector.broadcast %scan3A_216 : i32 to vector<16xi32>
        %scan3A_228 = arith.constant 0 : i32
        %scan3A_229 = arith.constant 4 : i32
        %scan3A_230 = arith.addi %scan3A_228, %scan3A_229 : i32
        %scan3A_231 = arith.constant 1 : i32
        %scan3A_232:4 = scf.for %scan3A_234 = %scan3A_228 to %scan3A_230 step %scan3A_231 iter_args(%scan3A_235 = %scan3A_217, %scan3A_236 = %scan3A_218, %scan3A_237 = %scan3A_219, %scan3A_238 = %scan3A_220) -> (vector<16xf32>, vector<16xf32>, vector<16xf32>, vector<16xf32>)  : i32 {
          %mul3A_239 = arith.constant 16 : i32
          %mul3A_240 = arith.muli %scan3A_234, %mul3A_239 : i32
          %add3A_241 = vector.broadcast %mul3A_240 : i32 to vector<16xi32>
          %add3A_242 = arith.addi %add3A_241, %iota3A : vector<16xi32>
          %broadcast_in_dim3A_243 = arith.constant 0 : i32
          %broadcast_in_dim3A_244 = vector.broadcast %broadcast_in_dim3A_243 : i32 to vector<16xi32>
          %gather3A = tpu.vector_load_idx %arg4[%broadcast_in_dim3A_227, %add3A_242, %broadcast_in_dim3A_244] : memref<4x64x128xf32, #tpu.memory_space<vmem>>[vector<16xi32>, vector<16xi32>, vector<16xi32>], vector<16xf32>,
          %broadcast_in_dim3A_245 = arith.constant 1 : i32
          %broadcast_in_dim3A_246 = vector.broadcast %broadcast_in_dim3A_245 : i32 to vector<16xi32>
          %gather3A_247 = tpu.vector_load_idx %arg4[%broadcast_in_dim3A_227, %add3A_242, %broadcast_in_dim3A_246] : memref<4x64x128xf32, #tpu.memory_space<vmem>>[vector<16xi32>, vector<16xi32>, vector<16xi32>], vector<16xf32>,
          %broadcast_in_dim3A_248 = arith.constant 2 : i32
          %broadcast_in_dim3A_249 = vector.broadcast %broadcast_in_dim3A_248 : i32 to vector<16xi32>
          %gather3A_250 = tpu.vector_load_idx %arg4[%broadcast_in_dim3A_227, %add3A_242, %broadcast_in_dim3A_249] : memref<4x64x128xf32, #tpu.memory_space<vmem>>[vector<16xi32>, vector<16xi32>, vector<16xi32>], vector<16xf32>,
          %broadcast_in_dim3A_251 = arith.constant 3 : i32
          %broadcast_in_dim3A_252 = vector.broadcast %broadcast_in_dim3A_251 : i32 to vector<16xi32>
          %gather3A_253 = tpu.vector_load_idx %arg4[%broadcast_in_dim3A_227, %add3A_242, %broadcast_in_dim3A_252] : memref<4x64x128xf32, #tpu.memory_space<vmem>>[vector<16xi32>, vector<16xi32>, vector<16xi32>], vector<16xf32>,
          %broadcast_in_dim3A_254 = arith.constant 4 : i32
          %broadcast_in_dim3A_255 = vector.broadcast %broadcast_in_dim3A_254 : i32 to vector<16xi32>
          %gather3A_256 = tpu.vector_load_idx %arg4[%broadcast_in_dim3A_227, %add3A_242, %broadcast_in_dim3A_255] : memref<4x64x128xf32, #tpu.memory_space<vmem>>[vector<16xi32>, vector<16xi32>, vector<16xi32>], vector<16xf32>,
          %broadcast_in_dim3A_257 = arith.constant 5 : i32
          %broadcast_in_dim3A_258 = vector.broadcast %broadcast_in_dim3A_257 : i32 to vector<16xi32>
          %gather3A_259 = tpu.vector_load_idx %arg4[%broadcast_in_dim3A_227, %add3A_242, %broadcast_in_dim3A_258] : memref<4x64x128xf32, #tpu.memory_space<vmem>>[vector<16xi32>, vector<16xi32>, vector<16xi32>], vector<16xf32>,
          %broadcast_in_dim3A_260 = arith.constant 6 : i32
          %broadcast_in_dim3A_261 = vector.broadcast %broadcast_in_dim3A_260 : i32 to vector<16xi32>
          %gather3A_262 = tpu.vector_load_idx %arg4[%broadcast_in_dim3A_227, %add3A_242, %broadcast_in_dim3A_261] : memref<4x64x128xf32, #tpu.memory_space<vmem>>[vector<16xi32>, vector<16xi32>, vector<16xi32>], vector<16xf32>,
          %broadcast_in_dim3A_263 = arith.constant 7 : i32
          %broadcast_in_dim3A_264 = vector.broadcast %broadcast_in_dim3A_263 : i32 to vector<16xi32>
          %gather3A_265 = tpu.vector_load_idx %arg4[%broadcast_in_dim3A_227, %add3A_242, %broadcast_in_dim3A_264] : memref<4x64x128xf32, #tpu.memory_space<vmem>>[vector<16xi32>, vector<16xi32>, vector<16xi32>], vector<16xf32>,
          %broadcast_in_dim3A_266 = arith.constant 8 : i32
          %broadcast_in_dim3A_267 = vector.broadcast %broadcast_in_dim3A_266 : i32 to vector<16xi32>
          %gather3A_268 = tpu.vector_load_idx %arg4[%broadcast_in_dim3A_227, %add3A_242, %broadcast_in_dim3A_267] : memref<4x64x128xf32, #tpu.memory_space<vmem>>[vector<16xi32>, vector<16xi32>, vector<16xi32>], vector<16xf32>,
          %broadcast_in_dim3A_269 = arith.constant 9 : i32
          %broadcast_in_dim3A_270 = vector.broadcast %broadcast_in_dim3A_269 : i32 to vector<16xi32>
          %gather3A_271 = tpu.vector_load_idx %arg4[%broadcast_in_dim3A_227, %add3A_242, %broadcast_in_dim3A_270] : memref<4x64x128xf32, #tpu.memory_space<vmem>>[vector<16xi32>, vector<16xi32>, vector<16xi32>], vector<16xf32>,
          %broadcast_in_dim3A_272 = arith.constant 10 : i32
          %broadcast_in_dim3A_273 = vector.broadcast %broadcast_in_dim3A_272 : i32 to vector<16xi32>
          %gather3A_274 = tpu.vector_load_idx %arg4[%broadcast_in_dim3A_227, %add3A_242, %broadcast_in_dim3A_273] : memref<4x64x128xf32, #tpu.memory_space<vmem>>[vector<16xi32>, vector<16xi32>, vector<16xi32>], vector<16xf32>,
          %broadcast_in_dim3A_275 = arith.constant 11 : i32
          %broadcast_in_dim3A_276 = vector.broadcast %broadcast_in_dim3A_275 : i32 to vector<16xi32>
          %gather3A_277 = tpu.vector_load_idx %arg4[%broadcast_in_dim3A_227, %add3A_242, %broadcast_in_dim3A_276] : memref<4x64x128xf32, #tpu.memory_space<vmem>>[vector<16xi32>, vector<16xi32>, vector<16xi32>], vector<16xf32>,
          %broadcast_in_dim3A_278 = arith.constant 12 : i32
          %broadcast_in_dim3A_279 = vector.broadcast %broadcast_in_dim3A_278 : i32 to vector<16xi32>
          %gather3A_280 = tpu.vector_load_idx %arg4[%broadcast_in_dim3A_227, %add3A_242, %broadcast_in_dim3A_279] : memref<4x64x128xf32, #tpu.memory_space<vmem>>[vector<16xi32>, vector<16xi32>, vector<16xi32>], vector<16xf32>,
          %broadcast_in_dim3A_281 = arith.constant 13 : i32
          %broadcast_in_dim3A_282 = vector.broadcast %broadcast_in_dim3A_281 : i32 to vector<16xi32>
          %gather3A_283 = tpu.vector_load_idx %arg4[%broadcast_in_dim3A_227, %add3A_242, %broadcast_in_dim3A_282] : memref<4x64x128xf32, #tpu.memory_space<vmem>>[vector<16xi32>, vector<16xi32>, vector<16xi32>], vector<16xf32>,
          %broadcast_in_dim3A_284 = arith.constant 14 : i32
          %broadcast_in_dim3A_285 = vector.broadcast %broadcast_in_dim3A_284 : i32 to vector<16xi32>
          %gather3A_286 = tpu.vector_load_idx %arg4[%broadcast_in_dim3A_227, %add3A_242, %broadcast_in_dim3A_285] : memref<4x64x128xf32, #tpu.memory_space<vmem>>[vector<16xi32>, vector<16xi32>, vector<16xi32>], vector<16xf32>,
          %broadcast_in_dim3A_287 = arith.constant 16 : i32
          %broadcast_in_dim3A_288 = vector.broadcast %broadcast_in_dim3A_287 : i32 to vector<16xi32>
          %gather3A_289 = tpu.vector_load_idx %arg4[%broadcast_in_dim3A_227, %add3A_242, %broadcast_in_dim3A_288] : memref<4x64x128xf32, #tpu.memory_space<vmem>>[vector<16xi32>, vector<16xi32>, vector<16xi32>], vector<16xf32>,
          %broadcast_in_dim3A_290 = arith.constant 17 : i32
          %broadcast_in_dim3A_291 = vector.broadcast %broadcast_in_dim3A_290 : i32 to vector<16xi32>
          %gather3A_292 = tpu.vector_load_idx %arg4[%broadcast_in_dim3A_227, %add3A_242, %broadcast_in_dim3A_291] : memref<4x64x128xf32, #tpu.memory_space<vmem>>[vector<16xi32>, vector<16xi32>, vector<16xi32>], vector<16xf32>,
          %broadcast_in_dim3A_293 = arith.constant 18 : i32
          %broadcast_in_dim3A_294 = vector.broadcast %broadcast_in_dim3A_293 : i32 to vector<16xi32>
          %gather3A_295 = tpu.vector_load_idx %arg4[%broadcast_in_dim3A_227, %add3A_242, %broadcast_in_dim3A_294] : memref<4x64x128xf32, #tpu.memory_space<vmem>>[vector<16xi32>, vector<16xi32>, vector<16xi32>], vector<16xf32>,
          %broadcast_in_dim3A_296 = arith.constant 19 : i32
          %broadcast_in_dim3A_297 = vector.broadcast %broadcast_in_dim3A_296 : i32 to vector<16xi32>
          %gather3A_298 = tpu.vector_load_idx %arg4[%broadcast_in_dim3A_227, %add3A_242, %broadcast_in_dim3A_297] : memref<4x64x128xf32, #tpu.memory_space<vmem>>[vector<16xi32>, vector<16xi32>, vector<16xi32>], vector<16xf32>,
          %broadcast_in_dim3A_299 = arith.constant 20 : i32
          %broadcast_in_dim3A_300 = vector.broadcast %broadcast_in_dim3A_299 : i32 to vector<16xi32>
          %gather3A_301 = tpu.vector_load_idx %arg4[%broadcast_in_dim3A_227, %add3A_242, %broadcast_in_dim3A_300] : memref<4x64x128xf32, #tpu.memory_space<vmem>>[vector<16xi32>, vector<16xi32>, vector<16xi32>], vector<16xf32>,
          %broadcast_in_dim3A_302 = arith.constant 21 : i32
          %broadcast_in_dim3A_303 = vector.broadcast %broadcast_in_dim3A_302 : i32 to vector<16xi32>
          %gather3A_304 = tpu.vector_load_idx %arg4[%broadcast_in_dim3A_227, %add3A_242, %broadcast_in_dim3A_303] : memref<4x64x128xf32, #tpu.memory_space<vmem>>[vector<16xi32>, vector<16xi32>, vector<16xi32>], vector<16xf32>,
          %broadcast_in_dim3A_305 = arith.constant 22 : i32
          %broadcast_in_dim3A_306 = vector.broadcast %broadcast_in_dim3A_305 : i32 to vector<16xi32>
          %gather3A_307 = tpu.vector_load_idx %arg4[%broadcast_in_dim3A_227, %add3A_242, %broadcast_in_dim3A_306] : memref<4x64x128xf32, #tpu.memory_space<vmem>>[vector<16xi32>, vector<16xi32>, vector<16xi32>], vector<16xf32>,
          %broadcast_in_dim3A_308 = arith.constant 23 : i32
          %broadcast_in_dim3A_309 = vector.broadcast %broadcast_in_dim3A_308 : i32 to vector<16xi32>
          %gather3A_310 = tpu.vector_load_idx %arg4[%broadcast_in_dim3A_227, %add3A_242, %broadcast_in_dim3A_309] : memref<4x64x128xf32, #tpu.memory_space<vmem>>[vector<16xi32>, vector<16xi32>, vector<16xi32>], vector<16xf32>,
          %broadcast_in_dim3A_311 = arith.constant 24 : i32
          %broadcast_in_dim3A_312 = vector.broadcast %broadcast_in_dim3A_311 : i32 to vector<16xi32>
          %gather3A_313 = tpu.vector_load_idx %arg4[%broadcast_in_dim3A_227, %add3A_242, %broadcast_in_dim3A_312] : memref<4x64x128xf32, #tpu.memory_space<vmem>>[vector<16xi32>, vector<16xi32>, vector<16xi32>], vector<16xf32>,
          %broadcast_in_dim3A_314 = arith.constant 25 : i32
          %broadcast_in_dim3A_315 = vector.broadcast %broadcast_in_dim3A_314 : i32 to vector<16xi32>
          %gather3A_316 = tpu.vector_load_idx %arg4[%broadcast_in_dim3A_227, %add3A_242, %broadcast_in_dim3A_315] : memref<4x64x128xf32, #tpu.memory_space<vmem>>[vector<16xi32>, vector<16xi32>, vector<16xi32>], vector<16xf32>,
          %broadcast_in_dim3A_317 = arith.constant 26 : i32
          %broadcast_in_dim3A_318 = vector.broadcast %broadcast_in_dim3A_317 : i32 to vector<16xi32>
          %gather3A_319 = tpu.vector_load_idx %arg4[%broadcast_in_dim3A_227, %add3A_242, %broadcast_in_dim3A_318] : memref<4x64x128xf32, #tpu.memory_space<vmem>>[vector<16xi32>, vector<16xi32>, vector<16xi32>], vector<16xf32>,
          %broadcast_in_dim3A_320 = arith.constant 27 : i32
          %broadcast_in_dim3A_321 = vector.broadcast %broadcast_in_dim3A_320 : i32 to vector<16xi32>
          %gather3A_322 = tpu.vector_load_idx %arg4[%broadcast_in_dim3A_227, %add3A_242, %broadcast_in_dim3A_321] : memref<4x64x128xf32, #tpu.memory_space<vmem>>[vector<16xi32>, vector<16xi32>, vector<16xi32>], vector<16xf32>,
          %broadcast_in_dim3A_323 = arith.constant 28 : i32
          %broadcast_in_dim3A_324 = vector.broadcast %broadcast_in_dim3A_323 : i32 to vector<16xi32>
          %gather3A_325 = tpu.vector_load_idx %arg4[%broadcast_in_dim3A_227, %add3A_242, %broadcast_in_dim3A_324] : memref<4x64x128xf32, #tpu.memory_space<vmem>>[vector<16xi32>, vector<16xi32>, vector<16xi32>], vector<16xf32>,
          %broadcast_in_dim3A_326 = arith.constant 29 : i32
          %broadcast_in_dim3A_327 = vector.broadcast %broadcast_in_dim3A_326 : i32 to vector<16xi32>
          %gather3A_328 = tpu.vector_load_idx %arg4[%broadcast_in_dim3A_227, %add3A_242, %broadcast_in_dim3A_327] : memref<4x64x128xf32, #tpu.memory_space<vmem>>[vector<16xi32>, vector<16xi32>, vector<16xi32>], vector<16xf32>,
          %broadcast_in_dim3A_329 = arith.constant 30 : i32
          %broadcast_in_dim3A_330 = vector.broadcast %broadcast_in_dim3A_329 : i32 to vector<16xi32>
          %gather3A_331 = tpu.vector_load_idx %arg4[%broadcast_in_dim3A_227, %add3A_242, %broadcast_in_dim3A_330] : memref<4x64x128xf32, #tpu.memory_space<vmem>>[vector<16xi32>, vector<16xi32>, vector<16xi32>], vector<16xf32>,
          %ge3A = arith.cmpf oge, %gather3A, %gather3A_259 : vector<16xf32>
          %ge3A_332 = arith.cmpf oge, %gather3A, %gather3A_274 : vector<16xf32>
          %and3A = arith.andi %ge3A, %ge3A_332 : vector<16xi1>
          %gt3A = arith.cmpf ogt, %gather3A_259, %gather3A : vector<16xf32>
          %ge3A_333 = arith.cmpf oge, %gather3A_259, %gather3A_274 : vector<16xf32>
          %and3A_334 = arith.andi %gt3A, %ge3A_333 : vector<16xi1>
          %gt3A_335 = arith.cmpf ogt, %gather3A_274, %gather3A : vector<16xf32>
          %gt3A_336 = arith.cmpf ogt, %gather3A_274, %gather3A_259 : vector<16xf32>
          %and3A_337 = arith.andi %gt3A_335, %gt3A_336 : vector<16xi1>
          %gt3A_338 = arith.constant 0.000000e+00 : f32
          %gt3A_339 = vector.broadcast %gt3A_338 : f32 to vector<16xf32>
          %gt3A_340 = arith.cmpf ogt, %gather3A_289, %gt3A_339 : vector<16xf32>
          %broadcast_in_dim3A_341 = arith.constant 0.000000e+00 : f32
          %broadcast_in_dim3A_342 = vector.broadcast %broadcast_in_dim3A_341 : f32 to vector<16xf32>
          %and3A_343 = arith.andi %gt3A_340, %and3A : vector<16xi1>
          %jit3A = arith.constant 1.000000e+00 : f32
          %jit3A_344 = arith.constant 0.000000e+00 : f32
          %broadcast_in_dim3A_345 = vector.broadcast %jit3A : f32 to vector<16xf32>
          %broadcast_in_dim3A_346 = vector.broadcast %jit3A_344 : f32 to vector<16xf32>
          %select_n3A = arith.select %and3A_343, %broadcast_in_dim3A_345, %broadcast_in_dim3A_346 : vector<16xi1>, vector<16xf32>
          %mul3A_347 = arith.constant 2.800000e+01 : f32
          %mul3A_348 = vector.broadcast %mul3A_347 : f32 to vector<16xf32>
          %mul3A_349 = arith.mulf %gather3A_292, %mul3A_348 : vector<16xf32>
          %sub3A = arith.subf %mul3A_349, %add3A_226 : vector<16xf32>
          %sub3A_350 = arith.subf %gather3A_247, %sub3A : vector<16xf32>
          %mul3A_351 = arith.constant 2.800000e+01 : f32
          %mul3A_352 = vector.broadcast %mul3A_351 : f32 to vector<16xf32>
          %mul3A_353 = arith.mulf %gather3A_295, %mul3A_352 : vector<16xf32>
          %sub3A_354 = arith.subf %mul3A_353, %convert_element_type3A_5 : vector<16xf32>
          %sub3A_355 = arith.subf %gather3A_250, %sub3A_354 : vector<16xf32>
          %sub3A_356 = arith.subf %gather3A_253, %gather3A_298 : vector<16xf32>
          %sub3A_357 = arith.subf %gather3A_256, %gather3A_301 : vector<16xf32>
          %mul3A_358 = arith.mulf %sub3A_350, %sub3A_350 : vector<16xf32>
          %mul3A_359 = arith.mulf %sub3A_355, %sub3A_355 : vector<16xf32>
          %add3A_360 = arith.addf %mul3A_358, %mul3A_359 : vector<16xf32>
          %mul3A_361 = arith.mulf %select_n3A, %add3A_360 : vector<16xf32>
          %add3A_362 = arith.addf %broadcast_in_dim3A_342, %mul3A_361 : vector<16xf32>
          %mul3A_363 = arith.mulf %sub3A_356, %sub3A_356 : vector<16xf32>
          %mul3A_364 = arith.mulf %sub3A_357, %sub3A_357 : vector<16xf32>
          %add3A_365 = arith.addf %mul3A_363, %mul3A_364 : vector<16xf32>
          %mul3A_366 = arith.mulf %select_n3A, %add3A_365 : vector<16xf32>
          %add3A_367 = arith.addf %broadcast_in_dim3A_342, %mul3A_366 : vector<16xf32>
          %add3A_368 = arith.addf %gather3A_247, %add3A_226 : vector<16xf32>
          %div3A = arith.constant 2.800000e+01 : f32
          %div3A_369 = vector.broadcast %div3A : f32 to vector<16xf32>
          %div3A_370 = arith.divf %add3A_368, %div3A_369 : vector<16xf32>
          %add3A_371 = arith.addf %gather3A_250, %convert_element_type3A_5 : vector<16xf32>
          %div3A_372 = arith.constant 2.800000e+01 : f32
          %div3A_373 = vector.broadcast %div3A_372 : f32 to vector<16xf32>
          %div3A_374 = arith.divf %add3A_371, %div3A_373 : vector<16xf32>
          %mul3A_375 = arith.constant 5.000000e-01 : f32
          %mul3A_376 = vector.broadcast %mul3A_375 : f32 to vector<16xf32>
          %mul3A_377 = arith.mulf %gather3A_253, %mul3A_376 : vector<16xf32>
          %sub3A_378 = arith.subf %div3A_370, %mul3A_377 : vector<16xf32>
          %mul3A_379 = arith.constant 5.000000e-01 : f32
          %mul3A_380 = vector.broadcast %mul3A_379 : f32 to vector<16xf32>
          %mul3A_381 = arith.mulf %gather3A_253, %mul3A_380 : vector<16xf32>
          %add3A_382 = arith.addf %div3A_370, %mul3A_381 : vector<16xf32>
          %mul3A_383 = arith.constant 5.000000e-01 : f32
          %mul3A_384 = vector.broadcast %mul3A_383 : f32 to vector<16xf32>
          %mul3A_385 = arith.mulf %gather3A_256, %mul3A_384 : vector<16xf32>
          %sub3A_386 = arith.subf %div3A_374, %mul3A_385 : vector<16xf32>
          %mul3A_387 = arith.constant 5.000000e-01 : f32
          %mul3A_388 = vector.broadcast %mul3A_387 : f32 to vector<16xf32>
          %mul3A_389 = arith.mulf %gather3A_256, %mul3A_388 : vector<16xf32>
          %add3A_390 = arith.addf %div3A_374, %mul3A_389 : vector<16xf32>
          %mul3A_391 = arith.constant 5.000000e-01 : f32
          %mul3A_392 = vector.broadcast %mul3A_391 : f32 to vector<16xf32>
          %mul3A_393 = arith.mulf %gather3A_298, %mul3A_392 : vector<16xf32>
          %sub3A_394 = arith.subf %gather3A_292, %mul3A_393 : vector<16xf32>
          %mul3A_395 = arith.constant 5.000000e-01 : f32
          %mul3A_396 = vector.broadcast %mul3A_395 : f32 to vector<16xf32>
          %mul3A_397 = arith.mulf %gather3A_298, %mul3A_396 : vector<16xf32>
          %add3A_398 = arith.addf %gather3A_292, %mul3A_397 : vector<16xf32>
          %mul3A_399 = arith.constant 5.000000e-01 : f32
          %mul3A_400 = vector.broadcast %mul3A_399 : f32 to vector<16xf32>
          %mul3A_401 = arith.mulf %gather3A_301, %mul3A_400 : vector<16xf32>
          %sub3A_402 = arith.subf %gather3A_295, %mul3A_401 : vector<16xf32>
          %mul3A_403 = arith.constant 5.000000e-01 : f32
          %mul3A_404 = vector.broadcast %mul3A_403 : f32 to vector<16xf32>
          %mul3A_405 = arith.mulf %gather3A_301, %mul3A_404 : vector<16xf32>
          %add3A_406 = arith.addf %gather3A_295, %mul3A_405 : vector<16xf32>
          %min3A = arith.minimumf %add3A_382, %add3A_398 : vector<16xf32>
          %max3A = arith.maximumf %sub3A_378, %sub3A_394 : vector<16xf32>
          %sub3A_407 = arith.subf %min3A, %max3A : vector<16xf32>
          %max3A_408 = arith.constant 0.000000e+00 : f32
          %max3A_409 = vector.broadcast %max3A_408 : f32 to vector<16xf32>
          %max3A_410 = arith.maximumf %sub3A_407, %max3A_409 : vector<16xf32>
          %min3A_411 = arith.minimumf %add3A_390, %add3A_406 : vector<16xf32>
          %max3A_412 = arith.maximumf %sub3A_386, %sub3A_402 : vector<16xf32>
          %sub3A_413 = arith.subf %min3A_411, %max3A_412 : vector<16xf32>
          %max3A_414 = arith.constant 0.000000e+00 : f32
          %max3A_415 = vector.broadcast %max3A_414 : f32 to vector<16xf32>
          %max3A_416 = arith.maximumf %sub3A_413, %max3A_415 : vector<16xf32>
          %mul3A_417 = arith.mulf %max3A_410, %max3A_416 : vector<16xf32>
          %max3A_418 = arith.constant 0.000000e+00 : f32
          %max3A_419 = vector.broadcast %max3A_418 : f32 to vector<16xf32>
          %max3A_420 = arith.maximumf %gather3A_253, %max3A_419 : vector<16xf32>
          %max3A_421 = arith.constant 0.000000e+00 : f32
          %max3A_422 = vector.broadcast %max3A_421 : f32 to vector<16xf32>
          %max3A_423 = arith.maximumf %gather3A_256, %max3A_422 : vector<16xf32>
          %mul3A_424 = arith.mulf %max3A_420, %max3A_423 : vector<16xf32>
          %max3A_425 = arith.constant 0.000000e+00 : f32
          %max3A_426 = vector.broadcast %max3A_425 : f32 to vector<16xf32>
          %max3A_427 = arith.maximumf %gather3A_298, %max3A_426 : vector<16xf32>
          %max3A_428 = arith.constant 0.000000e+00 : f32
          %max3A_429 = vector.broadcast %max3A_428 : f32 to vector<16xf32>
          %max3A_430 = arith.maximumf %gather3A_301, %max3A_429 : vector<16xf32>
          %mul3A_431 = arith.mulf %max3A_427, %max3A_430 : vector<16xf32>
          %add3A_432 = arith.addf %mul3A_424, %mul3A_431 : vector<16xf32>
          %sub3A_433 = arith.subf %add3A_432, %mul3A_417 : vector<16xf32>
          %add3A_434 = arith.constant 1.000000e-10 : f32
          %add3A_435 = vector.broadcast %add3A_434 : f32 to vector<16xf32>
          %add3A_436 = arith.addf %sub3A_433, %add3A_435 : vector<16xf32>
          %div3A_437 = arith.divf %mul3A_417, %add3A_436 : vector<16xf32>
          %sub3A_438 = arith.subf %gather3A, %div3A_437 : vector<16xf32>
          %mul3A_439 = arith.mulf %select_n3A, %sub3A_438 : vector<16xf32>
          %mul3A_440 = arith.mulf %mul3A_439, %sub3A_438 : vector<16xf32>
          %add3A_441 = arith.addf %broadcast_in_dim3A_342, %mul3A_440 : vector<16xf32>
          %sub3A_442 = arith.constant 1.000000e+00 : f32
          %sub3A_443 = vector.broadcast %sub3A_442 : f32 to vector<16xf32>
          %sub3A_444 = arith.subf %sub3A_443, %select_n3A : vector<16xf32>
          %mul3A_445 = arith.mulf %sub3A_444, %gather3A : vector<16xf32>
          %mul3A_446 = arith.mulf %mul3A_445, %gather3A : vector<16xf32>
          %add3A_447 = arith.addf %broadcast_in_dim3A_342, %mul3A_446 : vector<16xf32>
          %and3A_448 = arith.andi %gt3A_340, %and3A_334 : vector<16xi1>
          %jit3A_449 = arith.constant 1.000000e+00 : f32
          %jit3A_450 = arith.constant 0.000000e+00 : f32
          %broadcast_in_dim3A_451 = vector.broadcast %jit3A_449 : f32 to vector<16xf32>
          %broadcast_in_dim3A_452 = vector.broadcast %jit3A_450 : f32 to vector<16xf32>
          %select_n3A_453 = arith.select %and3A_448, %broadcast_in_dim3A_451, %broadcast_in_dim3A_452 : vector<16xi1>, vector<16xf32>
          %mul3A_454 = arith.constant 2.800000e+01 : f32
          %mul3A_455 = vector.broadcast %mul3A_454 : f32 to vector<16xf32>
          %mul3A_456 = arith.mulf %gather3A_307, %mul3A_455 : vector<16xf32>
          %sub3A_457 = arith.subf %mul3A_456, %add3A_226 : vector<16xf32>
          %sub3A_458 = arith.subf %gather3A_262, %sub3A_457 : vector<16xf32>
          %mul3A_459 = arith.constant 2.800000e+01 : f32
          %mul3A_460 = vector.broadcast %mul3A_459 : f32 to vector<16xf32>
          %mul3A_461 = arith.mulf %gather3A_310, %mul3A_460 : vector<16xf32>
          %sub3A_462 = arith.subf %mul3A_461, %convert_element_type3A_5 : vector<16xf32>
          %sub3A_463 = arith.subf %gather3A_265, %sub3A_462 : vector<16xf32>
          %sub3A_464 = arith.subf %gather3A_268, %gather3A_313 : vector<16xf32>
          %sub3A_465 = arith.subf %gather3A_271, %gather3A_316 : vector<16xf32>
          %mul3A_466 = arith.mulf %sub3A_458, %sub3A_458 : vector<16xf32>
          %mul3A_467 = arith.mulf %sub3A_463, %sub3A_463 : vector<16xf32>
          %add3A_468 = arith.addf %mul3A_466, %mul3A_467 : vector<16xf32>
          %mul3A_469 = arith.mulf %select_n3A_453, %add3A_468 : vector<16xf32>
          %add3A_470 = arith.addf %add3A_362, %mul3A_469 : vector<16xf32>
          %mul3A_471 = arith.mulf %sub3A_464, %sub3A_464 : vector<16xf32>
          %mul3A_472 = arith.mulf %sub3A_465, %sub3A_465 : vector<16xf32>
          %add3A_473 = arith.addf %mul3A_471, %mul3A_472 : vector<16xf32>
          %mul3A_474 = arith.mulf %select_n3A_453, %add3A_473 : vector<16xf32>
          %add3A_475 = arith.addf %add3A_367, %mul3A_474 : vector<16xf32>
          %add3A_476 = arith.addf %gather3A_262, %add3A_226 : vector<16xf32>
          %div3A_477 = arith.constant 2.800000e+01 : f32
          %div3A_478 = vector.broadcast %div3A_477 : f32 to vector<16xf32>
          %div3A_479 = arith.divf %add3A_476, %div3A_478 : vector<16xf32>
          %add3A_480 = arith.addf %gather3A_265, %convert_element_type3A_5 : vector<16xf32>
          %div3A_481 = arith.constant 2.800000e+01 : f32
          %div3A_482 = vector.broadcast %div3A_481 : f32 to vector<16xf32>
          %div3A_483 = arith.divf %add3A_480, %div3A_482 : vector<16xf32>
          %mul3A_484 = arith.constant 5.000000e-01 : f32
          %mul3A_485 = vector.broadcast %mul3A_484 : f32 to vector<16xf32>
          %mul3A_486 = arith.mulf %gather3A_268, %mul3A_485 : vector<16xf32>
          %sub3A_487 = arith.subf %div3A_479, %mul3A_486 : vector<16xf32>
          %mul3A_488 = arith.constant 5.000000e-01 : f32
          %mul3A_489 = vector.broadcast %mul3A_488 : f32 to vector<16xf32>
          %mul3A_490 = arith.mulf %gather3A_268, %mul3A_489 : vector<16xf32>
          %add3A_491 = arith.addf %div3A_479, %mul3A_490 : vector<16xf32>
          %mul3A_492 = arith.constant 5.000000e-01 : f32
          %mul3A_493 = vector.broadcast %mul3A_492 : f32 to vector<16xf32>
          %mul3A_494 = arith.mulf %gather3A_271, %mul3A_493 : vector<16xf32>
          %sub3A_495 = arith.subf %div3A_483, %mul3A_494 : vector<16xf32>
          %mul3A_496 = arith.constant 5.000000e-01 : f32
          %mul3A_497 = vector.broadcast %mul3A_496 : f32 to vector<16xf32>
          %mul3A_498 = arith.mulf %gather3A_271, %mul3A_497 : vector<16xf32>
          %add3A_499 = arith.addf %div3A_483, %mul3A_498 : vector<16xf32>
          %mul3A_500 = arith.constant 5.000000e-01 : f32
          %mul3A_501 = vector.broadcast %mul3A_500 : f32 to vector<16xf32>
          %mul3A_502 = arith.mulf %gather3A_313, %mul3A_501 : vector<16xf32>
          %sub3A_503 = arith.subf %gather3A_307, %mul3A_502 : vector<16xf32>
          %mul3A_504 = arith.constant 5.000000e-01 : f32
          %mul3A_505 = vector.broadcast %mul3A_504 : f32 to vector<16xf32>
          %mul3A_506 = arith.mulf %gather3A_313, %mul3A_505 : vector<16xf32>
          %add3A_507 = arith.addf %gather3A_307, %mul3A_506 : vector<16xf32>
          %mul3A_508 = arith.constant 5.000000e-01 : f32
          %mul3A_509 = vector.broadcast %mul3A_508 : f32 to vector<16xf32>
          %mul3A_510 = arith.mulf %gather3A_316, %mul3A_509 : vector<16xf32>
          %sub3A_511 = arith.subf %gather3A_310, %mul3A_510 : vector<16xf32>
          %mul3A_512 = arith.constant 5.000000e-01 : f32
          %mul3A_513 = vector.broadcast %mul3A_512 : f32 to vector<16xf32>
          %mul3A_514 = arith.mulf %gather3A_316, %mul3A_513 : vector<16xf32>
          %add3A_515 = arith.addf %gather3A_310, %mul3A_514 : vector<16xf32>
          %min3A_516 = arith.minimumf %add3A_491, %add3A_507 : vector<16xf32>
          %max3A_517 = arith.maximumf %sub3A_487, %sub3A_503 : vector<16xf32>
          %sub3A_518 = arith.subf %min3A_516, %max3A_517 : vector<16xf32>
          %max3A_519 = arith.constant 0.000000e+00 : f32
          %max3A_520 = vector.broadcast %max3A_519 : f32 to vector<16xf32>
          %max3A_521 = arith.maximumf %sub3A_518, %max3A_520 : vector<16xf32>
          %min3A_522 = arith.minimumf %add3A_499, %add3A_515 : vector<16xf32>
          %max3A_523 = arith.maximumf %sub3A_495, %sub3A_511 : vector<16xf32>
          %sub3A_524 = arith.subf %min3A_522, %max3A_523 : vector<16xf32>
          %max3A_525 = arith.constant 0.000000e+00 : f32
          %max3A_526 = vector.broadcast %max3A_525 : f32 to vector<16xf32>
          %max3A_527 = arith.maximumf %sub3A_524, %max3A_526 : vector<16xf32>
          %mul3A_528 = arith.mulf %max3A_521, %max3A_527 : vector<16xf32>
          %max3A_529 = arith.constant 0.000000e+00 : f32
          %max3A_530 = vector.broadcast %max3A_529 : f32 to vector<16xf32>
          %max3A_531 = arith.maximumf %gather3A_268, %max3A_530 : vector<16xf32>
          %max3A_532 = arith.constant 0.000000e+00 : f32
          %max3A_533 = vector.broadcast %max3A_532 : f32 to vector<16xf32>
          %max3A_534 = arith.maximumf %gather3A_271, %max3A_533 : vector<16xf32>
          %mul3A_535 = arith.mulf %max3A_531, %max3A_534 : vector<16xf32>
          %max3A_536 = arith.constant 0.000000e+00 : f32
          %max3A_537 = vector.broadcast %max3A_536 : f32 to vector<16xf32>
          %max3A_538 = arith.maximumf %gather3A_313, %max3A_537 : vector<16xf32>
          %max3A_539 = arith.constant 0.000000e+00 : f32
          %max3A_540 = vector.broadcast %max3A_539 : f32 to vector<16xf32>
          %max3A_541 = arith.maximumf %gather3A_316, %max3A_540 : vector<16xf32>
          %mul3A_542 = arith.mulf %max3A_538, %max3A_541 : vector<16xf32>
          %add3A_543 = arith.addf %mul3A_535, %mul3A_542 : vector<16xf32>
          %sub3A_544 = arith.subf %add3A_543, %mul3A_528 : vector<16xf32>
          %add3A_545 = arith.constant 1.000000e-10 : f32
          %add3A_546 = vector.broadcast %add3A_545 : f32 to vector<16xf32>
          %add3A_547 = arith.addf %sub3A_544, %add3A_546 : vector<16xf32>
          %div3A_548 = arith.divf %mul3A_528, %add3A_547 : vector<16xf32>
          %sub3A_549 = arith.subf %gather3A_259, %div3A_548 : vector<16xf32>
          %mul3A_550 = arith.mulf %select_n3A_453, %sub3A_549 : vector<16xf32>
          %mul3A_551 = arith.mulf %mul3A_550, %sub3A_549 : vector<16xf32>
          %add3A_552 = arith.addf %add3A_441, %mul3A_551 : vector<16xf32>
          %sub3A_553 = arith.constant 1.000000e+00 : f32
          %sub3A_554 = vector.broadcast %sub3A_553 : f32 to vector<16xf32>
          %sub3A_555 = arith.subf %sub3A_554, %select_n3A_453 : vector<16xf32>
          %mul3A_556 = arith.mulf %sub3A_555, %gather3A_259 : vector<16xf32>
          %mul3A_557 = arith.mulf %mul3A_556, %gather3A_259 : vector<16xf32>
          %add3A_558 = arith.addf %add3A_447, %mul3A_557 : vector<16xf32>
          %and3A_559 = arith.andi %gt3A_340, %and3A_337 : vector<16xi1>
          %jit3A_560 = arith.constant 1.000000e+00 : f32
          %jit3A_561 = arith.constant 0.000000e+00 : f32
          %broadcast_in_dim3A_562 = vector.broadcast %jit3A_560 : f32 to vector<16xf32>
          %broadcast_in_dim3A_563 = vector.broadcast %jit3A_561 : f32 to vector<16xf32>
          %select_n3A_564 = arith.select %and3A_559, %broadcast_in_dim3A_562, %broadcast_in_dim3A_563 : vector<16xi1>, vector<16xf32>
          %mul3A_565 = arith.constant 2.800000e+01 : f32
          %mul3A_566 = vector.broadcast %mul3A_565 : f32 to vector<16xf32>
          %mul3A_567 = arith.mulf %gather3A_322, %mul3A_566 : vector<16xf32>
          %sub3A_568 = arith.subf %mul3A_567, %add3A_226 : vector<16xf32>
          %sub3A_569 = arith.subf %gather3A_277, %sub3A_568 : vector<16xf32>
          %mul3A_570 = arith.constant 2.800000e+01 : f32
          %mul3A_571 = vector.broadcast %mul3A_570 : f32 to vector<16xf32>
          %mul3A_572 = arith.mulf %gather3A_325, %mul3A_571 : vector<16xf32>
          %sub3A_573 = arith.subf %mul3A_572, %convert_element_type3A_5 : vector<16xf32>
          %sub3A_574 = arith.subf %gather3A_280, %sub3A_573 : vector<16xf32>
          %sub3A_575 = arith.subf %gather3A_283, %gather3A_328 : vector<16xf32>
          %sub3A_576 = arith.subf %gather3A_286, %gather3A_331 : vector<16xf32>
          %mul3A_577 = arith.mulf %sub3A_569, %sub3A_569 : vector<16xf32>
          %mul3A_578 = arith.mulf %sub3A_574, %sub3A_574 : vector<16xf32>
          %add3A_579 = arith.addf %mul3A_577, %mul3A_578 : vector<16xf32>
          %mul3A_580 = arith.mulf %select_n3A_564, %add3A_579 : vector<16xf32>
          %add3A_581 = arith.addf %add3A_470, %mul3A_580 : vector<16xf32>
          %mul3A_582 = arith.mulf %sub3A_575, %sub3A_575 : vector<16xf32>
          %mul3A_583 = arith.mulf %sub3A_576, %sub3A_576 : vector<16xf32>
          %add3A_584 = arith.addf %mul3A_582, %mul3A_583 : vector<16xf32>
          %mul3A_585 = arith.mulf %select_n3A_564, %add3A_584 : vector<16xf32>
          %add3A_586 = arith.addf %add3A_475, %mul3A_585 : vector<16xf32>
          %add3A_587 = arith.addf %gather3A_277, %add3A_226 : vector<16xf32>
          %div3A_588 = arith.constant 2.800000e+01 : f32
          %div3A_589 = vector.broadcast %div3A_588 : f32 to vector<16xf32>
          %div3A_590 = arith.divf %add3A_587, %div3A_589 : vector<16xf32>
          %add3A_591 = arith.addf %gather3A_280, %convert_element_type3A_5 : vector<16xf32>
          %div3A_592 = arith.constant 2.800000e+01 : f32
          %div3A_593 = vector.broadcast %div3A_592 : f32 to vector<16xf32>
          %div3A_594 = arith.divf %add3A_591, %div3A_593 : vector<16xf32>
          %mul3A_595 = arith.constant 5.000000e-01 : f32
          %mul3A_596 = vector.broadcast %mul3A_595 : f32 to vector<16xf32>
          %mul3A_597 = arith.mulf %gather3A_283, %mul3A_596 : vector<16xf32>
          %sub3A_598 = arith.subf %div3A_590, %mul3A_597 : vector<16xf32>
          %mul3A_599 = arith.constant 5.000000e-01 : f32
          %mul3A_600 = vector.broadcast %mul3A_599 : f32 to vector<16xf32>
          %mul3A_601 = arith.mulf %gather3A_283, %mul3A_600 : vector<16xf32>
          %add3A_602 = arith.addf %div3A_590, %mul3A_601 : vector<16xf32>
          %mul3A_603 = arith.constant 5.000000e-01 : f32
          %mul3A_604 = vector.broadcast %mul3A_603 : f32 to vector<16xf32>
          %mul3A_605 = arith.mulf %gather3A_286, %mul3A_604 : vector<16xf32>
          %sub3A_606 = arith.subf %div3A_594, %mul3A_605 : vector<16xf32>
          %mul3A_607 = arith.constant 5.000000e-01 : f32
          %mul3A_608 = vector.broadcast %mul3A_607 : f32 to vector<16xf32>
          %mul3A_609 = arith.mulf %gather3A_286, %mul3A_608 : vector<16xf32>
          %add3A_610 = arith.addf %div3A_594, %mul3A_609 : vector<16xf32>
          %mul3A_611 = arith.constant 5.000000e-01 : f32
          %mul3A_612 = vector.broadcast %mul3A_611 : f32 to vector<16xf32>
          %mul3A_613 = arith.mulf %gather3A_328, %mul3A_612 : vector<16xf32>
          %sub3A_614 = arith.subf %gather3A_322, %mul3A_613 : vector<16xf32>
          %mul3A_615 = arith.constant 5.000000e-01 : f32
          %mul3A_616 = vector.broadcast %mul3A_615 : f32 to vector<16xf32>
          %mul3A_617 = arith.mulf %gather3A_328, %mul3A_616 : vector<16xf32>
          %add3A_618 = arith.addf %gather3A_322, %mul3A_617 : vector<16xf32>
          %mul3A_619 = arith.constant 5.000000e-01 : f32
          %mul3A_620 = vector.broadcast %mul3A_619 : f32 to vector<16xf32>
          %mul3A_621 = arith.mulf %gather3A_331, %mul3A_620 : vector<16xf32>
          %sub3A_622 = arith.subf %gather3A_325, %mul3A_621 : vector<16xf32>
          %mul3A_623 = arith.constant 5.000000e-01 : f32
          %mul3A_624 = vector.broadcast %mul3A_623 : f32 to vector<16xf32>
          %mul3A_625 = arith.mulf %gather3A_331, %mul3A_624 : vector<16xf32>
          %add3A_626 = arith.addf %gather3A_325, %mul3A_625 : vector<16xf32>
          %min3A_627 = arith.minimumf %add3A_602, %add3A_618 : vector<16xf32>
          %max3A_628 = arith.maximumf %sub3A_598, %sub3A_614 : vector<16xf32>
          %sub3A_629 = arith.subf %min3A_627, %max3A_628 : vector<16xf32>
          %max3A_630 = arith.constant 0.000000e+00 : f32
          %max3A_631 = vector.broadcast %max3A_630 : f32 to vector<16xf32>
          %max3A_632 = arith.maximumf %sub3A_629, %max3A_631 : vector<16xf32>
          %min3A_633 = arith.minimumf %add3A_610, %add3A_626 : vector<16xf32>
          %max3A_634 = arith.maximumf %sub3A_606, %sub3A_622 : vector<16xf32>
          %sub3A_635 = arith.subf %min3A_633, %max3A_634 : vector<16xf32>
          %max3A_636 = arith.constant 0.000000e+00 : f32
          %max3A_637 = vector.broadcast %max3A_636 : f32 to vector<16xf32>
          %max3A_638 = arith.maximumf %sub3A_635, %max3A_637 : vector<16xf32>
          %mul3A_639 = arith.mulf %max3A_632, %max3A_638 : vector<16xf32>
          %max3A_640 = arith.constant 0.000000e+00 : f32
          %max3A_641 = vector.broadcast %max3A_640 : f32 to vector<16xf32>
          %max3A_642 = arith.maximumf %gather3A_283, %max3A_641 : vector<16xf32>
          %max3A_643 = arith.constant 0.000000e+00 : f32
          %max3A_644 = vector.broadcast %max3A_643 : f32 to vector<16xf32>
          %max3A_645 = arith.maximumf %gather3A_286, %max3A_644 : vector<16xf32>
          %mul3A_646 = arith.mulf %max3A_642, %max3A_645 : vector<16xf32>
          %max3A_647 = arith.constant 0.000000e+00 : f32
          %max3A_648 = vector.broadcast %max3A_647 : f32 to vector<16xf32>
          %max3A_649 = arith.maximumf %gather3A_328, %max3A_648 : vector<16xf32>
          %max3A_650 = arith.constant 0.000000e+00 : f32
          %max3A_651 = vector.broadcast %max3A_650 : f32 to vector<16xf32>
          %max3A_652 = arith.maximumf %gather3A_331, %max3A_651 : vector<16xf32>
          %mul3A_653 = arith.mulf %max3A_649, %max3A_652 : vector<16xf32>
          %add3A_654 = arith.addf %mul3A_646, %mul3A_653 : vector<16xf32>
          %sub3A_655 = arith.subf %add3A_654, %mul3A_639 : vector<16xf32>
          %add3A_656 = arith.constant 1.000000e-10 : f32
          %add3A_657 = vector.broadcast %add3A_656 : f32 to vector<16xf32>
          %add3A_658 = arith.addf %sub3A_655, %add3A_657 : vector<16xf32>
          %div3A_659 = arith.divf %mul3A_639, %add3A_658 : vector<16xf32>
          %sub3A_660 = arith.subf %gather3A_274, %div3A_659 : vector<16xf32>
          %mul3A_661 = arith.mulf %select_n3A_564, %sub3A_660 : vector<16xf32>
          %mul3A_662 = arith.mulf %mul3A_661, %sub3A_660 : vector<16xf32>
          %add3A_663 = arith.addf %add3A_552, %mul3A_662 : vector<16xf32>
          %sub3A_664 = arith.constant 1.000000e+00 : f32
          %sub3A_665 = vector.broadcast %sub3A_664 : f32 to vector<16xf32>
          %sub3A_666 = arith.subf %sub3A_665, %select_n3A_564 : vector<16xf32>
          %mul3A_667 = arith.mulf %sub3A_666, %gather3A_274 : vector<16xf32>
          %mul3A_668 = arith.mulf %mul3A_667, %gather3A_274 : vector<16xf32>
          %add3A_669 = arith.addf %add3A_558, %mul3A_668 : vector<16xf32>
          %add3A_670 = arith.addf %scan3A_235, %add3A_581 : vector<16xf32>
          %add3A_671 = arith.addf %scan3A_236, %add3A_586 : vector<16xf32>
          %add3A_672 = arith.addf %scan3A_237, %add3A_663 : vector<16xf32>
          %add3A_673 = arith.addf %scan3A_238, %add3A_669 : vector<16xf32>
          scf.yield %add3A_670, %add3A_671, %add3A_672, %add3A_673 : vector<16xf32>, vector<16xf32>, vector<16xf32>, vector<16xf32>
        }
        %scan3A_233 = arith.constant 4 : i32
        scf.yield %scan3A_232#0, %scan3A_232#1, %scan3A_232#2, %scan3A_232#3 : vector<16xf32>, vector<16xf32>, vector<16xf32>, vector<16xf32>
      }
      %scan3A_142 = arith.constant 4 : i32
      %dma_start3A_143 = arith.constant 24 : i32
      %dma_start3A_144 = arith.constant 0 : i32
      %dma_start3A_145 = arith.constant 0 : i32
      %dma_start3A_146 = tpu.memref_slice %arg2[%add3A, %dma_start3A_143, %dma_start3A_144, %dma_start3A_145] : memref<28x28x64x128xf32, #tpu.memory_space<hbm>> -> memref<1x4x64x128xf32, #tpu.memory_space<hbm>>
      %dma_start3A_147 = tpu.memref_squeeze %dma_start3A_146 : memref<1x4x64x128xf32, #tpu.memory_space<hbm>> -> memref<4x64x128xf32, #tpu.memory_space<hbm>>
      %dma_start3A_148 = arith.constant 24 : i32
      %dma_start3A_149 = arith.constant 0 : i32
      %dma_start3A_150 = arith.constant 0 : i32
      %dma_start3A_151 = tpu.memref_slice %arg2[%add3A, %dma_start3A_148, %dma_start3A_149, %dma_start3A_150] : memref<28x28x64x128xf32, #tpu.memory_space<hbm>> -> memref<1x4x64x128xf32, #tpu.memory_space<hbm>>
      %dma_start3A_152 = tpu.memref_squeeze %dma_start3A_151 : memref<1x4x64x128xf32, #tpu.memory_space<hbm>> -> memref<4x64x128xf32, #tpu.memory_space<hbm>>
      tpu.enqueue_dma source(%dma_start3A_152 : memref<4x64x128xf32, #tpu.memory_space<hbm>>) target(%arg4 : memref<4x64x128xf32, #tpu.memory_space<vmem>>) target_semaphore(%arg7 : memref<!tpu.dma_semaphore, #tpu.memory_space<semaphore_mem>>)
      %dma_wait3A_153 = arith.constant 20 : i32
      %dma_wait3A_154 = arith.constant 0 : i32
      %dma_wait3A_155 = arith.constant 0 : i32
      %dma_wait3A_156 = tpu.memref_slice %arg2[%add3A, %dma_wait3A_153, %dma_wait3A_154, %dma_wait3A_155] : memref<28x28x64x128xf32, #tpu.memory_space<hbm>> -> memref<1x4x64x128xf32, #tpu.memory_space<hbm>>
      %dma_wait3A_157 = tpu.memref_squeeze %dma_wait3A_156 : memref<1x4x64x128xf32, #tpu.memory_space<hbm>> -> memref<4x64x128xf32, #tpu.memory_space<hbm>>
      %dma_wait3A_158 = arith.constant 20 : i32
      %dma_wait3A_159 = arith.constant 0 : i32
      %dma_wait3A_160 = arith.constant 0 : i32
      %dma_wait3A_161 = tpu.memref_slice %arg2[%add3A, %dma_wait3A_158, %dma_wait3A_159, %dma_wait3A_160] : memref<28x28x64x128xf32, #tpu.memory_space<hbm>> -> memref<1x4x64x128xf32, #tpu.memory_space<hbm>>
      %dma_wait3A_162 = tpu.memref_squeeze %dma_wait3A_161 : memref<1x4x64x128xf32, #tpu.memory_space<hbm>> -> memref<4x64x128xf32, #tpu.memory_space<hbm>>
      tpu.wait_dma2 semaphore(%arg8 : memref<!tpu.dma_semaphore, #tpu.memory_space<semaphore_mem>>) src(%dma_wait3A_162 : memref<4x64x128xf32, #tpu.memory_space<hbm>>) dst(%arg5 : memref<4x64x128xf32, #tpu.memory_space<vmem>>)
      %scan3A_163 = arith.constant 0 : i32
      %scan3A_164 = arith.constant 4 : i32
      %scan3A_165 = arith.addi %scan3A_163, %scan3A_164 : i32
      %scan3A_166 = arith.constant 1 : i32
      %scan3A_167:4 = scf.for %scan3A_216 = %scan3A_163 to %scan3A_165 step %scan3A_166 iter_args(%scan3A_217 = %scan3A_141#0, %scan3A_218 = %scan3A_141#1, %scan3A_219 = %scan3A_141#2, %scan3A_220 = %scan3A_141#3) -> (vector<16xf32>, vector<16xf32>, vector<16xf32>, vector<16xf32>)  : i32 {
        %broadcast_in_dim3A_221 = arith.constant 20 : i32
        %broadcast_in_dim3A_222 = vector.broadcast %broadcast_in_dim3A_221 : i32 to vector<16xi32>
        %convert_element_type3A_223 = arith.sitofp %broadcast_in_dim3A_222 : vector<16xi32> to vector<16xf32>
        %convert_element_type3A_224 = arith.sitofp %scan3A_216 : i32 to f32
        %add3A_225 = vector.broadcast %convert_element_type3A_224 : f32 to vector<16xf32>
        %add3A_226 = arith.addf %convert_element_type3A_223, %add3A_225 : vector<16xf32>
        %broadcast_in_dim3A_227 = vector.broadcast %scan3A_216 : i32 to vector<16xi32>
        %scan3A_228 = arith.constant 0 : i32
        %scan3A_229 = arith.constant 4 : i32
        %scan3A_230 = arith.addi %scan3A_228, %scan3A_229 : i32
        %scan3A_231 = arith.constant 1 : i32
        %scan3A_232:4 = scf.for %scan3A_234 = %scan3A_228 to %scan3A_230 step %scan3A_231 iter_args(%scan3A_235 = %scan3A_217, %scan3A_236 = %scan3A_218, %scan3A_237 = %scan3A_219, %scan3A_238 = %scan3A_220) -> (vector<16xf32>, vector<16xf32>, vector<16xf32>, vector<16xf32>)  : i32 {
          %mul3A_239 = arith.constant 16 : i32
          %mul3A_240 = arith.muli %scan3A_234, %mul3A_239 : i32
          %add3A_241 = vector.broadcast %mul3A_240 : i32 to vector<16xi32>
          %add3A_242 = arith.addi %add3A_241, %iota3A : vector<16xi32>
          %broadcast_in_dim3A_243 = arith.constant 0 : i32
          %broadcast_in_dim3A_244 = vector.broadcast %broadcast_in_dim3A_243 : i32 to vector<16xi32>
          %gather3A = tpu.vector_load_idx %arg5[%broadcast_in_dim3A_227, %add3A_242, %broadcast_in_dim3A_244] : memref<4x64x128xf32, #tpu.memory_space<vmem>>[vector<16xi32>, vector<16xi32>, vector<16xi32>], vector<16xf32>,
          %broadcast_in_dim3A_245 = arith.constant 1 : i32
          %broadcast_in_dim3A_246 = vector.broadcast %broadcast_in_dim3A_245 : i32 to vector<16xi32>
          %gather3A_247 = tpu.vector_load_idx %arg5[%broadcast_in_dim3A_227, %add3A_242, %broadcast_in_dim3A_246] : memref<4x64x128xf32, #tpu.memory_space<vmem>>[vector<16xi32>, vector<16xi32>, vector<16xi32>], vector<16xf32>,
          %broadcast_in_dim3A_248 = arith.constant 2 : i32
          %broadcast_in_dim3A_249 = vector.broadcast %broadcast_in_dim3A_248 : i32 to vector<16xi32>
          %gather3A_250 = tpu.vector_load_idx %arg5[%broadcast_in_dim3A_227, %add3A_242, %broadcast_in_dim3A_249] : memref<4x64x128xf32, #tpu.memory_space<vmem>>[vector<16xi32>, vector<16xi32>, vector<16xi32>], vector<16xf32>,
          %broadcast_in_dim3A_251 = arith.constant 3 : i32
          %broadcast_in_dim3A_252 = vector.broadcast %broadcast_in_dim3A_251 : i32 to vector<16xi32>
          %gather3A_253 = tpu.vector_load_idx %arg5[%broadcast_in_dim3A_227, %add3A_242, %broadcast_in_dim3A_252] : memref<4x64x128xf32, #tpu.memory_space<vmem>>[vector<16xi32>, vector<16xi32>, vector<16xi32>], vector<16xf32>,
          %broadcast_in_dim3A_254 = arith.constant 4 : i32
          %broadcast_in_dim3A_255 = vector.broadcast %broadcast_in_dim3A_254 : i32 to vector<16xi32>
          %gather3A_256 = tpu.vector_load_idx %arg5[%broadcast_in_dim3A_227, %add3A_242, %broadcast_in_dim3A_255] : memref<4x64x128xf32, #tpu.memory_space<vmem>>[vector<16xi32>, vector<16xi32>, vector<16xi32>], vector<16xf32>,
          %broadcast_in_dim3A_257 = arith.constant 5 : i32
          %broadcast_in_dim3A_258 = vector.broadcast %broadcast_in_dim3A_257 : i32 to vector<16xi32>
          %gather3A_259 = tpu.vector_load_idx %arg5[%broadcast_in_dim3A_227, %add3A_242, %broadcast_in_dim3A_258] : memref<4x64x128xf32, #tpu.memory_space<vmem>>[vector<16xi32>, vector<16xi32>, vector<16xi32>], vector<16xf32>,
          %broadcast_in_dim3A_260 = arith.constant 6 : i32
          %broadcast_in_dim3A_261 = vector.broadcast %broadcast_in_dim3A_260 : i32 to vector<16xi32>
          %gather3A_262 = tpu.vector_load_idx %arg5[%broadcast_in_dim3A_227, %add3A_242, %broadcast_in_dim3A_261] : memref<4x64x128xf32, #tpu.memory_space<vmem>>[vector<16xi32>, vector<16xi32>, vector<16xi32>], vector<16xf32>,
          %broadcast_in_dim3A_263 = arith.constant 7 : i32
          %broadcast_in_dim3A_264 = vector.broadcast %broadcast_in_dim3A_263 : i32 to vector<16xi32>
          %gather3A_265 = tpu.vector_load_idx %arg5[%broadcast_in_dim3A_227, %add3A_242, %broadcast_in_dim3A_264] : memref<4x64x128xf32, #tpu.memory_space<vmem>>[vector<16xi32>, vector<16xi32>, vector<16xi32>], vector<16xf32>,
          %broadcast_in_dim3A_266 = arith.constant 8 : i32
          %broadcast_in_dim3A_267 = vector.broadcast %broadcast_in_dim3A_266 : i32 to vector<16xi32>
          %gather3A_268 = tpu.vector_load_idx %arg5[%broadcast_in_dim3A_227, %add3A_242, %broadcast_in_dim3A_267] : memref<4x64x128xf32, #tpu.memory_space<vmem>>[vector<16xi32>, vector<16xi32>, vector<16xi32>], vector<16xf32>,
          %broadcast_in_dim3A_269 = arith.constant 9 : i32
          %broadcast_in_dim3A_270 = vector.broadcast %broadcast_in_dim3A_269 : i32 to vector<16xi32>
          %gather3A_271 = tpu.vector_load_idx %arg5[%broadcast_in_dim3A_227, %add3A_242, %broadcast_in_dim3A_270] : memref<4x64x128xf32, #tpu.memory_space<vmem>>[vector<16xi32>, vector<16xi32>, vector<16xi32>], vector<16xf32>,
          %broadcast_in_dim3A_272 = arith.constant 10 : i32
          %broadcast_in_dim3A_273 = vector.broadcast %broadcast_in_dim3A_272 : i32 to vector<16xi32>
          %gather3A_274 = tpu.vector_load_idx %arg5[%broadcast_in_dim3A_227, %add3A_242, %broadcast_in_dim3A_273] : memref<4x64x128xf32, #tpu.memory_space<vmem>>[vector<16xi32>, vector<16xi32>, vector<16xi32>], vector<16xf32>,
          %broadcast_in_dim3A_275 = arith.constant 11 : i32
          %broadcast_in_dim3A_276 = vector.broadcast %broadcast_in_dim3A_275 : i32 to vector<16xi32>
          %gather3A_277 = tpu.vector_load_idx %arg5[%broadcast_in_dim3A_227, %add3A_242, %broadcast_in_dim3A_276] : memref<4x64x128xf32, #tpu.memory_space<vmem>>[vector<16xi32>, vector<16xi32>, vector<16xi32>], vector<16xf32>,
          %broadcast_in_dim3A_278 = arith.constant 12 : i32
          %broadcast_in_dim3A_279 = vector.broadcast %broadcast_in_dim3A_278 : i32 to vector<16xi32>
          %gather3A_280 = tpu.vector_load_idx %arg5[%broadcast_in_dim3A_227, %add3A_242, %broadcast_in_dim3A_279] : memref<4x64x128xf32, #tpu.memory_space<vmem>>[vector<16xi32>, vector<16xi32>, vector<16xi32>], vector<16xf32>,
          %broadcast_in_dim3A_281 = arith.constant 13 : i32
          %broadcast_in_dim3A_282 = vector.broadcast %broadcast_in_dim3A_281 : i32 to vector<16xi32>
          %gather3A_283 = tpu.vector_load_idx %arg5[%broadcast_in_dim3A_227, %add3A_242, %broadcast_in_dim3A_282] : memref<4x64x128xf32, #tpu.memory_space<vmem>>[vector<16xi32>, vector<16xi32>, vector<16xi32>], vector<16xf32>,
          %broadcast_in_dim3A_284 = arith.constant 14 : i32
          %broadcast_in_dim3A_285 = vector.broadcast %broadcast_in_dim3A_284 : i32 to vector<16xi32>
          %gather3A_286 = tpu.vector_load_idx %arg5[%broadcast_in_dim3A_227, %add3A_242, %broadcast_in_dim3A_285] : memref<4x64x128xf32, #tpu.memory_space<vmem>>[vector<16xi32>, vector<16xi32>, vector<16xi32>], vector<16xf32>,
          %broadcast_in_dim3A_287 = arith.constant 16 : i32
          %broadcast_in_dim3A_288 = vector.broadcast %broadcast_in_dim3A_287 : i32 to vector<16xi32>
          %gather3A_289 = tpu.vector_load_idx %arg5[%broadcast_in_dim3A_227, %add3A_242, %broadcast_in_dim3A_288] : memref<4x64x128xf32, #tpu.memory_space<vmem>>[vector<16xi32>, vector<16xi32>, vector<16xi32>], vector<16xf32>,
          %broadcast_in_dim3A_290 = arith.constant 17 : i32
          %broadcast_in_dim3A_291 = vector.broadcast %broadcast_in_dim3A_290 : i32 to vector<16xi32>
          %gather3A_292 = tpu.vector_load_idx %arg5[%broadcast_in_dim3A_227, %add3A_242, %broadcast_in_dim3A_291] : memref<4x64x128xf32, #tpu.memory_space<vmem>>[vector<16xi32>, vector<16xi32>, vector<16xi32>], vector<16xf32>,
          %broadcast_in_dim3A_293 = arith.constant 18 : i32
          %broadcast_in_dim3A_294 = vector.broadcast %broadcast_in_dim3A_293 : i32 to vector<16xi32>
          %gather3A_295 = tpu.vector_load_idx %arg5[%broadcast_in_dim3A_227, %add3A_242, %broadcast_in_dim3A_294] : memref<4x64x128xf32, #tpu.memory_space<vmem>>[vector<16xi32>, vector<16xi32>, vector<16xi32>], vector<16xf32>,
          %broadcast_in_dim3A_296 = arith.constant 19 : i32
          %broadcast_in_dim3A_297 = vector.broadcast %broadcast_in_dim3A_296 : i32 to vector<16xi32>
          %gather3A_298 = tpu.vector_load_idx %arg5[%broadcast_in_dim3A_227, %add3A_242, %broadcast_in_dim3A_297] : memref<4x64x128xf32, #tpu.memory_space<vmem>>[vector<16xi32>, vector<16xi32>, vector<16xi32>], vector<16xf32>,
          %broadcast_in_dim3A_299 = arith.constant 20 : i32
          %broadcast_in_dim3A_300 = vector.broadcast %broadcast_in_dim3A_299 : i32 to vector<16xi32>
          %gather3A_301 = tpu.vector_load_idx %arg5[%broadcast_in_dim3A_227, %add3A_242, %broadcast_in_dim3A_300] : memref<4x64x128xf32, #tpu.memory_space<vmem>>[vector<16xi32>, vector<16xi32>, vector<16xi32>], vector<16xf32>,
          %broadcast_in_dim3A_302 = arith.constant 21 : i32
          %broadcast_in_dim3A_303 = vector.broadcast %broadcast_in_dim3A_302 : i32 to vector<16xi32>
          %gather3A_304 = tpu.vector_load_idx %arg5[%broadcast_in_dim3A_227, %add3A_242, %broadcast_in_dim3A_303] : memref<4x64x128xf32, #tpu.memory_space<vmem>>[vector<16xi32>, vector<16xi32>, vector<16xi32>], vector<16xf32>,
          %broadcast_in_dim3A_305 = arith.constant 22 : i32
          %broadcast_in_dim3A_306 = vector.broadcast %broadcast_in_dim3A_305 : i32 to vector<16xi32>
          %gather3A_307 = tpu.vector_load_idx %arg5[%broadcast_in_dim3A_227, %add3A_242, %broadcast_in_dim3A_306] : memref<4x64x128xf32, #tpu.memory_space<vmem>>[vector<16xi32>, vector<16xi32>, vector<16xi32>], vector<16xf32>,
          %broadcast_in_dim3A_308 = arith.constant 23 : i32
          %broadcast_in_dim3A_309 = vector.broadcast %broadcast_in_dim3A_308 : i32 to vector<16xi32>
          %gather3A_310 = tpu.vector_load_idx %arg5[%broadcast_in_dim3A_227, %add3A_242, %broadcast_in_dim3A_309] : memref<4x64x128xf32, #tpu.memory_space<vmem>>[vector<16xi32>, vector<16xi32>, vector<16xi32>], vector<16xf32>,
          %broadcast_in_dim3A_311 = arith.constant 24 : i32
          %broadcast_in_dim3A_312 = vector.broadcast %broadcast_in_dim3A_311 : i32 to vector<16xi32>
          %gather3A_313 = tpu.vector_load_idx %arg5[%broadcast_in_dim3A_227, %add3A_242, %broadcast_in_dim3A_312] : memref<4x64x128xf32, #tpu.memory_space<vmem>>[vector<16xi32>, vector<16xi32>, vector<16xi32>], vector<16xf32>,
          %broadcast_in_dim3A_314 = arith.constant 25 : i32
          %broadcast_in_dim3A_315 = vector.broadcast %broadcast_in_dim3A_314 : i32 to vector<16xi32>
          %gather3A_316 = tpu.vector_load_idx %arg5[%broadcast_in_dim3A_227, %add3A_242, %broadcast_in_dim3A_315] : memref<4x64x128xf32, #tpu.memory_space<vmem>>[vector<16xi32>, vector<16xi32>, vector<16xi32>], vector<16xf32>,
          %broadcast_in_dim3A_317 = arith.constant 26 : i32
          %broadcast_in_dim3A_318 = vector.broadcast %broadcast_in_dim3A_317 : i32 to vector<16xi32>
          %gather3A_319 = tpu.vector_load_idx %arg5[%broadcast_in_dim3A_227, %add3A_242, %broadcast_in_dim3A_318] : memref<4x64x128xf32, #tpu.memory_space<vmem>>[vector<16xi32>, vector<16xi32>, vector<16xi32>], vector<16xf32>,
          %broadcast_in_dim3A_320 = arith.constant 27 : i32
          %broadcast_in_dim3A_321 = vector.broadcast %broadcast_in_dim3A_320 : i32 to vector<16xi32>
          %gather3A_322 = tpu.vector_load_idx %arg5[%broadcast_in_dim3A_227, %add3A_242, %broadcast_in_dim3A_321] : memref<4x64x128xf32, #tpu.memory_space<vmem>>[vector<16xi32>, vector<16xi32>, vector<16xi32>], vector<16xf32>,
          %broadcast_in_dim3A_323 = arith.constant 28 : i32
          %broadcast_in_dim3A_324 = vector.broadcast %broadcast_in_dim3A_323 : i32 to vector<16xi32>
          %gather3A_325 = tpu.vector_load_idx %arg5[%broadcast_in_dim3A_227, %add3A_242, %broadcast_in_dim3A_324] : memref<4x64x128xf32, #tpu.memory_space<vmem>>[vector<16xi32>, vector<16xi32>, vector<16xi32>], vector<16xf32>,
          %broadcast_in_dim3A_326 = arith.constant 29 : i32
          %broadcast_in_dim3A_327 = vector.broadcast %broadcast_in_dim3A_326 : i32 to vector<16xi32>
          %gather3A_328 = tpu.vector_load_idx %arg5[%broadcast_in_dim3A_227, %add3A_242, %broadcast_in_dim3A_327] : memref<4x64x128xf32, #tpu.memory_space<vmem>>[vector<16xi32>, vector<16xi32>, vector<16xi32>], vector<16xf32>,
          %broadcast_in_dim3A_329 = arith.constant 30 : i32
          %broadcast_in_dim3A_330 = vector.broadcast %broadcast_in_dim3A_329 : i32 to vector<16xi32>
          %gather3A_331 = tpu.vector_load_idx %arg5[%broadcast_in_dim3A_227, %add3A_242, %broadcast_in_dim3A_330] : memref<4x64x128xf32, #tpu.memory_space<vmem>>[vector<16xi32>, vector<16xi32>, vector<16xi32>], vector<16xf32>,
          %ge3A = arith.cmpf oge, %gather3A, %gather3A_259 : vector<16xf32>
          %ge3A_332 = arith.cmpf oge, %gather3A, %gather3A_274 : vector<16xf32>
          %and3A = arith.andi %ge3A, %ge3A_332 : vector<16xi1>
          %gt3A = arith.cmpf ogt, %gather3A_259, %gather3A : vector<16xf32>
          %ge3A_333 = arith.cmpf oge, %gather3A_259, %gather3A_274 : vector<16xf32>
          %and3A_334 = arith.andi %gt3A, %ge3A_333 : vector<16xi1>
          %gt3A_335 = arith.cmpf ogt, %gather3A_274, %gather3A : vector<16xf32>
          %gt3A_336 = arith.cmpf ogt, %gather3A_274, %gather3A_259 : vector<16xf32>
          %and3A_337 = arith.andi %gt3A_335, %gt3A_336 : vector<16xi1>
          %gt3A_338 = arith.constant 0.000000e+00 : f32
          %gt3A_339 = vector.broadcast %gt3A_338 : f32 to vector<16xf32>
          %gt3A_340 = arith.cmpf ogt, %gather3A_289, %gt3A_339 : vector<16xf32>
          %broadcast_in_dim3A_341 = arith.constant 0.000000e+00 : f32
          %broadcast_in_dim3A_342 = vector.broadcast %broadcast_in_dim3A_341 : f32 to vector<16xf32>
          %and3A_343 = arith.andi %gt3A_340, %and3A : vector<16xi1>
          %jit3A = arith.constant 1.000000e+00 : f32
          %jit3A_344 = arith.constant 0.000000e+00 : f32
          %broadcast_in_dim3A_345 = vector.broadcast %jit3A : f32 to vector<16xf32>
          %broadcast_in_dim3A_346 = vector.broadcast %jit3A_344 : f32 to vector<16xf32>
          %select_n3A = arith.select %and3A_343, %broadcast_in_dim3A_345, %broadcast_in_dim3A_346 : vector<16xi1>, vector<16xf32>
          %mul3A_347 = arith.constant 2.800000e+01 : f32
          %mul3A_348 = vector.broadcast %mul3A_347 : f32 to vector<16xf32>
          %mul3A_349 = arith.mulf %gather3A_292, %mul3A_348 : vector<16xf32>
          %sub3A = arith.subf %mul3A_349, %add3A_226 : vector<16xf32>
          %sub3A_350 = arith.subf %gather3A_247, %sub3A : vector<16xf32>
          %mul3A_351 = arith.constant 2.800000e+01 : f32
          %mul3A_352 = vector.broadcast %mul3A_351 : f32 to vector<16xf32>
          %mul3A_353 = arith.mulf %gather3A_295, %mul3A_352 : vector<16xf32>
          %sub3A_354 = arith.subf %mul3A_353, %convert_element_type3A_5 : vector<16xf32>
          %sub3A_355 = arith.subf %gather3A_250, %sub3A_354 : vector<16xf32>
          %sub3A_356 = arith.subf %gather3A_253, %gather3A_298 : vector<16xf32>
          %sub3A_357 = arith.subf %gather3A_256, %gather3A_301 : vector<16xf32>
          %mul3A_358 = arith.mulf %sub3A_350, %sub3A_350 : vector<16xf32>
          %mul3A_359 = arith.mulf %sub3A_355, %sub3A_355 : vector<16xf32>
          %add3A_360 = arith.addf %mul3A_358, %mul3A_359 : vector<16xf32>
          %mul3A_361 = arith.mulf %select_n3A, %add3A_360 : vector<16xf32>
          %add3A_362 = arith.addf %broadcast_in_dim3A_342, %mul3A_361 : vector<16xf32>
          %mul3A_363 = arith.mulf %sub3A_356, %sub3A_356 : vector<16xf32>
          %mul3A_364 = arith.mulf %sub3A_357, %sub3A_357 : vector<16xf32>
          %add3A_365 = arith.addf %mul3A_363, %mul3A_364 : vector<16xf32>
          %mul3A_366 = arith.mulf %select_n3A, %add3A_365 : vector<16xf32>
          %add3A_367 = arith.addf %broadcast_in_dim3A_342, %mul3A_366 : vector<16xf32>
          %add3A_368 = arith.addf %gather3A_247, %add3A_226 : vector<16xf32>
          %div3A = arith.constant 2.800000e+01 : f32
          %div3A_369 = vector.broadcast %div3A : f32 to vector<16xf32>
          %div3A_370 = arith.divf %add3A_368, %div3A_369 : vector<16xf32>
          %add3A_371 = arith.addf %gather3A_250, %convert_element_type3A_5 : vector<16xf32>
          %div3A_372 = arith.constant 2.800000e+01 : f32
          %div3A_373 = vector.broadcast %div3A_372 : f32 to vector<16xf32>
          %div3A_374 = arith.divf %add3A_371, %div3A_373 : vector<16xf32>
          %mul3A_375 = arith.constant 5.000000e-01 : f32
          %mul3A_376 = vector.broadcast %mul3A_375 : f32 to vector<16xf32>
          %mul3A_377 = arith.mulf %gather3A_253, %mul3A_376 : vector<16xf32>
          %sub3A_378 = arith.subf %div3A_370, %mul3A_377 : vector<16xf32>
          %mul3A_379 = arith.constant 5.000000e-01 : f32
          %mul3A_380 = vector.broadcast %mul3A_379 : f32 to vector<16xf32>
          %mul3A_381 = arith.mulf %gather3A_253, %mul3A_380 : vector<16xf32>
          %add3A_382 = arith.addf %div3A_370, %mul3A_381 : vector<16xf32>
          %mul3A_383 = arith.constant 5.000000e-01 : f32
          %mul3A_384 = vector.broadcast %mul3A_383 : f32 to vector<16xf32>
          %mul3A_385 = arith.mulf %gather3A_256, %mul3A_384 : vector<16xf32>
          %sub3A_386 = arith.subf %div3A_374, %mul3A_385 : vector<16xf32>
          %mul3A_387 = arith.constant 5.000000e-01 : f32
          %mul3A_388 = vector.broadcast %mul3A_387 : f32 to vector<16xf32>
          %mul3A_389 = arith.mulf %gather3A_256, %mul3A_388 : vector<16xf32>
          %add3A_390 = arith.addf %div3A_374, %mul3A_389 : vector<16xf32>
          %mul3A_391 = arith.constant 5.000000e-01 : f32
          %mul3A_392 = vector.broadcast %mul3A_391 : f32 to vector<16xf32>
          %mul3A_393 = arith.mulf %gather3A_298, %mul3A_392 : vector<16xf32>
          %sub3A_394 = arith.subf %gather3A_292, %mul3A_393 : vector<16xf32>
          %mul3A_395 = arith.constant 5.000000e-01 : f32
          %mul3A_396 = vector.broadcast %mul3A_395 : f32 to vector<16xf32>
          %mul3A_397 = arith.mulf %gather3A_298, %mul3A_396 : vector<16xf32>
          %add3A_398 = arith.addf %gather3A_292, %mul3A_397 : vector<16xf32>
          %mul3A_399 = arith.constant 5.000000e-01 : f32
          %mul3A_400 = vector.broadcast %mul3A_399 : f32 to vector<16xf32>
          %mul3A_401 = arith.mulf %gather3A_301, %mul3A_400 : vector<16xf32>
          %sub3A_402 = arith.subf %gather3A_295, %mul3A_401 : vector<16xf32>
          %mul3A_403 = arith.constant 5.000000e-01 : f32
          %mul3A_404 = vector.broadcast %mul3A_403 : f32 to vector<16xf32>
          %mul3A_405 = arith.mulf %gather3A_301, %mul3A_404 : vector<16xf32>
          %add3A_406 = arith.addf %gather3A_295, %mul3A_405 : vector<16xf32>
          %min3A = arith.minimumf %add3A_382, %add3A_398 : vector<16xf32>
          %max3A = arith.maximumf %sub3A_378, %sub3A_394 : vector<16xf32>
          %sub3A_407 = arith.subf %min3A, %max3A : vector<16xf32>
          %max3A_408 = arith.constant 0.000000e+00 : f32
          %max3A_409 = vector.broadcast %max3A_408 : f32 to vector<16xf32>
          %max3A_410 = arith.maximumf %sub3A_407, %max3A_409 : vector<16xf32>
          %min3A_411 = arith.minimumf %add3A_390, %add3A_406 : vector<16xf32>
          %max3A_412 = arith.maximumf %sub3A_386, %sub3A_402 : vector<16xf32>
          %sub3A_413 = arith.subf %min3A_411, %max3A_412 : vector<16xf32>
          %max3A_414 = arith.constant 0.000000e+00 : f32
          %max3A_415 = vector.broadcast %max3A_414 : f32 to vector<16xf32>
          %max3A_416 = arith.maximumf %sub3A_413, %max3A_415 : vector<16xf32>
          %mul3A_417 = arith.mulf %max3A_410, %max3A_416 : vector<16xf32>
          %max3A_418 = arith.constant 0.000000e+00 : f32
          %max3A_419 = vector.broadcast %max3A_418 : f32 to vector<16xf32>
          %max3A_420 = arith.maximumf %gather3A_253, %max3A_419 : vector<16xf32>
          %max3A_421 = arith.constant 0.000000e+00 : f32
          %max3A_422 = vector.broadcast %max3A_421 : f32 to vector<16xf32>
          %max3A_423 = arith.maximumf %gather3A_256, %max3A_422 : vector<16xf32>
          %mul3A_424 = arith.mulf %max3A_420, %max3A_423 : vector<16xf32>
          %max3A_425 = arith.constant 0.000000e+00 : f32
          %max3A_426 = vector.broadcast %max3A_425 : f32 to vector<16xf32>
          %max3A_427 = arith.maximumf %gather3A_298, %max3A_426 : vector<16xf32>
          %max3A_428 = arith.constant 0.000000e+00 : f32
          %max3A_429 = vector.broadcast %max3A_428 : f32 to vector<16xf32>
          %max3A_430 = arith.maximumf %gather3A_301, %max3A_429 : vector<16xf32>
          %mul3A_431 = arith.mulf %max3A_427, %max3A_430 : vector<16xf32>
          %add3A_432 = arith.addf %mul3A_424, %mul3A_431 : vector<16xf32>
          %sub3A_433 = arith.subf %add3A_432, %mul3A_417 : vector<16xf32>
          %add3A_434 = arith.constant 1.000000e-10 : f32
          %add3A_435 = vector.broadcast %add3A_434 : f32 to vector<16xf32>
          %add3A_436 = arith.addf %sub3A_433, %add3A_435 : vector<16xf32>
          %div3A_437 = arith.divf %mul3A_417, %add3A_436 : vector<16xf32>
          %sub3A_438 = arith.subf %gather3A, %div3A_437 : vector<16xf32>
          %mul3A_439 = arith.mulf %select_n3A, %sub3A_438 : vector<16xf32>
          %mul3A_440 = arith.mulf %mul3A_439, %sub3A_438 : vector<16xf32>
          %add3A_441 = arith.addf %broadcast_in_dim3A_342, %mul3A_440 : vector<16xf32>
          %sub3A_442 = arith.constant 1.000000e+00 : f32
          %sub3A_443 = vector.broadcast %sub3A_442 : f32 to vector<16xf32>
          %sub3A_444 = arith.subf %sub3A_443, %select_n3A : vector<16xf32>
          %mul3A_445 = arith.mulf %sub3A_444, %gather3A : vector<16xf32>
          %mul3A_446 = arith.mulf %mul3A_445, %gather3A : vector<16xf32>
          %add3A_447 = arith.addf %broadcast_in_dim3A_342, %mul3A_446 : vector<16xf32>
          %and3A_448 = arith.andi %gt3A_340, %and3A_334 : vector<16xi1>
          %jit3A_449 = arith.constant 1.000000e+00 : f32
          %jit3A_450 = arith.constant 0.000000e+00 : f32
          %broadcast_in_dim3A_451 = vector.broadcast %jit3A_449 : f32 to vector<16xf32>
          %broadcast_in_dim3A_452 = vector.broadcast %jit3A_450 : f32 to vector<16xf32>
          %select_n3A_453 = arith.select %and3A_448, %broadcast_in_dim3A_451, %broadcast_in_dim3A_452 : vector<16xi1>, vector<16xf32>
          %mul3A_454 = arith.constant 2.800000e+01 : f32
          %mul3A_455 = vector.broadcast %mul3A_454 : f32 to vector<16xf32>
          %mul3A_456 = arith.mulf %gather3A_307, %mul3A_455 : vector<16xf32>
          %sub3A_457 = arith.subf %mul3A_456, %add3A_226 : vector<16xf32>
          %sub3A_458 = arith.subf %gather3A_262, %sub3A_457 : vector<16xf32>
          %mul3A_459 = arith.constant 2.800000e+01 : f32
          %mul3A_460 = vector.broadcast %mul3A_459 : f32 to vector<16xf32>
          %mul3A_461 = arith.mulf %gather3A_310, %mul3A_460 : vector<16xf32>
          %sub3A_462 = arith.subf %mul3A_461, %convert_element_type3A_5 : vector<16xf32>
          %sub3A_463 = arith.subf %gather3A_265, %sub3A_462 : vector<16xf32>
          %sub3A_464 = arith.subf %gather3A_268, %gather3A_313 : vector<16xf32>
          %sub3A_465 = arith.subf %gather3A_271, %gather3A_316 : vector<16xf32>
          %mul3A_466 = arith.mulf %sub3A_458, %sub3A_458 : vector<16xf32>
          %mul3A_467 = arith.mulf %sub3A_463, %sub3A_463 : vector<16xf32>
          %add3A_468 = arith.addf %mul3A_466, %mul3A_467 : vector<16xf32>
          %mul3A_469 = arith.mulf %select_n3A_453, %add3A_468 : vector<16xf32>
          %add3A_470 = arith.addf %add3A_362, %mul3A_469 : vector<16xf32>
          %mul3A_471 = arith.mulf %sub3A_464, %sub3A_464 : vector<16xf32>
          %mul3A_472 = arith.mulf %sub3A_465, %sub3A_465 : vector<16xf32>
          %add3A_473 = arith.addf %mul3A_471, %mul3A_472 : vector<16xf32>
          %mul3A_474 = arith.mulf %select_n3A_453, %add3A_473 : vector<16xf32>
          %add3A_475 = arith.addf %add3A_367, %mul3A_474 : vector<16xf32>
          %add3A_476 = arith.addf %gather3A_262, %add3A_226 : vector<16xf32>
          %div3A_477 = arith.constant 2.800000e+01 : f32
          %div3A_478 = vector.broadcast %div3A_477 : f32 to vector<16xf32>
          %div3A_479 = arith.divf %add3A_476, %div3A_478 : vector<16xf32>
          %add3A_480 = arith.addf %gather3A_265, %convert_element_type3A_5 : vector<16xf32>
          %div3A_481 = arith.constant 2.800000e+01 : f32
          %div3A_482 = vector.broadcast %div3A_481 : f32 to vector<16xf32>
          %div3A_483 = arith.divf %add3A_480, %div3A_482 : vector<16xf32>
          %mul3A_484 = arith.constant 5.000000e-01 : f32
          %mul3A_485 = vector.broadcast %mul3A_484 : f32 to vector<16xf32>
          %mul3A_486 = arith.mulf %gather3A_268, %mul3A_485 : vector<16xf32>
          %sub3A_487 = arith.subf %div3A_479, %mul3A_486 : vector<16xf32>
          %mul3A_488 = arith.constant 5.000000e-01 : f32
          %mul3A_489 = vector.broadcast %mul3A_488 : f32 to vector<16xf32>
          %mul3A_490 = arith.mulf %gather3A_268, %mul3A_489 : vector<16xf32>
          %add3A_491 = arith.addf %div3A_479, %mul3A_490 : vector<16xf32>
          %mul3A_492 = arith.constant 5.000000e-01 : f32
          %mul3A_493 = vector.broadcast %mul3A_492 : f32 to vector<16xf32>
          %mul3A_494 = arith.mulf %gather3A_271, %mul3A_493 : vector<16xf32>
          %sub3A_495 = arith.subf %div3A_483, %mul3A_494 : vector<16xf32>
          %mul3A_496 = arith.constant 5.000000e-01 : f32
          %mul3A_497 = vector.broadcast %mul3A_496 : f32 to vector<16xf32>
          %mul3A_498 = arith.mulf %gather3A_271, %mul3A_497 : vector<16xf32>
          %add3A_499 = arith.addf %div3A_483, %mul3A_498 : vector<16xf32>
          %mul3A_500 = arith.constant 5.000000e-01 : f32
          %mul3A_501 = vector.broadcast %mul3A_500 : f32 to vector<16xf32>
          %mul3A_502 = arith.mulf %gather3A_313, %mul3A_501 : vector<16xf32>
          %sub3A_503 = arith.subf %gather3A_307, %mul3A_502 : vector<16xf32>
          %mul3A_504 = arith.constant 5.000000e-01 : f32
          %mul3A_505 = vector.broadcast %mul3A_504 : f32 to vector<16xf32>
          %mul3A_506 = arith.mulf %gather3A_313, %mul3A_505 : vector<16xf32>
          %add3A_507 = arith.addf %gather3A_307, %mul3A_506 : vector<16xf32>
          %mul3A_508 = arith.constant 5.000000e-01 : f32
          %mul3A_509 = vector.broadcast %mul3A_508 : f32 to vector<16xf32>
          %mul3A_510 = arith.mulf %gather3A_316, %mul3A_509 : vector<16xf32>
          %sub3A_511 = arith.subf %gather3A_310, %mul3A_510 : vector<16xf32>
          %mul3A_512 = arith.constant 5.000000e-01 : f32
          %mul3A_513 = vector.broadcast %mul3A_512 : f32 to vector<16xf32>
          %mul3A_514 = arith.mulf %gather3A_316, %mul3A_513 : vector<16xf32>
          %add3A_515 = arith.addf %gather3A_310, %mul3A_514 : vector<16xf32>
          %min3A_516 = arith.minimumf %add3A_491, %add3A_507 : vector<16xf32>
          %max3A_517 = arith.maximumf %sub3A_487, %sub3A_503 : vector<16xf32>
          %sub3A_518 = arith.subf %min3A_516, %max3A_517 : vector<16xf32>
          %max3A_519 = arith.constant 0.000000e+00 : f32
          %max3A_520 = vector.broadcast %max3A_519 : f32 to vector<16xf32>
          %max3A_521 = arith.maximumf %sub3A_518, %max3A_520 : vector<16xf32>
          %min3A_522 = arith.minimumf %add3A_499, %add3A_515 : vector<16xf32>
          %max3A_523 = arith.maximumf %sub3A_495, %sub3A_511 : vector<16xf32>
          %sub3A_524 = arith.subf %min3A_522, %max3A_523 : vector<16xf32>
          %max3A_525 = arith.constant 0.000000e+00 : f32
          %max3A_526 = vector.broadcast %max3A_525 : f32 to vector<16xf32>
          %max3A_527 = arith.maximumf %sub3A_524, %max3A_526 : vector<16xf32>
          %mul3A_528 = arith.mulf %max3A_521, %max3A_527 : vector<16xf32>
          %max3A_529 = arith.constant 0.000000e+00 : f32
          %max3A_530 = vector.broadcast %max3A_529 : f32 to vector<16xf32>
          %max3A_531 = arith.maximumf %gather3A_268, %max3A_530 : vector<16xf32>
          %max3A_532 = arith.constant 0.000000e+00 : f32
          %max3A_533 = vector.broadcast %max3A_532 : f32 to vector<16xf32>
          %max3A_534 = arith.maximumf %gather3A_271, %max3A_533 : vector<16xf32>
          %mul3A_535 = arith.mulf %max3A_531, %max3A_534 : vector<16xf32>
          %max3A_536 = arith.constant 0.000000e+00 : f32
          %max3A_537 = vector.broadcast %max3A_536 : f32 to vector<16xf32>
          %max3A_538 = arith.maximumf %gather3A_313, %max3A_537 : vector<16xf32>
          %max3A_539 = arith.constant 0.000000e+00 : f32
          %max3A_540 = vector.broadcast %max3A_539 : f32 to vector<16xf32>
          %max3A_541 = arith.maximumf %gather3A_316, %max3A_540 : vector<16xf32>
          %mul3A_542 = arith.mulf %max3A_538, %max3A_541 : vector<16xf32>
          %add3A_543 = arith.addf %mul3A_535, %mul3A_542 : vector<16xf32>
          %sub3A_544 = arith.subf %add3A_543, %mul3A_528 : vector<16xf32>
          %add3A_545 = arith.constant 1.000000e-10 : f32
          %add3A_546 = vector.broadcast %add3A_545 : f32 to vector<16xf32>
          %add3A_547 = arith.addf %sub3A_544, %add3A_546 : vector<16xf32>
          %div3A_548 = arith.divf %mul3A_528, %add3A_547 : vector<16xf32>
          %sub3A_549 = arith.subf %gather3A_259, %div3A_548 : vector<16xf32>
          %mul3A_550 = arith.mulf %select_n3A_453, %sub3A_549 : vector<16xf32>
          %mul3A_551 = arith.mulf %mul3A_550, %sub3A_549 : vector<16xf32>
          %add3A_552 = arith.addf %add3A_441, %mul3A_551 : vector<16xf32>
          %sub3A_553 = arith.constant 1.000000e+00 : f32
          %sub3A_554 = vector.broadcast %sub3A_553 : f32 to vector<16xf32>
          %sub3A_555 = arith.subf %sub3A_554, %select_n3A_453 : vector<16xf32>
          %mul3A_556 = arith.mulf %sub3A_555, %gather3A_259 : vector<16xf32>
          %mul3A_557 = arith.mulf %mul3A_556, %gather3A_259 : vector<16xf32>
          %add3A_558 = arith.addf %add3A_447, %mul3A_557 : vector<16xf32>
          %and3A_559 = arith.andi %gt3A_340, %and3A_337 : vector<16xi1>
          %jit3A_560 = arith.constant 1.000000e+00 : f32
          %jit3A_561 = arith.constant 0.000000e+00 : f32
          %broadcast_in_dim3A_562 = vector.broadcast %jit3A_560 : f32 to vector<16xf32>
          %broadcast_in_dim3A_563 = vector.broadcast %jit3A_561 : f32 to vector<16xf32>
          %select_n3A_564 = arith.select %and3A_559, %broadcast_in_dim3A_562, %broadcast_in_dim3A_563 : vector<16xi1>, vector<16xf32>
          %mul3A_565 = arith.constant 2.800000e+01 : f32
          %mul3A_566 = vector.broadcast %mul3A_565 : f32 to vector<16xf32>
          %mul3A_567 = arith.mulf %gather3A_322, %mul3A_566 : vector<16xf32>
          %sub3A_568 = arith.subf %mul3A_567, %add3A_226 : vector<16xf32>
          %sub3A_569 = arith.subf %gather3A_277, %sub3A_568 : vector<16xf32>
          %mul3A_570 = arith.constant 2.800000e+01 : f32
          %mul3A_571 = vector.broadcast %mul3A_570 : f32 to vector<16xf32>
          %mul3A_572 = arith.mulf %gather3A_325, %mul3A_571 : vector<16xf32>
          %sub3A_573 = arith.subf %mul3A_572, %convert_element_type3A_5 : vector<16xf32>
          %sub3A_574 = arith.subf %gather3A_280, %sub3A_573 : vector<16xf32>
          %sub3A_575 = arith.subf %gather3A_283, %gather3A_328 : vector<16xf32>
          %sub3A_576 = arith.subf %gather3A_286, %gather3A_331 : vector<16xf32>
          %mul3A_577 = arith.mulf %sub3A_569, %sub3A_569 : vector<16xf32>
          %mul3A_578 = arith.mulf %sub3A_574, %sub3A_574 : vector<16xf32>
          %add3A_579 = arith.addf %mul3A_577, %mul3A_578 : vector<16xf32>
          %mul3A_580 = arith.mulf %select_n3A_564, %add3A_579 : vector<16xf32>
          %add3A_581 = arith.addf %add3A_470, %mul3A_580 : vector<16xf32>
          %mul3A_582 = arith.mulf %sub3A_575, %sub3A_575 : vector<16xf32>
          %mul3A_583 = arith.mulf %sub3A_576, %sub3A_576 : vector<16xf32>
          %add3A_584 = arith.addf %mul3A_582, %mul3A_583 : vector<16xf32>
          %mul3A_585 = arith.mulf %select_n3A_564, %add3A_584 : vector<16xf32>
          %add3A_586 = arith.addf %add3A_475, %mul3A_585 : vector<16xf32>
          %add3A_587 = arith.addf %gather3A_277, %add3A_226 : vector<16xf32>
          %div3A_588 = arith.constant 2.800000e+01 : f32
          %div3A_589 = vector.broadcast %div3A_588 : f32 to vector<16xf32>
          %div3A_590 = arith.divf %add3A_587, %div3A_589 : vector<16xf32>
          %add3A_591 = arith.addf %gather3A_280, %convert_element_type3A_5 : vector<16xf32>
          %div3A_592 = arith.constant 2.800000e+01 : f32
          %div3A_593 = vector.broadcast %div3A_592 : f32 to vector<16xf32>
          %div3A_594 = arith.divf %add3A_591, %div3A_593 : vector<16xf32>
          %mul3A_595 = arith.constant 5.000000e-01 : f32
          %mul3A_596 = vector.broadcast %mul3A_595 : f32 to vector<16xf32>
          %mul3A_597 = arith.mulf %gather3A_283, %mul3A_596 : vector<16xf32>
          %sub3A_598 = arith.subf %div3A_590, %mul3A_597 : vector<16xf32>
          %mul3A_599 = arith.constant 5.000000e-01 : f32
          %mul3A_600 = vector.broadcast %mul3A_599 : f32 to vector<16xf32>
          %mul3A_601 = arith.mulf %gather3A_283, %mul3A_600 : vector<16xf32>
          %add3A_602 = arith.addf %div3A_590, %mul3A_601 : vector<16xf32>
          %mul3A_603 = arith.constant 5.000000e-01 : f32
          %mul3A_604 = vector.broadcast %mul3A_603 : f32 to vector<16xf32>
          %mul3A_605 = arith.mulf %gather3A_286, %mul3A_604 : vector<16xf32>
          %sub3A_606 = arith.subf %div3A_594, %mul3A_605 : vector<16xf32>
          %mul3A_607 = arith.constant 5.000000e-01 : f32
          %mul3A_608 = vector.broadcast %mul3A_607 : f32 to vector<16xf32>
          %mul3A_609 = arith.mulf %gather3A_286, %mul3A_608 : vector<16xf32>
          %add3A_610 = arith.addf %div3A_594, %mul3A_609 : vector<16xf32>
          %mul3A_611 = arith.constant 5.000000e-01 : f32
          %mul3A_612 = vector.broadcast %mul3A_611 : f32 to vector<16xf32>
          %mul3A_613 = arith.mulf %gather3A_328, %mul3A_612 : vector<16xf32>
          %sub3A_614 = arith.subf %gather3A_322, %mul3A_613 : vector<16xf32>
          %mul3A_615 = arith.constant 5.000000e-01 : f32
          %mul3A_616 = vector.broadcast %mul3A_615 : f32 to vector<16xf32>
          %mul3A_617 = arith.mulf %gather3A_328, %mul3A_616 : vector<16xf32>
          %add3A_618 = arith.addf %gather3A_322, %mul3A_617 : vector<16xf32>
          %mul3A_619 = arith.constant 5.000000e-01 : f32
          %mul3A_620 = vector.broadcast %mul3A_619 : f32 to vector<16xf32>
          %mul3A_621 = arith.mulf %gather3A_331, %mul3A_620 : vector<16xf32>
          %sub3A_622 = arith.subf %gather3A_325, %mul3A_621 : vector<16xf32>
          %mul3A_623 = arith.constant 5.000000e-01 : f32
          %mul3A_624 = vector.broadcast %mul3A_623 : f32 to vector<16xf32>
          %mul3A_625 = arith.mulf %gather3A_331, %mul3A_624 : vector<16xf32>
          %add3A_626 = arith.addf %gather3A_325, %mul3A_625 : vector<16xf32>
          %min3A_627 = arith.minimumf %add3A_602, %add3A_618 : vector<16xf32>
          %max3A_628 = arith.maximumf %sub3A_598, %sub3A_614 : vector<16xf32>
          %sub3A_629 = arith.subf %min3A_627, %max3A_628 : vector<16xf32>
          %max3A_630 = arith.constant 0.000000e+00 : f32
          %max3A_631 = vector.broadcast %max3A_630 : f32 to vector<16xf32>
          %max3A_632 = arith.maximumf %sub3A_629, %max3A_631 : vector<16xf32>
          %min3A_633 = arith.minimumf %add3A_610, %add3A_626 : vector<16xf32>
          %max3A_634 = arith.maximumf %sub3A_606, %sub3A_622 : vector<16xf32>
          %sub3A_635 = arith.subf %min3A_633, %max3A_634 : vector<16xf32>
          %max3A_636 = arith.constant 0.000000e+00 : f32
          %max3A_637 = vector.broadcast %max3A_636 : f32 to vector<16xf32>
          %max3A_638 = arith.maximumf %sub3A_635, %max3A_637 : vector<16xf32>
          %mul3A_639 = arith.mulf %max3A_632, %max3A_638 : vector<16xf32>
          %max3A_640 = arith.constant 0.000000e+00 : f32
          %max3A_641 = vector.broadcast %max3A_640 : f32 to vector<16xf32>
          %max3A_642 = arith.maximumf %gather3A_283, %max3A_641 : vector<16xf32>
          %max3A_643 = arith.constant 0.000000e+00 : f32
          %max3A_644 = vector.broadcast %max3A_643 : f32 to vector<16xf32>
          %max3A_645 = arith.maximumf %gather3A_286, %max3A_644 : vector<16xf32>
          %mul3A_646 = arith.mulf %max3A_642, %max3A_645 : vector<16xf32>
          %max3A_647 = arith.constant 0.000000e+00 : f32
          %max3A_648 = vector.broadcast %max3A_647 : f32 to vector<16xf32>
          %max3A_649 = arith.maximumf %gather3A_328, %max3A_648 : vector<16xf32>
          %max3A_650 = arith.constant 0.000000e+00 : f32
          %max3A_651 = vector.broadcast %max3A_650 : f32 to vector<16xf32>
          %max3A_652 = arith.maximumf %gather3A_331, %max3A_651 : vector<16xf32>
          %mul3A_653 = arith.mulf %max3A_649, %max3A_652 : vector<16xf32>
          %add3A_654 = arith.addf %mul3A_646, %mul3A_653 : vector<16xf32>
          %sub3A_655 = arith.subf %add3A_654, %mul3A_639 : vector<16xf32>
          %add3A_656 = arith.constant 1.000000e-10 : f32
          %add3A_657 = vector.broadcast %add3A_656 : f32 to vector<16xf32>
          %add3A_658 = arith.addf %sub3A_655, %add3A_657 : vector<16xf32>
          %div3A_659 = arith.divf %mul3A_639, %add3A_658 : vector<16xf32>
          %sub3A_660 = arith.subf %gather3A_274, %div3A_659 : vector<16xf32>
          %mul3A_661 = arith.mulf %select_n3A_564, %sub3A_660 : vector<16xf32>
          %mul3A_662 = arith.mulf %mul3A_661, %sub3A_660 : vector<16xf32>
          %add3A_663 = arith.addf %add3A_552, %mul3A_662 : vector<16xf32>
          %sub3A_664 = arith.constant 1.000000e+00 : f32
          %sub3A_665 = vector.broadcast %sub3A_664 : f32 to vector<16xf32>
          %sub3A_666 = arith.subf %sub3A_665, %select_n3A_564 : vector<16xf32>
          %mul3A_667 = arith.mulf %sub3A_666, %gather3A_274 : vector<16xf32>
          %mul3A_668 = arith.mulf %mul3A_667, %gather3A_274 : vector<16xf32>
          %add3A_669 = arith.addf %add3A_558, %mul3A_668 : vector<16xf32>
          %add3A_670 = arith.addf %scan3A_235, %add3A_581 : vector<16xf32>
          %add3A_671 = arith.addf %scan3A_236, %add3A_586 : vector<16xf32>
          %add3A_672 = arith.addf %scan3A_237, %add3A_663 : vector<16xf32>
          %add3A_673 = arith.addf %scan3A_238, %add3A_669 : vector<16xf32>
          scf.yield %add3A_670, %add3A_671, %add3A_672, %add3A_673 : vector<16xf32>, vector<16xf32>, vector<16xf32>, vector<16xf32>
        }
        %scan3A_233 = arith.constant 4 : i32
        scf.yield %scan3A_232#0, %scan3A_232#1, %scan3A_232#2, %scan3A_232#3 : vector<16xf32>, vector<16xf32>, vector<16xf32>, vector<16xf32>
      }
      %scan3A_168 = arith.constant 4 : i32
      %dma_wait3A_169 = arith.constant 24 : i32
      %dma_wait3A_170 = arith.constant 0 : i32
      %dma_wait3A_171 = arith.constant 0 : i32
      %dma_wait3A_172 = tpu.memref_slice %arg2[%add3A, %dma_wait3A_169, %dma_wait3A_170, %dma_wait3A_171] : memref<28x28x64x128xf32, #tpu.memory_space<hbm>> -> memref<1x4x64x128xf32, #tpu.memory_space<hbm>>
      %dma_wait3A_173 = tpu.memref_squeeze %dma_wait3A_172 : memref<1x4x64x128xf32, #tpu.memory_space<hbm>> -> memref<4x64x128xf32, #tpu.memory_space<hbm>>
      %dma_wait3A_174 = arith.constant 24 : i32
      %dma_wait3A_175 = arith.constant 0 : i32
      %dma_wait3A_176 = arith.constant 0 : i32
      %dma_wait3A_177 = tpu.memref_slice %arg2[%add3A, %dma_wait3A_174, %dma_wait3A_175, %dma_wait3A_176] : memref<28x28x64x128xf32, #tpu.memory_space<hbm>> -> memref<1x4x64x128xf32, #tpu.memory_space<hbm>>
      %dma_wait3A_178 = tpu.memref_squeeze %dma_wait3A_177 : memref<1x4x64x128xf32, #tpu.memory_space<hbm>> -> memref<4x64x128xf32, #tpu.memory_space<hbm>>
      tpu.wait_dma2 semaphore(%arg7 : memref<!tpu.dma_semaphore, #tpu.memory_space<semaphore_mem>>) src(%dma_wait3A_178 : memref<4x64x128xf32, #tpu.memory_space<hbm>>) dst(%arg4 : memref<4x64x128xf32, #tpu.memory_space<vmem>>)
      %scan3A_179 = arith.constant 0 : i32
      %scan3A_180 = arith.constant 4 : i32
      %scan3A_181 = arith.addi %scan3A_179, %scan3A_180 : i32
      %scan3A_182 = arith.constant 1 : i32
      %scan3A_183:4 = scf.for %scan3A_216 = %scan3A_179 to %scan3A_181 step %scan3A_182 iter_args(%scan3A_217 = %scan3A_167#0, %scan3A_218 = %scan3A_167#1, %scan3A_219 = %scan3A_167#2, %scan3A_220 = %scan3A_167#3) -> (vector<16xf32>, vector<16xf32>, vector<16xf32>, vector<16xf32>)  : i32 {
        %broadcast_in_dim3A_221 = arith.constant 24 : i32
        %broadcast_in_dim3A_222 = vector.broadcast %broadcast_in_dim3A_221 : i32 to vector<16xi32>
        %convert_element_type3A_223 = arith.sitofp %broadcast_in_dim3A_222 : vector<16xi32> to vector<16xf32>
        %convert_element_type3A_224 = arith.sitofp %scan3A_216 : i32 to f32
        %add3A_225 = vector.broadcast %convert_element_type3A_224 : f32 to vector<16xf32>
        %add3A_226 = arith.addf %convert_element_type3A_223, %add3A_225 : vector<16xf32>
        %broadcast_in_dim3A_227 = vector.broadcast %scan3A_216 : i32 to vector<16xi32>
        %scan3A_228 = arith.constant 0 : i32
        %scan3A_229 = arith.constant 4 : i32
        %scan3A_230 = arith.addi %scan3A_228, %scan3A_229 : i32
        %scan3A_231 = arith.constant 1 : i32
        %scan3A_232:4 = scf.for %scan3A_234 = %scan3A_228 to %scan3A_230 step %scan3A_231 iter_args(%scan3A_235 = %scan3A_217, %scan3A_236 = %scan3A_218, %scan3A_237 = %scan3A_219, %scan3A_238 = %scan3A_220) -> (vector<16xf32>, vector<16xf32>, vector<16xf32>, vector<16xf32>)  : i32 {
          %mul3A_239 = arith.constant 16 : i32
          %mul3A_240 = arith.muli %scan3A_234, %mul3A_239 : i32
          %add3A_241 = vector.broadcast %mul3A_240 : i32 to vector<16xi32>
          %add3A_242 = arith.addi %add3A_241, %iota3A : vector<16xi32>
          %broadcast_in_dim3A_243 = arith.constant 0 : i32
          %broadcast_in_dim3A_244 = vector.broadcast %broadcast_in_dim3A_243 : i32 to vector<16xi32>
          %gather3A = tpu.vector_load_idx %arg4[%broadcast_in_dim3A_227, %add3A_242, %broadcast_in_dim3A_244] : memref<4x64x128xf32, #tpu.memory_space<vmem>>[vector<16xi32>, vector<16xi32>, vector<16xi32>], vector<16xf32>,
          %broadcast_in_dim3A_245 = arith.constant 1 : i32
          %broadcast_in_dim3A_246 = vector.broadcast %broadcast_in_dim3A_245 : i32 to vector<16xi32>
          %gather3A_247 = tpu.vector_load_idx %arg4[%broadcast_in_dim3A_227, %add3A_242, %broadcast_in_dim3A_246] : memref<4x64x128xf32, #tpu.memory_space<vmem>>[vector<16xi32>, vector<16xi32>, vector<16xi32>], vector<16xf32>,
          %broadcast_in_dim3A_248 = arith.constant 2 : i32
          %broadcast_in_dim3A_249 = vector.broadcast %broadcast_in_dim3A_248 : i32 to vector<16xi32>
          %gather3A_250 = tpu.vector_load_idx %arg4[%broadcast_in_dim3A_227, %add3A_242, %broadcast_in_dim3A_249] : memref<4x64x128xf32, #tpu.memory_space<vmem>>[vector<16xi32>, vector<16xi32>, vector<16xi32>], vector<16xf32>,
          %broadcast_in_dim3A_251 = arith.constant 3 : i32
          %broadcast_in_dim3A_252 = vector.broadcast %broadcast_in_dim3A_251 : i32 to vector<16xi32>
          %gather3A_253 = tpu.vector_load_idx %arg4[%broadcast_in_dim3A_227, %add3A_242, %broadcast_in_dim3A_252] : memref<4x64x128xf32, #tpu.memory_space<vmem>>[vector<16xi32>, vector<16xi32>, vector<16xi32>], vector<16xf32>,
          %broadcast_in_dim3A_254 = arith.constant 4 : i32
          %broadcast_in_dim3A_255 = vector.broadcast %broadcast_in_dim3A_254 : i32 to vector<16xi32>
          %gather3A_256 = tpu.vector_load_idx %arg4[%broadcast_in_dim3A_227, %add3A_242, %broadcast_in_dim3A_255] : memref<4x64x128xf32, #tpu.memory_space<vmem>>[vector<16xi32>, vector<16xi32>, vector<16xi32>], vector<16xf32>,
          %broadcast_in_dim3A_257 = arith.constant 5 : i32
          %broadcast_in_dim3A_258 = vector.broadcast %broadcast_in_dim3A_257 : i32 to vector<16xi32>
          %gather3A_259 = tpu.vector_load_idx %arg4[%broadcast_in_dim3A_227, %add3A_242, %broadcast_in_dim3A_258] : memref<4x64x128xf32, #tpu.memory_space<vmem>>[vector<16xi32>, vector<16xi32>, vector<16xi32>], vector<16xf32>,
          %broadcast_in_dim3A_260 = arith.constant 6 : i32
          %broadcast_in_dim3A_261 = vector.broadcast %broadcast_in_dim3A_260 : i32 to vector<16xi32>
          %gather3A_262 = tpu.vector_load_idx %arg4[%broadcast_in_dim3A_227, %add3A_242, %broadcast_in_dim3A_261] : memref<4x64x128xf32, #tpu.memory_space<vmem>>[vector<16xi32>, vector<16xi32>, vector<16xi32>], vector<16xf32>,
          %broadcast_in_dim3A_263 = arith.constant 7 : i32
          %broadcast_in_dim3A_264 = vector.broadcast %broadcast_in_dim3A_263 : i32 to vector<16xi32>
          %gather3A_265 = tpu.vector_load_idx %arg4[%broadcast_in_dim3A_227, %add3A_242, %broadcast_in_dim3A_264] : memref<4x64x128xf32, #tpu.memory_space<vmem>>[vector<16xi32>, vector<16xi32>, vector<16xi32>], vector<16xf32>,
          %broadcast_in_dim3A_266 = arith.constant 8 : i32
          %broadcast_in_dim3A_267 = vector.broadcast %broadcast_in_dim3A_266 : i32 to vector<16xi32>
          %gather3A_268 = tpu.vector_load_idx %arg4[%broadcast_in_dim3A_227, %add3A_242, %broadcast_in_dim3A_267] : memref<4x64x128xf32, #tpu.memory_space<vmem>>[vector<16xi32>, vector<16xi32>, vector<16xi32>], vector<16xf32>,
          %broadcast_in_dim3A_269 = arith.constant 9 : i32
          %broadcast_in_dim3A_270 = vector.broadcast %broadcast_in_dim3A_269 : i32 to vector<16xi32>
          %gather3A_271 = tpu.vector_load_idx %arg4[%broadcast_in_dim3A_227, %add3A_242, %broadcast_in_dim3A_270] : memref<4x64x128xf32, #tpu.memory_space<vmem>>[vector<16xi32>, vector<16xi32>, vector<16xi32>], vector<16xf32>,
          %broadcast_in_dim3A_272 = arith.constant 10 : i32
          %broadcast_in_dim3A_273 = vector.broadcast %broadcast_in_dim3A_272 : i32 to vector<16xi32>
          %gather3A_274 = tpu.vector_load_idx %arg4[%broadcast_in_dim3A_227, %add3A_242, %broadcast_in_dim3A_273] : memref<4x64x128xf32, #tpu.memory_space<vmem>>[vector<16xi32>, vector<16xi32>, vector<16xi32>], vector<16xf32>,
          %broadcast_in_dim3A_275 = arith.constant 11 : i32
          %broadcast_in_dim3A_276 = vector.broadcast %broadcast_in_dim3A_275 : i32 to vector<16xi32>
          %gather3A_277 = tpu.vector_load_idx %arg4[%broadcast_in_dim3A_227, %add3A_242, %broadcast_in_dim3A_276] : memref<4x64x128xf32, #tpu.memory_space<vmem>>[vector<16xi32>, vector<16xi32>, vector<16xi32>], vector<16xf32>,
          %broadcast_in_dim3A_278 = arith.constant 12 : i32
          %broadcast_in_dim3A_279 = vector.broadcast %broadcast_in_dim3A_278 : i32 to vector<16xi32>
          %gather3A_280 = tpu.vector_load_idx %arg4[%broadcast_in_dim3A_227, %add3A_242, %broadcast_in_dim3A_279] : memref<4x64x128xf32, #tpu.memory_space<vmem>>[vector<16xi32>, vector<16xi32>, vector<16xi32>], vector<16xf32>,
          %broadcast_in_dim3A_281 = arith.constant 13 : i32
          %broadcast_in_dim3A_282 = vector.broadcast %broadcast_in_dim3A_281 : i32 to vector<16xi32>
          %gather3A_283 = tpu.vector_load_idx %arg4[%broadcast_in_dim3A_227, %add3A_242, %broadcast_in_dim3A_282] : memref<4x64x128xf32, #tpu.memory_space<vmem>>[vector<16xi32>, vector<16xi32>, vector<16xi32>], vector<16xf32>,
          %broadcast_in_dim3A_284 = arith.constant 14 : i32
          %broadcast_in_dim3A_285 = vector.broadcast %broadcast_in_dim3A_284 : i32 to vector<16xi32>
          %gather3A_286 = tpu.vector_load_idx %arg4[%broadcast_in_dim3A_227, %add3A_242, %broadcast_in_dim3A_285] : memref<4x64x128xf32, #tpu.memory_space<vmem>>[vector<16xi32>, vector<16xi32>, vector<16xi32>], vector<16xf32>,
          %broadcast_in_dim3A_287 = arith.constant 16 : i32
          %broadcast_in_dim3A_288 = vector.broadcast %broadcast_in_dim3A_287 : i32 to vector<16xi32>
          %gather3A_289 = tpu.vector_load_idx %arg4[%broadcast_in_dim3A_227, %add3A_242, %broadcast_in_dim3A_288] : memref<4x64x128xf32, #tpu.memory_space<vmem>>[vector<16xi32>, vector<16xi32>, vector<16xi32>], vector<16xf32>,
          %broadcast_in_dim3A_290 = arith.constant 17 : i32
          %broadcast_in_dim3A_291 = vector.broadcast %broadcast_in_dim3A_290 : i32 to vector<16xi32>
          %gather3A_292 = tpu.vector_load_idx %arg4[%broadcast_in_dim3A_227, %add3A_242, %broadcast_in_dim3A_291] : memref<4x64x128xf32, #tpu.memory_space<vmem>>[vector<16xi32>, vector<16xi32>, vector<16xi32>], vector<16xf32>,
          %broadcast_in_dim3A_293 = arith.constant 18 : i32
          %broadcast_in_dim3A_294 = vector.broadcast %broadcast_in_dim3A_293 : i32 to vector<16xi32>
          %gather3A_295 = tpu.vector_load_idx %arg4[%broadcast_in_dim3A_227, %add3A_242, %broadcast_in_dim3A_294] : memref<4x64x128xf32, #tpu.memory_space<vmem>>[vector<16xi32>, vector<16xi32>, vector<16xi32>], vector<16xf32>,
          %broadcast_in_dim3A_296 = arith.constant 19 : i32
          %broadcast_in_dim3A_297 = vector.broadcast %broadcast_in_dim3A_296 : i32 to vector<16xi32>
          %gather3A_298 = tpu.vector_load_idx %arg4[%broadcast_in_dim3A_227, %add3A_242, %broadcast_in_dim3A_297] : memref<4x64x128xf32, #tpu.memory_space<vmem>>[vector<16xi32>, vector<16xi32>, vector<16xi32>], vector<16xf32>,
          %broadcast_in_dim3A_299 = arith.constant 20 : i32
          %broadcast_in_dim3A_300 = vector.broadcast %broadcast_in_dim3A_299 : i32 to vector<16xi32>
          %gather3A_301 = tpu.vector_load_idx %arg4[%broadcast_in_dim3A_227, %add3A_242, %broadcast_in_dim3A_300] : memref<4x64x128xf32, #tpu.memory_space<vmem>>[vector<16xi32>, vector<16xi32>, vector<16xi32>], vector<16xf32>,
          %broadcast_in_dim3A_302 = arith.constant 21 : i32
          %broadcast_in_dim3A_303 = vector.broadcast %broadcast_in_dim3A_302 : i32 to vector<16xi32>
          %gather3A_304 = tpu.vector_load_idx %arg4[%broadcast_in_dim3A_227, %add3A_242, %broadcast_in_dim3A_303] : memref<4x64x128xf32, #tpu.memory_space<vmem>>[vector<16xi32>, vector<16xi32>, vector<16xi32>], vector<16xf32>,
          %broadcast_in_dim3A_305 = arith.constant 22 : i32
          %broadcast_in_dim3A_306 = vector.broadcast %broadcast_in_dim3A_305 : i32 to vector<16xi32>
          %gather3A_307 = tpu.vector_load_idx %arg4[%broadcast_in_dim3A_227, %add3A_242, %broadcast_in_dim3A_306] : memref<4x64x128xf32, #tpu.memory_space<vmem>>[vector<16xi32>, vector<16xi32>, vector<16xi32>], vector<16xf32>,
          %broadcast_in_dim3A_308 = arith.constant 23 : i32
          %broadcast_in_dim3A_309 = vector.broadcast %broadcast_in_dim3A_308 : i32 to vector<16xi32>
          %gather3A_310 = tpu.vector_load_idx %arg4[%broadcast_in_dim3A_227, %add3A_242, %broadcast_in_dim3A_309] : memref<4x64x128xf32, #tpu.memory_space<vmem>>[vector<16xi32>, vector<16xi32>, vector<16xi32>], vector<16xf32>,
          %broadcast_in_dim3A_311 = arith.constant 24 : i32
          %broadcast_in_dim3A_312 = vector.broadcast %broadcast_in_dim3A_311 : i32 to vector<16xi32>
          %gather3A_313 = tpu.vector_load_idx %arg4[%broadcast_in_dim3A_227, %add3A_242, %broadcast_in_dim3A_312] : memref<4x64x128xf32, #tpu.memory_space<vmem>>[vector<16xi32>, vector<16xi32>, vector<16xi32>], vector<16xf32>,
          %broadcast_in_dim3A_314 = arith.constant 25 : i32
          %broadcast_in_dim3A_315 = vector.broadcast %broadcast_in_dim3A_314 : i32 to vector<16xi32>
          %gather3A_316 = tpu.vector_load_idx %arg4[%broadcast_in_dim3A_227, %add3A_242, %broadcast_in_dim3A_315] : memref<4x64x128xf32, #tpu.memory_space<vmem>>[vector<16xi32>, vector<16xi32>, vector<16xi32>], vector<16xf32>,
          %broadcast_in_dim3A_317 = arith.constant 26 : i32
          %broadcast_in_dim3A_318 = vector.broadcast %broadcast_in_dim3A_317 : i32 to vector<16xi32>
          %gather3A_319 = tpu.vector_load_idx %arg4[%broadcast_in_dim3A_227, %add3A_242, %broadcast_in_dim3A_318] : memref<4x64x128xf32, #tpu.memory_space<vmem>>[vector<16xi32>, vector<16xi32>, vector<16xi32>], vector<16xf32>,
          %broadcast_in_dim3A_320 = arith.constant 27 : i32
          %broadcast_in_dim3A_321 = vector.broadcast %broadcast_in_dim3A_320 : i32 to vector<16xi32>
          %gather3A_322 = tpu.vector_load_idx %arg4[%broadcast_in_dim3A_227, %add3A_242, %broadcast_in_dim3A_321] : memref<4x64x128xf32, #tpu.memory_space<vmem>>[vector<16xi32>, vector<16xi32>, vector<16xi32>], vector<16xf32>,
          %broadcast_in_dim3A_323 = arith.constant 28 : i32
          %broadcast_in_dim3A_324 = vector.broadcast %broadcast_in_dim3A_323 : i32 to vector<16xi32>
          %gather3A_325 = tpu.vector_load_idx %arg4[%broadcast_in_dim3A_227, %add3A_242, %broadcast_in_dim3A_324] : memref<4x64x128xf32, #tpu.memory_space<vmem>>[vector<16xi32>, vector<16xi32>, vector<16xi32>], vector<16xf32>,
          %broadcast_in_dim3A_326 = arith.constant 29 : i32
          %broadcast_in_dim3A_327 = vector.broadcast %broadcast_in_dim3A_326 : i32 to vector<16xi32>
          %gather3A_328 = tpu.vector_load_idx %arg4[%broadcast_in_dim3A_227, %add3A_242, %broadcast_in_dim3A_327] : memref<4x64x128xf32, #tpu.memory_space<vmem>>[vector<16xi32>, vector<16xi32>, vector<16xi32>], vector<16xf32>,
          %broadcast_in_dim3A_329 = arith.constant 30 : i32
          %broadcast_in_dim3A_330 = vector.broadcast %broadcast_in_dim3A_329 : i32 to vector<16xi32>
          %gather3A_331 = tpu.vector_load_idx %arg4[%broadcast_in_dim3A_227, %add3A_242, %broadcast_in_dim3A_330] : memref<4x64x128xf32, #tpu.memory_space<vmem>>[vector<16xi32>, vector<16xi32>, vector<16xi32>], vector<16xf32>,
          %ge3A = arith.cmpf oge, %gather3A, %gather3A_259 : vector<16xf32>
          %ge3A_332 = arith.cmpf oge, %gather3A, %gather3A_274 : vector<16xf32>
          %and3A = arith.andi %ge3A, %ge3A_332 : vector<16xi1>
          %gt3A = arith.cmpf ogt, %gather3A_259, %gather3A : vector<16xf32>
          %ge3A_333 = arith.cmpf oge, %gather3A_259, %gather3A_274 : vector<16xf32>
          %and3A_334 = arith.andi %gt3A, %ge3A_333 : vector<16xi1>
          %gt3A_335 = arith.cmpf ogt, %gather3A_274, %gather3A : vector<16xf32>
          %gt3A_336 = arith.cmpf ogt, %gather3A_274, %gather3A_259 : vector<16xf32>
          %and3A_337 = arith.andi %gt3A_335, %gt3A_336 : vector<16xi1>
          %gt3A_338 = arith.constant 0.000000e+00 : f32
          %gt3A_339 = vector.broadcast %gt3A_338 : f32 to vector<16xf32>
          %gt3A_340 = arith.cmpf ogt, %gather3A_289, %gt3A_339 : vector<16xf32>
          %broadcast_in_dim3A_341 = arith.constant 0.000000e+00 : f32
          %broadcast_in_dim3A_342 = vector.broadcast %broadcast_in_dim3A_341 : f32 to vector<16xf32>
          %and3A_343 = arith.andi %gt3A_340, %and3A : vector<16xi1>
          %jit3A = arith.constant 1.000000e+00 : f32
          %jit3A_344 = arith.constant 0.000000e+00 : f32
          %broadcast_in_dim3A_345 = vector.broadcast %jit3A : f32 to vector<16xf32>
          %broadcast_in_dim3A_346 = vector.broadcast %jit3A_344 : f32 to vector<16xf32>
          %select_n3A = arith.select %and3A_343, %broadcast_in_dim3A_345, %broadcast_in_dim3A_346 : vector<16xi1>, vector<16xf32>
          %mul3A_347 = arith.constant 2.800000e+01 : f32
          %mul3A_348 = vector.broadcast %mul3A_347 : f32 to vector<16xf32>
          %mul3A_349 = arith.mulf %gather3A_292, %mul3A_348 : vector<16xf32>
          %sub3A = arith.subf %mul3A_349, %add3A_226 : vector<16xf32>
          %sub3A_350 = arith.subf %gather3A_247, %sub3A : vector<16xf32>
          %mul3A_351 = arith.constant 2.800000e+01 : f32
          %mul3A_352 = vector.broadcast %mul3A_351 : f32 to vector<16xf32>
          %mul3A_353 = arith.mulf %gather3A_295, %mul3A_352 : vector<16xf32>
          %sub3A_354 = arith.subf %mul3A_353, %convert_element_type3A_5 : vector<16xf32>
          %sub3A_355 = arith.subf %gather3A_250, %sub3A_354 : vector<16xf32>
          %sub3A_356 = arith.subf %gather3A_253, %gather3A_298 : vector<16xf32>
          %sub3A_357 = arith.subf %gather3A_256, %gather3A_301 : vector<16xf32>
          %mul3A_358 = arith.mulf %sub3A_350, %sub3A_350 : vector<16xf32>
          %mul3A_359 = arith.mulf %sub3A_355, %sub3A_355 : vector<16xf32>
          %add3A_360 = arith.addf %mul3A_358, %mul3A_359 : vector<16xf32>
          %mul3A_361 = arith.mulf %select_n3A, %add3A_360 : vector<16xf32>
          %add3A_362 = arith.addf %broadcast_in_dim3A_342, %mul3A_361 : vector<16xf32>
          %mul3A_363 = arith.mulf %sub3A_356, %sub3A_356 : vector<16xf32>
          %mul3A_364 = arith.mulf %sub3A_357, %sub3A_357 : vector<16xf32>
          %add3A_365 = arith.addf %mul3A_363, %mul3A_364 : vector<16xf32>
          %mul3A_366 = arith.mulf %select_n3A, %add3A_365 : vector<16xf32>
          %add3A_367 = arith.addf %broadcast_in_dim3A_342, %mul3A_366 : vector<16xf32>
          %add3A_368 = arith.addf %gather3A_247, %add3A_226 : vector<16xf32>
          %div3A = arith.constant 2.800000e+01 : f32
          %div3A_369 = vector.broadcast %div3A : f32 to vector<16xf32>
          %div3A_370 = arith.divf %add3A_368, %div3A_369 : vector<16xf32>
          %add3A_371 = arith.addf %gather3A_250, %convert_element_type3A_5 : vector<16xf32>
          %div3A_372 = arith.constant 2.800000e+01 : f32
          %div3A_373 = vector.broadcast %div3A_372 : f32 to vector<16xf32>
          %div3A_374 = arith.divf %add3A_371, %div3A_373 : vector<16xf32>
          %mul3A_375 = arith.constant 5.000000e-01 : f32
          %mul3A_376 = vector.broadcast %mul3A_375 : f32 to vector<16xf32>
          %mul3A_377 = arith.mulf %gather3A_253, %mul3A_376 : vector<16xf32>
          %sub3A_378 = arith.subf %div3A_370, %mul3A_377 : vector<16xf32>
          %mul3A_379 = arith.constant 5.000000e-01 : f32
          %mul3A_380 = vector.broadcast %mul3A_379 : f32 to vector<16xf32>
          %mul3A_381 = arith.mulf %gather3A_253, %mul3A_380 : vector<16xf32>
          %add3A_382 = arith.addf %div3A_370, %mul3A_381 : vector<16xf32>
          %mul3A_383 = arith.constant 5.000000e-01 : f32
          %mul3A_384 = vector.broadcast %mul3A_383 : f32 to vector<16xf32>
          %mul3A_385 = arith.mulf %gather3A_256, %mul3A_384 : vector<16xf32>
          %sub3A_386 = arith.subf %div3A_374, %mul3A_385 : vector<16xf32>
          %mul3A_387 = arith.constant 5.000000e-01 : f32
          %mul3A_388 = vector.broadcast %mul3A_387 : f32 to vector<16xf32>
          %mul3A_389 = arith.mulf %gather3A_256, %mul3A_388 : vector<16xf32>
          %add3A_390 = arith.addf %div3A_374, %mul3A_389 : vector<16xf32>
          %mul3A_391 = arith.constant 5.000000e-01 : f32
          %mul3A_392 = vector.broadcast %mul3A_391 : f32 to vector<16xf32>
          %mul3A_393 = arith.mulf %gather3A_298, %mul3A_392 : vector<16xf32>
          %sub3A_394 = arith.subf %gather3A_292, %mul3A_393 : vector<16xf32>
          %mul3A_395 = arith.constant 5.000000e-01 : f32
          %mul3A_396 = vector.broadcast %mul3A_395 : f32 to vector<16xf32>
          %mul3A_397 = arith.mulf %gather3A_298, %mul3A_396 : vector<16xf32>
          %add3A_398 = arith.addf %gather3A_292, %mul3A_397 : vector<16xf32>
          %mul3A_399 = arith.constant 5.000000e-01 : f32
          %mul3A_400 = vector.broadcast %mul3A_399 : f32 to vector<16xf32>
          %mul3A_401 = arith.mulf %gather3A_301, %mul3A_400 : vector<16xf32>
          %sub3A_402 = arith.subf %gather3A_295, %mul3A_401 : vector<16xf32>
          %mul3A_403 = arith.constant 5.000000e-01 : f32
          %mul3A_404 = vector.broadcast %mul3A_403 : f32 to vector<16xf32>
          %mul3A_405 = arith.mulf %gather3A_301, %mul3A_404 : vector<16xf32>
          %add3A_406 = arith.addf %gather3A_295, %mul3A_405 : vector<16xf32>
          %min3A = arith.minimumf %add3A_382, %add3A_398 : vector<16xf32>
          %max3A = arith.maximumf %sub3A_378, %sub3A_394 : vector<16xf32>
          %sub3A_407 = arith.subf %min3A, %max3A : vector<16xf32>
          %max3A_408 = arith.constant 0.000000e+00 : f32
          %max3A_409 = vector.broadcast %max3A_408 : f32 to vector<16xf32>
          %max3A_410 = arith.maximumf %sub3A_407, %max3A_409 : vector<16xf32>
          %min3A_411 = arith.minimumf %add3A_390, %add3A_406 : vector<16xf32>
          %max3A_412 = arith.maximumf %sub3A_386, %sub3A_402 : vector<16xf32>
          %sub3A_413 = arith.subf %min3A_411, %max3A_412 : vector<16xf32>
          %max3A_414 = arith.constant 0.000000e+00 : f32
          %max3A_415 = vector.broadcast %max3A_414 : f32 to vector<16xf32>
          %max3A_416 = arith.maximumf %sub3A_413, %max3A_415 : vector<16xf32>
          %mul3A_417 = arith.mulf %max3A_410, %max3A_416 : vector<16xf32>
          %max3A_418 = arith.constant 0.000000e+00 : f32
          %max3A_419 = vector.broadcast %max3A_418 : f32 to vector<16xf32>
          %max3A_420 = arith.maximumf %gather3A_253, %max3A_419 : vector<16xf32>
          %max3A_421 = arith.constant 0.000000e+00 : f32
          %max3A_422 = vector.broadcast %max3A_421 : f32 to vector<16xf32>
          %max3A_423 = arith.maximumf %gather3A_256, %max3A_422 : vector<16xf32>
          %mul3A_424 = arith.mulf %max3A_420, %max3A_423 : vector<16xf32>
          %max3A_425 = arith.constant 0.000000e+00 : f32
          %max3A_426 = vector.broadcast %max3A_425 : f32 to vector<16xf32>
          %max3A_427 = arith.maximumf %gather3A_298, %max3A_426 : vector<16xf32>
          %max3A_428 = arith.constant 0.000000e+00 : f32
          %max3A_429 = vector.broadcast %max3A_428 : f32 to vector<16xf32>
          %max3A_430 = arith.maximumf %gather3A_301, %max3A_429 : vector<16xf32>
          %mul3A_431 = arith.mulf %max3A_427, %max3A_430 : vector<16xf32>
          %add3A_432 = arith.addf %mul3A_424, %mul3A_431 : vector<16xf32>
          %sub3A_433 = arith.subf %add3A_432, %mul3A_417 : vector<16xf32>
          %add3A_434 = arith.constant 1.000000e-10 : f32
          %add3A_435 = vector.broadcast %add3A_434 : f32 to vector<16xf32>
          %add3A_436 = arith.addf %sub3A_433, %add3A_435 : vector<16xf32>
          %div3A_437 = arith.divf %mul3A_417, %add3A_436 : vector<16xf32>
          %sub3A_438 = arith.subf %gather3A, %div3A_437 : vector<16xf32>
          %mul3A_439 = arith.mulf %select_n3A, %sub3A_438 : vector<16xf32>
          %mul3A_440 = arith.mulf %mul3A_439, %sub3A_438 : vector<16xf32>
          %add3A_441 = arith.addf %broadcast_in_dim3A_342, %mul3A_440 : vector<16xf32>
          %sub3A_442 = arith.constant 1.000000e+00 : f32
          %sub3A_443 = vector.broadcast %sub3A_442 : f32 to vector<16xf32>
          %sub3A_444 = arith.subf %sub3A_443, %select_n3A : vector<16xf32>
          %mul3A_445 = arith.mulf %sub3A_444, %gather3A : vector<16xf32>
          %mul3A_446 = arith.mulf %mul3A_445, %gather3A : vector<16xf32>
          %add3A_447 = arith.addf %broadcast_in_dim3A_342, %mul3A_446 : vector<16xf32>
          %and3A_448 = arith.andi %gt3A_340, %and3A_334 : vector<16xi1>
          %jit3A_449 = arith.constant 1.000000e+00 : f32
          %jit3A_450 = arith.constant 0.000000e+00 : f32
          %broadcast_in_dim3A_451 = vector.broadcast %jit3A_449 : f32 to vector<16xf32>
          %broadcast_in_dim3A_452 = vector.broadcast %jit3A_450 : f32 to vector<16xf32>
          %select_n3A_453 = arith.select %and3A_448, %broadcast_in_dim3A_451, %broadcast_in_dim3A_452 : vector<16xi1>, vector<16xf32>
          %mul3A_454 = arith.constant 2.800000e+01 : f32
          %mul3A_455 = vector.broadcast %mul3A_454 : f32 to vector<16xf32>
          %mul3A_456 = arith.mulf %gather3A_307, %mul3A_455 : vector<16xf32>
          %sub3A_457 = arith.subf %mul3A_456, %add3A_226 : vector<16xf32>
          %sub3A_458 = arith.subf %gather3A_262, %sub3A_457 : vector<16xf32>
          %mul3A_459 = arith.constant 2.800000e+01 : f32
          %mul3A_460 = vector.broadcast %mul3A_459 : f32 to vector<16xf32>
          %mul3A_461 = arith.mulf %gather3A_310, %mul3A_460 : vector<16xf32>
          %sub3A_462 = arith.subf %mul3A_461, %convert_element_type3A_5 : vector<16xf32>
          %sub3A_463 = arith.subf %gather3A_265, %sub3A_462 : vector<16xf32>
          %sub3A_464 = arith.subf %gather3A_268, %gather3A_313 : vector<16xf32>
          %sub3A_465 = arith.subf %gather3A_271, %gather3A_316 : vector<16xf32>
          %mul3A_466 = arith.mulf %sub3A_458, %sub3A_458 : vector<16xf32>
          %mul3A_467 = arith.mulf %sub3A_463, %sub3A_463 : vector<16xf32>
          %add3A_468 = arith.addf %mul3A_466, %mul3A_467 : vector<16xf32>
          %mul3A_469 = arith.mulf %select_n3A_453, %add3A_468 : vector<16xf32>
          %add3A_470 = arith.addf %add3A_362, %mul3A_469 : vector<16xf32>
          %mul3A_471 = arith.mulf %sub3A_464, %sub3A_464 : vector<16xf32>
          %mul3A_472 = arith.mulf %sub3A_465, %sub3A_465 : vector<16xf32>
          %add3A_473 = arith.addf %mul3A_471, %mul3A_472 : vector<16xf32>
          %mul3A_474 = arith.mulf %select_n3A_453, %add3A_473 : vector<16xf32>
          %add3A_475 = arith.addf %add3A_367, %mul3A_474 : vector<16xf32>
          %add3A_476 = arith.addf %gather3A_262, %add3A_226 : vector<16xf32>
          %div3A_477 = arith.constant 2.800000e+01 : f32
          %div3A_478 = vector.broadcast %div3A_477 : f32 to vector<16xf32>
          %div3A_479 = arith.divf %add3A_476, %div3A_478 : vector<16xf32>
          %add3A_480 = arith.addf %gather3A_265, %convert_element_type3A_5 : vector<16xf32>
          %div3A_481 = arith.constant 2.800000e+01 : f32
          %div3A_482 = vector.broadcast %div3A_481 : f32 to vector<16xf32>
          %div3A_483 = arith.divf %add3A_480, %div3A_482 : vector<16xf32>
          %mul3A_484 = arith.constant 5.000000e-01 : f32
          %mul3A_485 = vector.broadcast %mul3A_484 : f32 to vector<16xf32>
          %mul3A_486 = arith.mulf %gather3A_268, %mul3A_485 : vector<16xf32>
          %sub3A_487 = arith.subf %div3A_479, %mul3A_486 : vector<16xf32>
          %mul3A_488 = arith.constant 5.000000e-01 : f32
          %mul3A_489 = vector.broadcast %mul3A_488 : f32 to vector<16xf32>
          %mul3A_490 = arith.mulf %gather3A_268, %mul3A_489 : vector<16xf32>
          %add3A_491 = arith.addf %div3A_479, %mul3A_490 : vector<16xf32>
          %mul3A_492 = arith.constant 5.000000e-01 : f32
          %mul3A_493 = vector.broadcast %mul3A_492 : f32 to vector<16xf32>
          %mul3A_494 = arith.mulf %gather3A_271, %mul3A_493 : vector<16xf32>
          %sub3A_495 = arith.subf %div3A_483, %mul3A_494 : vector<16xf32>
          %mul3A_496 = arith.constant 5.000000e-01 : f32
          %mul3A_497 = vector.broadcast %mul3A_496 : f32 to vector<16xf32>
          %mul3A_498 = arith.mulf %gather3A_271, %mul3A_497 : vector<16xf32>
          %add3A_499 = arith.addf %div3A_483, %mul3A_498 : vector<16xf32>
          %mul3A_500 = arith.constant 5.000000e-01 : f32
          %mul3A_501 = vector.broadcast %mul3A_500 : f32 to vector<16xf32>
          %mul3A_502 = arith.mulf %gather3A_313, %mul3A_501 : vector<16xf32>
          %sub3A_503 = arith.subf %gather3A_307, %mul3A_502 : vector<16xf32>
          %mul3A_504 = arith.constant 5.000000e-01 : f32
          %mul3A_505 = vector.broadcast %mul3A_504 : f32 to vector<16xf32>
          %mul3A_506 = arith.mulf %gather3A_313, %mul3A_505 : vector<16xf32>
          %add3A_507 = arith.addf %gather3A_307, %mul3A_506 : vector<16xf32>
          %mul3A_508 = arith.constant 5.000000e-01 : f32
          %mul3A_509 = vector.broadcast %mul3A_508 : f32 to vector<16xf32>
          %mul3A_510 = arith.mulf %gather3A_316, %mul3A_509 : vector<16xf32>
          %sub3A_511 = arith.subf %gather3A_310, %mul3A_510 : vector<16xf32>
          %mul3A_512 = arith.constant 5.000000e-01 : f32
          %mul3A_513 = vector.broadcast %mul3A_512 : f32 to vector<16xf32>
          %mul3A_514 = arith.mulf %gather3A_316, %mul3A_513 : vector<16xf32>
          %add3A_515 = arith.addf %gather3A_310, %mul3A_514 : vector<16xf32>
          %min3A_516 = arith.minimumf %add3A_491, %add3A_507 : vector<16xf32>
          %max3A_517 = arith.maximumf %sub3A_487, %sub3A_503 : vector<16xf32>
          %sub3A_518 = arith.subf %min3A_516, %max3A_517 : vector<16xf32>
          %max3A_519 = arith.constant 0.000000e+00 : f32
          %max3A_520 = vector.broadcast %max3A_519 : f32 to vector<16xf32>
          %max3A_521 = arith.maximumf %sub3A_518, %max3A_520 : vector<16xf32>
          %min3A_522 = arith.minimumf %add3A_499, %add3A_515 : vector<16xf32>
          %max3A_523 = arith.maximumf %sub3A_495, %sub3A_511 : vector<16xf32>
          %sub3A_524 = arith.subf %min3A_522, %max3A_523 : vector<16xf32>
          %max3A_525 = arith.constant 0.000000e+00 : f32
          %max3A_526 = vector.broadcast %max3A_525 : f32 to vector<16xf32>
          %max3A_527 = arith.maximumf %sub3A_524, %max3A_526 : vector<16xf32>
          %mul3A_528 = arith.mulf %max3A_521, %max3A_527 : vector<16xf32>
          %max3A_529 = arith.constant 0.000000e+00 : f32
          %max3A_530 = vector.broadcast %max3A_529 : f32 to vector<16xf32>
          %max3A_531 = arith.maximumf %gather3A_268, %max3A_530 : vector<16xf32>
          %max3A_532 = arith.constant 0.000000e+00 : f32
          %max3A_533 = vector.broadcast %max3A_532 : f32 to vector<16xf32>
          %max3A_534 = arith.maximumf %gather3A_271, %max3A_533 : vector<16xf32>
          %mul3A_535 = arith.mulf %max3A_531, %max3A_534 : vector<16xf32>
          %max3A_536 = arith.constant 0.000000e+00 : f32
          %max3A_537 = vector.broadcast %max3A_536 : f32 to vector<16xf32>
          %max3A_538 = arith.maximumf %gather3A_313, %max3A_537 : vector<16xf32>
          %max3A_539 = arith.constant 0.000000e+00 : f32
          %max3A_540 = vector.broadcast %max3A_539 : f32 to vector<16xf32>
          %max3A_541 = arith.maximumf %gather3A_316, %max3A_540 : vector<16xf32>
          %mul3A_542 = arith.mulf %max3A_538, %max3A_541 : vector<16xf32>
          %add3A_543 = arith.addf %mul3A_535, %mul3A_542 : vector<16xf32>
          %sub3A_544 = arith.subf %add3A_543, %mul3A_528 : vector<16xf32>
          %add3A_545 = arith.constant 1.000000e-10 : f32
          %add3A_546 = vector.broadcast %add3A_545 : f32 to vector<16xf32>
          %add3A_547 = arith.addf %sub3A_544, %add3A_546 : vector<16xf32>
          %div3A_548 = arith.divf %mul3A_528, %add3A_547 : vector<16xf32>
          %sub3A_549 = arith.subf %gather3A_259, %div3A_548 : vector<16xf32>
          %mul3A_550 = arith.mulf %select_n3A_453, %sub3A_549 : vector<16xf32>
          %mul3A_551 = arith.mulf %mul3A_550, %sub3A_549 : vector<16xf32>
          %add3A_552 = arith.addf %add3A_441, %mul3A_551 : vector<16xf32>
          %sub3A_553 = arith.constant 1.000000e+00 : f32
          %sub3A_554 = vector.broadcast %sub3A_553 : f32 to vector<16xf32>
          %sub3A_555 = arith.subf %sub3A_554, %select_n3A_453 : vector<16xf32>
          %mul3A_556 = arith.mulf %sub3A_555, %gather3A_259 : vector<16xf32>
          %mul3A_557 = arith.mulf %mul3A_556, %gather3A_259 : vector<16xf32>
          %add3A_558 = arith.addf %add3A_447, %mul3A_557 : vector<16xf32>
          %and3A_559 = arith.andi %gt3A_340, %and3A_337 : vector<16xi1>
          %jit3A_560 = arith.constant 1.000000e+00 : f32
          %jit3A_561 = arith.constant 0.000000e+00 : f32
          %broadcast_in_dim3A_562 = vector.broadcast %jit3A_560 : f32 to vector<16xf32>
          %broadcast_in_dim3A_563 = vector.broadcast %jit3A_561 : f32 to vector<16xf32>
          %select_n3A_564 = arith.select %and3A_559, %broadcast_in_dim3A_562, %broadcast_in_dim3A_563 : vector<16xi1>, vector<16xf32>
          %mul3A_565 = arith.constant 2.800000e+01 : f32
          %mul3A_566 = vector.broadcast %mul3A_565 : f32 to vector<16xf32>
          %mul3A_567 = arith.mulf %gather3A_322, %mul3A_566 : vector<16xf32>
          %sub3A_568 = arith.subf %mul3A_567, %add3A_226 : vector<16xf32>
          %sub3A_569 = arith.subf %gather3A_277, %sub3A_568 : vector<16xf32>
          %mul3A_570 = arith.constant 2.800000e+01 : f32
          %mul3A_571 = vector.broadcast %mul3A_570 : f32 to vector<16xf32>
          %mul3A_572 = arith.mulf %gather3A_325, %mul3A_571 : vector<16xf32>
          %sub3A_573 = arith.subf %mul3A_572, %convert_element_type3A_5 : vector<16xf32>
          %sub3A_574 = arith.subf %gather3A_280, %sub3A_573 : vector<16xf32>
          %sub3A_575 = arith.subf %gather3A_283, %gather3A_328 : vector<16xf32>
          %sub3A_576 = arith.subf %gather3A_286, %gather3A_331 : vector<16xf32>
          %mul3A_577 = arith.mulf %sub3A_569, %sub3A_569 : vector<16xf32>
          %mul3A_578 = arith.mulf %sub3A_574, %sub3A_574 : vector<16xf32>
          %add3A_579 = arith.addf %mul3A_577, %mul3A_578 : vector<16xf32>
          %mul3A_580 = arith.mulf %select_n3A_564, %add3A_579 : vector<16xf32>
          %add3A_581 = arith.addf %add3A_470, %mul3A_580 : vector<16xf32>
          %mul3A_582 = arith.mulf %sub3A_575, %sub3A_575 : vector<16xf32>
          %mul3A_583 = arith.mulf %sub3A_576, %sub3A_576 : vector<16xf32>
          %add3A_584 = arith.addf %mul3A_582, %mul3A_583 : vector<16xf32>
          %mul3A_585 = arith.mulf %select_n3A_564, %add3A_584 : vector<16xf32>
          %add3A_586 = arith.addf %add3A_475, %mul3A_585 : vector<16xf32>
          %add3A_587 = arith.addf %gather3A_277, %add3A_226 : vector<16xf32>
          %div3A_588 = arith.constant 2.800000e+01 : f32
          %div3A_589 = vector.broadcast %div3A_588 : f32 to vector<16xf32>
          %div3A_590 = arith.divf %add3A_587, %div3A_589 : vector<16xf32>
          %add3A_591 = arith.addf %gather3A_280, %convert_element_type3A_5 : vector<16xf32>
          %div3A_592 = arith.constant 2.800000e+01 : f32
          %div3A_593 = vector.broadcast %div3A_592 : f32 to vector<16xf32>
          %div3A_594 = arith.divf %add3A_591, %div3A_593 : vector<16xf32>
          %mul3A_595 = arith.constant 5.000000e-01 : f32
          %mul3A_596 = vector.broadcast %mul3A_595 : f32 to vector<16xf32>
          %mul3A_597 = arith.mulf %gather3A_283, %mul3A_596 : vector<16xf32>
          %sub3A_598 = arith.subf %div3A_590, %mul3A_597 : vector<16xf32>
          %mul3A_599 = arith.constant 5.000000e-01 : f32
          %mul3A_600 = vector.broadcast %mul3A_599 : f32 to vector<16xf32>
          %mul3A_601 = arith.mulf %gather3A_283, %mul3A_600 : vector<16xf32>
          %add3A_602 = arith.addf %div3A_590, %mul3A_601 : vector<16xf32>
          %mul3A_603 = arith.constant 5.000000e-01 : f32
          %mul3A_604 = vector.broadcast %mul3A_603 : f32 to vector<16xf32>
          %mul3A_605 = arith.mulf %gather3A_286, %mul3A_604 : vector<16xf32>
          %sub3A_606 = arith.subf %div3A_594, %mul3A_605 : vector<16xf32>
          %mul3A_607 = arith.constant 5.000000e-01 : f32
          %mul3A_608 = vector.broadcast %mul3A_607 : f32 to vector<16xf32>
          %mul3A_609 = arith.mulf %gather3A_286, %mul3A_608 : vector<16xf32>
          %add3A_610 = arith.addf %div3A_594, %mul3A_609 : vector<16xf32>
          %mul3A_611 = arith.constant 5.000000e-01 : f32
          %mul3A_612 = vector.broadcast %mul3A_611 : f32 to vector<16xf32>
          %mul3A_613 = arith.mulf %gather3A_328, %mul3A_612 : vector<16xf32>
          %sub3A_614 = arith.subf %gather3A_322, %mul3A_613 : vector<16xf32>
          %mul3A_615 = arith.constant 5.000000e-01 : f32
          %mul3A_616 = vector.broadcast %mul3A_615 : f32 to vector<16xf32>
          %mul3A_617 = arith.mulf %gather3A_328, %mul3A_616 : vector<16xf32>
          %add3A_618 = arith.addf %gather3A_322, %mul3A_617 : vector<16xf32>
          %mul3A_619 = arith.constant 5.000000e-01 : f32
          %mul3A_620 = vector.broadcast %mul3A_619 : f32 to vector<16xf32>
          %mul3A_621 = arith.mulf %gather3A_331, %mul3A_620 : vector<16xf32>
          %sub3A_622 = arith.subf %gather3A_325, %mul3A_621 : vector<16xf32>
          %mul3A_623 = arith.constant 5.000000e-01 : f32
          %mul3A_624 = vector.broadcast %mul3A_623 : f32 to vector<16xf32>
          %mul3A_625 = arith.mulf %gather3A_331, %mul3A_624 : vector<16xf32>
          %add3A_626 = arith.addf %gather3A_325, %mul3A_625 : vector<16xf32>
          %min3A_627 = arith.minimumf %add3A_602, %add3A_618 : vector<16xf32>
          %max3A_628 = arith.maximumf %sub3A_598, %sub3A_614 : vector<16xf32>
          %sub3A_629 = arith.subf %min3A_627, %max3A_628 : vector<16xf32>
          %max3A_630 = arith.constant 0.000000e+00 : f32
          %max3A_631 = vector.broadcast %max3A_630 : f32 to vector<16xf32>
          %max3A_632 = arith.maximumf %sub3A_629, %max3A_631 : vector<16xf32>
          %min3A_633 = arith.minimumf %add3A_610, %add3A_626 : vector<16xf32>
          %max3A_634 = arith.maximumf %sub3A_606, %sub3A_622 : vector<16xf32>
          %sub3A_635 = arith.subf %min3A_633, %max3A_634 : vector<16xf32>
          %max3A_636 = arith.constant 0.000000e+00 : f32
          %max3A_637 = vector.broadcast %max3A_636 : f32 to vector<16xf32>
          %max3A_638 = arith.maximumf %sub3A_635, %max3A_637 : vector<16xf32>
          %mul3A_639 = arith.mulf %max3A_632, %max3A_638 : vector<16xf32>
          %max3A_640 = arith.constant 0.000000e+00 : f32
          %max3A_641 = vector.broadcast %max3A_640 : f32 to vector<16xf32>
          %max3A_642 = arith.maximumf %gather3A_283, %max3A_641 : vector<16xf32>
          %max3A_643 = arith.constant 0.000000e+00 : f32
          %max3A_644 = vector.broadcast %max3A_643 : f32 to vector<16xf32>
          %max3A_645 = arith.maximumf %gather3A_286, %max3A_644 : vector<16xf32>
          %mul3A_646 = arith.mulf %max3A_642, %max3A_645 : vector<16xf32>
          %max3A_647 = arith.constant 0.000000e+00 : f32
          %max3A_648 = vector.broadcast %max3A_647 : f32 to vector<16xf32>
          %max3A_649 = arith.maximumf %gather3A_328, %max3A_648 : vector<16xf32>
          %max3A_650 = arith.constant 0.000000e+00 : f32
          %max3A_651 = vector.broadcast %max3A_650 : f32 to vector<16xf32>
          %max3A_652 = arith.maximumf %gather3A_331, %max3A_651 : vector<16xf32>
          %mul3A_653 = arith.mulf %max3A_649, %max3A_652 : vector<16xf32>
          %add3A_654 = arith.addf %mul3A_646, %mul3A_653 : vector<16xf32>
          %sub3A_655 = arith.subf %add3A_654, %mul3A_639 : vector<16xf32>
          %add3A_656 = arith.constant 1.000000e-10 : f32
          %add3A_657 = vector.broadcast %add3A_656 : f32 to vector<16xf32>
          %add3A_658 = arith.addf %sub3A_655, %add3A_657 : vector<16xf32>
          %div3A_659 = arith.divf %mul3A_639, %add3A_658 : vector<16xf32>
          %sub3A_660 = arith.subf %gather3A_274, %div3A_659 : vector<16xf32>
          %mul3A_661 = arith.mulf %select_n3A_564, %sub3A_660 : vector<16xf32>
          %mul3A_662 = arith.mulf %mul3A_661, %sub3A_660 : vector<16xf32>
          %add3A_663 = arith.addf %add3A_552, %mul3A_662 : vector<16xf32>
          %sub3A_664 = arith.constant 1.000000e+00 : f32
          %sub3A_665 = vector.broadcast %sub3A_664 : f32 to vector<16xf32>
          %sub3A_666 = arith.subf %sub3A_665, %select_n3A_564 : vector<16xf32>
          %mul3A_667 = arith.mulf %sub3A_666, %gather3A_274 : vector<16xf32>
          %mul3A_668 = arith.mulf %mul3A_667, %gather3A_274 : vector<16xf32>
          %add3A_669 = arith.addf %add3A_558, %mul3A_668 : vector<16xf32>
          %add3A_670 = arith.addf %scan3A_235, %add3A_581 : vector<16xf32>
          %add3A_671 = arith.addf %scan3A_236, %add3A_586 : vector<16xf32>
          %add3A_672 = arith.addf %scan3A_237, %add3A_663 : vector<16xf32>
          %add3A_673 = arith.addf %scan3A_238, %add3A_669 : vector<16xf32>
          scf.yield %add3A_670, %add3A_671, %add3A_672, %add3A_673 : vector<16xf32>, vector<16xf32>, vector<16xf32>, vector<16xf32>
        }
        %scan3A_233 = arith.constant 4 : i32
        scf.yield %scan3A_232#0, %scan3A_232#1, %scan3A_232#2, %scan3A_232#3 : vector<16xf32>, vector<16xf32>, vector<16xf32>, vector<16xf32>
      }
      %scan3A_184 = arith.constant 4 : i32
      %swap3A = arith.constant 0 : i32
      %swap3A_185 = arith.index_cast %swap3A : i32 to index
      %swap3A_186 = arith.constant 0 : index
      %swap3A_187 = tpu.vector_load %arg6[%swap3A_185, %swap3A_186] {strides = array<i32>} : memref<1x64xf32, #tpu.memory_space<vmem>>, vector<16xf32>,
      tpu.vector_store %arg6[%swap3A_185, %swap3A_186], %scan3A_183#0 {strides = array<i32>} : memref<1x64xf32, #tpu.memory_space<vmem>>, vector<16xf32>,
      %swap3A_188 = arith.constant 0 : i32
      %swap3A_189 = arith.index_cast %swap3A_188 : i32 to index
      %swap3A_190 = arith.constant 16 : index
      %swap3A_191 = tpu.vector_load %arg6[%swap3A_189, %swap3A_190] {strides = array<i32>} : memref<1x64xf32, #tpu.memory_space<vmem>>, vector<16xf32>,
      tpu.vector_store %arg6[%swap3A_189, %swap3A_190], %scan3A_183#1 {strides = array<i32>} : memref<1x64xf32, #tpu.memory_space<vmem>>, vector<16xf32>,
      %swap3A_192 = arith.constant 0 : i32
      %swap3A_193 = arith.index_cast %swap3A_192 : i32 to index
      %swap3A_194 = arith.constant 32 : index
      %swap3A_195 = tpu.vector_load %arg6[%swap3A_193, %swap3A_194] {strides = array<i32>} : memref<1x64xf32, #tpu.memory_space<vmem>>, vector<16xf32>,
      tpu.vector_store %arg6[%swap3A_193, %swap3A_194], %scan3A_183#2 {strides = array<i32>} : memref<1x64xf32, #tpu.memory_space<vmem>>, vector<16xf32>,
      %swap3A_196 = arith.constant 0 : i32
      %swap3A_197 = arith.index_cast %swap3A_196 : i32 to index
      %swap3A_198 = arith.constant 48 : index
      %swap3A_199 = tpu.vector_load %arg6[%swap3A_197, %swap3A_198] {strides = array<i32>} : memref<1x64xf32, #tpu.memory_space<vmem>>, vector<16xf32>,
      tpu.vector_store %arg6[%swap3A_197, %swap3A_198], %scan3A_183#3 {strides = array<i32>} : memref<1x64xf32, #tpu.memory_space<vmem>>, vector<16xf32>,
      %dma_start3A_200 = arith.constant 0 : i32
      %dma_start3A_201 = arith.constant 0 : i32
      %dma_start3A_202 = tpu.memref_slice %arg3[%add3A, %dma_start3A_200, %dma_start3A_201] : memref<32x1x64xf32, #tpu.memory_space<hbm>> -> memref<1x1x64xf32, #tpu.memory_space<hbm>>
      %dma_start3A_203 = tpu.memref_squeeze %dma_start3A_202 : memref<1x1x64xf32, #tpu.memory_space<hbm>> -> memref<1x64xf32, #tpu.memory_space<hbm>>
      %dma_start3A_204 = arith.constant 0 : i32
      %dma_start3A_205 = arith.constant 0 : i32
      %dma_start3A_206 = tpu.memref_slice %arg3[%add3A, %dma_start3A_204, %dma_start3A_205] : memref<32x1x64xf32, #tpu.memory_space<hbm>> -> memref<1x1x64xf32, #tpu.memory_space<hbm>>
      %dma_start3A_207 = tpu.memref_squeeze %dma_start3A_206 : memref<1x1x64xf32, #tpu.memory_space<hbm>> -> memref<1x64xf32, #tpu.memory_space<hbm>>
      tpu.enqueue_dma source(%arg6 : memref<1x64xf32, #tpu.memory_space<vmem>>) target(%dma_start3A_207 : memref<1x64xf32, #tpu.memory_space<hbm>>) target_semaphore(%arg9 : memref<!tpu.dma_semaphore, #tpu.memory_space<semaphore_mem>>)
      %dma_wait3A_208 = arith.constant 0 : i32
      %dma_wait3A_209 = arith.constant 0 : i32
      %dma_wait3A_210 = tpu.memref_slice %arg3[%add3A, %dma_wait3A_208, %dma_wait3A_209] : memref<32x1x64xf32, #tpu.memory_space<hbm>> -> memref<1x1x64xf32, #tpu.memory_space<hbm>>
      %dma_wait3A_211 = tpu.memref_squeeze %dma_wait3A_210 : memref<1x1x64xf32, #tpu.memory_space<hbm>> -> memref<1x64xf32, #tpu.memory_space<hbm>>
      %dma_wait3A_212 = arith.constant 0 : i32
      %dma_wait3A_213 = arith.constant 0 : i32
      %dma_wait3A_214 = tpu.memref_slice %arg3[%add3A, %dma_wait3A_212, %dma_wait3A_213] : memref<32x1x64xf32, #tpu.memory_space<hbm>> -> memref<1x1x64xf32, #tpu.memory_space<hbm>>
      %dma_wait3A_215 = tpu.memref_squeeze %dma_wait3A_214 : memref<1x1x64xf32, #tpu.memory_space<hbm>> -> memref<1x64xf32, #tpu.memory_space<hbm>>
      tpu.wait_dma2 semaphore(%arg9 : memref<!tpu.dma_semaphore, #tpu.memory_space<semaphore_mem>>) src(%arg6 : memref<1x64xf32, #tpu.memory_space<vmem>>) dst(%dma_wait3A_215 : memref<1x64xf32, #tpu.memory_space<hbm>>)
    } else {
    }
    return
  }
}

module attributes {stable_mosaic.version = 14 : i64} {
  func.func @_tc_body(%arg0: i32, %arg1: memref<2x28x64x95xf32, #tpu.memory_space<vmem>>, %arg2: memref<2x28x64x95xf32, #tpu.memory_space<vmem>>, %arg3: memref<2x28x64x128xf32, #tpu.memory_space<vmem>>, %arg4: memref<2xf32, #tpu.memory_space<smem>>, %arg5: memref<2xf32, #tpu.memory_space<smem>>) attributes {dimension_semantics = [#tpu.dimension_semantics<arbitrary>], iteration_bounds = array<i64: 14>, scalar_prefetch = 0 : i64, scratch_operands = 1 : i64, tpu.core_type = #tpu.core_type<tc>, window_params = [{transform_indices = @transform_0, window_bounds = array<i64: 2, 28, 64, 95>}, {transform_indices = @transform_1, window_bounds = array<i64: 2, 28, 64, 95>}, {transform_indices = @transform_2, window_bounds = array<i64: 2, 28, 64, 128>}, {transform_indices = @transform_3, window_bounds = array<i64: 2>}]} {
    %eq3A = arith.constant 0 : i32
    %eq3A_0 = arith.cmpi eq, %arg0, %eq3A : i32
    %convert_element_type3A = arith.extui %eq3A_0 : i1 to i32
    %cond3A = arith.constant 0 : i32
    %cond3A_1 = arith.cmpi ne, %convert_element_type3A, %cond3A : i32
    scf.if %cond3A_1 {
      %swap3A_53 = arith.constant 0.000000e+00 : f32
      %swap3A_54 = arith.constant 0 : index
      %swap3A_55 = memref.load %arg5[%swap3A_54] : memref<2xf32, #tpu.memory_space<smem>>
      memref.store %swap3A_53, %arg5[%swap3A_54] : memref<2xf32, #tpu.memory_space<smem>>
      %swap3A_56 = arith.constant 0.000000e+00 : f32
      %swap3A_57 = arith.constant 1 : index
      %swap3A_58 = memref.load %arg5[%swap3A_57] : memref<2xf32, #tpu.memory_space<smem>>
      memref.store %swap3A_56, %arg5[%swap3A_57] : memref<2xf32, #tpu.memory_space<smem>>
    } else {
    }
    %get3A = arith.constant 0 : index
    %get3A_2 = arith.constant 0 : index
    %get3A_3 = arith.constant 0 : index
    %get3A_4 = arith.constant 0 : index
    %get3A_5 = vector.load %arg1[%get3A, %get3A_2, %get3A_3, %get3A_4] : memref<2x28x64x95xf32, #tpu.memory_space<vmem>>, vector<2x28x64x95xf32>
    %get3A_6 = arith.constant 0 : index
    %get3A_7 = arith.constant 0 : index
    %get3A_8 = arith.constant 0 : index
    %get3A_9 = arith.constant 0 : index
    %get3A_10 = vector.load %arg2[%get3A_6, %get3A_7, %get3A_8, %get3A_9] : memref<2x28x64x95xf32, #tpu.memory_space<vmem>>, vector<2x28x64x95xf32>
    %slice3A = vector.extract_strided_slice %get3A_5 {offsets = [0, 0, 0, 0], sizes = [2, 28, 64, 16], strides = [1, 1, 1, 1]} : vector<2x28x64x95xf32> to vector<2x28x64x16xf32>
    %swap3A = arith.constant 0 : index
    %swap3A_11 = arith.constant 0 : index
    %swap3A_12 = arith.constant 0 : index
    %swap3A_13 = arith.constant 0 : index
    %swap3A_14 = vector.load %arg3[%swap3A, %swap3A_11, %swap3A_12, %swap3A_13] : memref<2x28x64x128xf32, #tpu.memory_space<vmem>>, vector<2x28x64x16xf32>
    tpu.vector_store %arg3[%swap3A, %swap3A_11, %swap3A_12, %swap3A_13], %slice3A {strides = array<i32>} : memref<2x28x64x128xf32, #tpu.memory_space<vmem>>, vector<2x28x64x16xf32>,
    %slice3A_15 = vector.extract_strided_slice %get3A_10 {offsets = [0, 0, 0, 0], sizes = [2, 28, 64, 16], strides = [1, 1, 1, 1]} : vector<2x28x64x95xf32> to vector<2x28x64x16xf32>
    %swap3A_16 = arith.constant 0 : index
    %swap3A_17 = arith.constant 0 : index
    %swap3A_18 = arith.constant 0 : index
    %swap3A_19 = arith.constant 16 : index
    %swap3A_20 = vector.load %arg3[%swap3A_16, %swap3A_17, %swap3A_18, %swap3A_19] : memref<2x28x64x128xf32, #tpu.memory_space<vmem>>, vector<2x28x64x16xf32>
    tpu.vector_store %arg3[%swap3A_16, %swap3A_17, %swap3A_18, %swap3A_19], %slice3A_15 {strides = array<i32>} : memref<2x28x64x128xf32, #tpu.memory_space<vmem>>, vector<2x28x64x16xf32>,
    %slice3A_21 = vector.extract_strided_slice %get3A_10 {offsets = [0, 0, 0, 0], sizes = [2, 28, 64, 1], strides = [1, 1, 1, 1]} : vector<2x28x64x95xf32> to vector<2x28x64x1xf32>
    %gt3A = arith.constant 0.000000e+00 : f32
    %gt3A_22 = vector.broadcast %gt3A : f32 to vector<2x28x64x1xf32>
    %gt3A_23 = arith.cmpf ogt, %slice3A_21, %gt3A_22 : vector<2x28x64x1xf32>
    %convert_element_type3A_24 = arith.extui %gt3A_23 : vector<2x28x64x1xi1> to vector<2x28x64x1xi32>
    %convert_element_type3A_25 = arith.sitofp %convert_element_type3A_24 : vector<2x28x64x1xi32> to vector<2x28x64x1xf32>
    %slice3A_26 = vector.extract_strided_slice %get3A_5 {offsets = [0, 0, 0, 15], sizes = [2, 28, 64, 80], strides = [1, 1, 1, 1]} : vector<2x28x64x95xf32> to vector<2x28x64x80xf32>
    %slice3A_27 = vector.extract_strided_slice %get3A_10 {offsets = [0, 0, 0, 15], sizes = [2, 28, 64, 80], strides = [1, 1, 1, 1]} : vector<2x28x64x95xf32> to vector<2x28x64x80xf32>
    %sub3A = arith.subf %slice3A_26, %slice3A_27 : vector<2x28x64x80xf32>
    %get3A_28 = arith.constant 0 : index
    %get3A_29 = memref.load %arg5[%get3A_28] : memref<2xf32, #tpu.memory_space<smem>>
    %mul3A = arith.mulf %sub3A, %sub3A : vector<2x28x64x80xf32>
    %mul3A_30 = vector.broadcast %convert_element_type3A_25 : vector<2x28x64x1xf32> to vector<2x28x64x80xf32>
    %mul3A_31 = arith.mulf %mul3A, %mul3A_30 : vector<2x28x64x80xf32>
    %reduce_sum3A = vector.shape_cast %mul3A_31 : vector<2x28x64x80xf32> to vector<1x2x28x64x80xf32>
    %reduce_sum3A_32 = arith.constant dense<0.000000e+00> : vector<1xf32>
    %reduce_sum3A_33 = vector.multi_reduction <add>, %reduce_sum3A, %reduce_sum3A_32 [1, 2, 3, 4] : vector<1x2x28x64x80xf32> to vector<1xf32>
    %reduce_sum3A_34 = vector.shape_cast %reduce_sum3A_33 : vector<1xf32> to vector<1x1x1x1x1xf32>
    %reduce_sum3A_35 = vector.extract %reduce_sum3A_34[0, 0, 0, 0, 0] : f32 from vector<1x1x1x1x1xf32>
    %add3A = arith.addf %get3A_29, %reduce_sum3A_35 : f32
    %swap3A_36 = arith.constant 0 : index
    %swap3A_37 = memref.load %arg5[%swap3A_36] : memref<2xf32, #tpu.memory_space<smem>>
    memref.store %add3A, %arg5[%swap3A_36] : memref<2xf32, #tpu.memory_space<smem>>
    %get3A_38 = arith.constant 1 : index
    %get3A_39 = memref.load %arg5[%get3A_38] : memref<2xf32, #tpu.memory_space<smem>>
    %reduce_sum3A_40 = vector.shape_cast %convert_element_type3A_25 : vector<2x28x64x1xf32> to vector<1x2x28x64x1xf32>
    %reduce_sum3A_41 = arith.constant dense<0.000000e+00> : vector<1xf32>
    %reduce_sum3A_42 = vector.multi_reduction <add>, %reduce_sum3A_40, %reduce_sum3A_41 [1, 2, 3, 4] : vector<1x2x28x64x1xf32> to vector<1xf32>
    %reduce_sum3A_43 = vector.shape_cast %reduce_sum3A_42 : vector<1xf32> to vector<1x1x1x1x1xf32>
    %reduce_sum3A_44 = vector.extract %reduce_sum3A_43[0, 0, 0, 0, 0] : f32 from vector<1x1x1x1x1xf32>
    %add3A_45 = arith.addf %get3A_39, %reduce_sum3A_44 : f32
    %swap3A_46 = arith.constant 1 : index
    %swap3A_47 = memref.load %arg5[%swap3A_46] : memref<2xf32, #tpu.memory_space<smem>>
    memref.store %add3A_45, %arg5[%swap3A_46] : memref<2xf32, #tpu.memory_space<smem>>
    %eq3A_48 = arith.constant 13 : i32
    %eq3A_49 = arith.cmpi eq, %arg0, %eq3A_48 : i32
    %convert_element_type3A_50 = arith.extui %eq3A_49 : i1 to i32
    %cond3A_51 = arith.constant 0 : i32
    %cond3A_52 = arith.cmpi ne, %convert_element_type3A_50, %cond3A_51 : i32
    scf.if %cond3A_52 {
      %get3A_53 = arith.constant 0 : index
      %get3A_54 = memref.load %arg5[%get3A_53] : memref<2xf32, #tpu.memory_space<smem>>
      %swap3A_55 = arith.constant 0 : index
      %swap3A_56 = memref.load %arg4[%swap3A_55] : memref<2xf32, #tpu.memory_space<smem>>
      memref.store %get3A_54, %arg4[%swap3A_55] : memref<2xf32, #tpu.memory_space<smem>>
      %get3A_57 = arith.constant 1 : index
      %get3A_58 = memref.load %arg5[%get3A_57] : memref<2xf32, #tpu.memory_space<smem>>
      %swap3A_59 = arith.constant 1 : index
      %swap3A_60 = memref.load %arg4[%swap3A_59] : memref<2xf32, #tpu.memory_space<smem>>
      memref.store %get3A_58, %arg4[%swap3A_59] : memref<2xf32, #tpu.memory_space<smem>>
    } else {
    }
    return
  }
  func.func @transform_0(%arg0: i32) -> (i32, i32, i32, i32) {
    %c0_i32 = arith.constant 0 : i32
    %c0_i32_0 = arith.constant 0 : i32
    %c0_i32_1 = arith.constant 0 : i32
    %c0_i32_2 = arith.constant 0 : i32
    return %arg0, %c0_i32, %c0_i32_0, %c0_i32_1 : i32, i32, i32, i32
  }
  func.func @transform_1(%arg0: i32) -> (i32, i32, i32, i32) {
    %c0_i32 = arith.constant 0 : i32
    %c0_i32_0 = arith.constant 0 : i32
    %c0_i32_1 = arith.constant 0 : i32
    %c0_i32_2 = arith.constant 0 : i32
    return %arg0, %c0_i32, %c0_i32_0, %c0_i32_1 : i32, i32, i32, i32
  }
  func.func @transform_2(%arg0: i32) -> (i32, i32, i32, i32) {
    %c0_i32 = arith.constant 0 : i32
    %c0_i32_0 = arith.constant 0 : i32
    %c0_i32_1 = arith.constant 0 : i32
    %c0_i32_2 = arith.constant 0 : i32
    return %arg0, %c0_i32, %c0_i32_0, %c0_i32_1 : i32, i32, i32, i32
  }
  func.func @transform_3(%arg0: i32) -> i32 {
    %c0_i32 = arith.constant 0 : i32
    %c0_i32_0 = arith.constant 0 : i32
    return %c0_i32 : i32
  }
}

module attributes {stable_mosaic.version = 14 : i64} {
  func.func @_combine_body(%arg0: memref<32x1x64xf32, #tpu.memory_space<vmem>>, %arg1: memref<2xf32, #tpu.memory_space<smem>>, %arg2: memref<6xf32, #tpu.memory_space<smem>>) attributes {dimension_semantics = [], scalar_prefetch = 0 : i64, scratch_operands = 0 : i64, tpu.core_type = #tpu.core_type<tc>} {
    %get3A = arith.constant 0 : index
    %get3A_0 = arith.constant 0 : index
    %get3A_1 = arith.constant 0 : index
    %get3A_2 = vector.load %arg0[%get3A, %get3A_0, %get3A_1] : memref<32x1x64xf32, #tpu.memory_space<vmem>>, vector<28x1x16xf32>
    %get3A_3 = vector.shape_cast %get3A_2 : vector<28x1x16xf32> to vector<28x16xf32>
    %reduce_sum3A = vector.shape_cast %get3A_3 : vector<28x16xf32> to vector<1x28x16xf32>
    %reduce_sum3A_4 = arith.constant dense<0.000000e+00> : vector<1xf32>
    %reduce_sum3A_5 = vector.multi_reduction <add>, %reduce_sum3A, %reduce_sum3A_4 [1, 2] : vector<1x28x16xf32> to vector<1xf32>
    %reduce_sum3A_6 = vector.shape_cast %reduce_sum3A_5 : vector<1xf32> to vector<1x1x1xf32>
    %reduce_sum3A_7 = vector.extract %reduce_sum3A_6[0, 0, 0] : f32 from vector<1x1x1xf32>
    %get3A_8 = arith.constant 0 : index
    %get3A_9 = arith.constant 0 : index
    %get3A_10 = arith.constant 16 : index
    %get3A_11 = vector.load %arg0[%get3A_8, %get3A_9, %get3A_10] : memref<32x1x64xf32, #tpu.memory_space<vmem>>, vector<28x1x16xf32>
    %get3A_12 = vector.shape_cast %get3A_11 : vector<28x1x16xf32> to vector<28x16xf32>
    %reduce_sum3A_13 = vector.shape_cast %get3A_12 : vector<28x16xf32> to vector<1x28x16xf32>
    %reduce_sum3A_14 = arith.constant dense<0.000000e+00> : vector<1xf32>
    %reduce_sum3A_15 = vector.multi_reduction <add>, %reduce_sum3A_13, %reduce_sum3A_14 [1, 2] : vector<1x28x16xf32> to vector<1xf32>
    %reduce_sum3A_16 = vector.shape_cast %reduce_sum3A_15 : vector<1xf32> to vector<1x1x1xf32>
    %reduce_sum3A_17 = vector.extract %reduce_sum3A_16[0, 0, 0] : f32 from vector<1x1x1xf32>
    %get3A_18 = arith.constant 0 : index
    %get3A_19 = arith.constant 0 : index
    %get3A_20 = arith.constant 32 : index
    %get3A_21 = vector.load %arg0[%get3A_18, %get3A_19, %get3A_20] : memref<32x1x64xf32, #tpu.memory_space<vmem>>, vector<28x1x16xf32>
    %get3A_22 = vector.shape_cast %get3A_21 : vector<28x1x16xf32> to vector<28x16xf32>
    %reduce_sum3A_23 = vector.shape_cast %get3A_22 : vector<28x16xf32> to vector<1x28x16xf32>
    %reduce_sum3A_24 = arith.constant dense<0.000000e+00> : vector<1xf32>
    %reduce_sum3A_25 = vector.multi_reduction <add>, %reduce_sum3A_23, %reduce_sum3A_24 [1, 2] : vector<1x28x16xf32> to vector<1xf32>
    %reduce_sum3A_26 = vector.shape_cast %reduce_sum3A_25 : vector<1xf32> to vector<1x1x1xf32>
    %reduce_sum3A_27 = vector.extract %reduce_sum3A_26[0, 0, 0] : f32 from vector<1x1x1xf32>
    %get3A_28 = arith.constant 0 : index
    %get3A_29 = arith.constant 0 : index
    %get3A_30 = arith.constant 48 : index
    %get3A_31 = vector.load %arg0[%get3A_28, %get3A_29, %get3A_30] : memref<32x1x64xf32, #tpu.memory_space<vmem>>, vector<28x1x16xf32>
    %get3A_32 = vector.shape_cast %get3A_31 : vector<28x1x16xf32> to vector<28x16xf32>
    %reduce_sum3A_33 = vector.shape_cast %get3A_32 : vector<28x16xf32> to vector<1x28x16xf32>
    %reduce_sum3A_34 = arith.constant dense<0.000000e+00> : vector<1xf32>
    %reduce_sum3A_35 = vector.multi_reduction <add>, %reduce_sum3A_33, %reduce_sum3A_34 [1, 2] : vector<1x28x16xf32> to vector<1xf32>
    %reduce_sum3A_36 = vector.shape_cast %reduce_sum3A_35 : vector<1xf32> to vector<1x1x1xf32>
    %reduce_sum3A_37 = vector.extract %reduce_sum3A_36[0, 0, 0] : f32 from vector<1x1x1xf32>
    %get3A_38 = arith.constant 0 : index
    %get3A_39 = memref.load %arg1[%get3A_38] : memref<2xf32, #tpu.memory_space<smem>>
    %get3A_40 = arith.constant 1 : index
    %get3A_41 = memref.load %arg1[%get3A_40] : memref<2xf32, #tpu.memory_space<smem>>
    %mul3A = arith.constant 8.000000e+01 : f32
    %mul3A_42 = arith.mulf %mul3A, %get3A_41 : f32
    %max3A = arith.constant 1.000000e+00 : f32
    %max3A_43 = arith.maximumf %mul3A_42, %max3A : f32
    %div3A = arith.divf %get3A_39, %max3A_43 : f32
    %mul3A_44 = arith.constant 2.000000e+00 : f32
    %mul3A_45 = arith.mulf %mul3A_44, %get3A_41 : f32
    %max3A_46 = arith.constant 1.000000e+00 : f32
    %max3A_47 = arith.maximumf %mul3A_45, %max3A_46 : f32
    %div3A_48 = arith.divf %reduce_sum3A_7, %max3A_47 : f32
    %mul3A_49 = arith.constant 2.000000e+00 : f32
    %mul3A_50 = arith.mulf %mul3A_49, %get3A_41 : f32
    %max3A_51 = arith.constant 1.000000e+00 : f32
    %max3A_52 = arith.maximumf %mul3A_50, %max3A_51 : f32
    %div3A_53 = arith.divf %reduce_sum3A_17, %max3A_52 : f32
    %max3A_54 = arith.constant 1.000000e+00 : f32
    %max3A_55 = arith.maximumf %get3A_41, %max3A_54 : f32
    %div3A_56 = arith.divf %reduce_sum3A_27, %max3A_55 : f32
    %sub3A = arith.constant 1.505280e+05 : f32
    %sub3A_57 = arith.subf %sub3A, %get3A_41 : f32
    %max3A_58 = arith.constant 1.000000e+00 : f32
    %max3A_59 = arith.maximumf %sub3A_57, %max3A_58 : f32
    %div3A_60 = arith.divf %reduce_sum3A_37, %max3A_59 : f32
    %mul3A_61 = arith.constant 2.000000e+00 : f32
    %mul3A_62 = arith.mulf %mul3A_61, %div3A_56 : f32
    %add3A = arith.addf %div3A, %mul3A_62 : f32
    %mul3A_63 = arith.constant 5.000000e-01 : f32
    %mul3A_64 = arith.mulf %mul3A_63, %div3A_60 : f32
    %add3A_65 = arith.addf %add3A, %mul3A_64 : f32
    %mul3A_66 = arith.constant 5.000000e+00 : f32
    %mul3A_67 = arith.mulf %mul3A_66, %div3A_48 : f32
    %add3A_68 = arith.addf %add3A_65, %mul3A_67 : f32
    %mul3A_69 = arith.constant 5.000000e+00 : f32
    %mul3A_70 = arith.mulf %mul3A_69, %div3A_53 : f32
    %add3A_71 = arith.addf %add3A_68, %mul3A_70 : f32
    %swap3A = arith.constant 0 : index
    %swap3A_72 = memref.load %arg2[%swap3A] : memref<6xf32, #tpu.memory_space<smem>>
    memref.store %add3A_71, %arg2[%swap3A] : memref<6xf32, #tpu.memory_space<smem>>
    %swap3A_73 = arith.constant 1 : index
    %swap3A_74 = memref.load %arg2[%swap3A_73] : memref<6xf32, #tpu.memory_space<smem>>
    memref.store %div3A, %arg2[%swap3A_73] : memref<6xf32, #tpu.memory_space<smem>>
    %swap3A_75 = arith.constant 2 : index
    %swap3A_76 = memref.load %arg2[%swap3A_75] : memref<6xf32, #tpu.memory_space<smem>>
    memref.store %div3A_48, %arg2[%swap3A_75] : memref<6xf32, #tpu.memory_space<smem>>
    %swap3A_77 = arith.constant 3 : index
    %swap3A_78 = memref.load %arg2[%swap3A_77] : memref<6xf32, #tpu.memory_space<smem>>
    memref.store %div3A_53, %arg2[%swap3A_77] : memref<6xf32, #tpu.memory_space<smem>>
    %swap3A_79 = arith.constant 4 : index
    %swap3A_80 = memref.load %arg2[%swap3A_79] : memref<6xf32, #tpu.memory_space<smem>>
    memref.store %div3A_56, %arg2[%swap3A_79] : memref<6xf32, #tpu.memory_space<smem>>
    %swap3A_81 = arith.constant 5 : index
    %swap3A_82 = memref.load %arg2[%swap3A_81] : memref<6xf32, #tpu.memory_space<smem>>
    memref.store %div3A_60, %arg2[%swap3A_81] : memref<6xf32, #tpu.memory_space<smem>>
    return
  }
}

</mosaic_0001>

<sc_bundles>
// kernel: _yolo_loss.5.cloned.1.call-start
scs
__scs_entry_jumppad:
0x0: {  	(pc) =	sbr.rel $0x88, $3  }
0x1: {  	(tag) =	ssettag $0x0;
	lr =	simm.s32 $0x1  }
0x2: {  	[smem:$0x3F9F] =	sst lr;
	_ =	strace $0xD0000000  }
0x3: {  	_ = 	snop  }
0x4: {  	_ = 	snop  }
0x5: {  	_ = 	snop  }
0x6: {  	_ = 	snop  }
0x7: {  	_ = 	snop  }
__scs_overlays_trampoline_lowered:
0x8: {  	[smem:$0x3FAE] =	sst s0  }
0x9: {  	[smem:$0x3FAF] =	sst s1  }
0xa: {  	[smem:$0x3FB0] =	sst s2  }
0xb: {  	[smem:$0x3FB1] =	sst s3  }
0xc: {  	[smem:$0x3FB2] =	sst s4  }
0xd: {  	[smem:$0x3FB3] =	sst s5  }
0xe: {  	[smem:$0x3FB4] =	sst s6  }
0xf: {  	[smem:$0x3FB5] =	sst s7  }
0x10: {  	[smem:$0x3FB6] =	sst s8  }
0x11: {  	[smem:$0x3FB7] =	sst s9;
	s0 =	simm.s32 @!p0 $0x0  }
0x12: {  	s1 =	sld [smem:$0x3F9D];
	s0 =	simm.s32 @p0 $0x1  }
0x13: {  	[smem:$0x3FB8] =	sst s0;
	s0 =	simm.s32 @!p1 $0x0  }
0x14: {  	s2 =	sld [smem:$0x3F9C];
	s0 =	simm.s32 @p1 $0x1  }
0x15: {  	[smem:$0x3FB9] =	sst s0;
	s0 =	simm.s32 @!p2 $0x0  }
0x16: {  	s3 =	sld [smem:$0x3FDB];
	s0 =	simm.s32 @p2 $0x1  }
0x17: {  	s4 =	simm.s32 $0x1BF5;
	[smem:$0x3FBB] =	sst s0  }
0x18: {  	s0 =	sld [smem:$0x3F9E];
	_ =	swait.ge [sflag:s4], $0x0  }
0x19: {  	s7 =	sld [smem:$0x3F9F]  }
0x1a: {  	s8 =	sadd.s32 $0xFFFFE003, lr  }
0x1b: {  	s9 =	sadd.s32 $0xFFFFFEF7, lr;
	s5 =	simm.s32 $0xFFFFFFFF;
	p2 =	slt.u32 s8, $0xFFFFF086  }
0x1c: {  	p1 =	slt.u32 s9, $0xF7A;
	s5 =	simm.s32 @!p2 $0x0  }
0x1d: {  	s5 =	simm.s32 @p1 $0x1;
	p0 =	seq.s32 s7, s2  }
0x1e: {  	s7 =	smul.u32 @!p0 $0xF7A, s2;
	p2 =	seq.s32 @!p0 s5, $0x0  }
0x1f: {  	s9 =	smul.u32 $0xF7A, s1;
	s8 =	simm.s32 @!p0 $0x1BF5;
	p2 =	por !p2, p0  }
0x20: {  	[sflag:s8] =	ssyncset.s32 @!p0 $0xFFFFF086;
	s6 =	sadd.s32 @!p0 s3, s7;
	s7 =	simm.s32 @!p0 $0x108  }
0x21: {  	s3 =	sadd.s32 s3, s9;
	s6 =	sadd.s32 @!p0 $0x88, s6;
	s7 =	simm.s32 @p2 $0x1082  }
0x22: {  	[simem:s7], [sflag:s8] =	dma.local @!p0 [hbm:s6], $0xF7A  }
0x23: {  	s9 =	sor.u32 $0xD0000000, s2;
	s6 =	simm.s32 $0x108;
	_ =	swait.ge @!p0 [sflag:s8], $0x0  }
0x24: {  	s3 =	sadd.s32 $0x88, s3;
	s6 =	simm.s32 @!p1 $0x1082;
	[sflag:s4] =	ssyncset.s32 $0xFFFFF086  }
0x25: {  	[simem:s6], [sflag:s4] =	dma.local [hbm:s3], $0xF7A  }
0x26: {  	[smem:$0x3F9F] =	sst s1;
	(tag) =	ssettag s2;
	_ =	strace s9  }
0x27: {  	s1 =	sld [smem:$0x3FAF]  }
0x28: {  	s2 =	sld [smem:$0x3FB0]  }
0x29: {  	s4 =	sld [smem:$0x3FB2]  }
0x2a: {  	p0 =	seq.s32 s5, $0x0;
	s5 =	sld [smem:$0x3FB3]  }
0x2b: {  	s6 =	sld [smem:$0x3FB4]  }
0x2c: {  	s7 =	sld [smem:$0x3FB5]  }
0x2d: {  	s3 =	simm.s32 $0x108;
	s8 =	sld [smem:$0x3FB6]  }
0x2e: {  	s3 =	simm.s32 @!p0 $0x1082;
	s9 =	sld [smem:$0x3FB7]  }
0x2f: {  	lr =	sadd.s32 s0, s3;
	s0 =	sld [smem:$0x3FAE]  }
0x30: {  	s3 =	sld [smem:$0x3FB1]  }
0x31: {  	[smem:$0x3FBA] =	sst s10  }
0x32: {  	s10 =	sld [smem:$0x3FB8];
	_ =	sdelay $0x3  }
0x33: {  	p0 =	seq.s32 s10, $0x1;
	s10 =	sld [smem:$0x3FBA];
	_ =	sdelay $0x3  }
0x34: {  	[smem:$0x3FBA] =	sst s10  }
0x35: {  	s10 =	sld [smem:$0x3FB9];
	_ =	sdelay $0x3  }
0x36: {  	p1 =	seq.s32 s10, $0x1;
	s10 =	sld [smem:$0x3FBA];
	_ =	sdelay $0x3  }
0x37: {  	[smem:$0x3FBA] =	sst s10  }
0x38: {  	s10 =	sld [smem:$0x3FBB]  }
0x39: {  	_ = 	snop;
	(pc) =	sbr.ind lr, $3  }
0x3a: {  	_ = 	snop  }
0x3b: {  	_ = 	snop  }
0x3c: {  	p2 =	seq.s32 s10, $0x1;
	s10 =	sld [smem:$0x3FBA]  }
0x3d: {  	_ =	shalt  }
0x3e: {  	_ =	shalt  }
0x3f: {  	_ =	shalt  }
0x40: {  	_ =	shalt  }
0x41: {  	_ =	shalt  }
0x42: {  	_ =	shalt  }
0x43: {  	_ =	shalt  }
0x44: {  	_ =	shalt  }
0x45: {  	_ =	shalt  }
0x46: {  	_ =	shalt  }
0x47: {  	_ =	shalt  }
0x48: {  	_ =	shalt  }
0x49: {  	_ =	shalt  }
0x4a: {  	_ =	shalt  }
0x4b: {  	_ =	shalt  }
0x4c: {  	_ =	shalt  }
0x4d: {  	_ =	shalt  }
0x4e: {  	_ =	shalt  }
0x4f: {  	_ =	shalt  }
0x50: {  	_ =	shalt  }
0x51: {  	_ =	shalt  }
0x52: {  	_ =	shalt  }
0x53: {  	_ =	shalt  }
0x54: {  	_ =	shalt  }
0x55: {  	_ =	shalt  }
0x56: {  	_ =	shalt  }
0x57: {  	_ =	shalt  }
0x58: {  	_ =	shalt  }
0x59: {  	_ =	shalt  }
0x5a: {  	_ =	shalt  }
0x5b: {  	_ =	shalt  }
0x5c: {  	_ =	shalt  }
0x5d: {  	_ =	shalt  }
0x5e: {  	_ =	shalt  }
0x5f: {  	_ =	shalt  }
0x60: {  	_ =	shalt  }
0x61: {  	_ =	shalt  }
0x62: {  	_ =	shalt  }
0x63: {  	_ =	shalt  }
0x64: {  	_ =	shalt  }
0x65: {  	_ =	shalt  }
0x66: {  	_ =	shalt  }
0x67: {  	_ =	shalt  }
0x68: {  	_ =	shalt  }
0x69: {  	_ =	shalt  }
0x6a: {  	_ =	shalt  }
0x6b: {  	_ =	shalt  }
0x6c: {  	_ =	shalt  }
0x6d: {  	_ =	shalt  }
0x6e: {  	_ =	shalt  }
0x6f: {  	_ =	shalt  }
0x70: {  	_ =	shalt  }
0x71: {  	_ =	shalt  }
0x72: {  	_ =	shalt  }
0x73: {  	_ =	shalt  }
0x74: {  	_ =	shalt  }
0x75: {  	_ =	shalt  }
0x76: {  	_ =	shalt  }
0x77: {  	_ =	shalt  }
0x78: {  	_ =	shalt  }
0x79: {  	_ =	shalt  }
0x7a: {  	_ =	shalt  }
0x7b: {  	_ =	shalt  }
0x7c: {  	_ =	shalt  }
0x7d: {  	_ =	shalt  }
0x7e: {  	_ =	shalt  }
0x7f: {  	_ =	shalt  }
0x80: {  	_ =	shalt  }
0x81: {  	_ =	shalt  }
0x82: {  	_ =	shalt  }
0x83: {  	_ =	shalt  }
0x84: {  	_ =	shalt  }
0x85: {  	_ =	shalt  }
0x86: {  	_ =	shalt  }
0x87: {  	_ =	shalt  }
.Lfunc_end0:
.L_simem_size_0:
called_computation_lowered:
.L_overlay_start_0:
0x88: {  	s2 =	sld [smem:$0x3FD9]  }
0x89: {  	s3 =	sld [smem:$0x3FFE];
	_ =	sdelay $0x1  }
0x8a: {  	s1 =	srdreg.scid  }
0x8b: {  	s0 =	sand.u32 $0x1, s1  }
0x8c: {  	s16 =	sshll.u32 s0, $0xA;
	s2 =	sadd.s32 s3, s2  }
0x8d: {  	s2 =	sadd.s32 s2, s16  }
0x8e: {  	[smem:$0x3FC6] =	sst s2  }
0x8f: {  	_ = 	snop  }
0x90: {  	(tm) =	ssettm $0x1  }
0x91: {  	s17 =	sld [smem:$0x3FFB];
	_ =	sdelay $0x3  }
0x92: {  	_ =	strace s17  }
0x93: {  	s2 =	sld [smem:$0x3FFC];
	_ =	sdelay $0x3  }
0x94: {  	_ =	strace s2  }
0x95: {  	s2 =	sld [smem:$0x3FFD];
	_ =	sdelay $0x3  }
0x96: {  	_ =	strace s2  }
0x97: {  	_ =	strace $0x8FFFFFFF  }
0x98: {  	s18 =	sld [smem:$0x3FDB];
	_ =	sdelay $0x1  }
0x99: {  	s19 =	simm.s32 $_scs_section_size  }
0x9a: {  	s4 =	simm.s32 $_size__tile_overlayer_lowered;
	s5 =	simm.s32 $_tile_overlayer_lowered  }
0x9b: {  	s22 =	simm.s32 $0x1BFF;
	s21 =	sshll.u32 s5, $0x1;
	s2 =	sadd.s32 s19, s18  }
0x9c: {  	s6 =	simm.s32 $0x0;
	s20 =	sshll.u32 s4, $0x1;
	s4 =	sadd.s32 s21, s2  }
0x9d: {  	[timem:s6], [sflag:s22] =	dma.local [hbm:s4], s20  }
0x9e: {  	_ =	swait.ge [sflag:s22], s20  }
0x9f: {  	s3 =	ssub.s32 $0x0, s20;
	[sflag:s22] =	ssyncset.done $0x0  }
0xa0: {  	[sflag:s22] =	ssyncadd.s32 s3;
	_ =	sdelay $0x1  }
0xa1: {  	s23 =	simm.s32 $0x1B8B  }
0xa2: {  	_ =	swait.ge [sflag:s23], $0x1  }
0xa3: {  	[sflag:s23] =	ssyncset.done $0x0  }
0xa4: {  	s25 =	simm.s32 $0x1B8E;
	s24 =	sld [smem:$0x3FFE];
	[sflag:s23] =	ssyncadd.s32 $0xFFFFFFFF  }
0xa5: {  	s26 =	simm.s32 $execute0_lowered;
	[smem:$0x3FD2] =	sst s25  }
0xa6: {  	s4 =	sshll.u32 s26, $0x1;
	_ =	strace $0x80000046;
	[dreg:$0x1] =	wrdreg $0xFFFFFFFF  }
0xa7: {  	s28 =	simm.s32 $_size_execute0_lowered;
	s2 =	sadd.s32 s2, s4;
	[dreg:$0x0] =	wrdreg $0x0  }
0xa8: {  	s4 =	sshll.u32 s28, $0x1;
	[dreg:$0x2] =	wrdreg s2  }
0xa9: {  	[dreg:$0x3] =	wrdreg s4  }
0xaa: {  	[dreg:$0x4] =	wrdreg $0xC0  }
0xab: {  	_ =	task [dreg:s6], $0x5FFFF  }
0xac: {  	[dreg:$0x1] =	wrdreg $0xFFFFFFFF  }
0xad: {  	[dreg:$0x0] =	wrdreg $0x60  }
0xae: {  	[dreg:$0x2] =	wrdreg s24  }
0xaf: {  	[dreg:$0x3] =	wrdreg $0x9  }
0xb0: {  	_ =	task.clear_ibuf [dreg:s6], $0x4FFFF;
	_ =	strace $0x90000046  }
0xb1: {  	s29 =	simm.s32 $0x9;
	_ =	strace $0x80000048  }
0xb2: {  	_ =	swait.ge [sflag:s29], $0x1  }
0xb3: {  	[sflag:s29] =	ssyncadd.s32 $0xFFFFFFFF  }
0xb4: {  	_ =	strace $0x90000048  }
0xb5: {  	_ =	sfence  }
0xb6: {  	s30 =	sld [smem:$0x0];
	_ =	sdelay $0x2  }
0xb7: {  	s31 =	sshll.u32 s1, $0xD;
	s1 =	sshrl.u32 s1, $0x2  }
0xb8: {  	s3 =	sand.u32 $0x4000, s31;
	s1 =	sadd.s32 s1, s30  }
0xb9: {  	s0 =	sor.u32 s3, s0;
	s1 =	sshll.u32 s1, $0x11  }
0xba: {  	s0 =	sor.u32 s1, s0  }
0xbb: {  	s0 =	sadd.s32 $0x8F2B, s0  }
0xbc: {  	[sflag:s0] =	ssyncadd.remote.s32 $0x1  }
0xbd: {  	_ =	sfence.sel $0xFFFF  }
0xbe: {  	[dreg:$0x0] =	wrdreg $0xFFFFFFFF;
	(pc) =	sbr.abs _section_cstart, $3  }
0xbf: {  	[dreg:$0x1] =	wrdreg $0xFFFFFFFF  }
0xc0: {  	_ =	task.clear_ibuf [dreg:s6], $0x2FFFF;
	_ =	strace $0x9FFFFFFF  }
0xc1: {  	(tm) =	ssettm $0x7FFFFFFF  }
tec
execute0_lowered:
.L_overlay_start_1:
0x0: {  	(tag) =	ssettag $0x1  }
0x1: {  	s4 =	rddreg [dreg:$0x0];
	s1 =	simm.s32 $0x0  }
0x2: {  	[smem:$0x7FF] =	sst s1  }
0x3: {  	s0 =	rddreg [dreg:$0x1];
	v0 =	vimm.f32 $2.800000000e+01;
	_ =	strace $0x80000047  }
0x4: {  	(erf) = vrcp.f32 v0;
	_ =	sdelay $0x2  }
0x5: {  	s2 =	stileid.u32  }
0x6: {  	p0 =	sgt.u32 s2, $0xD  }
.Ltmp0:
0x7: {  	_ = 	snop;
	(pc) =	sbr.rel @p0 .LBB2_31-.Ltmp0, $2  }
0x8: {  	_ =	sdelay $0x2  }
0x9: {  	v0 =	vpop (erf)  }
0xa: {  	s3 =	srdreg.scid;
	s31 =	sshll.u32 s2, $0x1;
	s6 =	sadd.s32 $0xA00, s4  }
0xb: {  	s12 =	simm.s32 $0x8000;
	s13 =	simm.s32 $0x1;
	s5 =	sand.u32 $0x1, s3  }
0xc: {  	s14 =	simm.s32 $0x2;
	s15 =	simm.s32 $0x10000;
	s7 =	sor.u32 s5, s31  }
0xd: {  	s16 =	simm.s32 $0x3;
	s10 =	ssub.s32 $0x2, s5;
	s3 =	smul.u32 $0x38000, s7  }
0xe: {  	s17 =	simm.s32 $0x0;
	s8 =	sshll.u32 s7, $0x4;
	s11 =	sshrl.u32 s10, $0x1  }
0xf: {  	v2 =	vlaneseq.u32;
	v1 =	vmov s7;
	s9 =	sadd.s32 s8, s4;
	s11 =	ssub.s32 s10, s11;
	s3 =	sshrl.u32 s3, $0x3  }
0x10: {  	v61 =	vmul.u32 $0x80, v2;
	v1 =	vcvt.s32.f32 v1;
	s9 =	sadd.s32 $0xC4A00, s9;
	s11 =	smax.u32 s11, $0x1;
	s3 =	sadd.s32 s6, s3  }
0x11: {  	s4 =	sadd.s32 $0x2000, s3;
	s5 =	sadd.s32 $0x3000, s3;
	s6 =	sadd.s32 $0x4000, s3  }
0x12: {  	[tilespmem:$0x1FFF0] =	vst v61;
	v1 =	vbroadcast v1, $0x0;
	s7 =	sadd.s32 $0x5000, s3;
	s8 =	sadd.s32 $0x6000, s3;
	s10 =	sadd.s32 $0x1000, s3  }
.LBB2_2:
0x13: {  	s18 =	simm.s32 $0x0  }
0x14: {  	[tilespmem:s18], [sflag:$0x1] =	stream.linear.gather [hbm4b:s3+s18], $0x8000, $0x38;
	[tilespmem:$0x10080] =	vst v63  }
0x15: {  	_ = 	snop  }
0x16: {  	[tilespmem:s12], [sflag:$0x2] =	stream.linear.gather [hbm4b:s10+s18], $0x8000, $0x38;
	[tilespmem:$0x10080] =	vst v63  }
0x17: {  	_ =	swait.ge [sflag:s13], $0x8000  }
0x18: {  	v4 =	vimm.f32 $0.0e+00;
	[sflag:s13] =	ssyncset.done $0x0  }
0x19: {  	v5 =	vimm.f32 $0.0e+00;
	v6 =	vimm.f32 $0.0e+00;
	v7 =	vimm.f32 $0.0e+00;
	s19 =	simm.s32 $0x0;
	[sflag:s13] =	ssyncadd.s32 $0xFFFF8000  }
.LBB2_3:
0x1a: {  	v8 =	vmov s18  }
0x1b: {  	s20 =	sshll.u32 s19, $0xD;
	v8 =	vshll.u32 v8, $0x7  }
0x1c: {  	v2 =	vmov s20;
	v8 =	vor.u32 v61, v8  }
0x1d: {  	v15 =	vadd.s32 v2, v8  }
0x1e: {  	v8 =	vor.u32 $0xD, v15  }
0x1f: {  	v9 =	vor.u32 $0xE, v15  }
0x20: {  	v10 =	vor.u32 $0x1D, v15  }
0x21: {  	v11 =	vor.u32 $0x1E, v15  }
0x22: {  	v12 =	vor.u32 $0x8, v15  }
0x23: {  	v16 =	vor.u32 $0x9, v15;
	v42 =	vld.idx.msk [tilespmem:v8+s1+$0x0], $0xffff  }
0x24: {  	v17 =	vor.u32 $0x18, v15;
	v50 =	vld.idx.msk [tilespmem:v9+s1+$0x0], $0xffff  }
0x25: {  	v18 =	vor.u32 $0x19, v15;
	v40 =	vld.idx.msk [tilespmem:v10+s1+$0x0], $0xffff  }
0x26: {  	v19 =	vor.u32 $0x3, v15;
	v30 =	vld.idx.msk [tilespmem:v11+s1+$0x0], $0xffff  }
0x27: {  	v21 =	vor.u32 $0x4, v15;
	v14 =	vld.idx.msk [tilespmem:v12+s1+$0x0], $0xffff  }
0x28: {  	v23 =	vor.u32 $0x13, v15;
	v16 =	vld.idx.msk [tilespmem:v16+s1+$0x0], $0xffff  }
0x29: {  	v25 =	vor.u32 $0x14, v15;
	v17 =	vld.idx.msk [tilespmem:v17+s1+$0x0], $0xffff  }
0x2a: {  	v27 =	vor.u32 $0x6, v15;
	v18 =	vld.idx.msk [tilespmem:v18+s1+$0x0], $0xffff  }
0x2b: {  	v20 =	vor.u32 $0x5, v15;
	v29 =	vor.u32 $0x7, v15;
	v26 =	vld.idx.msk [tilespmem:v19+s1+$0x0], $0xffff  }
0x2c: {  	v22 =	vor.u32 $0x10, v15;
	v38 =	vor.u32 $0x1, v15;
	v24 =	vor.u32 $0xA, v15;
	v19 =	vld.idx.msk [tilespmem:v21+s1+$0x0], $0xffff  }
0x2d: {  	v36 =	vor.u32 $0x1B, v15;
	v45 =	vor.u32 $0x2, v15;
	v48 =	vor.u32 $0x16, v15;
	v28 =	vld.idx.msk [tilespmem:v23+s1+$0x0], $0xffff  }
0x2e: {  	s31 =	scvt.s32.f32 s19;
	v41 =	vor.u32 $0x1C, v15;
	v46 =	vor.u32 $0x11, v15;
	v8 =	vor.u32 $0xB, v15;
	v21 =	vld.idx.msk [tilespmem:v25+s1+$0x0], $0xffff  }
0x2f: {  	v44 =	vor.u32 $0x12, v15;
	v43 =	vor.u32 $0x17, v15;
	v9 =	vor.u32 $0xC, v15;
	v23 =	vld.idx.msk [tilespmem:v27+s1+$0x0], $0xffff  }
0x30: {  	[tilespmem:$0x1FFD0] =	vst v2;
	v10 =	vmov s31;
	v25 =	vld.idx.msk [tilespmem:v29+s1+$0x0], $0xffff;
	v2 =	vsub.f32 v42, v40;
	v63 =	vsub.f32 v50, v30  }
0x31: {  	v27 =	vld.idx.msk [tilespmem:v38+s1+$0x0], $0xffff;
	v32 =	vmax.f32 v42, $0.0e+00;
	v33 =	vmax.f32 v50, $0.0e+00;
	v31 =	vmax.f32 v40, $0.0e+00  }
0x32: {  	v29 =	vld.idx.msk [tilespmem:v45+s1+$0x0], $0xffff;
	v35 =	vmax.f32 v14, $0.0e+00;
	v37 =	vmax.f32 v16, $0.0e+00;
	v34 =	vmax.f32 v30, $0.0e+00  }
0x33: {  	v12 =	vld.idx.msk [tilespmem:v8+s1+$0x0], $0xffff;
	v47 =	vmax.f32 v26, $0.0e+00;
	v38 =	vmax.f32 v17, $0.0e+00;
	v39 =	vmax.f32 v18, $0.0e+00  }
0x34: {  	s20 =	simm.s32 $0x10;
	v11 =	vld.idx.msk [tilespmem:v9+s1+$0x0], $0xffff;
	v49 =	vmax.f32 v19, $0.0e+00;
	v45 =	vmul.f32 $5.000000000e-01, v42;
	v42 =	vmul.f32 $5.000000000e-01, v50;
	[tilespmem:$0x1FFE0] =	vst v2  }
.LBB2_4:
0x35: {  	v40 =	vmul.f32 $5.000000000e-01, v40  }
0x36: {  	v51 =	vmul.f32 $5.000000000e-01, v30;
	v52 =	vmul.f32 $5.000000000e-01, v14  }
0x37: {  	v53 =	vmul.f32 $5.000000000e-01, v16;
	v54 =	vmul.f32 $5.000000000e-01, v17  }
0x38: {  	v36 =	vld.idx.msk [tilespmem:v36+s1+$0x0], $0xffff;
	v55 =	vmul.f32 $5.000000000e-01, v18;
	v57 =	vmul.f32 $5.000000000e-01, v26  }
0x39: {  	v30 =	vld.idx.msk [tilespmem:v41+s1+$0x0], $0xffff;
	v56 =	vadd.f32 v12, v10;
	v58 =	vmul.f32 $5.000000000e-01, v19;
	v32 =	vmul.f32 v33, v32  }
0x3a: {  	v48 =	vld.idx.msk [tilespmem:v48+s1+$0x0], $0xffff;
	v59 =	vadd.f32 v11, v1;
	v31 =	vmul.f32 v34, v31;
	v34 =	vmul.f32 v49, v47  }
0x3b: {  	v43 =	vld.idx.msk [tilespmem:v43+s1+$0x0], $0xffff;
	v56 =	vmul.f32 v56, v0;
	v61 =	vadd.f32 v23, v10;
	v62 =	vadd.f32 v25, v1  }
0x3c: {  	v46 =	vld.idx.msk [tilespmem:v46+s1+$0x0], $0xffff;
	[tilespmem:$0x1FFC0] =	vst v63;
	v50 =	vmax.f32 v28, $0.0e+00;
	v63 =	vadd.f32 v27, v10;
	v2 =	vadd.f32 v29, v1  }
0x3d: {  	v44 =	vld.idx.msk [tilespmem:v44+s1+$0x0], $0xffff;
	v41 =	vmax.f32 v21, $0.0e+00;
	v3 =	vsub.f32 v36, v40;
	v40 =	vadd.f32 v40, v36  }
0x3e: {  	v60 =	vmul.f32 $5.000000000e-01, v28;
	v33 =	vsub.f32 v30, v51;
	v51 =	vadd.f32 v51, v30  }
0x3f: {  	v13 =	vmul.f32 $5.000000000e-01, v21;
	v47 =	vsub.f32 v48, v54;
	v49 =	vadd.f32 v54, v48  }
0x40: {  	v41 =	vmul.f32 v41, v50;
	v50 =	vsub.f32 v43, v55;
	v54 =	vadd.f32 v55, v43  }
0x41: {  	v59 =	vmul.f32 v59, v0;
	v55 =	vsub.f32 v46, v60;
	v60 =	vadd.f32 v60, v46  }
0x42: {  	v8 =	vsub.f32 v44, v13;
	v13 =	vadd.f32 v13, v44;
	v63 =	vmul.f32 v63, v0  }
0x43: {  	v34 =	vadd.f32 v41, v34;
	v41 =	vmul.f32 v61, v0;
	v61 =	vsub.f32 v56, v45  }
0x44: {  	v2 =	vmul.f32 v2, v0;
	v45 =	vadd.f32 v45, v56;
	v56 =	vsub.f32 v59, v42  }
0x45: {  	v35 =	vmul.f32 v37, v35;
	v42 =	vadd.f32 v42, v59;
	v59 =	vsub.f32 v63, v57  }
0x46: {  	v62 =	vmul.f32 v62, v0;
	v37 =	vadd.f32 v57, v63;
	v57 =	vsub.f32 v2, v58  }
0x47: {  	v2 =	vadd.f32 v58, v2;
	v9 =	vsub.f32 v41, v52  }
0x48: {  	v38 =	vmul.f32 v39, v38;
	v41 =	vadd.f32 v52, v41;
	v52 =	vsub.f32 v62, v53  }
0x49: {  	v53 =	vadd.f32 v53, v62;
	v58 =	vmin.f32 v45, v40;
	v3 =	vmax.f32 v61, v3  }
0x4a: {  	v45 =	vmin.f32 v42, v51;
	v37 =	vmin.f32 v37, v60;
	v2 =	vmin.f32 v2, v13  }
0x4b: {  	v8 =	vmax.f32 v57, v8;
	v63 =	vmin.f32 v41, v49;
	v49 =	vmax.f32 v59, v55  }
0x4c: {  	v2 =	vsub.f32 v2, v8;
	v8 =	vmax.f32 v9, v47;
	v13 =	vsub.f32 v37, v49  }
0x4d: {  	v9 =	vmin.f32 v53, v54;
	v51 =	vmax.f32 v52, v50;
	v8 =	vsub.f32 v63, v8  }
0x4e: {  	v9 =	vsub.f32 v9, v51;
	v2 =	vmax.f32 v2, $0.0e+00;
	v13 =	vmax.f32 v13, $0.0e+00  }
0x4f: {  	v3 =	vsub.f32 v58, v3;
	v2 =	vmul.f32 v2, v13;
	v13 =	vmax.f32 v56, v33  }
0x50: {  	v8 =	vmax.f32 v8, $0.0e+00;
	v9 =	vmax.f32 v9, $0.0e+00;
	v13 =	vsub.f32 v45, v13  }
0x51: {  	v8 =	vmul.f32 v9, v8;
	v9 =	vadd.f32 v38, v35;
	v52 =	vsub.f32 v34, v2  }
0x52: {  	v31 =	vadd.f32 v31, v32;
	v3 =	vmax.f32 v3, $0.0e+00;
	v13 =	vmax.f32 v13, $0.0e+00  }
0x53: {  	v9 =	vsub.f32 v9, v8;
	v53 =	vadd.f32 $1.000000010e-10, v52;
	v3 =	vmul.f32 v13, v3  }
0x54: {  	v26 =	vsub.f32 v26, v28  }
0x55: {  	v9 =	vadd.f32 $1.000000010e-10, v9;
	v28 =	vsub.f32 v31, v3;
	(erf) = vrcp.f32 v53  }
0x56: {  	v15 =	vld.idx.msk [tilespmem:v15+s1+$0x0], $0xffff;
	v54 =	vmul.f32 $2.800000000e+01, v44  }
0x57: {  	v13 =	vmul.f32 $2.800000000e+01, v46;
	v31 =	vld.idx.msk [tilespmem:v22+s1+$0x0], $0xffff;
	(erf) = vrcp.f32 v9;
	v28 =	vadd.f32 $1.000000010e-10, v28  }
0x58: {  	v22 =	vld.idx.msk [tilespmem:v24+s1+$0x0], $0xffff  }
0x59: {  	v13 =	vsub.f32 v13, v10;
	v24 =	vsub.f32 v54, v1;
	v9 =	vld.idx.msk [tilespmem:v20+s1+$0x0], $0xffff;
	(erf) = vrcp.f32 v28  }
0x5a: {  	v14 =	vsub.f32 v14, v17  }
0x5b: {  	v13 =	vsub.f32 v27, v13;
	v27 =	vmul.f32 $2.800000000e+01, v30;
	v24 =	vsub.f32 v29, v24  }
0x5c: {  	v16 =	vsub.f32 v16, v18;
	v19 =	vsub.f32 v19, v21;
	v62 =	vimm.f32 $0.0e+00  }
0x5d: {  	v21 =	vmul.f32 v24, v24;
	v24 =	vsub.f32 v27, v1;
	vm0 =	vgt.f32 v22, v15  }
0x5e: {  	vm2 =	vgt.f32 v31, $0.0e+00;
	vm5 =	vge.f32 v15, v22;
	vm1 =	vgt.f32 v9, v15;
	v17 =	vpop (erf)  }
0x5f: {  	vm3 =	vgt.f32 v22, v9;
	vm4 =	vge.f32 v15, v9;
	v2 =	vmul.f32 v17, v2  }
0x60: {  	vm15 =	vge.f32 v9, v22;
	vm4 =	vmand vm4, vm5;
	vm1 =	vmand vm1, vm2;
	v17 =	vpop (erf)  }
0x61: {  	vm4 =	vmand vm4, vm2;
	v8 =	vmul.f32 v17, v8;
	v2 =	vsub.f32 v15, v2  }
0x62: {  	vm0 =	vmand vm0, vm3;
	vm1 =	vmand vm1, vm15;
	v17 =	vsel vm4, $0x3F800000, v62;
	v18 =	vpop (erf)  }
0x63: {  	v8 =	vsub.f32 v9, v8;
	v27 =	vmul.f32 v2, v17;
	v3 =	vmul.f32 v18, v3  }
0x64: {  	vm0 =	vmand vm0, vm2;
	v28 =	vsel vm1, $0x3F800000, v62  }
0x65: {  	v2 =	vmul.f32 v27, v2;
	v27 =	vmul.f32 v8, v28;
	v3 =	vsub.f32 v22, v3  }
0x66: {  	v55 =	vmul.f32 $2.800000000e+01, v48;
	v29 =	vsel vm0, $0x3F800000, v62  }
0x67: {  	v2 =	vadd.f32 $0.0e+00, v2;
	v8 =	vmul.f32 v27, v8;
	v27 =	vmul.f32 v3, v29  }
0x68: {  	v56 =	vmul.f32 $2.800000000e+01, v43  }
0x69: {  	v20 =	vsub.f32 v55, v10;
	v2 =	vadd.f32 v8, v2;
	v3 =	vmul.f32 v27, v3  }
0x6a: {  	v14 =	vmul.f32 v14, v14;
	v16 =	vmul.f32 v16, v16;
	v57 =	vsub.f32 v56, v1  }
0x6b: {  	v58 =	vmul.f32 $2.800000000e+01, v36;
	v20 =	vsub.f32 v23, v20;
	v2 =	vadd.f32 v3, v2  }
0x6c: {  	v26 =	vmul.f32 v26, v26;
	v61 =	vld [tilespmem:$0x1FFF0];
	v23 =	vsub.f32 v25, v57;
	v18 =	vsub.f32 $1.000000000e+00, v17  }
0x6d: {  	v25 =	vsub.f32 v58, v10;
	v13 =	vmul.f32 v13, v13;
	v5 =	vadd.f32 v2, v5;
	v2 =	vld [tilespmem:$0x1FFD0]  }
0x6e: {  	v20 =	vmul.f32 v20, v20;
	v18 =	vmul.f32 v18, v15;
	v8 =	vsub.f32 v11, v24  }
0x6f: {  	v11 =	vadd.f32 v21, v13;
	v13 =	vmul.f32 v19, v19;
	v19 =	vmov s20  }
0x70: {  	v23 =	vmul.f32 v23, v23;
	v12 =	vsub.f32 v12, v25;
	v3 =	vshll.u32 v19, $0x7  }
0x71: {  	v30 =	vsub.f32 $1.000000000e+00, v28;
	v18 =	vmul.f32 v18, v15;
	v3 =	vor.u32 v61, v3  }
0x72: {  	v21 =	vsub.f32 $1.000000000e+00, v29;
	v19 =	vadd.f32 v23, v20;
	v15 =	vadd.s32 v2, v3  }
0x73: {  	v24 =	vld [tilespmem:$0x1FFC0];
	v2 =	vmul.f32 v12, v12;
	v3 =	vmul.f32 v8, v8;
	v8 =	vor.u32 $0xD, v15  }
0x74: {  	v12 =	vadd.f32 v13, v26;
	v13 =	vadd.f32 v16, v14;
	v14 =	vor.u32 $0xE, v15  }
0x75: {  	v18 =	vadd.f32 $0.0e+00, v18;
	v20 =	vmul.f32 v30, v9;
	v23 =	vor.u32 $0x1D, v15  }
0x76: {  	v11 =	vmul.f32 v11, v17;
	v19 =	vmul.f32 v19, v28;
	v16 =	vld [tilespmem:$0x1FFE0];
	v25 =	vor.u32 $0x1E, v15  }
0x77: {  	v9 =	vmul.f32 v20, v9;
	v20 =	vmul.f32 v21, v22;
	v26 =	vor.u32 $0x8, v15  }
0x78: {  	v24 =	vmul.f32 v24, v24;
	v11 =	vadd.f32 v19, v11;
	v21 =	vor.u32 $0xC, v15;
	v8 =	vld.idx.msk [tilespmem:v8+s1+$0x0], $0xffff  }
0x79: {  	v20 =	vmul.f32 v20, v22;
	v22 =	vor.u32 $0x3, v15;
	v2 =	vadd.f32 v3, v2;
	v59 =	vld.idx.msk [tilespmem:v14+s1+$0x0], $0xffff  }
0x7a: {  	v9 =	vadd.f32 v18, v9;
	v3 =	vor.u32 $0x9, v15;
	v12 =	vmul.f32 v12, v17;
	v40 =	vld.idx.msk [tilespmem:v23+s1+$0x0], $0xffff  }
0x7b: {  	v17 =	vor.u32 $0xB, v15;
	v2 =	vmul.f32 v2, v29;
	v16 =	vmul.f32 v16, v16;
	v30 =	vld.idx.msk [tilespmem:v25+s1+$0x0], $0xffff  }
0x7c: {  	v9 =	vadd.f32 v9, v20;
	v18 =	vor.u32 $0x18, v15;
	v27 =	vor.u32 $0x1, v15;
	v14 =	vld.idx.msk [tilespmem:v26+s1+$0x0], $0xffff  }
0x7d: {  	v13 =	vmul.f32 v13, v28;
	v2 =	vadd.f32 v2, v11;
	v11 =	vld.idx.msk [tilespmem:v21+s1+$0x0], $0xffff;
	v16 =	vadd.f32 v24, v16  }
0x7e: {  	v19 =	vor.u32 $0x19, v15;
	v4 =	vadd.f32 v9, v4;
	v9 =	vor.u32 $0x6, v15;
	v26 =	vld.idx.msk [tilespmem:v22+s1+$0x0], $0xffff  }
0x7f: {  	v13 =	vadd.f32 v13, v12;
	v23 =	vmul.f32 v16, v29;
	v16 =	vld.idx.msk [tilespmem:v3+s1+$0x0], $0xffff;
	v3 =	vor.u32 $0x4, v15  }
0x80: {  	v20 =	vor.u32 $0x5, v15;
	v36 =	vor.u32 $0x1B, v15;
	v21 =	vor.u32 $0x13, v15;
	v12 =	vld.idx.msk [tilespmem:v17+s1+$0x0], $0xffff  }
0x81: {  	v48 =	vor.u32 $0x16, v15;
	v17 =	vld.idx.msk [tilespmem:v18+s1+$0x0], $0xffff;
	v13 =	vadd.f32 v23, v13;
	v18 =	vsub.f32 v8, v40  }
0x82: {  	v41 =	vor.u32 $0x1C, v15;
	v27 =	vld.idx.msk [tilespmem:v27+s1+$0x0], $0xffff;
	v7 =	vadd.f32 v2, v7;
	v2 =	vor.u32 $0x14, v15  }
0x83: {  	v46 =	vor.u32 $0x11, v15;
	[tilespmem:$0x1FFE0] =	vst v18;
	v18 =	vld.idx.msk [tilespmem:v19+s1+$0x0], $0xffff;
	v6 =	vadd.f32 v13, v6;
	v13 =	vor.u32 $0x7, v15  }
0x84: {  	p0 =	sne.s32 s20, $0x30;
	v44 =	vor.u32 $0x12, v15;
	v43 =	vor.u32 $0x17, v15;
	v19 =	vld.idx.msk [tilespmem:v3+s1+$0x0], $0xffff;
	v3 =	vor.u32 $0x2, v15  }
.Ltmp1:
0x85: {  	v22 =	vor.u32 $0x10, v15;
	v24 =	vor.u32 $0xA, v15;
	v63 =	vsub.f32 v59, v30;
	v28 =	vld.idx.msk [tilespmem:v21+s1+$0x0], $0xffff;
	(pc) =	sbr.rel @p0 .LBB2_4-.Ltmp1, $4  }
0x86: {  	v23 =	vld.idx.msk [tilespmem:v9+s1+$0x0], $0xffff;
	v32 =	vmax.f32 v8, $0.0e+00;
	v33 =	vmax.f32 v59, $0.0e+00;
	v31 =	vmax.f32 v40, $0.0e+00  }
0x87: {  	v35 =	vmax.f32 v14, $0.0e+00;
	v34 =	vmax.f32 v30, $0.0e+00;
	v47 =	vmax.f32 v26, $0.0e+00;
	v21 =	vld.idx.msk [tilespmem:v2+s1+$0x0], $0xffff  }
0x88: {  	v45 =	vmul.f32 $5.000000000e-01, v8;
	v42 =	vmul.f32 $5.000000000e-01, v59;
	v38 =	vmax.f32 v17, $0.0e+00;
	v25 =	vld.idx.msk [tilespmem:v13+s1+$0x0], $0xffff  }
0x89: {  	s20 =	sadd.s32 $0x10, s20;
	v37 =	vmax.f32 v16, $0.0e+00;
	v39 =	vmax.f32 v18, $0.0e+00;
	v29 =	vld.idx.msk [tilespmem:v3+s1+$0x0], $0xffff;
	v49 =	vmax.f32 v19, $0.0e+00  }
0x8a: {  	_ =	sdelay $0x3  }
0x8b: {  	v2 =	vld.idx.msk [tilespmem:v36+s1+$0x0], $0xffff;
	v8 =	vmul.f32 $5.000000000e-01, v40;
	v13 =	vmul.f32 $5.000000000e-01, v14  }
0x8c: {  	v3 =	vmax.f32 v28, $0.0e+00;
	v36 =	vmul.f32 $5.000000000e-01, v16;
	v40 =	vld.idx.msk [tilespmem:v48+s1+$0x0], $0xffff;
	v48 =	vmul.f32 $5.000000000e-01, v17  }
0x8d: {  	v50 =	vadd.f32 v12, v10;
	v51 =	vmul.f32 $5.000000000e-01, v26;
	v52 =	vmul.f32 $5.000000000e-01, v19  }
0x8e: {  	v53 =	vadd.f32 v11, v1;
	v55 =	vmul.f32 $5.000000000e-01, v28;
	v47 =	vmul.f32 v49, v47  }
0x8f: {  	v57 =	vadd.f32 v27, v10;
	v32 =	vmul.f32 v33, v32;
	v31 =	vmul.f32 v34, v31  }
0x90: {  	v46 =	vld.idx.msk [tilespmem:v46+s1+$0x0], $0xffff;
	v35 =	vmul.f32 v37, v35;
	v38 =	vmul.f32 v39, v38;
	v54 =	vadd.f32 v23, v10  }
0x91: {  	v60 =	vmul.f32 v50, v0;
	v57 =	vmul.f32 v57, v0;
	v31 =	vadd.f32 v31, v32  }
0x92: {  	v9 =	vmax.f32 v21, $0.0e+00;
	v56 =	vadd.f32 v25, v1;
	v58 =	vadd.f32 v29, v1  }
0x93: {  	v15 =	vld.idx.msk [tilespmem:v15+s1+$0x0], $0xffff;
	v3 =	vmul.f32 v9, v3;
	v9 =	vadd.f32 v45, v60;
	v37 =	vadd.f32 v51, v57  }
0x94: {  	v30 =	vmul.f32 $5.000000000e-01, v30;
	v24 =	vld.idx.msk [tilespmem:v24+s1+$0x0], $0xffff;
	v59 =	vadd.f32 v8, v2;
	v49 =	vadd.f32 v48, v40  }
0x95: {  	v53 =	vmul.f32 v53, v0;
	v50 =	vsub.f32 v46, v55;
	v55 =	vadd.f32 v55, v46  }
0x96: {  	v3 =	vadd.f32 v3, v47;
	v47 =	vmul.f32 v54, v0;
	v54 =	vsub.f32 v60, v45  }
0x97: {  	v56 =	vmul.f32 v56, v0;
	v45 =	vsub.f32 v53, v42;
	v42 =	vadd.f32 v42, v53  }
0x98: {  	v48 =	vsub.f32 v40, v48;
	v8 =	vsub.f32 v2, v8;
	v2 =	vmul.f32 $2.800000000e+01, v2  }
0x99: {  	v41 =	vld.idx.msk [tilespmem:v41+s1+$0x0], $0xffff;
	vm0 =	vgt.f32 v24, v15;
	vm2 =	vge.f32 v15, v24;
	v60 =	vsub.f32 v47, v13  }
0x9a: {  	v44 =	vld.idx.msk [tilespmem:v44+s1+$0x0], $0xffff;
	v53 =	vmul.f32 v58, v0;
	v13 =	vadd.f32 v13, v47;
	v47 =	vsub.f32 v56, v36  }
0x9b: {  	v58 =	vmul.f32 $5.000000000e-01, v21;
	v36 =	vadd.f32 v36, v56;
	v56 =	vsub.f32 v57, v51  }
0x9c: {  	v9 =	vmin.f32 v9, v59;
	v8 =	vmax.f32 v54, v8;
	v54 =	vadd.f32 v38, v35  }
0x9d: {  	v37 =	vmin.f32 v37, v55;
	v55 =	vsub.f32 v26, v28;
	v2 =	vsub.f32 v2, v10  }
0x9e: {  	v39 =	vld.idx.msk [tilespmem:v43+s1+$0x0], $0xffff;
	v38 =	vmul.f32 $2.800000000e+01, v41;
	v51 =	vsub.f32 v53, v52;
	v43 =	vadd.f32 v52, v53  }
0x9f: {  	v57 =	vadd.f32 v58, v44;
	v59 =	vsub.f32 v44, v58;
	v58 =	vmul.f32 $5.000000000e-01, v18  }
0xa0: {  	v8 =	vsub.f32 v9, v8;
	v13 =	vmin.f32 v13, v49;
	v56 =	vmax.f32 v56, v50  }
0xa1: {  	v48 =	vmax.f32 v60, v48;
	v60 =	vadd.f32 v30, v41;
	v30 =	vsub.f32 v41, v30  }
0xa2: {  	v2 =	vsub.f32 v12, v2;
	v43 =	vmin.f32 v43, v57;
	v37 =	vsub.f32 v37, v56  }
0xa3: {  	v57 =	vmax.f32 v51, v59;
	v59 =	vsub.f32 v39, v58;
	v51 =	vadd.f32 v58, v39  }
0xa4: {  	v13 =	vsub.f32 v13, v48;
	v8 =	vmax.f32 v8, $0.0e+00;
	v56 =	vmul.f32 $2.800000000e+01, v46  }
0xa5: {  	v58 =	vmul.f32 $2.800000000e+01, v40;
	v40 =	vsub.f32 v16, v18;
	v43 =	vsub.f32 v43, v57  }
0xa6: {  	v42 =	vmin.f32 v42, v60;
	v30 =	vmax.f32 v45, v30;
	v57 =	vmul.f32 $2.800000000e+01, v44  }
0xa7: {  	v2 =	vmul.f32 v2, v2;
	v36 =	vmin.f32 v36, v51;
	v47 =	vmax.f32 v47, v59  }
0xa8: {  	v37 =	vmax.f32 v37, $0.0e+00;
	v36 =	vsub.f32 v36, v47;
	v43 =	vmax.f32 v43, $0.0e+00  }
0xa9: {  	v52 =	vmax.f32 v13, $0.0e+00;
	v30 =	vsub.f32 v42, v30;
	v37 =	vmul.f32 v43, v37  }
0xaa: {  	v59 =	vmul.f32 $2.800000000e+01, v39;
	v26 =	vsub.f32 v56, v10;
	v53 =	vmax.f32 v36, $0.0e+00  }
0xab: {  	v60 =	vsub.f32 v58, v10;
	v9 =	vmul.f32 v53, v52;
	v3 =	vsub.f32 v3, v37  }
0xac: {  	v39 =	vsub.f32 v14, v17;
	v28 =	vsub.f32 v57, v1;
	v30 =	vmax.f32 v30, $0.0e+00  }
0xad: {  	v8 =	vmul.f32 v30, v8;
	v13 =	vsub.f32 v54, v9;
	v3 =	vadd.f32 $1.000000010e-10, v3  }
0xae: {  	v16 =	vmul.f32 v40, v40;
	v33 =	vsub.f32 v59, v1;
	v26 =	vsub.f32 v27, v26  }
0xaf: {  	v57 =	vld [tilespmem:$0x1FFE0];
	v13 =	vadd.f32 $1.000000010e-10, v13;
	(erf) = vrcp.f32 v3;
	v3 =	vsub.f32 v31, v8  }
0xb0: {  	v22 =	vld.idx.msk [tilespmem:v22+s1+$0x0], $0xffff;
	v14 =	vmul.f32 v39, v39;
	v34 =	vsub.f32 v29, v28;
	v36 =	vsub.f32 v19, v21  }
0xb1: {  	v19 =	vsub.f32 v38, v1;
	(erf) = vrcp.f32 v13;
	v3 =	vadd.f32 $1.000000010e-10, v3  }
0xb2: {  	v35 =	vsub.f32 v25, v33;
	v48 =	vmul.f32 v26, v26;
	v56 =	vadd.f32 v16, v14  }
0xb3: {  	v51 =	vmul.f32 v34, v34;
	v54 =	vsub.f32 v11, v19;
	(erf) = vrcp.f32 v3;
	v3 =	vld.idx.msk [tilespmem:v20+s1+$0x0], $0xffff  }
0xb4: {  	v10 =	vmul.f32 v36, v36;
	v14 =	vmul.f32 v57, v57;
	v20 =	vsub.f32 v23, v60  }
0xb5: {  	vm4 =	vgt.f32 v22, $0.0e+00;
	v11 =	vmul.f32 v54, v54;
	v13 =	vmul.f32 v55, v55  }
0xb6: {  	v55 =	vadd.f32 v51, v48;
	v23 =	vmul.f32 v35, v35;
	v20 =	vmul.f32 v20, v20  }
0xb7: {  	v2 =	vadd.f32 v11, v2;
	v10 =	vadd.f32 v10, v13;
	v60 =	vmul.f32 v63, v63  }
0xb8: {  	v20 =	vadd.f32 v23, v20;
	v41 =	vpop (erf);
	vm1 =	vge.f32 v15, v3;
	vm3 =	vgt.f32 v3, v15  }
0xb9: {  	vm13 =	vge.f32 v3, v24;
	vm15 =	vgt.f32 v24, v3;
	v17 =	vmul.f32 v41, v37  }
0xba: {  	vm1 =	vmand vm1, vm2;
	vm3 =	vmand vm3, vm4;
	vm0 =	vmand vm0, vm15;
	v42 =	vpop (erf)  }
0xbb: {  	vm1 =	vmand vm1, vm4;
	v17 =	vsub.f32 v15, v17;
	v9 =	vmul.f32 v42, v9  }
0xbc: {  	vm14 =	vmand vm3, vm13;
	vm0 =	vmand vm0, vm4;
	v43 =	vsel vm1, $0x3F800000, v62  }
0xbd: {  	v46 =	vsel vm14, $0x3F800000, v62;
	v45 =	vmul.f32 v17, v43;
	v9 =	vsub.f32 v3, v9  }
0xbe: {  	v50 =	vsel vm0, $0x3F800000, v62;
	v49 =	vsub.f32 $1.000000000e+00, v43;
	v59 =	vmul.f32 v55, v43  }
0xbf: {  	v44 =	vpop (erf);
	v53 =	vsub.f32 $1.000000000e+00, v46;
	v17 =	vmul.f32 v45, v17;
	v47 =	vmul.f32 v9, v46  }
0xc0: {  	v58 =	vsub.f32 $1.000000000e+00, v50;
	v10 =	vmul.f32 v10, v43;
	v8 =	vmul.f32 v44, v8  }
0xc1: {  	v22 =	vmul.f32 v49, v15;
	v17 =	vadd.f32 $0.0e+00, v17;
	v9 =	vmul.f32 v47, v9  }
0xc2: {  	v62 =	vmul.f32 v20, v46;
	v13 =	vmul.f32 v56, v46;
	v8 =	vsub.f32 v24, v8  }
0xc3: {  	v15 =	vmul.f32 v22, v15;
	v9 =	vadd.f32 v9, v17;
	v17 =	vmul.f32 v53, v3  }
0xc4: {  	v14 =	vadd.f32 v60, v14;
	v2 =	vmul.f32 v2, v50;
	v11 =	vmul.f32 v58, v24  }
0xc5: {  	s19 =	sadd.s32 $0x1, s19;
	v52 =	vmul.f32 v8, v50;
	v15 =	vadd.f32 $0.0e+00, v15;
	v3 =	vmul.f32 v17, v3  }
0xc6: {  	p0 =	sne.s32 s19, $0x4;
	v12 =	vmul.f32 v14, v50;
	v16 =	vadd.f32 v62, v59;
	v10 =	vadd.f32 v13, v10  }
.Ltmp2:
0xc7: {  	v11 =	vmul.f32 v11, v24;
	v8 =	vmul.f32 v52, v8;
	v3 =	vadd.f32 v15, v3;
	(pc) =	sbr.rel @p0 .LBB2_3-.Ltmp2, $4  }
0xc8: {  	v2 =	vadd.f32 v2, v16;
	v63 =	vadd.f32 v12, v10  }
0xc9: {  	v8 =	vadd.f32 v8, v9;
	v3 =	vadd.f32 v3, v11  }
0xca: {  	v7 =	vadd.f32 v2, v7;
	v6 =	vadd.f32 v63, v6  }
0xcb: {  	v5 =	vadd.f32 v8, v5;
	v4 =	vadd.f32 v3, v4  }
0xcc: {  	s18 =	simm.s32 $0x0  }
0xcd: {  	[tilespmem:s18], [sflag:$0x1] =	stream.linear.gather [hbm4b:s4+s18], $0x8000, $0x38;
	[tilespmem:$0x10080] =	vst v63  }
0xce: {  	_ =	swait.ge [sflag:s14], $0x8000  }
0xcf: {  	[sflag:s14] =	ssyncset.done $0x0  }
0xd0: {  	s19 =	simm.s32 $0x0;
	[sflag:s14] =	ssyncadd.s32 $0xFFFF8000  }
.LBB2_7:
0xd1: {  	v2 =	vmov s18  }
0xd2: {  	s20 =	sshll.u32 s19, $0xD;
	v2 =	vshll.u32 v2, $0x7  }
0xd3: {  	v3 =	vmov s20;
	v2 =	vor.u32 v61, v2  }
0xd4: {  	v14 =	vadd.s32 v3, v2  }
0xd5: {  	v2 =	vor.u32 $0xD, v14  }
0xd6: {  	[tilespmem:$0x1FFA0] =	vst v3;
	v3 =	vor.u32 $0xE, v14  }
0xd7: {  	v8 =	vor.u32 $0x1D, v14  }
0xd8: {  	v9 =	vor.u32 $0x1E, v14  }
0xd9: {  	v10 =	vor.u32 $0x8, v14  }
0xda: {  	v11 =	vor.u32 $0x9, v14;
	v2 =	vld.idx.msk [tilespmem:v2+s12+$0x0], $0xffff  }
0xdb: {  	v12 =	vor.u32 $0xB, v14;
	v3 =	vld.idx.msk [tilespmem:v3+s12+$0x0], $0xffff  }
0xdc: {  	v17 =	vor.u32 $0xC, v14;
	v39 =	vld.idx.msk [tilespmem:v8+s12+$0x0], $0xffff  }
0xdd: {  	v18 =	vor.u32 $0x19, v14;
	v30 =	vld.idx.msk [tilespmem:v9+s12+$0x0], $0xffff  }
0xde: {  	v19 =	vor.u32 $0x3, v14;
	v15 =	vld.idx.msk [tilespmem:v10+s12+$0x0], $0xffff  }
0xdf: {  	v21 =	vor.u32 $0x4, v14;
	v16 =	vld.idx.msk [tilespmem:v11+s12+$0x0], $0xffff  }
0xe0: {  	v23 =	vor.u32 $0x13, v14;
	v12 =	vld.idx.msk [tilespmem:v12+s12+$0x0], $0xffff  }
0xe1: {  	v25 =	vor.u32 $0x14, v14;
	v8 =	vor.u32 $0x18, v14;
	v11 =	vld.idx.msk [tilespmem:v17+s12+$0x0], $0xffff  }
0xe2: {  	s31 =	scvt.s32.f32 s19;
	v27 =	vor.u32 $0x6, v14;
	v20 =	vor.u32 $0x5, v14;
	v29 =	vor.u32 $0x7, v14;
	v18 =	vld.idx.msk [tilespmem:v18+s12+$0x0], $0xffff  }
0xe3: {  	v22 =	vor.u32 $0x10, v14;
	v38 =	vor.u32 $0x1, v14;
	v24 =	vor.u32 $0xA, v14;
	v26 =	vld.idx.msk [tilespmem:v19+s12+$0x0], $0xffff  }
0xe4: {  	v36 =	vor.u32 $0x1B, v14;
	v42 =	vor.u32 $0x2, v14;
	v9 =	vmov s31;
	v19 =	vld.idx.msk [tilespmem:v21+s12+$0x0], $0xffff  }
0xe5: {  	v48 =	vor.u32 $0x16, v14;
	v41 =	vor.u32 $0x1C, v14;
	v28 =	vld.idx.msk [tilespmem:v23+s12+$0x0], $0xffff;
	v9 =	vadd.f32 $4.000000000e+00, v9  }
0xe6: {  	v46 =	vor.u32 $0x11, v14;
	v44 =	vor.u32 $0x12, v14;
	v43 =	vor.u32 $0x17, v14;
	v17 =	vld.idx.msk [tilespmem:v8+s12+$0x0], $0xffff  }
0xe7: {  	v21 =	vld.idx.msk [tilespmem:v25+s12+$0x0], $0xffff;
	v10 =	vbroadcast v9, $0x0;
	v8 =	vsub.f32 v2, v39;
	v63 =	vsub.f32 v3, v30  }
0xe8: {  	v23 =	vld.idx.msk [tilespmem:v27+s12+$0x0], $0xffff;
	v32 =	vmax.f32 v2, $0.0e+00;
	v33 =	vmax.f32 v3, $0.0e+00;
	v31 =	vmax.f32 v39, $0.0e+00  }
0xe9: {  	v25 =	vld.idx.msk [tilespmem:v29+s12+$0x0], $0xffff;
	v35 =	vmax.f32 v15, $0.0e+00;
	v37 =	vmax.f32 v16, $0.0e+00;
	v34 =	vmax.f32 v30, $0.0e+00  }
0xea: {  	v27 =	vld.idx.msk [tilespmem:v38+s12+$0x0], $0xffff;
	v47 =	vmax.f32 v26, $0.0e+00;
	v40 =	vmax.f32 v18, $0.0e+00;
	v49 =	vmax.f32 v19, $0.0e+00  }
0xeb: {  	s20 =	simm.s32 $0x10;
	v29 =	vld.idx.msk [tilespmem:v42+s12+$0x0], $0xffff;
	v45 =	vmul.f32 $5.000000000e-01, v2;
	v42 =	vmul.f32 $5.000000000e-01, v3;
	[tilespmem:$0x1FFB0] =	vst v8;
	v38 =	vmax.f32 v17, $0.0e+00  }
.LBB2_8:
0xec: {  	v3 =	vmul.f32 $5.000000000e-01, v39  }
0xed: {  	v39 =	vmul.f32 $5.000000000e-01, v30;
	v50 =	vmul.f32 $5.000000000e-01, v15  }
0xee: {  	v51 =	vmul.f32 $5.000000000e-01, v16;
	v52 =	vmul.f32 $5.000000000e-01, v17  }
0xef: {  	v36 =	vld.idx.msk [tilespmem:v36+s12+$0x0], $0xffff;
	v53 =	vmul.f32 $5.000000000e-01, v18;
	v55 =	vmul.f32 $5.000000000e-01, v26  }
0xf0: {  	v30 =	vld.idx.msk [tilespmem:v41+s12+$0x0], $0xffff;
	v54 =	vadd.f32 v12, v10;
	v56 =	vmul.f32 $5.000000000e-01, v19;
	v32 =	vmul.f32 v33, v32  }
0xf1: {  	v48 =	vld.idx.msk [tilespmem:v48+s12+$0x0], $0xffff;
	v57 =	vadd.f32 v11, v1;
	v31 =	vmul.f32 v34, v31;
	v34 =	vmul.f32 v49, v47  }
0xf2: {  	v43 =	vld.idx.msk [tilespmem:v43+s12+$0x0], $0xffff;
	v54 =	vmul.f32 v54, v0;
	v59 =	vadd.f32 v23, v10;
	v60 =	vadd.f32 v25, v1  }
0xf3: {  	v46 =	vld.idx.msk [tilespmem:v46+s12+$0x0], $0xffff;
	v2 =	vmax.f32 v28, $0.0e+00;
	v61 =	vadd.f32 v27, v10;
	v62 =	vadd.f32 v29, v1  }
0xf4: {  	v44 =	vld.idx.msk [tilespmem:v44+s12+$0x0], $0xffff;
	v41 =	vmax.f32 v21, $0.0e+00;
	v13 =	vsub.f32 v36, v3;
	v3 =	vadd.f32 v3, v36  }
0xf5: {  	v58 =	vmul.f32 $5.000000000e-01, v28;
	v33 =	vsub.f32 v30, v39;
	v39 =	vadd.f32 v39, v30  }
0xf6: {  	[tilespmem:$0x1FF90] =	vst v63;
	v63 =	vmul.f32 $5.000000000e-01, v21;
	v47 =	vsub.f32 v48, v52;
	v49 =	vadd.f32 v52, v48  }
0xf7: {  	v2 =	vmul.f32 v41, v2;
	v41 =	vsub.f32 v43, v53;
	v52 =	vadd.f32 v53, v43  }
0xf8: {  	v57 =	vmul.f32 v57, v0;
	v53 =	vsub.f32 v46, v58;
	v58 =	vadd.f32 v58, v46  }
0xf9: {  	v8 =	vsub.f32 v44, v63;
	v63 =	vadd.f32 v63, v44;
	v61 =	vmul.f32 v61, v0  }
0xfa: {  	v2 =	vadd.f32 v2, v34;
	v34 =	vmul.f32 v59, v0;
	v59 =	vsub.f32 v54, v45  }
0xfb: {  	v60 =	vmul.f32 v60, v0;
	v45 =	vadd.f32 v45, v54;
	v54 =	vsub.f32 v57, v42  }
0xfc: {  	v42 =	vadd.f32 v42, v57;
	v57 =	vmul.f32 v62, v0;
	v62 =	vsub.f32 v61, v55  }
0xfd: {  	v35 =	vmul.f32 v37, v35;
	v37 =	vadd.f32 v55, v61;
	v9 =	vsub.f32 v34, v50  }
0xfe: {  	v34 =	vadd.f32 v50, v34;
	v50 =	vsub.f32 v60, v51  }
0xff: {  	v38 =	vmul.f32 v40, v38;
	v51 =	vadd.f32 v51, v60;
	v55 =	vsub.f32 v57, v56  }
0x100: {  	v57 =	vadd.f32 v56, v57;
	v3 =	vmin.f32 v45, v3;
	v13 =	vmax.f32 v59, v13  }
0x101: {  	v39 =	vmin.f32 v42, v39;
	v37 =	vmin.f32 v37, v58;
	v45 =	vmax.f32 v62, v53  }
0x102: {  	v34 =	vmin.f32 v34, v49;
	v40 =	vmin.f32 v57, v63;
	v8 =	vmax.f32 v55, v8  }
0x103: {  	v37 =	vsub.f32 v37, v45;
	v9 =	vmax.f32 v9, v47;
	v8 =	vsub.f32 v40, v8  }
0x104: {  	v49 =	vmin.f32 v51, v52;
	v50 =	vmax.f32 v50, v41;
	v9 =	vsub.f32 v34, v9  }
0x105: {  	v34 =	vsub.f32 v49, v50;
	v37 =	vmax.f32 v37, $0.0e+00;
	v8 =	vmax.f32 v8, $0.0e+00  }
0x106: {  	v3 =	vsub.f32 v3, v13;
	v13 =	vmax.f32 v54, v33;
	v8 =	vmul.f32 v8, v37  }
0x107: {  	v13 =	vsub.f32 v39, v13;
	v9 =	vmax.f32 v9, $0.0e+00;
	v51 =	vmax.f32 v34, $0.0e+00  }
0x108: {  	v52 =	vadd.f32 v38, v35;
	v9 =	vmul.f32 v51, v9;
	v2 =	vsub.f32 v2, v8  }
0x109: {  	v31 =	vadd.f32 v31, v32;
	v3 =	vmax.f32 v3, $0.0e+00;
	v13 =	vmax.f32 v13, $0.0e+00  }
0x10a: {  	v3 =	vmul.f32 v13, v3;
	v53 =	vsub.f32 v52, v9;
	v2 =	vadd.f32 $1.000000010e-10, v2  }
0x10b: {  	v26 =	vsub.f32 v26, v28  }
0x10c: {  	v31 =	vsub.f32 v31, v3;
	v28 =	vadd.f32 $1.000000010e-10, v53;
	(erf) = vrcp.f32 v2  }
0x10d: {  	v14 =	vld.idx.msk [tilespmem:v14+s12+$0x0], $0xffff  }
0x10e: {  	v20 =	vld.idx.msk [tilespmem:v20+s12+$0x0], $0xffff;
	v31 =	vadd.f32 $1.000000010e-10, v31;
	(erf) = vrcp.f32 v28  }
0x10f: {  	v54 =	vmul.f32 $2.800000000e+01, v44;
	v2 =	vld.idx.msk [tilespmem:v22+s12+$0x0], $0xffff  }
0x110: {  	v15 =	vsub.f32 v15, v17;
	v13 =	vmul.f32 $2.800000000e+01, v46;
	v22 =	vld.idx.msk [tilespmem:v24+s12+$0x0], $0xffff;
	(erf) = vrcp.f32 v31  }
0x111: {  	v16 =	vsub.f32 v16, v18;
	v24 =	vsub.f32 v54, v1  }
0x112: {  	v19 =	vsub.f32 v19, v21;
	v13 =	vsub.f32 v13, v10  }
0x113: {  	vm1 =	vgt.f32 v20, v14;
	vm4 =	vge.f32 v14, v20;
	v24 =	vsub.f32 v29, v24  }
0x114: {  	v62 =	vimm.f32 $0.0e+00;
	v13 =	vsub.f32 v27, v13;
	v27 =	vmul.f32 $2.800000000e+01, v30  }
0x115: {  	v21 =	vmul.f32 v24, v24;
	vm0 =	vgt.f32 v22, v14;
	vm2 =	vgt.f32 v2, $0.0e+00;
	v2 =	vpop (erf)  }
0x116: {  	vm3 =	vgt.f32 v22, v20;
	vm5 =	vge.f32 v14, v22;
	v2 =	vmul.f32 v2, v8  }
0x117: {  	vm15 =	vge.f32 v20, v22;
	vm4 =	vmand vm4, vm5;
	vm1 =	vmand vm1, vm2;
	v8 =	vpop (erf)  }
0x118: {  	vm4 =	vmand vm4, vm2;
	v8 =	vmul.f32 v8, v9;
	v2 =	vsub.f32 v14, v2  }
0x119: {  	vm0 =	vmand vm0, vm3;
	vm1 =	vmand vm1, vm15;
	v9 =	vsel vm4, $0x3F800000, v62;
	v17 =	vpop (erf)  }
0x11a: {  	v3 =	vmul.f32 v17, v3;
	v8 =	vsub.f32 v20, v8;
	v18 =	vmul.f32 v2, v9  }
0x11b: {  	v24 =	vsub.f32 v27, v1;
	vm0 =	vmand vm0, vm2;
	v27 =	vsel vm1, $0x3F800000, v62  }
0x11c: {  	v3 =	vsub.f32 v22, v3;
	v2 =	vmul.f32 v18, v2;
	v18 =	vmul.f32 v8, v27  }
0x11d: {  	v56 =	vmul.f32 $2.800000000e+01, v43;
	v29 =	vsel vm0, $0x3F800000, v62  }
0x11e: {  	v2 =	vadd.f32 $0.0e+00, v2;
	v8 =	vmul.f32 v18, v8;
	v18 =	vmul.f32 v3, v29  }
0x11f: {  	v55 =	vmul.f32 $2.800000000e+01, v48;
	v57 =	vsub.f32 v56, v1  }
0x120: {  	v15 =	vmul.f32 v15, v15;
	v2 =	vadd.f32 v8, v2;
	v3 =	vmul.f32 v18, v3  }
0x121: {  	v16 =	vmul.f32 v16, v16;
	v25 =	vsub.f32 v25, v57;
	v28 =	vsub.f32 v55, v10  }
0x122: {  	v26 =	vmul.f32 v26, v26;
	v58 =	vmul.f32 $2.800000000e+01, v36;
	v2 =	vadd.f32 v3, v2  }
0x123: {  	v61 =	vld [tilespmem:$0x1FFF0];
	v25 =	vmul.f32 v25, v25;
	v23 =	vsub.f32 v23, v28;
	v17 =	vsub.f32 $1.000000000e+00, v9  }
0x124: {  	v13 =	vmul.f32 v13, v13;
	v28 =	vsub.f32 v58, v10;
	v5 =	vadd.f32 v2, v5;
	v2 =	vld [tilespmem:$0x1FFA0]  }
0x125: {  	v23 =	vmul.f32 v23, v23;
	v17 =	vmul.f32 v17, v14  }
0x126: {  	v12 =	vsub.f32 v12, v28;
	v30 =	vsub.f32 $1.000000000e+00, v27;
	v18 =	vmov s20  }
0x127: {  	v17 =	vmul.f32 v17, v14;
	v8 =	vsub.f32 v11, v24;
	v3 =	vshll.u32 v18, $0x7  }
0x128: {  	v11 =	vadd.f32 v21, v13;
	v13 =	vmul.f32 v19, v19;
	v3 =	vor.u32 v61, v3  }
0x129: {  	v19 =	vmul.f32 v30, v20;
	v21 =	vsub.f32 $1.000000000e+00, v29;
	v14 =	vadd.s32 v2, v3  }
0x12a: {  	v24 =	vld [tilespmem:$0x1FF90];
	v2 =	vmul.f32 v12, v12;
	v3 =	vmul.f32 v8, v8;
	v8 =	vor.u32 $0xD, v14  }
0x12b: {  	v12 =	vadd.f32 v13, v26;
	v13 =	vadd.f32 v16, v15;
	v15 =	vor.u32 $0xE, v14  }
0x12c: {  	v17 =	vadd.f32 $0.0e+00, v17;
	v18 =	vadd.f32 v25, v23;
	v23 =	vor.u32 $0x1D, v14  }
0x12d: {  	v19 =	vmul.f32 v19, v20;
	v20 =	vmul.f32 v21, v22;
	v16 =	vld [tilespmem:$0x1FFB0];
	v25 =	vor.u32 $0x1E, v14  }
0x12e: {  	v11 =	vmul.f32 v11, v9;
	v18 =	vmul.f32 v18, v27;
	v26 =	vor.u32 $0x8, v14  }
0x12f: {  	v20 =	vmul.f32 v20, v22;
	v24 =	vmul.f32 v24, v24;
	v21 =	vor.u32 $0xC, v14;
	v8 =	vld.idx.msk [tilespmem:v8+s12+$0x0], $0xffff  }
0x130: {  	v11 =	vadd.f32 v18, v11;
	v22 =	vor.u32 $0x3, v14;
	v2 =	vadd.f32 v3, v2;
	v59 =	vld.idx.msk [tilespmem:v15+s12+$0x0], $0xffff  }
0x131: {  	v3 =	vor.u32 $0x9, v14;
	v9 =	vmul.f32 v12, v9;
	v12 =	vmul.f32 v13, v27;
	v39 =	vld.idx.msk [tilespmem:v23+s12+$0x0], $0xffff  }
0x132: {  	v13 =	vor.u32 $0xB, v14;
	v2 =	vmul.f32 v2, v29;
	v16 =	vmul.f32 v16, v16;
	v30 =	vld.idx.msk [tilespmem:v25+s12+$0x0], $0xffff  }
0x133: {  	v17 =	vadd.f32 v17, v19;
	v18 =	vor.u32 $0x18, v14;
	v19 =	vor.u32 $0x19, v14;
	v15 =	vld.idx.msk [tilespmem:v26+s12+$0x0], $0xffff  }
0x134: {  	v27 =	vor.u32 $0x1, v14;
	v2 =	vadd.f32 v2, v11;
	v11 =	vld.idx.msk [tilespmem:v21+s12+$0x0], $0xffff;
	v16 =	vadd.f32 v24, v16  }
0x135: {  	v36 =	vor.u32 $0x1B, v14;
	v48 =	vor.u32 $0x16, v14;
	v41 =	vor.u32 $0x1C, v14;
	v26 =	vld.idx.msk [tilespmem:v22+s12+$0x0], $0xffff  }
0x136: {  	v9 =	vadd.f32 v12, v9;
	v23 =	vmul.f32 v16, v29;
	v16 =	vld.idx.msk [tilespmem:v3+s12+$0x0], $0xffff;
	v3 =	vor.u32 $0x4, v14  }
0x137: {  	v21 =	vor.u32 $0x13, v14;
	v12 =	vld.idx.msk [tilespmem:v13+s12+$0x0], $0xffff;
	v13 =	vadd.f32 v17, v20;
	v7 =	vadd.f32 v2, v7  }
0x138: {  	v17 =	vld.idx.msk [tilespmem:v18+s12+$0x0], $0xffff;
	v2 =	vor.u32 $0x14, v14;
	v9 =	vadd.f32 v23, v9;
	v18 =	vsub.f32 v8, v39  }
0x139: {  	v46 =	vor.u32 $0x11, v14;
	v27 =	vld.idx.msk [tilespmem:v27+s12+$0x0], $0xffff;
	v4 =	vadd.f32 v13, v4;
	v13 =	vor.u32 $0x6, v14  }
0x13a: {  	v44 =	vor.u32 $0x12, v14;
	[tilespmem:$0x1FFB0] =	vst v18;
	v18 =	vld.idx.msk [tilespmem:v19+s12+$0x0], $0xffff;
	v6 =	vadd.f32 v9, v6;
	v9 =	vor.u32 $0x7, v14  }
0x13b: {  	p0 =	sne.s32 s20, $0x30;
	v43 =	vor.u32 $0x17, v14;
	v22 =	vor.u32 $0x10, v14;
	v19 =	vld.idx.msk [tilespmem:v3+s12+$0x0], $0xffff;
	v3 =	vor.u32 $0x2, v14  }
.Ltmp3:
0x13c: {  	v20 =	vor.u32 $0x5, v14;
	v24 =	vor.u32 $0xA, v14;
	v63 =	vsub.f32 v59, v30;
	v28 =	vld.idx.msk [tilespmem:v21+s12+$0x0], $0xffff;
	(pc) =	sbr.rel @p0 .LBB2_8-.Ltmp3, $4  }
0x13d: {  	v32 =	vmax.f32 v8, $0.0e+00;
	v33 =	vmax.f32 v59, $0.0e+00;
	v31 =	vmax.f32 v39, $0.0e+00;
	v21 =	vld.idx.msk [tilespmem:v2+s12+$0x0], $0xffff  }
0x13e: {  	v35 =	vmax.f32 v15, $0.0e+00;
	v34 =	vmax.f32 v30, $0.0e+00;
	v47 =	vmax.f32 v26, $0.0e+00;
	v23 =	vld.idx.msk [tilespmem:v13+s12+$0x0], $0xffff  }
0x13f: {  	v45 =	vmul.f32 $5.000000000e-01, v8;
	v42 =	vmul.f32 $5.000000000e-01, v59;
	v38 =	vmax.f32 v17, $0.0e+00;
	v25 =	vld.idx.msk [tilespmem:v9+s12+$0x0], $0xffff  }
0x140: {  	s20 =	sadd.s32 $0x10, s20;
	v37 =	vmax.f32 v16, $0.0e+00;
	v40 =	vmax.f32 v18, $0.0e+00;
	v29 =	vld.idx.msk [tilespmem:v3+s12+$0x0], $0xffff;
	v49 =	vmax.f32 v19, $0.0e+00  }
0x141: {  	_ =	sdelay $0x3  }
0x142: {  	v2 =	vld.idx.msk [tilespmem:v36+s12+$0x0], $0xffff;
	v8 =	vmul.f32 $5.000000000e-01, v39;
	v13 =	vmul.f32 $5.000000000e-01, v15  }
0x143: {  	v3 =	vmax.f32 v28, $0.0e+00;
	v36 =	vmul.f32 $5.000000000e-01, v16;
	v39 =	vld.idx.msk [tilespmem:v48+s12+$0x0], $0xffff;
	v48 =	vmul.f32 $5.000000000e-01, v17  }
0x144: {  	v50 =	vadd.f32 v12, v10;
	v51 =	vmul.f32 $5.000000000e-01, v26;
	v52 =	vmul.f32 $5.000000000e-01, v19  }
0x145: {  	v53 =	vadd.f32 v11, v1;
	v55 =	vmul.f32 $5.000000000e-01, v28;
	v57 =	vadd.f32 v27, v10  }
0x146: {  	v32 =	vmul.f32 v33, v32;
	v31 =	vmul.f32 v34, v31;
	v9 =	vmax.f32 v21, $0.0e+00  }
0x147: {  	v47 =	vmul.f32 v49, v47;
	v54 =	vadd.f32 v23, v10;
	v3 =	vmul.f32 v9, v3  }
0x148: {  	v60 =	vmul.f32 v50, v0;
	v53 =	vmul.f32 v53, v0;
	v31 =	vadd.f32 v31, v32  }
0x149: {  	v46 =	vld.idx.msk [tilespmem:v46+s12+$0x0], $0xffff;
	v57 =	vmul.f32 v57, v0;
	v56 =	vadd.f32 v25, v1;
	v58 =	vadd.f32 v29, v1  }
0x14a: {  	v14 =	vld.idx.msk [tilespmem:v14+s12+$0x0], $0xffff;
	v3 =	vadd.f32 v3, v47;
	v47 =	vmul.f32 v54, v0;
	v54 =	vsub.f32 v60, v45  }
0x14b: {  	v35 =	vmul.f32 v37, v35;
	v24 =	vld.idx.msk [tilespmem:v24+s12+$0x0], $0xffff;
	v9 =	vadd.f32 v45, v60;
	v45 =	vsub.f32 v53, v42  }
0x14c: {  	v38 =	vmul.f32 v40, v38;
	v42 =	vadd.f32 v42, v53;
	v37 =	vadd.f32 v51, v57  }
0x14d: {  	v30 =	vmul.f32 $5.000000000e-01, v30;
	v59 =	vadd.f32 v8, v2;
	v49 =	vadd.f32 v48, v39  }
0x14e: {  	v50 =	vsub.f32 v46, v55;
	v55 =	vadd.f32 v55, v46;
	v56 =	vmul.f32 v56, v0  }
0x14f: {  	v48 =	vsub.f32 v39, v48;
	v8 =	vsub.f32 v2, v8;
	v2 =	vmul.f32 $2.800000000e+01, v2  }
0x150: {  	v41 =	vld.idx.msk [tilespmem:v41+s12+$0x0], $0xffff;
	vm0 =	vgt.f32 v24, v14;
	vm2 =	vge.f32 v14, v24;
	v60 =	vsub.f32 v47, v13  }
0x151: {  	v44 =	vld.idx.msk [tilespmem:v44+s12+$0x0], $0xffff;
	v53 =	vmul.f32 v58, v0;
	v13 =	vadd.f32 v13, v47;
	v47 =	vsub.f32 v56, v36  }
0x152: {  	v58 =	vmul.f32 $5.000000000e-01, v21;
	v36 =	vadd.f32 v36, v56;
	v56 =	vsub.f32 v57, v51  }
0x153: {  	v9 =	vmin.f32 v9, v59;
	v8 =	vmax.f32 v54, v8;
	v54 =	vadd.f32 v38, v35  }
0x154: {  	v37 =	vmin.f32 v37, v55;
	v55 =	vsub.f32 v26, v28;
	v2 =	vsub.f32 v2, v10  }
0x155: {  	v40 =	vld.idx.msk [tilespmem:v43+s12+$0x0], $0xffff;
	v38 =	vmul.f32 $2.800000000e+01, v41;
	v51 =	vsub.f32 v53, v52;
	v43 =	vadd.f32 v52, v53  }
0x156: {  	v57 =	vadd.f32 v58, v44;
	v59 =	vsub.f32 v44, v58;
	v13 =	vmin.f32 v13, v49  }
0x157: {  	v58 =	vmul.f32 $5.000000000e-01, v18;
	v48 =	vmax.f32 v60, v48;
	v60 =	vadd.f32 v30, v41  }
0x158: {  	v30 =	vsub.f32 v41, v30;
	v8 =	vsub.f32 v9, v8;
	v56 =	vmax.f32 v56, v50  }
0x159: {  	v13 =	vsub.f32 v13, v48;
	v2 =	vsub.f32 v12, v2;
	v43 =	vmin.f32 v43, v57  }
0x15a: {  	v57 =	vmax.f32 v51, v59;
	v37 =	vsub.f32 v37, v56;
	v59 =	vsub.f32 v40, v58  }
0x15b: {  	v51 =	vadd.f32 v58, v40;
	v42 =	vmin.f32 v42, v60;
	v30 =	vmax.f32 v45, v30  }
0x15c: {  	v8 =	vmax.f32 v8, $0.0e+00;
	v56 =	vmul.f32 $2.800000000e+01, v46;
	v58 =	vmul.f32 $2.800000000e+01, v39  }
0x15d: {  	v39 =	vsub.f32 v15, v17;
	v43 =	vsub.f32 v43, v57;
	v52 =	vmax.f32 v13, $0.0e+00  }
0x15e: {  	v57 =	vmul.f32 $2.800000000e+01, v44;
	v36 =	vmin.f32 v36, v51;
	v47 =	vmax.f32 v47, v59  }
0x15f: {  	v37 =	vmax.f32 v37, $0.0e+00;
	v36 =	vsub.f32 v36, v47;
	v43 =	vmax.f32 v43, $0.0e+00  }
0x160: {  	v30 =	vsub.f32 v42, v30;
	v2 =	vmul.f32 v2, v2;
	v37 =	vmul.f32 v43, v37  }
0x161: {  	v59 =	vmul.f32 $2.800000000e+01, v40;
	v26 =	vsub.f32 v56, v10;
	v53 =	vmax.f32 v36, $0.0e+00  }
0x162: {  	v60 =	vsub.f32 v58, v10;
	v9 =	vmul.f32 v53, v52;
	v3 =	vsub.f32 v3, v37  }
0x163: {  	v40 =	vsub.f32 v16, v18;
	v30 =	vmax.f32 v30, $0.0e+00;
	v28 =	vsub.f32 v57, v1  }
0x164: {  	v8 =	vmul.f32 v30, v8;
	v13 =	vsub.f32 v54, v9;
	v3 =	vadd.f32 $1.000000010e-10, v3  }
0x165: {  	v15 =	vmul.f32 v39, v39;
	v33 =	vsub.f32 v59, v1;
	v26 =	vsub.f32 v27, v26  }
0x166: {  	v57 =	vld [tilespmem:$0x1FFB0];
	v13 =	vadd.f32 $1.000000010e-10, v13;
	(erf) = vrcp.f32 v3;
	v3 =	vsub.f32 v31, v8  }
0x167: {  	v22 =	vld.idx.msk [tilespmem:v22+s12+$0x0], $0xffff;
	v16 =	vmul.f32 v40, v40;
	v34 =	vsub.f32 v29, v28;
	v36 =	vsub.f32 v19, v21  }
0x168: {  	v19 =	vsub.f32 v38, v1;
	(erf) = vrcp.f32 v13;
	v3 =	vadd.f32 $1.000000010e-10, v3  }
0x169: {  	v35 =	vsub.f32 v25, v33;
	v48 =	vmul.f32 v26, v26;
	v56 =	vadd.f32 v16, v15  }
0x16a: {  	v51 =	vmul.f32 v34, v34;
	v54 =	vsub.f32 v11, v19;
	(erf) = vrcp.f32 v3;
	v3 =	vld.idx.msk [tilespmem:v20+s12+$0x0], $0xffff  }
0x16b: {  	v10 =	vmul.f32 v36, v36;
	v15 =	vmul.f32 v57, v57;
	v20 =	vsub.f32 v23, v60  }
0x16c: {  	vm4 =	vgt.f32 v22, $0.0e+00;
	v11 =	vmul.f32 v54, v54;
	v13 =	vmul.f32 v55, v55  }
0x16d: {  	v55 =	vadd.f32 v51, v48;
	v23 =	vmul.f32 v35, v35;
	v20 =	vmul.f32 v20, v20  }
0x16e: {  	v2 =	vadd.f32 v11, v2;
	v10 =	vadd.f32 v10, v13;
	v60 =	vmul.f32 v63, v63  }
0x16f: {  	v20 =	vadd.f32 v23, v20;
	v41 =	vpop (erf);
	vm1 =	vge.f32 v14, v3;
	vm3 =	vgt.f32 v3, v14  }
0x170: {  	vm13 =	vge.f32 v3, v24;
	vm15 =	vgt.f32 v24, v3;
	v17 =	vmul.f32 v41, v37  }
0x171: {  	vm1 =	vmand vm1, vm2;
	vm3 =	vmand vm3, vm4;
	vm0 =	vmand vm0, vm15;
	v42 =	vpop (erf)  }
0x172: {  	vm1 =	vmand vm1, vm4;
	v17 =	vsub.f32 v14, v17;
	v9 =	vmul.f32 v42, v9  }
0x173: {  	vm14 =	vmand vm3, vm13;
	vm0 =	vmand vm0, vm4;
	v43 =	vsel vm1, $0x3F800000, v62  }
0x174: {  	v46 =	vsel vm14, $0x3F800000, v62;
	v45 =	vmul.f32 v17, v43;
	v9 =	vsub.f32 v3, v9  }
0x175: {  	v50 =	vsel vm0, $0x3F800000, v62;
	v49 =	vsub.f32 $1.000000000e+00, v43;
	v59 =	vmul.f32 v55, v43  }
0x176: {  	v44 =	vpop (erf);
	v53 =	vsub.f32 $1.000000000e+00, v46;
	v17 =	vmul.f32 v45, v17;
	v47 =	vmul.f32 v9, v46  }
0x177: {  	v58 =	vsub.f32 $1.000000000e+00, v50;
	v10 =	vmul.f32 v10, v43;
	v8 =	vmul.f32 v44, v8  }
0x178: {  	v22 =	vmul.f32 v49, v14;
	v17 =	vadd.f32 $0.0e+00, v17;
	v9 =	vmul.f32 v47, v9  }
0x179: {  	v62 =	vmul.f32 v20, v46;
	v13 =	vmul.f32 v56, v46;
	v8 =	vsub.f32 v24, v8  }
0x17a: {  	v14 =	vmul.f32 v22, v14;
	v9 =	vadd.f32 v9, v17;
	v17 =	vmul.f32 v53, v3  }
0x17b: {  	v15 =	vadd.f32 v60, v15;
	v2 =	vmul.f32 v2, v50;
	v11 =	vmul.f32 v58, v24  }
0x17c: {  	s19 =	sadd.s32 $0x1, s19;
	v52 =	vmul.f32 v8, v50;
	v14 =	vadd.f32 $0.0e+00, v14;
	v3 =	vmul.f32 v17, v3  }
0x17d: {  	p0 =	sne.s32 s19, $0x4;
	v12 =	vmul.f32 v15, v50;
	v16 =	vadd.f32 v62, v59;
	v10 =	vadd.f32 v13, v10  }
.Ltmp4:
0x17e: {  	v11 =	vmul.f32 v11, v24;
	v8 =	vmul.f32 v52, v8;
	v3 =	vadd.f32 v14, v3;
	(pc) =	sbr.rel @p0 .LBB2_7-.Ltmp4, $4  }
0x17f: {  	v2 =	vadd.f32 v2, v16;
	v63 =	vadd.f32 v12, v10  }
0x180: {  	v8 =	vadd.f32 v8, v9;
	v3 =	vadd.f32 v3, v11  }
0x181: {  	v7 =	vadd.f32 v2, v7;
	v6 =	vadd.f32 v63, v6  }
0x182: {  	v5 =	vadd.f32 v8, v5;
	v4 =	vadd.f32 v3, v4  }
0x183: {  	s18 =	simm.s32 $0x0  }
0x184: {  	[tilespmem:s12], [sflag:$0x2] =	stream.linear.gather [hbm4b:s5+s18], $0x8000, $0x38;
	[tilespmem:$0x10080] =	vst v63  }
0x185: {  	_ =	swait.ge [sflag:s13], $0x8000  }
0x186: {  	[sflag:s13] =	ssyncset.done $0x0  }
0x187: {  	s19 =	simm.s32 $0x0;
	[sflag:s13] =	ssyncadd.s32 $0xFFFF8000  }
.LBB2_11:
0x188: {  	v2 =	vmov s18  }
0x189: {  	s20 =	sshll.u32 s19, $0xD;
	v2 =	vshll.u32 v2, $0x7  }
0x18a: {  	v3 =	vmov s20;
	v2 =	vor.u32 v61, v2  }
0x18b: {  	v14 =	vadd.s32 v3, v2  }
0x18c: {  	v2 =	vor.u32 $0xD, v14  }
0x18d: {  	[tilespmem:$0x1FF70] =	vst v3;
	v3 =	vor.u32 $0xE, v14  }
0x18e: {  	v8 =	vor.u32 $0x1D, v14  }
0x18f: {  	v9 =	vor.u32 $0x1E, v14  }
0x190: {  	v10 =	vor.u32 $0x8, v14  }
0x191: {  	v11 =	vor.u32 $0x9, v14;
	v2 =	vld.idx.msk [tilespmem:v2+s1+$0x0], $0xffff  }
0x192: {  	v12 =	vor.u32 $0xB, v14;
	v3 =	vld.idx.msk [tilespmem:v3+s1+$0x0], $0xffff  }
0x193: {  	v17 =	vor.u32 $0xC, v14;
	v39 =	vld.idx.msk [tilespmem:v8+s1+$0x0], $0xffff  }
0x194: {  	v18 =	vor.u32 $0x19, v14;
	v30 =	vld.idx.msk [tilespmem:v9+s1+$0x0], $0xffff  }
0x195: {  	v19 =	vor.u32 $0x3, v14;
	v15 =	vld.idx.msk [tilespmem:v10+s1+$0x0], $0xffff  }
0x196: {  	v21 =	vor.u32 $0x4, v14;
	v16 =	vld.idx.msk [tilespmem:v11+s1+$0x0], $0xffff  }
0x197: {  	v23 =	vor.u32 $0x13, v14;
	v12 =	vld.idx.msk [tilespmem:v12+s1+$0x0], $0xffff  }
0x198: {  	v25 =	vor.u32 $0x14, v14;
	v8 =	vor.u32 $0x18, v14;
	v11 =	vld.idx.msk [tilespmem:v17+s1+$0x0], $0xffff  }
0x199: {  	s31 =	scvt.s32.f32 s19;
	v27 =	vor.u32 $0x6, v14;
	v20 =	vor.u32 $0x5, v14;
	v29 =	vor.u32 $0x7, v14;
	v18 =	vld.idx.msk [tilespmem:v18+s1+$0x0], $0xffff  }
0x19a: {  	v22 =	vor.u32 $0x10, v14;
	v38 =	vor.u32 $0x1, v14;
	v24 =	vor.u32 $0xA, v14;
	v26 =	vld.idx.msk [tilespmem:v19+s1+$0x0], $0xffff  }
0x19b: {  	v36 =	vor.u32 $0x1B, v14;
	v42 =	vor.u32 $0x2, v14;
	v9 =	vmov s31;
	v19 =	vld.idx.msk [tilespmem:v21+s1+$0x0], $0xffff  }
0x19c: {  	v48 =	vor.u32 $0x16, v14;
	v41 =	vor.u32 $0x1C, v14;
	v28 =	vld.idx.msk [tilespmem:v23+s1+$0x0], $0xffff;
	v9 =	vadd.f32 $8.000000000e+00, v9  }
0x19d: {  	v46 =	vor.u32 $0x11, v14;
	v44 =	vor.u32 $0x12, v14;
	v43 =	vor.u32 $0x17, v14;
	v17 =	vld.idx.msk [tilespmem:v8+s1+$0x0], $0xffff  }
0x19e: {  	v21 =	vld.idx.msk [tilespmem:v25+s1+$0x0], $0xffff;
	v10 =	vbroadcast v9, $0x0;
	v8 =	vsub.f32 v2, v39;
	v63 =	vsub.f32 v3, v30  }
0x19f: {  	v23 =	vld.idx.msk [tilespmem:v27+s1+$0x0], $0xffff;
	v32 =	vmax.f32 v2, $0.0e+00;
	v33 =	vmax.f32 v3, $0.0e+00;
	v31 =	vmax.f32 v39, $0.0e+00  }
0x1a0: {  	v25 =	vld.idx.msk [tilespmem:v29+s1+$0x0], $0xffff;
	v35 =	vmax.f32 v15, $0.0e+00;
	v37 =	vmax.f32 v16, $0.0e+00;
	v34 =	vmax.f32 v30, $0.0e+00  }
0x1a1: {  	v27 =	vld.idx.msk [tilespmem:v38+s1+$0x0], $0xffff;
	v47 =	vmax.f32 v26, $0.0e+00;
	v40 =	vmax.f32 v18, $0.0e+00;
	v49 =	vmax.f32 v19, $0.0e+00  }
0x1a2: {  	s20 =	simm.s32 $0x10;
	v29 =	vld.idx.msk [tilespmem:v42+s1+$0x0], $0xffff;
	v45 =	vmul.f32 $5.000000000e-01, v2;
	v42 =	vmul.f32 $5.000000000e-01, v3;
	[tilespmem:$0x1FF80] =	vst v8;
	v38 =	vmax.f32 v17, $0.0e+00  }
.LBB2_12:
0x1a3: {  	v3 =	vmul.f32 $5.000000000e-01, v39  }
0x1a4: {  	v39 =	vmul.f32 $5.000000000e-01, v30;
	v50 =	vmul.f32 $5.000000000e-01, v15  }
0x1a5: {  	v51 =	vmul.f32 $5.000000000e-01, v16;
	v52 =	vmul.f32 $5.000000000e-01, v17  }
0x1a6: {  	v36 =	vld.idx.msk [tilespmem:v36+s1+$0x0], $0xffff;
	v53 =	vmul.f32 $5.000000000e-01, v18;
	v55 =	vmul.f32 $5.000000000e-01, v26  }
0x1a7: {  	v30 =	vld.idx.msk [tilespmem:v41+s1+$0x0], $0xffff;
	v54 =	vadd.f32 v12, v10;
	v56 =	vmul.f32 $5.000000000e-01, v19;
	v32 =	vmul.f32 v33, v32  }
0x1a8: {  	v48 =	vld.idx.msk [tilespmem:v48+s1+$0x0], $0xffff;
	v57 =	vadd.f32 v11, v1;
	v31 =	vmul.f32 v34, v31;
	v34 =	vmul.f32 v49, v47  }
0x1a9: {  	v43 =	vld.idx.msk [tilespmem:v43+s1+$0x0], $0xffff;
	v54 =	vmul.f32 v54, v0;
	v59 =	vadd.f32 v23, v10;
	v60 =	vadd.f32 v25, v1  }
0x1aa: {  	v46 =	vld.idx.msk [tilespmem:v46+s1+$0x0], $0xffff;
	v2 =	vmax.f32 v28, $0.0e+00;
	v61 =	vadd.f32 v27, v10;
	v62 =	vadd.f32 v29, v1  }
0x1ab: {  	v44 =	vld.idx.msk [tilespmem:v44+s1+$0x0], $0xffff;
	v41 =	vmax.f32 v21, $0.0e+00;
	v13 =	vsub.f32 v36, v3;
	v3 =	vadd.f32 v3, v36  }
0x1ac: {  	v58 =	vmul.f32 $5.000000000e-01, v28;
	v33 =	vsub.f32 v30, v39;
	v39 =	vadd.f32 v39, v30  }
0x1ad: {  	[tilespmem:$0x1FF60] =	vst v63;
	v63 =	vmul.f32 $5.000000000e-01, v21;
	v47 =	vsub.f32 v48, v52;
	v49 =	vadd.f32 v52, v48  }
0x1ae: {  	v2 =	vmul.f32 v41, v2;
	v41 =	vsub.f32 v43, v53;
	v52 =	vadd.f32 v53, v43  }
0x1af: {  	v57 =	vmul.f32 v57, v0;
	v53 =	vsub.f32 v46, v58;
	v58 =	vadd.f32 v58, v46  }
0x1b0: {  	v8 =	vsub.f32 v44, v63;
	v63 =	vadd.f32 v63, v44;
	v61 =	vmul.f32 v61, v0  }
0x1b1: {  	v2 =	vadd.f32 v2, v34;
	v34 =	vmul.f32 v59, v0;
	v59 =	vsub.f32 v54, v45  }
0x1b2: {  	v60 =	vmul.f32 v60, v0;
	v45 =	vadd.f32 v45, v54;
	v54 =	vsub.f32 v57, v42  }
0x1b3: {  	v42 =	vadd.f32 v42, v57;
	v57 =	vmul.f32 v62, v0;
	v62 =	vsub.f32 v61, v55  }
0x1b4: {  	v35 =	vmul.f32 v37, v35;
	v37 =	vadd.f32 v55, v61;
	v9 =	vsub.f32 v34, v50  }
0x1b5: {  	v34 =	vadd.f32 v50, v34;
	v50 =	vsub.f32 v60, v51  }
0x1b6: {  	v38 =	vmul.f32 v40, v38;
	v51 =	vadd.f32 v51, v60;
	v55 =	vsub.f32 v57, v56  }
0x1b7: {  	v57 =	vadd.f32 v56, v57;
	v3 =	vmin.f32 v45, v3;
	v13 =	vmax.f32 v59, v13  }
0x1b8: {  	v39 =	vmin.f32 v42, v39;
	v37 =	vmin.f32 v37, v58;
	v45 =	vmax.f32 v62, v53  }
0x1b9: {  	v34 =	vmin.f32 v34, v49;
	v40 =	vmin.f32 v57, v63;
	v8 =	vmax.f32 v55, v8  }
0x1ba: {  	v37 =	vsub.f32 v37, v45;
	v9 =	vmax.f32 v9, v47;
	v8 =	vsub.f32 v40, v8  }
0x1bb: {  	v49 =	vmin.f32 v51, v52;
	v50 =	vmax.f32 v50, v41;
	v9 =	vsub.f32 v34, v9  }
0x1bc: {  	v34 =	vsub.f32 v49, v50;
	v37 =	vmax.f32 v37, $0.0e+00;
	v8 =	vmax.f32 v8, $0.0e+00  }
0x1bd: {  	v3 =	vsub.f32 v3, v13;
	v13 =	vmax.f32 v54, v33;
	v8 =	vmul.f32 v8, v37  }
0x1be: {  	v13 =	vsub.f32 v39, v13;
	v9 =	vmax.f32 v9, $0.0e+00;
	v51 =	vmax.f32 v34, $0.0e+00  }
0x1bf: {  	v52 =	vadd.f32 v38, v35;
	v9 =	vmul.f32 v51, v9;
	v2 =	vsub.f32 v2, v8  }
0x1c0: {  	v31 =	vadd.f32 v31, v32;
	v3 =	vmax.f32 v3, $0.0e+00;
	v13 =	vmax.f32 v13, $0.0e+00  }
0x1c1: {  	v3 =	vmul.f32 v13, v3;
	v53 =	vsub.f32 v52, v9;
	v2 =	vadd.f32 $1.000000010e-10, v2  }
0x1c2: {  	v26 =	vsub.f32 v26, v28  }
0x1c3: {  	v31 =	vsub.f32 v31, v3;
	v28 =	vadd.f32 $1.000000010e-10, v53;
	(erf) = vrcp.f32 v2  }
0x1c4: {  	v14 =	vld.idx.msk [tilespmem:v14+s1+$0x0], $0xffff  }
0x1c5: {  	v20 =	vld.idx.msk [tilespmem:v20+s1+$0x0], $0xffff;
	v31 =	vadd.f32 $1.000000010e-10, v31;
	(erf) = vrcp.f32 v28  }
0x1c6: {  	v54 =	vmul.f32 $2.800000000e+01, v44;
	v2 =	vld.idx.msk [tilespmem:v22+s1+$0x0], $0xffff  }
0x1c7: {  	v15 =	vsub.f32 v15, v17;
	v13 =	vmul.f32 $2.800000000e+01, v46;
	v22 =	vld.idx.msk [tilespmem:v24+s1+$0x0], $0xffff;
	(erf) = vrcp.f32 v31  }
0x1c8: {  	v16 =	vsub.f32 v16, v18;
	v24 =	vsub.f32 v54, v1  }
0x1c9: {  	v19 =	vsub.f32 v19, v21;
	v13 =	vsub.f32 v13, v10  }
0x1ca: {  	vm1 =	vgt.f32 v20, v14;
	vm4 =	vge.f32 v14, v20;
	v24 =	vsub.f32 v29, v24  }
0x1cb: {  	v62 =	vimm.f32 $0.0e+00;
	v13 =	vsub.f32 v27, v13;
	v27 =	vmul.f32 $2.800000000e+01, v30  }
0x1cc: {  	v21 =	vmul.f32 v24, v24;
	vm0 =	vgt.f32 v22, v14;
	vm2 =	vgt.f32 v2, $0.0e+00;
	v2 =	vpop (erf)  }
0x1cd: {  	vm3 =	vgt.f32 v22, v20;
	vm5 =	vge.f32 v14, v22;
	v2 =	vmul.f32 v2, v8  }
0x1ce: {  	vm15 =	vge.f32 v20, v22;
	vm4 =	vmand vm4, vm5;
	vm1 =	vmand vm1, vm2;
	v8 =	vpop (erf)  }
0x1cf: {  	vm4 =	vmand vm4, vm2;
	v8 =	vmul.f32 v8, v9;
	v2 =	vsub.f32 v14, v2  }
0x1d0: {  	vm0 =	vmand vm0, vm3;
	vm1 =	vmand vm1, vm15;
	v9 =	vsel vm4, $0x3F800000, v62;
	v17 =	vpop (erf)  }
0x1d1: {  	v3 =	vmul.f32 v17, v3;
	v8 =	vsub.f32 v20, v8;
	v18 =	vmul.f32 v2, v9  }
0x1d2: {  	v24 =	vsub.f32 v27, v1;
	vm0 =	vmand vm0, vm2;
	v27 =	vsel vm1, $0x3F800000, v62  }
0x1d3: {  	v3 =	vsub.f32 v22, v3;
	v2 =	vmul.f32 v18, v2;
	v18 =	vmul.f32 v8, v27  }
0x1d4: {  	v56 =	vmul.f32 $2.800000000e+01, v43;
	v29 =	vsel vm0, $0x3F800000, v62  }
0x1d5: {  	v2 =	vadd.f32 $0.0e+00, v2;
	v8 =	vmul.f32 v18, v8;
	v18 =	vmul.f32 v3, v29  }
0x1d6: {  	v55 =	vmul.f32 $2.800000000e+01, v48;
	v57 =	vsub.f32 v56, v1  }
0x1d7: {  	v15 =	vmul.f32 v15, v15;
	v2 =	vadd.f32 v8, v2;
	v3 =	vmul.f32 v18, v3  }
0x1d8: {  	v16 =	vmul.f32 v16, v16;
	v25 =	vsub.f32 v25, v57;
	v28 =	vsub.f32 v55, v10  }
0x1d9: {  	v26 =	vmul.f32 v26, v26;
	v58 =	vmul.f32 $2.800000000e+01, v36;
	v2 =	vadd.f32 v3, v2  }
0x1da: {  	v61 =	vld [tilespmem:$0x1FFF0];
	v25 =	vmul.f32 v25, v25;
	v23 =	vsub.f32 v23, v28;
	v17 =	vsub.f32 $1.000000000e+00, v9  }
0x1db: {  	v13 =	vmul.f32 v13, v13;
	v28 =	vsub.f32 v58, v10;
	v5 =	vadd.f32 v2, v5;
	v2 =	vld [tilespmem:$0x1FF70]  }
0x1dc: {  	v23 =	vmul.f32 v23, v23;
	v17 =	vmul.f32 v17, v14  }
0x1dd: {  	v12 =	vsub.f32 v12, v28;
	v30 =	vsub.f32 $1.000000000e+00, v27;
	v18 =	vmov s20  }
0x1de: {  	v17 =	vmul.f32 v17, v14;
	v8 =	vsub.f32 v11, v24;
	v3 =	vshll.u32 v18, $0x7  }
0x1df: {  	v11 =	vadd.f32 v21, v13;
	v13 =	vmul.f32 v19, v19;
	v3 =	vor.u32 v61, v3  }
0x1e0: {  	v19 =	vmul.f32 v30, v20;
	v21 =	vsub.f32 $1.000000000e+00, v29;
	v14 =	vadd.s32 v2, v3  }
0x1e1: {  	v24 =	vld [tilespmem:$0x1FF60];
	v2 =	vmul.f32 v12, v12;
	v3 =	vmul.f32 v8, v8;
	v8 =	vor.u32 $0xD, v14  }
0x1e2: {  	v12 =	vadd.f32 v13, v26;
	v13 =	vadd.f32 v16, v15;
	v15 =	vor.u32 $0xE, v14  }
0x1e3: {  	v17 =	vadd.f32 $0.0e+00, v17;
	v18 =	vadd.f32 v25, v23;
	v23 =	vor.u32 $0x1D, v14  }
0x1e4: {  	v19 =	vmul.f32 v19, v20;
	v20 =	vmul.f32 v21, v22;
	v16 =	vld [tilespmem:$0x1FF80];
	v25 =	vor.u32 $0x1E, v14  }
0x1e5: {  	v11 =	vmul.f32 v11, v9;
	v18 =	vmul.f32 v18, v27;
	v26 =	vor.u32 $0x8, v14  }
0x1e6: {  	v20 =	vmul.f32 v20, v22;
	v24 =	vmul.f32 v24, v24;
	v21 =	vor.u32 $0xC, v14;
	v8 =	vld.idx.msk [tilespmem:v8+s1+$0x0], $0xffff  }
0x1e7: {  	v11 =	vadd.f32 v18, v11;
	v22 =	vor.u32 $0x3, v14;
	v2 =	vadd.f32 v3, v2;
	v59 =	vld.idx.msk [tilespmem:v15+s1+$0x0], $0xffff  }
0x1e8: {  	v3 =	vor.u32 $0x9, v14;
	v9 =	vmul.f32 v12, v9;
	v12 =	vmul.f32 v13, v27;
	v39 =	vld.idx.msk [tilespmem:v23+s1+$0x0], $0xffff  }
0x1e9: {  	v13 =	vor.u32 $0xB, v14;
	v2 =	vmul.f32 v2, v29;
	v16 =	vmul.f32 v16, v16;
	v30 =	vld.idx.msk [tilespmem:v25+s1+$0x0], $0xffff  }
0x1ea: {  	v17 =	vadd.f32 v17, v19;
	v18 =	vor.u32 $0x18, v14;
	v19 =	vor.u32 $0x19, v14;
	v15 =	vld.idx.msk [tilespmem:v26+s1+$0x0], $0xffff  }
0x1eb: {  	v27 =	vor.u32 $0x1, v14;
	v2 =	vadd.f32 v2, v11;
	v11 =	vld.idx.msk [tilespmem:v21+s1+$0x0], $0xffff;
	v16 =	vadd.f32 v24, v16  }
0x1ec: {  	v36 =	vor.u32 $0x1B, v14;
	v48 =	vor.u32 $0x16, v14;
	v41 =	vor.u32 $0x1C, v14;
	v26 =	vld.idx.msk [tilespmem:v22+s1+$0x0], $0xffff  }
0x1ed: {  	v9 =	vadd.f32 v12, v9;
	v23 =	vmul.f32 v16, v29;
	v16 =	vld.idx.msk [tilespmem:v3+s1+$0x0], $0xffff;
	v3 =	vor.u32 $0x4, v14  }
0x1ee: {  	v21 =	vor.u32 $0x13, v14;
	v12 =	vld.idx.msk [tilespmem:v13+s1+$0x0], $0xffff;
	v13 =	vadd.f32 v17, v20;
	v7 =	vadd.f32 v2, v7  }
0x1ef: {  	v17 =	vld.idx.msk [tilespmem:v18+s1+$0x0], $0xffff;
	v2 =	vor.u32 $0x14, v14;
	v9 =	vadd.f32 v23, v9;
	v18 =	vsub.f32 v8, v39  }
0x1f0: {  	v46 =	vor.u32 $0x11, v14;
	v27 =	vld.idx.msk [tilespmem:v27+s1+$0x0], $0xffff;
	v4 =	vadd.f32 v13, v4;
	v13 =	vor.u32 $0x6, v14  }
0x1f1: {  	v44 =	vor.u32 $0x12, v14;
	[tilespmem:$0x1FF80] =	vst v18;
	v18 =	vld.idx.msk [tilespmem:v19+s1+$0x0], $0xffff;
	v6 =	vadd.f32 v9, v6;
	v9 =	vor.u32 $0x7, v14  }
0x1f2: {  	p0 =	sne.s32 s20, $0x30;
	v43 =	vor.u32 $0x17, v14;
	v22 =	vor.u32 $0x10, v14;
	v19 =	vld.idx.msk [tilespmem:v3+s1+$0x0], $0xffff;
	v3 =	vor.u32 $0x2, v14  }
.Ltmp5:
0x1f3: {  	v20 =	vor.u32 $0x5, v14;
	v24 =	vor.u32 $0xA, v14;
	v63 =	vsub.f32 v59, v30;
	v28 =	vld.idx.msk [tilespmem:v21+s1+$0x0], $0xffff;
	(pc) =	sbr.rel @p0 .LBB2_12-.Ltmp5, $4  }
0x1f4: {  	v32 =	vmax.f32 v8, $0.0e+00;
	v33 =	vmax.f32 v59, $0.0e+00;
	v31 =	vmax.f32 v39, $0.0e+00;
	v21 =	vld.idx.msk [tilespmem:v2+s1+$0x0], $0xffff  }
0x1f5: {  	v35 =	vmax.f32 v15, $0.0e+00;
	v34 =	vmax.f32 v30, $0.0e+00;
	v47 =	vmax.f32 v26, $0.0e+00;
	v23 =	vld.idx.msk [tilespmem:v13+s1+$0x0], $0xffff  }
0x1f6: {  	v45 =	vmul.f32 $5.000000000e-01, v8;
	v42 =	vmul.f32 $5.000000000e-01, v59;
	v38 =	vmax.f32 v17, $0.0e+00;
	v25 =	vld.idx.msk [tilespmem:v9+s1+$0x0], $0xffff  }
0x1f7: {  	s20 =	sadd.s32 $0x10, s20;
	v37 =	vmax.f32 v16, $0.0e+00;
	v40 =	vmax.f32 v18, $0.0e+00;
	v29 =	vld.idx.msk [tilespmem:v3+s1+$0x0], $0xffff;
	v49 =	vmax.f32 v19, $0.0e+00  }
0x1f8: {  	_ =	sdelay $0x3  }
0x1f9: {  	v2 =	vld.idx.msk [tilespmem:v36+s1+$0x0], $0xffff;
	v8 =	vmul.f32 $5.000000000e-01, v39;
	v13 =	vmul.f32 $5.000000000e-01, v15  }
0x1fa: {  	v3 =	vmax.f32 v28, $0.0e+00;
	v36 =	vmul.f32 $5.000000000e-01, v16;
	v39 =	vld.idx.msk [tilespmem:v48+s1+$0x0], $0xffff;
	v48 =	vmul.f32 $5.000000000e-01, v17  }
0x1fb: {  	v50 =	vadd.f32 v12, v10;
	v51 =	vmul.f32 $5.000000000e-01, v26;
	v52 =	vmul.f32 $5.000000000e-01, v19  }
0x1fc: {  	v53 =	vadd.f32 v11, v1;
	v55 =	vmul.f32 $5.000000000e-01, v28;
	v57 =	vadd.f32 v27, v10  }
0x1fd: {  	v32 =	vmul.f32 v33, v32;
	v31 =	vmul.f32 v34, v31;
	v9 =	vmax.f32 v21, $0.0e+00  }
0x1fe: {  	v47 =	vmul.f32 v49, v47;
	v54 =	vadd.f32 v23, v10;
	v3 =	vmul.f32 v9, v3  }
0x1ff: {  	v60 =	vmul.f32 v50, v0;
	v53 =	vmul.f32 v53, v0;
	v31 =	vadd.f32 v31, v32  }
0x200: {  	v46 =	vld.idx.msk [tilespmem:v46+s1+$0x0], $0xffff;
	v57 =	vmul.f32 v57, v0;
	v56 =	vadd.f32 v25, v1;
	v58 =	vadd.f32 v29, v1  }
0x201: {  	v14 =	vld.idx.msk [tilespmem:v14+s1+$0x0], $0xffff;
	v3 =	vadd.f32 v3, v47;
	v47 =	vmul.f32 v54, v0;
	v54 =	vsub.f32 v60, v45  }
0x202: {  	v35 =	vmul.f32 v37, v35;
	v24 =	vld.idx.msk [tilespmem:v24+s1+$0x0], $0xffff;
	v9 =	vadd.f32 v45, v60;
	v45 =	vsub.f32 v53, v42  }
0x203: {  	v38 =	vmul.f32 v40, v38;
	v42 =	vadd.f32 v42, v53;
	v37 =	vadd.f32 v51, v57  }
0x204: {  	v30 =	vmul.f32 $5.000000000e-01, v30;
	v59 =	vadd.f32 v8, v2;
	v49 =	vadd.f32 v48, v39  }
0x205: {  	v50 =	vsub.f32 v46, v55;
	v55 =	vadd.f32 v55, v46;
	v56 =	vmul.f32 v56, v0  }
0x206: {  	v48 =	vsub.f32 v39, v48;
	v8 =	vsub.f32 v2, v8;
	v2 =	vmul.f32 $2.800000000e+01, v2  }
0x207: {  	v41 =	vld.idx.msk [tilespmem:v41+s1+$0x0], $0xffff;
	vm0 =	vgt.f32 v24, v14;
	vm2 =	vge.f32 v14, v24;
	v60 =	vsub.f32 v47, v13  }
0x208: {  	v44 =	vld.idx.msk [tilespmem:v44+s1+$0x0], $0xffff;
	v53 =	vmul.f32 v58, v0;
	v13 =	vadd.f32 v13, v47;
	v47 =	vsub.f32 v56, v36  }
0x209: {  	v58 =	vmul.f32 $5.000000000e-01, v21;
	v36 =	vadd.f32 v36, v56;
	v56 =	vsub.f32 v57, v51  }
0x20a: {  	v9 =	vmin.f32 v9, v59;
	v8 =	vmax.f32 v54, v8;
	v54 =	vadd.f32 v38, v35  }
0x20b: {  	v37 =	vmin.f32 v37, v55;
	v55 =	vsub.f32 v26, v28;
	v2 =	vsub.f32 v2, v10  }
0x20c: {  	v40 =	vld.idx.msk [tilespmem:v43+s1+$0x0], $0xffff;
	v38 =	vmul.f32 $2.800000000e+01, v41;
	v51 =	vsub.f32 v53, v52;
	v43 =	vadd.f32 v52, v53  }
0x20d: {  	v57 =	vadd.f32 v58, v44;
	v59 =	vsub.f32 v44, v58;
	v13 =	vmin.f32 v13, v49  }
0x20e: {  	v58 =	vmul.f32 $5.000000000e-01, v18;
	v48 =	vmax.f32 v60, v48;
	v60 =	vadd.f32 v30, v41  }
0x20f: {  	v30 =	vsub.f32 v41, v30;
	v8 =	vsub.f32 v9, v8;
	v56 =	vmax.f32 v56, v50  }
0x210: {  	v13 =	vsub.f32 v13, v48;
	v2 =	vsub.f32 v12, v2;
	v43 =	vmin.f32 v43, v57  }
0x211: {  	v57 =	vmax.f32 v51, v59;
	v37 =	vsub.f32 v37, v56;
	v59 =	vsub.f32 v40, v58  }
0x212: {  	v51 =	vadd.f32 v58, v40;
	v42 =	vmin.f32 v42, v60;
	v30 =	vmax.f32 v45, v30  }
0x213: {  	v8 =	vmax.f32 v8, $0.0e+00;
	v56 =	vmul.f32 $2.800000000e+01, v46;
	v58 =	vmul.f32 $2.800000000e+01, v39  }
0x214: {  	v39 =	vsub.f32 v15, v17;
	v43 =	vsub.f32 v43, v57;
	v52 =	vmax.f32 v13, $0.0e+00  }
0x215: {  	v57 =	vmul.f32 $2.800000000e+01, v44;
	v36 =	vmin.f32 v36, v51;
	v47 =	vmax.f32 v47, v59  }
0x216: {  	v37 =	vmax.f32 v37, $0.0e+00;
	v36 =	vsub.f32 v36, v47;
	v43 =	vmax.f32 v43, $0.0e+00  }
0x217: {  	v30 =	vsub.f32 v42, v30;
	v2 =	vmul.f32 v2, v2;
	v37 =	vmul.f32 v43, v37  }
0x218: {  	v59 =	vmul.f32 $2.800000000e+01, v40;
	v26 =	vsub.f32 v56, v10;
	v53 =	vmax.f32 v36, $0.0e+00  }
0x219: {  	v60 =	vsub.f32 v58, v10;
	v9 =	vmul.f32 v53, v52;
	v3 =	vsub.f32 v3, v37  }
0x21a: {  	v40 =	vsub.f32 v16, v18;
	v30 =	vmax.f32 v30, $0.0e+00;
	v28 =	vsub.f32 v57, v1  }
0x21b: {  	v8 =	vmul.f32 v30, v8;
	v13 =	vsub.f32 v54, v9;
	v3 =	vadd.f32 $1.000000010e-10, v3  }
0x21c: {  	v15 =	vmul.f32 v39, v39;
	v33 =	vsub.f32 v59, v1;
	v26 =	vsub.f32 v27, v26  }
0x21d: {  	v57 =	vld [tilespmem:$0x1FF80];
	v13 =	vadd.f32 $1.000000010e-10, v13;
	(erf) = vrcp.f32 v3;
	v3 =	vsub.f32 v31, v8  }
0x21e: {  	v22 =	vld.idx.msk [tilespmem:v22+s1+$0x0], $0xffff;
	v16 =	vmul.f32 v40, v40;
	v34 =	vsub.f32 v29, v28;
	v36 =	vsub.f32 v19, v21  }
0x21f: {  	v19 =	vsub.f32 v38, v1;
	(erf) = vrcp.f32 v13;
	v3 =	vadd.f32 $1.000000010e-10, v3  }
0x220: {  	v35 =	vsub.f32 v25, v33;
	v48 =	vmul.f32 v26, v26;
	v56 =	vadd.f32 v16, v15  }
0x221: {  	v51 =	vmul.f32 v34, v34;
	v54 =	vsub.f32 v11, v19;
	(erf) = vrcp.f32 v3;
	v3 =	vld.idx.msk [tilespmem:v20+s1+$0x0], $0xffff  }
0x222: {  	v10 =	vmul.f32 v36, v36;
	v15 =	vmul.f32 v57, v57;
	v20 =	vsub.f32 v23, v60  }
0x223: {  	vm4 =	vgt.f32 v22, $0.0e+00;
	v11 =	vmul.f32 v54, v54;
	v13 =	vmul.f32 v55, v55  }
0x224: {  	v55 =	vadd.f32 v51, v48;
	v23 =	vmul.f32 v35, v35;
	v20 =	vmul.f32 v20, v20  }
0x225: {  	v2 =	vadd.f32 v11, v2;
	v10 =	vadd.f32 v10, v13;
	v60 =	vmul.f32 v63, v63  }
0x226: {  	v20 =	vadd.f32 v23, v20;
	v41 =	vpop (erf);
	vm1 =	vge.f32 v14, v3;
	vm3 =	vgt.f32 v3, v14  }
0x227: {  	vm13 =	vge.f32 v3, v24;
	vm15 =	vgt.f32 v24, v3;
	v17 =	vmul.f32 v41, v37  }
0x228: {  	vm1 =	vmand vm1, vm2;
	vm3 =	vmand vm3, vm4;
	vm0 =	vmand vm0, vm15;
	v42 =	vpop (erf)  }
0x229: {  	vm1 =	vmand vm1, vm4;
	v17 =	vsub.f32 v14, v17;
	v9 =	vmul.f32 v42, v9  }
0x22a: {  	vm14 =	vmand vm3, vm13;
	vm0 =	vmand vm0, vm4;
	v43 =	vsel vm1, $0x3F800000, v62  }
0x22b: {  	v46 =	vsel vm14, $0x3F800000, v62;
	v45 =	vmul.f32 v17, v43;
	v9 =	vsub.f32 v3, v9  }
0x22c: {  	v50 =	vsel vm0, $0x3F800000, v62;
	v49 =	vsub.f32 $1.000000000e+00, v43;
	v59 =	vmul.f32 v55, v43  }
0x22d: {  	v44 =	vpop (erf);
	v53 =	vsub.f32 $1.000000000e+00, v46;
	v17 =	vmul.f32 v45, v17;
	v47 =	vmul.f32 v9, v46  }
0x22e: {  	v58 =	vsub.f32 $1.000000000e+00, v50;
	v10 =	vmul.f32 v10, v43;
	v8 =	vmul.f32 v44, v8  }
0x22f: {  	v22 =	vmul.f32 v49, v14;
	v17 =	vadd.f32 $0.0e+00, v17;
	v9 =	vmul.f32 v47, v9  }
0x230: {  	v62 =	vmul.f32 v20, v46;
	v13 =	vmul.f32 v56, v46;
	v8 =	vsub.f32 v24, v8  }
0x231: {  	v14 =	vmul.f32 v22, v14;
	v9 =	vadd.f32 v9, v17;
	v17 =	vmul.f32 v53, v3  }
0x232: {  	v15 =	vadd.f32 v60, v15;
	v2 =	vmul.f32 v2, v50;
	v11 =	vmul.f32 v58, v24  }
0x233: {  	s19 =	sadd.s32 $0x1, s19;
	v52 =	vmul.f32 v8, v50;
	v14 =	vadd.f32 $0.0e+00, v14;
	v3 =	vmul.f32 v17, v3  }
0x234: {  	p0 =	sne.s32 s19, $0x4;
	v12 =	vmul.f32 v15, v50;
	v16 =	vadd.f32 v62, v59;
	v10 =	vadd.f32 v13, v10  }
.Ltmp6:
0x235: {  	v11 =	vmul.f32 v11, v24;
	v8 =	vmul.f32 v52, v8;
	v3 =	vadd.f32 v14, v3;
	(pc) =	sbr.rel @p0 .LBB2_11-.Ltmp6, $4  }
0x236: {  	v2 =	vadd.f32 v2, v16;
	v63 =	vadd.f32 v12, v10  }
0x237: {  	v8 =	vadd.f32 v8, v9;
	v3 =	vadd.f32 v3, v11  }
0x238: {  	v7 =	vadd.f32 v2, v7;
	v6 =	vadd.f32 v63, v6  }
0x239: {  	v5 =	vadd.f32 v8, v5;
	v4 =	vadd.f32 v3, v4  }
0x23a: {  	s18 =	simm.s32 $0x0  }
0x23b: {  	[tilespmem:s18], [sflag:$0x1] =	stream.linear.gather [hbm4b:s6+s18], $0x8000, $0x38;
	[tilespmem:$0x10080] =	vst v63  }
0x23c: {  	_ =	swait.ge [sflag:s14], $0x8000  }
0x23d: {  	[sflag:s14] =	ssyncset.done $0x0  }
0x23e: {  	s19 =	simm.s32 $0x0;
	[sflag:s14] =	ssyncadd.s32 $0xFFFF8000  }
.LBB2_15:
0x23f: {  	v2 =	vmov s18  }
0x240: {  	s20 =	sshll.u32 s19, $0xD;
	v2 =	vshll.u32 v2, $0x7  }
0x241: {  	v3 =	vmov s20;
	v2 =	vor.u32 v61, v2  }
0x242: {  	v14 =	vadd.s32 v3, v2  }
0x243: {  	v2 =	vor.u32 $0xD, v14  }
0x244: {  	[tilespmem:$0x1FF40] =	vst v3;
	v3 =	vor.u32 $0xE, v14  }
0x245: {  	v8 =	vor.u32 $0x1D, v14  }
0x246: {  	v9 =	vor.u32 $0x1E, v14  }
0x247: {  	v10 =	vor.u32 $0x8, v14  }
0x248: {  	v11 =	vor.u32 $0x9, v14;
	v2 =	vld.idx.msk [tilespmem:v2+s12+$0x0], $0xffff  }
0x249: {  	v12 =	vor.u32 $0xB, v14;
	v3 =	vld.idx.msk [tilespmem:v3+s12+$0x0], $0xffff  }
0x24a: {  	v17 =	vor.u32 $0xC, v14;
	v39 =	vld.idx.msk [tilespmem:v8+s12+$0x0], $0xffff  }
0x24b: {  	v18 =	vor.u32 $0x19, v14;
	v30 =	vld.idx.msk [tilespmem:v9+s12+$0x0], $0xffff  }
0x24c: {  	v19 =	vor.u32 $0x3, v14;
	v15 =	vld.idx.msk [tilespmem:v10+s12+$0x0], $0xffff  }
0x24d: {  	v21 =	vor.u32 $0x4, v14;
	v16 =	vld.idx.msk [tilespmem:v11+s12+$0x0], $0xffff  }
0x24e: {  	v23 =	vor.u32 $0x13, v14;
	v12 =	vld.idx.msk [tilespmem:v12+s12+$0x0], $0xffff  }
0x24f: {  	v25 =	vor.u32 $0x14, v14;
	v8 =	vor.u32 $0x18, v14;
	v11 =	vld.idx.msk [tilespmem:v17+s12+$0x0], $0xffff  }
0x250: {  	s31 =	scvt.s32.f32 s19;
	v27 =	vor.u32 $0x6, v14;
	v20 =	vor.u32 $0x5, v14;
	v29 =	vor.u32 $0x7, v14;
	v18 =	vld.idx.msk [tilespmem:v18+s12+$0x0], $0xffff  }
0x251: {  	v22 =	vor.u32 $0x10, v14;
	v38 =	vor.u32 $0x1, v14;
	v24 =	vor.u32 $0xA, v14;
	v26 =	vld.idx.msk [tilespmem:v19+s12+$0x0], $0xffff  }
0x252: {  	v36 =	vor.u32 $0x1B, v14;
	v42 =	vor.u32 $0x2, v14;
	v9 =	vmov s31;
	v19 =	vld.idx.msk [tilespmem:v21+s12+$0x0], $0xffff  }
0x253: {  	v48 =	vor.u32 $0x16, v14;
	v41 =	vor.u32 $0x1C, v14;
	v28 =	vld.idx.msk [tilespmem:v23+s12+$0x0], $0xffff;
	v9 =	vadd.f32 $1.200000000e+01, v9  }
0x254: {  	v46 =	vor.u32 $0x11, v14;
	v44 =	vor.u32 $0x12, v14;
	v43 =	vor.u32 $0x17, v14;
	v17 =	vld.idx.msk [tilespmem:v8+s12+$0x0], $0xffff  }
0x255: {  	v21 =	vld.idx.msk [tilespmem:v25+s12+$0x0], $0xffff;
	v10 =	vbroadcast v9, $0x0;
	v8 =	vsub.f32 v2, v39;
	v63 =	vsub.f32 v3, v30  }
0x256: {  	v23 =	vld.idx.msk [tilespmem:v27+s12+$0x0], $0xffff;
	v32 =	vmax.f32 v2, $0.0e+00;
	v33 =	vmax.f32 v3, $0.0e+00;
	v31 =	vmax.f32 v39, $0.0e+00  }
0x257: {  	v25 =	vld.idx.msk [tilespmem:v29+s12+$0x0], $0xffff;
	v35 =	vmax.f32 v15, $0.0e+00;
	v37 =	vmax.f32 v16, $0.0e+00;
	v34 =	vmax.f32 v30, $0.0e+00  }
0x258: {  	v27 =	vld.idx.msk [tilespmem:v38+s12+$0x0], $0xffff;
	v47 =	vmax.f32 v26, $0.0e+00;
	v40 =	vmax.f32 v18, $0.0e+00;
	v49 =	vmax.f32 v19, $0.0e+00  }
0x259: {  	s20 =	simm.s32 $0x10;
	v29 =	vld.idx.msk [tilespmem:v42+s12+$0x0], $0xffff;
	v45 =	vmul.f32 $5.000000000e-01, v2;
	v42 =	vmul.f32 $5.000000000e-01, v3;
	[tilespmem:$0x1FF50] =	vst v8;
	v38 =	vmax.f32 v17, $0.0e+00  }
.LBB2_16:
0x25a: {  	v3 =	vmul.f32 $5.000000000e-01, v39  }
0x25b: {  	v39 =	vmul.f32 $5.000000000e-01, v30;
	v50 =	vmul.f32 $5.000000000e-01, v15  }
0x25c: {  	v51 =	vmul.f32 $5.000000000e-01, v16;
	v52 =	vmul.f32 $5.000000000e-01, v17  }
0x25d: {  	v36 =	vld.idx.msk [tilespmem:v36+s12+$0x0], $0xffff;
	v53 =	vmul.f32 $5.000000000e-01, v18;
	v55 =	vmul.f32 $5.000000000e-01, v26  }
0x25e: {  	v30 =	vld.idx.msk [tilespmem:v41+s12+$0x0], $0xffff;
	v54 =	vadd.f32 v12, v10;
	v56 =	vmul.f32 $5.000000000e-01, v19;
	v32 =	vmul.f32 v33, v32  }
0x25f: {  	v48 =	vld.idx.msk [tilespmem:v48+s12+$0x0], $0xffff;
	v57 =	vadd.f32 v11, v1;
	v31 =	vmul.f32 v34, v31;
	v34 =	vmul.f32 v49, v47  }
0x260: {  	v43 =	vld.idx.msk [tilespmem:v43+s12+$0x0], $0xffff;
	v54 =	vmul.f32 v54, v0;
	v59 =	vadd.f32 v23, v10;
	v60 =	vadd.f32 v25, v1  }
0x261: {  	v46 =	vld.idx.msk [tilespmem:v46+s12+$0x0], $0xffff;
	v2 =	vmax.f32 v28, $0.0e+00;
	v61 =	vadd.f32 v27, v10;
	v62 =	vadd.f32 v29, v1  }
0x262: {  	v44 =	vld.idx.msk [tilespmem:v44+s12+$0x0], $0xffff;
	v41 =	vmax.f32 v21, $0.0e+00;
	v13 =	vsub.f32 v36, v3;
	v3 =	vadd.f32 v3, v36  }
0x263: {  	v58 =	vmul.f32 $5.000000000e-01, v28;
	v33 =	vsub.f32 v30, v39;
	v39 =	vadd.f32 v39, v30  }
0x264: {  	[tilespmem:$0x1FF30] =	vst v63;
	v63 =	vmul.f32 $5.000000000e-01, v21;
	v47 =	vsub.f32 v48, v52;
	v49 =	vadd.f32 v52, v48  }
0x265: {  	v2 =	vmul.f32 v41, v2;
	v41 =	vsub.f32 v43, v53;
	v52 =	vadd.f32 v53, v43  }
0x266: {  	v57 =	vmul.f32 v57, v0;
	v53 =	vsub.f32 v46, v58;
	v58 =	vadd.f32 v58, v46  }
0x267: {  	v8 =	vsub.f32 v44, v63;
	v63 =	vadd.f32 v63, v44;
	v61 =	vmul.f32 v61, v0  }
0x268: {  	v2 =	vadd.f32 v2, v34;
	v34 =	vmul.f32 v59, v0;
	v59 =	vsub.f32 v54, v45  }
0x269: {  	v60 =	vmul.f32 v60, v0;
	v45 =	vadd.f32 v45, v54;
	v54 =	vsub.f32 v57, v42  }
0x26a: {  	v42 =	vadd.f32 v42, v57;
	v57 =	vmul.f32 v62, v0;
	v62 =	vsub.f32 v61, v55  }
0x26b: {  	v35 =	vmul.f32 v37, v35;
	v37 =	vadd.f32 v55, v61;
	v9 =	vsub.f32 v34, v50  }
0x26c: {  	v34 =	vadd.f32 v50, v34;
	v50 =	vsub.f32 v60, v51  }
0x26d: {  	v38 =	vmul.f32 v40, v38;
	v51 =	vadd.f32 v51, v60;
	v55 =	vsub.f32 v57, v56  }
0x26e: {  	v57 =	vadd.f32 v56, v57;
	v3 =	vmin.f32 v45, v3;
	v13 =	vmax.f32 v59, v13  }
0x26f: {  	v39 =	vmin.f32 v42, v39;
	v37 =	vmin.f32 v37, v58;
	v45 =	vmax.f32 v62, v53  }
0x270: {  	v34 =	vmin.f32 v34, v49;
	v40 =	vmin.f32 v57, v63;
	v8 =	vmax.f32 v55, v8  }
0x271: {  	v37 =	vsub.f32 v37, v45;
	v9 =	vmax.f32 v9, v47;
	v8 =	vsub.f32 v40, v8  }
0x272: {  	v49 =	vmin.f32 v51, v52;
	v50 =	vmax.f32 v50, v41;
	v9 =	vsub.f32 v34, v9  }
0x273: {  	v34 =	vsub.f32 v49, v50;
	v37 =	vmax.f32 v37, $0.0e+00;
	v8 =	vmax.f32 v8, $0.0e+00  }
0x274: {  	v3 =	vsub.f32 v3, v13;
	v13 =	vmax.f32 v54, v33;
	v8 =	vmul.f32 v8, v37  }
0x275: {  	v13 =	vsub.f32 v39, v13;
	v9 =	vmax.f32 v9, $0.0e+00;
	v51 =	vmax.f32 v34, $0.0e+00  }
0x276: {  	v52 =	vadd.f32 v38, v35;
	v9 =	vmul.f32 v51, v9;
	v2 =	vsub.f32 v2, v8  }
0x277: {  	v31 =	vadd.f32 v31, v32;
	v3 =	vmax.f32 v3, $0.0e+00;
	v13 =	vmax.f32 v13, $0.0e+00  }
0x278: {  	v3 =	vmul.f32 v13, v3;
	v53 =	vsub.f32 v52, v9;
	v2 =	vadd.f32 $1.000000010e-10, v2  }
0x279: {  	v26 =	vsub.f32 v26, v28  }
0x27a: {  	v31 =	vsub.f32 v31, v3;
	v28 =	vadd.f32 $1.000000010e-10, v53;
	(erf) = vrcp.f32 v2  }
0x27b: {  	v14 =	vld.idx.msk [tilespmem:v14+s12+$0x0], $0xffff  }
0x27c: {  	v20 =	vld.idx.msk [tilespmem:v20+s12+$0x0], $0xffff;
	v31 =	vadd.f32 $1.000000010e-10, v31;
	(erf) = vrcp.f32 v28  }
0x27d: {  	v54 =	vmul.f32 $2.800000000e+01, v44;
	v2 =	vld.idx.msk [tilespmem:v22+s12+$0x0], $0xffff  }
0x27e: {  	v15 =	vsub.f32 v15, v17;
	v13 =	vmul.f32 $2.800000000e+01, v46;
	v22 =	vld.idx.msk [tilespmem:v24+s12+$0x0], $0xffff;
	(erf) = vrcp.f32 v31  }
0x27f: {  	v16 =	vsub.f32 v16, v18;
	v24 =	vsub.f32 v54, v1  }
0x280: {  	v19 =	vsub.f32 v19, v21;
	v13 =	vsub.f32 v13, v10  }
0x281: {  	vm1 =	vgt.f32 v20, v14;
	vm4 =	vge.f32 v14, v20;
	v24 =	vsub.f32 v29, v24  }
0x282: {  	v62 =	vimm.f32 $0.0e+00;
	v13 =	vsub.f32 v27, v13;
	v27 =	vmul.f32 $2.800000000e+01, v30  }
0x283: {  	v21 =	vmul.f32 v24, v24;
	vm0 =	vgt.f32 v22, v14;
	vm2 =	vgt.f32 v2, $0.0e+00;
	v2 =	vpop (erf)  }
0x284: {  	vm3 =	vgt.f32 v22, v20;
	vm5 =	vge.f32 v14, v22;
	v2 =	vmul.f32 v2, v8  }
0x285: {  	vm15 =	vge.f32 v20, v22;
	vm4 =	vmand vm4, vm5;
	vm1 =	vmand vm1, vm2;
	v8 =	vpop (erf)  }
0x286: {  	vm4 =	vmand vm4, vm2;
	v8 =	vmul.f32 v8, v9;
	v2 =	vsub.f32 v14, v2  }
0x287: {  	vm0 =	vmand vm0, vm3;
	vm1 =	vmand vm1, vm15;
	v9 =	vsel vm4, $0x3F800000, v62;
	v17 =	vpop (erf)  }
0x288: {  	v3 =	vmul.f32 v17, v3;
	v8 =	vsub.f32 v20, v8;
	v18 =	vmul.f32 v2, v9  }
0x289: {  	v24 =	vsub.f32 v27, v1;
	vm0 =	vmand vm0, vm2;
	v27 =	vsel vm1, $0x3F800000, v62  }
0x28a: {  	v3 =	vsub.f32 v22, v3;
	v2 =	vmul.f32 v18, v2;
	v18 =	vmul.f32 v8, v27  }
0x28b: {  	v56 =	vmul.f32 $2.800000000e+01, v43;
	v29 =	vsel vm0, $0x3F800000, v62  }
0x28c: {  	v2 =	vadd.f32 $0.0e+00, v2;
	v8 =	vmul.f32 v18, v8;
	v18 =	vmul.f32 v3, v29  }
0x28d: {  	v55 =	vmul.f32 $2.800000000e+01, v48;
	v57 =	vsub.f32 v56, v1  }
0x28e: {  	v15 =	vmul.f32 v15, v15;
	v2 =	vadd.f32 v8, v2;
	v3 =	vmul.f32 v18, v3  }
0x28f: {  	v16 =	vmul.f32 v16, v16;
	v25 =	vsub.f32 v25, v57;
	v28 =	vsub.f32 v55, v10  }
0x290: {  	v26 =	vmul.f32 v26, v26;
	v58 =	vmul.f32 $2.800000000e+01, v36;
	v2 =	vadd.f32 v3, v2  }
0x291: {  	v61 =	vld [tilespmem:$0x1FFF0];
	v25 =	vmul.f32 v25, v25;
	v23 =	vsub.f32 v23, v28;
	v17 =	vsub.f32 $1.000000000e+00, v9  }
0x292: {  	v13 =	vmul.f32 v13, v13;
	v28 =	vsub.f32 v58, v10;
	v5 =	vadd.f32 v2, v5;
	v2 =	vld [tilespmem:$0x1FF40]  }
0x293: {  	v23 =	vmul.f32 v23, v23;
	v17 =	vmul.f32 v17, v14  }
0x294: {  	v12 =	vsub.f32 v12, v28;
	v30 =	vsub.f32 $1.000000000e+00, v27;
	v18 =	vmov s20  }
0x295: {  	v17 =	vmul.f32 v17, v14;
	v8 =	vsub.f32 v11, v24;
	v3 =	vshll.u32 v18, $0x7  }
0x296: {  	v11 =	vadd.f32 v21, v13;
	v13 =	vmul.f32 v19, v19;
	v3 =	vor.u32 v61, v3  }
0x297: {  	v19 =	vmul.f32 v30, v20;
	v21 =	vsub.f32 $1.000000000e+00, v29;
	v14 =	vadd.s32 v2, v3  }
0x298: {  	v24 =	vld [tilespmem:$0x1FF30];
	v2 =	vmul.f32 v12, v12;
	v3 =	vmul.f32 v8, v8;
	v8 =	vor.u32 $0xD, v14  }
0x299: {  	v12 =	vadd.f32 v13, v26;
	v13 =	vadd.f32 v16, v15;
	v15 =	vor.u32 $0xE, v14  }
0x29a: {  	v17 =	vadd.f32 $0.0e+00, v17;
	v18 =	vadd.f32 v25, v23;
	v23 =	vor.u32 $0x1D, v14  }
0x29b: {  	v19 =	vmul.f32 v19, v20;
	v20 =	vmul.f32 v21, v22;
	v16 =	vld [tilespmem:$0x1FF50];
	v25 =	vor.u32 $0x1E, v14  }
0x29c: {  	v11 =	vmul.f32 v11, v9;
	v18 =	vmul.f32 v18, v27;
	v26 =	vor.u32 $0x8, v14  }
0x29d: {  	v20 =	vmul.f32 v20, v22;
	v24 =	vmul.f32 v24, v24;
	v21 =	vor.u32 $0xC, v14;
	v8 =	vld.idx.msk [tilespmem:v8+s12+$0x0], $0xffff  }
0x29e: {  	v11 =	vadd.f32 v18, v11;
	v22 =	vor.u32 $0x3, v14;
	v2 =	vadd.f32 v3, v2;
	v59 =	vld.idx.msk [tilespmem:v15+s12+$0x0], $0xffff  }
0x29f: {  	v3 =	vor.u32 $0x9, v14;
	v9 =	vmul.f32 v12, v9;
	v12 =	vmul.f32 v13, v27;
	v39 =	vld.idx.msk [tilespmem:v23+s12+$0x0], $0xffff  }
0x2a0: {  	v13 =	vor.u32 $0xB, v14;
	v2 =	vmul.f32 v2, v29;
	v16 =	vmul.f32 v16, v16;
	v30 =	vld.idx.msk [tilespmem:v25+s12+$0x0], $0xffff  }
0x2a1: {  	v17 =	vadd.f32 v17, v19;
	v18 =	vor.u32 $0x18, v14;
	v19 =	vor.u32 $0x19, v14;
	v15 =	vld.idx.msk [tilespmem:v26+s12+$0x0], $0xffff  }
0x2a2: {  	v27 =	vor.u32 $0x1, v14;
	v2 =	vadd.f32 v2, v11;
	v11 =	vld.idx.msk [tilespmem:v21+s12+$0x0], $0xffff;
	v16 =	vadd.f32 v24, v16  }
0x2a3: {  	v36 =	vor.u32 $0x1B, v14;
	v48 =	vor.u32 $0x16, v14;
	v41 =	vor.u32 $0x1C, v14;
	v26 =	vld.idx.msk [tilespmem:v22+s12+$0x0], $0xffff  }
0x2a4: {  	v9 =	vadd.f32 v12, v9;
	v23 =	vmul.f32 v16, v29;
	v16 =	vld.idx.msk [tilespmem:v3+s12+$0x0], $0xffff;
	v3 =	vor.u32 $0x4, v14  }
0x2a5: {  	v21 =	vor.u32 $0x13, v14;
	v12 =	vld.idx.msk [tilespmem:v13+s12+$0x0], $0xffff;
	v13 =	vadd.f32 v17, v20;
	v7 =	vadd.f32 v2, v7  }
0x2a6: {  	v17 =	vld.idx.msk [tilespmem:v18+s12+$0x0], $0xffff;
	v2 =	vor.u32 $0x14, v14;
	v9 =	vadd.f32 v23, v9;
	v18 =	vsub.f32 v8, v39  }
0x2a7: {  	v46 =	vor.u32 $0x11, v14;
	v27 =	vld.idx.msk [tilespmem:v27+s12+$0x0], $0xffff;
	v4 =	vadd.f32 v13, v4;
	v13 =	vor.u32 $0x6, v14  }
0x2a8: {  	v44 =	vor.u32 $0x12, v14;
	[tilespmem:$0x1FF50] =	vst v18;
	v18 =	vld.idx.msk [tilespmem:v19+s12+$0x0], $0xffff;
	v6 =	vadd.f32 v9, v6;
	v9 =	vor.u32 $0x7, v14  }
0x2a9: {  	p0 =	sne.s32 s20, $0x30;
	v43 =	vor.u32 $0x17, v14;
	v22 =	vor.u32 $0x10, v14;
	v19 =	vld.idx.msk [tilespmem:v3+s12+$0x0], $0xffff;
	v3 =	vor.u32 $0x2, v14  }
.Ltmp7:
0x2aa: {  	v20 =	vor.u32 $0x5, v14;
	v24 =	vor.u32 $0xA, v14;
	v63 =	vsub.f32 v59, v30;
	v28 =	vld.idx.msk [tilespmem:v21+s12+$0x0], $0xffff;
	(pc) =	sbr.rel @p0 .LBB2_16-.Ltmp7, $4  }
0x2ab: {  	v32 =	vmax.f32 v8, $0.0e+00;
	v33 =	vmax.f32 v59, $0.0e+00;
	v31 =	vmax.f32 v39, $0.0e+00;
	v21 =	vld.idx.msk [tilespmem:v2+s12+$0x0], $0xffff  }
0x2ac: {  	v35 =	vmax.f32 v15, $0.0e+00;
	v34 =	vmax.f32 v30, $0.0e+00;
	v47 =	vmax.f32 v26, $0.0e+00;
	v23 =	vld.idx.msk [tilespmem:v13+s12+$0x0], $0xffff  }
0x2ad: {  	v45 =	vmul.f32 $5.000000000e-01, v8;
	v42 =	vmul.f32 $5.000000000e-01, v59;
	v38 =	vmax.f32 v17, $0.0e+00;
	v25 =	vld.idx.msk [tilespmem:v9+s12+$0x0], $0xffff  }
0x2ae: {  	s20 =	sadd.s32 $0x10, s20;
	v37 =	vmax.f32 v16, $0.0e+00;
	v40 =	vmax.f32 v18, $0.0e+00;
	v29 =	vld.idx.msk [tilespmem:v3+s12+$0x0], $0xffff;
	v49 =	vmax.f32 v19, $0.0e+00  }
0x2af: {  	_ =	sdelay $0x3  }
0x2b0: {  	v2 =	vld.idx.msk [tilespmem:v36+s12+$0x0], $0xffff;
	v8 =	vmul.f32 $5.000000000e-01, v39;
	v13 =	vmul.f32 $5.000000000e-01, v15  }
0x2b1: {  	v3 =	vmax.f32 v28, $0.0e+00;
	v36 =	vmul.f32 $5.000000000e-01, v16;
	v39 =	vld.idx.msk [tilespmem:v48+s12+$0x0], $0xffff;
	v48 =	vmul.f32 $5.000000000e-01, v17  }
0x2b2: {  	v50 =	vadd.f32 v12, v10;
	v51 =	vmul.f32 $5.000000000e-01, v26;
	v52 =	vmul.f32 $5.000000000e-01, v19  }
0x2b3: {  	v53 =	vadd.f32 v11, v1;
	v55 =	vmul.f32 $5.000000000e-01, v28;
	v57 =	vadd.f32 v27, v10  }
0x2b4: {  	v32 =	vmul.f32 v33, v32;
	v31 =	vmul.f32 v34, v31;
	v9 =	vmax.f32 v21, $0.0e+00  }
0x2b5: {  	v47 =	vmul.f32 v49, v47;
	v54 =	vadd.f32 v23, v10;
	v3 =	vmul.f32 v9, v3  }
0x2b6: {  	v60 =	vmul.f32 v50, v0;
	v53 =	vmul.f32 v53, v0;
	v31 =	vadd.f32 v31, v32  }
0x2b7: {  	v46 =	vld.idx.msk [tilespmem:v46+s12+$0x0], $0xffff;
	v57 =	vmul.f32 v57, v0;
	v56 =	vadd.f32 v25, v1;
	v58 =	vadd.f32 v29, v1  }
0x2b8: {  	v14 =	vld.idx.msk [tilespmem:v14+s12+$0x0], $0xffff;
	v3 =	vadd.f32 v3, v47;
	v47 =	vmul.f32 v54, v0;
	v54 =	vsub.f32 v60, v45  }
0x2b9: {  	v35 =	vmul.f32 v37, v35;
	v24 =	vld.idx.msk [tilespmem:v24+s12+$0x0], $0xffff;
	v9 =	vadd.f32 v45, v60;
	v45 =	vsub.f32 v53, v42  }
0x2ba: {  	v38 =	vmul.f32 v40, v38;
	v42 =	vadd.f32 v42, v53;
	v37 =	vadd.f32 v51, v57  }
0x2bb: {  	v30 =	vmul.f32 $5.000000000e-01, v30;
	v59 =	vadd.f32 v8, v2;
	v49 =	vadd.f32 v48, v39  }
0x2bc: {  	v50 =	vsub.f32 v46, v55;
	v55 =	vadd.f32 v55, v46;
	v56 =	vmul.f32 v56, v0  }
0x2bd: {  	v48 =	vsub.f32 v39, v48;
	v8 =	vsub.f32 v2, v8;
	v2 =	vmul.f32 $2.800000000e+01, v2  }
0x2be: {  	v41 =	vld.idx.msk [tilespmem:v41+s12+$0x0], $0xffff;
	vm0 =	vgt.f32 v24, v14;
	vm2 =	vge.f32 v14, v24;
	v60 =	vsub.f32 v47, v13  }
0x2bf: {  	v44 =	vld.idx.msk [tilespmem:v44+s12+$0x0], $0xffff;
	v53 =	vmul.f32 v58, v0;
	v13 =	vadd.f32 v13, v47;
	v47 =	vsub.f32 v56, v36  }
0x2c0: {  	v58 =	vmul.f32 $5.000000000e-01, v21;
	v36 =	vadd.f32 v36, v56;
	v56 =	vsub.f32 v57, v51  }
0x2c1: {  	v9 =	vmin.f32 v9, v59;
	v8 =	vmax.f32 v54, v8;
	v54 =	vadd.f32 v38, v35  }
0x2c2: {  	v37 =	vmin.f32 v37, v55;
	v55 =	vsub.f32 v26, v28;
	v2 =	vsub.f32 v2, v10  }
0x2c3: {  	v40 =	vld.idx.msk [tilespmem:v43+s12+$0x0], $0xffff;
	v38 =	vmul.f32 $2.800000000e+01, v41;
	v51 =	vsub.f32 v53, v52;
	v43 =	vadd.f32 v52, v53  }
0x2c4: {  	v57 =	vadd.f32 v58, v44;
	v59 =	vsub.f32 v44, v58;
	v13 =	vmin.f32 v13, v49  }
0x2c5: {  	v58 =	vmul.f32 $5.000000000e-01, v18;
	v48 =	vmax.f32 v60, v48;
	v60 =	vadd.f32 v30, v41  }
0x2c6: {  	v30 =	vsub.f32 v41, v30;
	v8 =	vsub.f32 v9, v8;
	v56 =	vmax.f32 v56, v50  }
0x2c7: {  	v13 =	vsub.f32 v13, v48;
	v2 =	vsub.f32 v12, v2;
	v43 =	vmin.f32 v43, v57  }
0x2c8: {  	v57 =	vmax.f32 v51, v59;
	v37 =	vsub.f32 v37, v56;
	v59 =	vsub.f32 v40, v58  }
0x2c9: {  	v51 =	vadd.f32 v58, v40;
	v42 =	vmin.f32 v42, v60;
	v30 =	vmax.f32 v45, v30  }
0x2ca: {  	v8 =	vmax.f32 v8, $0.0e+00;
	v56 =	vmul.f32 $2.800000000e+01, v46;
	v58 =	vmul.f32 $2.800000000e+01, v39  }
0x2cb: {  	v39 =	vsub.f32 v15, v17;
	v43 =	vsub.f32 v43, v57;
	v52 =	vmax.f32 v13, $0.0e+00  }
0x2cc: {  	v57 =	vmul.f32 $2.800000000e+01, v44;
	v36 =	vmin.f32 v36, v51;
	v47 =	vmax.f32 v47, v59  }
0x2cd: {  	v37 =	vmax.f32 v37, $0.0e+00;
	v36 =	vsub.f32 v36, v47;
	v43 =	vmax.f32 v43, $0.0e+00  }
0x2ce: {  	v30 =	vsub.f32 v42, v30;
	v2 =	vmul.f32 v2, v2;
	v37 =	vmul.f32 v43, v37  }
0x2cf: {  	v59 =	vmul.f32 $2.800000000e+01, v40;
	v26 =	vsub.f32 v56, v10;
	v53 =	vmax.f32 v36, $0.0e+00  }
0x2d0: {  	v60 =	vsub.f32 v58, v10;
	v9 =	vmul.f32 v53, v52;
	v3 =	vsub.f32 v3, v37  }
0x2d1: {  	v40 =	vsub.f32 v16, v18;
	v30 =	vmax.f32 v30, $0.0e+00;
	v28 =	vsub.f32 v57, v1  }
0x2d2: {  	v8 =	vmul.f32 v30, v8;
	v13 =	vsub.f32 v54, v9;
	v3 =	vadd.f32 $1.000000010e-10, v3  }
0x2d3: {  	v15 =	vmul.f32 v39, v39;
	v33 =	vsub.f32 v59, v1;
	v26 =	vsub.f32 v27, v26  }
0x2d4: {  	v57 =	vld [tilespmem:$0x1FF50];
	v13 =	vadd.f32 $1.000000010e-10, v13;
	(erf) = vrcp.f32 v3;
	v3 =	vsub.f32 v31, v8  }
0x2d5: {  	v22 =	vld.idx.msk [tilespmem:v22+s12+$0x0], $0xffff;
	v16 =	vmul.f32 v40, v40;
	v34 =	vsub.f32 v29, v28;
	v36 =	vsub.f32 v19, v21  }
0x2d6: {  	v19 =	vsub.f32 v38, v1;
	(erf) = vrcp.f32 v13;
	v3 =	vadd.f32 $1.000000010e-10, v3  }
0x2d7: {  	v35 =	vsub.f32 v25, v33;
	v48 =	vmul.f32 v26, v26;
	v56 =	vadd.f32 v16, v15  }
0x2d8: {  	v51 =	vmul.f32 v34, v34;
	v54 =	vsub.f32 v11, v19;
	(erf) = vrcp.f32 v3;
	v3 =	vld.idx.msk [tilespmem:v20+s12+$0x0], $0xffff  }
0x2d9: {  	v10 =	vmul.f32 v36, v36;
	v15 =	vmul.f32 v57, v57;
	v20 =	vsub.f32 v23, v60  }
0x2da: {  	vm4 =	vgt.f32 v22, $0.0e+00;
	v11 =	vmul.f32 v54, v54;
	v13 =	vmul.f32 v55, v55  }
0x2db: {  	v55 =	vadd.f32 v51, v48;
	v23 =	vmul.f32 v35, v35;
	v20 =	vmul.f32 v20, v20  }
0x2dc: {  	v2 =	vadd.f32 v11, v2;
	v10 =	vadd.f32 v10, v13;
	v60 =	vmul.f32 v63, v63  }
0x2dd: {  	v20 =	vadd.f32 v23, v20;
	v41 =	vpop (erf);
	vm1 =	vge.f32 v14, v3;
	vm3 =	vgt.f32 v3, v14  }
0x2de: {  	vm13 =	vge.f32 v3, v24;
	vm15 =	vgt.f32 v24, v3;
	v17 =	vmul.f32 v41, v37  }
0x2df: {  	vm1 =	vmand vm1, vm2;
	vm3 =	vmand vm3, vm4;
	vm0 =	vmand vm0, vm15;
	v42 =	vpop (erf)  }
0x2e0: {  	vm1 =	vmand vm1, vm4;
	v17 =	vsub.f32 v14, v17;
	v9 =	vmul.f32 v42, v9  }
0x2e1: {  	vm14 =	vmand vm3, vm13;
	vm0 =	vmand vm0, vm4;
	v43 =	vsel vm1, $0x3F800000, v62  }
0x2e2: {  	v46 =	vsel vm14, $0x3F800000, v62;
	v45 =	vmul.f32 v17, v43;
	v9 =	vsub.f32 v3, v9  }
0x2e3: {  	v50 =	vsel vm0, $0x3F800000, v62;
	v49 =	vsub.f32 $1.000000000e+00, v43;
	v59 =	vmul.f32 v55, v43  }
0x2e4: {  	v44 =	vpop (erf);
	v53 =	vsub.f32 $1.000000000e+00, v46;
	v17 =	vmul.f32 v45, v17;
	v47 =	vmul.f32 v9, v46  }
0x2e5: {  	v58 =	vsub.f32 $1.000000000e+00, v50;
	v10 =	vmul.f32 v10, v43;
	v8 =	vmul.f32 v44, v8  }
0x2e6: {  	v22 =	vmul.f32 v49, v14;
	v17 =	vadd.f32 $0.0e+00, v17;
	v9 =	vmul.f32 v47, v9  }
0x2e7: {  	v62 =	vmul.f32 v20, v46;
	v13 =	vmul.f32 v56, v46;
	v8 =	vsub.f32 v24, v8  }
0x2e8: {  	v14 =	vmul.f32 v22, v14;
	v9 =	vadd.f32 v9, v17;
	v17 =	vmul.f32 v53, v3  }
0x2e9: {  	v15 =	vadd.f32 v60, v15;
	v2 =	vmul.f32 v2, v50;
	v11 =	vmul.f32 v58, v24  }
0x2ea: {  	s19 =	sadd.s32 $0x1, s19;
	v52 =	vmul.f32 v8, v50;
	v14 =	vadd.f32 $0.0e+00, v14;
	v3 =	vmul.f32 v17, v3  }
0x2eb: {  	p0 =	sne.s32 s19, $0x4;
	v12 =	vmul.f32 v15, v50;
	v16 =	vadd.f32 v62, v59;
	v10 =	vadd.f32 v13, v10  }
.Ltmp8:
0x2ec: {  	v11 =	vmul.f32 v11, v24;
	v8 =	vmul.f32 v52, v8;
	v3 =	vadd.f32 v14, v3;
	(pc) =	sbr.rel @p0 .LBB2_15-.Ltmp8, $4  }
0x2ed: {  	v2 =	vadd.f32 v2, v16;
	v63 =	vadd.f32 v12, v10  }
0x2ee: {  	v8 =	vadd.f32 v8, v9;
	v3 =	vadd.f32 v3, v11  }
0x2ef: {  	v7 =	vadd.f32 v2, v7;
	v6 =	vadd.f32 v63, v6  }
0x2f0: {  	v5 =	vadd.f32 v8, v5;
	v4 =	vadd.f32 v3, v4  }
0x2f1: {  	s18 =	simm.s32 $0x0  }
0x2f2: {  	[tilespmem:s12], [sflag:$0x2] =	stream.linear.gather [hbm4b:s7+s18], $0x8000, $0x38;
	[tilespmem:$0x10080] =	vst v63  }
0x2f3: {  	_ =	swait.ge [sflag:s13], $0x8000  }
0x2f4: {  	[sflag:s13] =	ssyncset.done $0x0  }
0x2f5: {  	s19 =	simm.s32 $0x0;
	[sflag:s13] =	ssyncadd.s32 $0xFFFF8000  }
.LBB2_19:
0x2f6: {  	v2 =	vmov s18  }
0x2f7: {  	s20 =	sshll.u32 s19, $0xD;
	v2 =	vshll.u32 v2, $0x7  }
0x2f8: {  	v3 =	vmov s20;
	v2 =	vor.u32 v61, v2  }
0x2f9: {  	v14 =	vadd.s32 v3, v2  }
0x2fa: {  	v2 =	vor.u32 $0xD, v14  }
0x2fb: {  	[tilespmem:$0x1FF10] =	vst v3;
	v3 =	vor.u32 $0xE, v14  }
0x2fc: {  	v8 =	vor.u32 $0x1D, v14  }
0x2fd: {  	v9 =	vor.u32 $0x1E, v14  }
0x2fe: {  	v10 =	vor.u32 $0x8, v14  }
0x2ff: {  	v11 =	vor.u32 $0x9, v14;
	v2 =	vld.idx.msk [tilespmem:v2+s1+$0x0], $0xffff  }
0x300: {  	v12 =	vor.u32 $0xB, v14;
	v3 =	vld.idx.msk [tilespmem:v3+s1+$0x0], $0xffff  }
0x301: {  	v17 =	vor.u32 $0xC, v14;
	v39 =	vld.idx.msk [tilespmem:v8+s1+$0x0], $0xffff  }
0x302: {  	v18 =	vor.u32 $0x19, v14;
	v30 =	vld.idx.msk [tilespmem:v9+s1+$0x0], $0xffff  }
0x303: {  	v19 =	vor.u32 $0x3, v14;
	v15 =	vld.idx.msk [tilespmem:v10+s1+$0x0], $0xffff  }
0x304: {  	v21 =	vor.u32 $0x4, v14;
	v16 =	vld.idx.msk [tilespmem:v11+s1+$0x0], $0xffff  }
0x305: {  	v23 =	vor.u32 $0x13, v14;
	v12 =	vld.idx.msk [tilespmem:v12+s1+$0x0], $0xffff  }
0x306: {  	v25 =	vor.u32 $0x14, v14;
	v8 =	vor.u32 $0x18, v14;
	v11 =	vld.idx.msk [tilespmem:v17+s1+$0x0], $0xffff  }
0x307: {  	s31 =	scvt.s32.f32 s19;
	v27 =	vor.u32 $0x6, v14;
	v20 =	vor.u32 $0x5, v14;
	v29 =	vor.u32 $0x7, v14;
	v18 =	vld.idx.msk [tilespmem:v18+s1+$0x0], $0xffff  }
0x308: {  	v22 =	vor.u32 $0x10, v14;
	v38 =	vor.u32 $0x1, v14;
	v24 =	vor.u32 $0xA, v14;
	v26 =	vld.idx.msk [tilespmem:v19+s1+$0x0], $0xffff  }
0x309: {  	v36 =	vor.u32 $0x1B, v14;
	v42 =	vor.u32 $0x2, v14;
	v9 =	vmov s31;
	v19 =	vld.idx.msk [tilespmem:v21+s1+$0x0], $0xffff  }
0x30a: {  	v48 =	vor.u32 $0x16, v14;
	v41 =	vor.u32 $0x1C, v14;
	v28 =	vld.idx.msk [tilespmem:v23+s1+$0x0], $0xffff;
	v9 =	vadd.f32 $1.600000000e+01, v9  }
0x30b: {  	v46 =	vor.u32 $0x11, v14;
	v44 =	vor.u32 $0x12, v14;
	v43 =	vor.u32 $0x17, v14;
	v17 =	vld.idx.msk [tilespmem:v8+s1+$0x0], $0xffff  }
0x30c: {  	v21 =	vld.idx.msk [tilespmem:v25+s1+$0x0], $0xffff;
	v10 =	vbroadcast v9, $0x0;
	v8 =	vsub.f32 v2, v39;
	v63 =	vsub.f32 v3, v30  }
0x30d: {  	v23 =	vld.idx.msk [tilespmem:v27+s1+$0x0], $0xffff;
	v32 =	vmax.f32 v2, $0.0e+00;
	v33 =	vmax.f32 v3, $0.0e+00;
	v31 =	vmax.f32 v39, $0.0e+00  }
0x30e: {  	v25 =	vld.idx.msk [tilespmem:v29+s1+$0x0], $0xffff;
	v35 =	vmax.f32 v15, $0.0e+00;
	v37 =	vmax.f32 v16, $0.0e+00;
	v34 =	vmax.f32 v30, $0.0e+00  }
0x30f: {  	v27 =	vld.idx.msk [tilespmem:v38+s1+$0x0], $0xffff;
	v47 =	vmax.f32 v26, $0.0e+00;
	v40 =	vmax.f32 v18, $0.0e+00;
	v49 =	vmax.f32 v19, $0.0e+00  }
0x310: {  	s20 =	simm.s32 $0x10;
	v29 =	vld.idx.msk [tilespmem:v42+s1+$0x0], $0xffff;
	v45 =	vmul.f32 $5.000000000e-01, v2;
	v42 =	vmul.f32 $5.000000000e-01, v3;
	[tilespmem:$0x1FF20] =	vst v8;
	v38 =	vmax.f32 v17, $0.0e+00  }
.LBB2_20:
0x311: {  	v3 =	vmul.f32 $5.000000000e-01, v39  }
0x312: {  	v39 =	vmul.f32 $5.000000000e-01, v30;
	v50 =	vmul.f32 $5.000000000e-01, v15  }
0x313: {  	v51 =	vmul.f32 $5.000000000e-01, v16;
	v52 =	vmul.f32 $5.000000000e-01, v17  }
0x314: {  	v36 =	vld.idx.msk [tilespmem:v36+s1+$0x0], $0xffff;
	v53 =	vmul.f32 $5.000000000e-01, v18;
	v55 =	vmul.f32 $5.000000000e-01, v26  }
0x315: {  	v30 =	vld.idx.msk [tilespmem:v41+s1+$0x0], $0xffff;
	v54 =	vadd.f32 v12, v10;
	v56 =	vmul.f32 $5.000000000e-01, v19;
	v32 =	vmul.f32 v33, v32  }
0x316: {  	v48 =	vld.idx.msk [tilespmem:v48+s1+$0x0], $0xffff;
	v57 =	vadd.f32 v11, v1;
	v31 =	vmul.f32 v34, v31;
	v34 =	vmul.f32 v49, v47  }
0x317: {  	v43 =	vld.idx.msk [tilespmem:v43+s1+$0x0], $0xffff;
	v54 =	vmul.f32 v54, v0;
	v59 =	vadd.f32 v23, v10;
	v60 =	vadd.f32 v25, v1  }
0x318: {  	v46 =	vld.idx.msk [tilespmem:v46+s1+$0x0], $0xffff;
	v2 =	vmax.f32 v28, $0.0e+00;
	v61 =	vadd.f32 v27, v10;
	v62 =	vadd.f32 v29, v1  }
0x319: {  	v44 =	vld.idx.msk [tilespmem:v44+s1+$0x0], $0xffff;
	v41 =	vmax.f32 v21, $0.0e+00;
	v13 =	vsub.f32 v36, v3;
	v3 =	vadd.f32 v3, v36  }
0x31a: {  	v58 =	vmul.f32 $5.000000000e-01, v28;
	v33 =	vsub.f32 v30, v39;
	v39 =	vadd.f32 v39, v30  }
0x31b: {  	[tilespmem:$0x1FF00] =	vst v63;
	v63 =	vmul.f32 $5.000000000e-01, v21;
	v47 =	vsub.f32 v48, v52;
	v49 =	vadd.f32 v52, v48  }
0x31c: {  	v2 =	vmul.f32 v41, v2;
	v41 =	vsub.f32 v43, v53;
	v52 =	vadd.f32 v53, v43  }
0x31d: {  	v57 =	vmul.f32 v57, v0;
	v53 =	vsub.f32 v46, v58;
	v58 =	vadd.f32 v58, v46  }
0x31e: {  	v8 =	vsub.f32 v44, v63;
	v63 =	vadd.f32 v63, v44;
	v61 =	vmul.f32 v61, v0  }
0x31f: {  	v2 =	vadd.f32 v2, v34;
	v34 =	vmul.f32 v59, v0;
	v59 =	vsub.f32 v54, v45  }
0x320: {  	v60 =	vmul.f32 v60, v0;
	v45 =	vadd.f32 v45, v54;
	v54 =	vsub.f32 v57, v42  }
0x321: {  	v42 =	vadd.f32 v42, v57;
	v57 =	vmul.f32 v62, v0;
	v62 =	vsub.f32 v61, v55  }
0x322: {  	v35 =	vmul.f32 v37, v35;
	v37 =	vadd.f32 v55, v61;
	v9 =	vsub.f32 v34, v50  }
0x323: {  	v34 =	vadd.f32 v50, v34;
	v50 =	vsub.f32 v60, v51  }
0x324: {  	v38 =	vmul.f32 v40, v38;
	v51 =	vadd.f32 v51, v60;
	v55 =	vsub.f32 v57, v56  }
0x325: {  	v57 =	vadd.f32 v56, v57;
	v3 =	vmin.f32 v45, v3;
	v13 =	vmax.f32 v59, v13  }
0x326: {  	v39 =	vmin.f32 v42, v39;
	v37 =	vmin.f32 v37, v58;
	v45 =	vmax.f32 v62, v53  }
0x327: {  	v34 =	vmin.f32 v34, v49;
	v40 =	vmin.f32 v57, v63;
	v8 =	vmax.f32 v55, v8  }
0x328: {  	v37 =	vsub.f32 v37, v45;
	v9 =	vmax.f32 v9, v47;
	v8 =	vsub.f32 v40, v8  }
0x329: {  	v49 =	vmin.f32 v51, v52;
	v50 =	vmax.f32 v50, v41;
	v9 =	vsub.f32 v34, v9  }
0x32a: {  	v34 =	vsub.f32 v49, v50;
	v37 =	vmax.f32 v37, $0.0e+00;
	v8 =	vmax.f32 v8, $0.0e+00  }
0x32b: {  	v3 =	vsub.f32 v3, v13;
	v13 =	vmax.f32 v54, v33;
	v8 =	vmul.f32 v8, v37  }
0x32c: {  	v13 =	vsub.f32 v39, v13;
	v9 =	vmax.f32 v9, $0.0e+00;
	v51 =	vmax.f32 v34, $0.0e+00  }
0x32d: {  	v52 =	vadd.f32 v38, v35;
	v9 =	vmul.f32 v51, v9;
	v2 =	vsub.f32 v2, v8  }
0x32e: {  	v31 =	vadd.f32 v31, v32;
	v3 =	vmax.f32 v3, $0.0e+00;
	v13 =	vmax.f32 v13, $0.0e+00  }
0x32f: {  	v3 =	vmul.f32 v13, v3;
	v53 =	vsub.f32 v52, v9;
	v2 =	vadd.f32 $1.000000010e-10, v2  }
0x330: {  	v26 =	vsub.f32 v26, v28  }
0x331: {  	v31 =	vsub.f32 v31, v3;
	v28 =	vadd.f32 $1.000000010e-10, v53;
	(erf) = vrcp.f32 v2  }
0x332: {  	v14 =	vld.idx.msk [tilespmem:v14+s1+$0x0], $0xffff  }
0x333: {  	v20 =	vld.idx.msk [tilespmem:v20+s1+$0x0], $0xffff;
	v31 =	vadd.f32 $1.000000010e-10, v31;
	(erf) = vrcp.f32 v28  }
0x334: {  	v54 =	vmul.f32 $2.800000000e+01, v44;
	v2 =	vld.idx.msk [tilespmem:v22+s1+$0x0], $0xffff  }
0x335: {  	v15 =	vsub.f32 v15, v17;
	v13 =	vmul.f32 $2.800000000e+01, v46;
	v22 =	vld.idx.msk [tilespmem:v24+s1+$0x0], $0xffff;
	(erf) = vrcp.f32 v31  }
0x336: {  	v16 =	vsub.f32 v16, v18;
	v24 =	vsub.f32 v54, v1  }
0x337: {  	v19 =	vsub.f32 v19, v21;
	v13 =	vsub.f32 v13, v10  }
0x338: {  	vm1 =	vgt.f32 v20, v14;
	vm4 =	vge.f32 v14, v20;
	v24 =	vsub.f32 v29, v24  }
0x339: {  	v62 =	vimm.f32 $0.0e+00;
	v13 =	vsub.f32 v27, v13;
	v27 =	vmul.f32 $2.800000000e+01, v30  }
0x33a: {  	v21 =	vmul.f32 v24, v24;
	vm0 =	vgt.f32 v22, v14;
	vm2 =	vgt.f32 v2, $0.0e+00;
	v2 =	vpop (erf)  }
0x33b: {  	vm3 =	vgt.f32 v22, v20;
	vm5 =	vge.f32 v14, v22;
	v2 =	vmul.f32 v2, v8  }
0x33c: {  	vm15 =	vge.f32 v20, v22;
	vm4 =	vmand vm4, vm5;
	vm1 =	vmand vm1, vm2;
	v8 =	vpop (erf)  }
0x33d: {  	vm4 =	vmand vm4, vm2;
	v8 =	vmul.f32 v8, v9;
	v2 =	vsub.f32 v14, v2  }
0x33e: {  	vm0 =	vmand vm0, vm3;
	vm1 =	vmand vm1, vm15;
	v9 =	vsel vm4, $0x3F800000, v62;
	v17 =	vpop (erf)  }
0x33f: {  	v3 =	vmul.f32 v17, v3;
	v8 =	vsub.f32 v20, v8;
	v18 =	vmul.f32 v2, v9  }
0x340: {  	v24 =	vsub.f32 v27, v1;
	vm0 =	vmand vm0, vm2;
	v27 =	vsel vm1, $0x3F800000, v62  }
0x341: {  	v3 =	vsub.f32 v22, v3;
	v2 =	vmul.f32 v18, v2;
	v18 =	vmul.f32 v8, v27  }
0x342: {  	v56 =	vmul.f32 $2.800000000e+01, v43;
	v29 =	vsel vm0, $0x3F800000, v62  }
0x343: {  	v2 =	vadd.f32 $0.0e+00, v2;
	v8 =	vmul.f32 v18, v8;
	v18 =	vmul.f32 v3, v29  }
0x344: {  	v55 =	vmul.f32 $2.800000000e+01, v48;
	v57 =	vsub.f32 v56, v1  }
0x345: {  	v15 =	vmul.f32 v15, v15;
	v2 =	vadd.f32 v8, v2;
	v3 =	vmul.f32 v18, v3  }
0x346: {  	v16 =	vmul.f32 v16, v16;
	v25 =	vsub.f32 v25, v57;
	v28 =	vsub.f32 v55, v10  }
0x347: {  	v26 =	vmul.f32 v26, v26;
	v58 =	vmul.f32 $2.800000000e+01, v36;
	v2 =	vadd.f32 v3, v2  }
0x348: {  	v61 =	vld [tilespmem:$0x1FFF0];
	v25 =	vmul.f32 v25, v25;
	v23 =	vsub.f32 v23, v28;
	v17 =	vsub.f32 $1.000000000e+00, v9  }
0x349: {  	v13 =	vmul.f32 v13, v13;
	v28 =	vsub.f32 v58, v10;
	v5 =	vadd.f32 v2, v5;
	v2 =	vld [tilespmem:$0x1FF10]  }
0x34a: {  	v23 =	vmul.f32 v23, v23;
	v17 =	vmul.f32 v17, v14  }
0x34b: {  	v12 =	vsub.f32 v12, v28;
	v30 =	vsub.f32 $1.000000000e+00, v27;
	v18 =	vmov s20  }
0x34c: {  	v17 =	vmul.f32 v17, v14;
	v8 =	vsub.f32 v11, v24;
	v3 =	vshll.u32 v18, $0x7  }
0x34d: {  	v11 =	vadd.f32 v21, v13;
	v13 =	vmul.f32 v19, v19;
	v3 =	vor.u32 v61, v3  }
0x34e: {  	v19 =	vmul.f32 v30, v20;
	v21 =	vsub.f32 $1.000000000e+00, v29;
	v14 =	vadd.s32 v2, v3  }
0x34f: {  	v24 =	vld [tilespmem:$0x1FF00];
	v2 =	vmul.f32 v12, v12;
	v3 =	vmul.f32 v8, v8;
	v8 =	vor.u32 $0xD, v14  }
0x350: {  	v12 =	vadd.f32 v13, v26;
	v13 =	vadd.f32 v16, v15;
	v15 =	vor.u32 $0xE, v14  }
0x351: {  	v17 =	vadd.f32 $0.0e+00, v17;
	v18 =	vadd.f32 v25, v23;
	v23 =	vor.u32 $0x1D, v14  }
0x352: {  	v19 =	vmul.f32 v19, v20;
	v20 =	vmul.f32 v21, v22;
	v16 =	vld [tilespmem:$0x1FF20];
	v25 =	vor.u32 $0x1E, v14  }
0x353: {  	v11 =	vmul.f32 v11, v9;
	v18 =	vmul.f32 v18, v27;
	v26 =	vor.u32 $0x8, v14  }
0x354: {  	v20 =	vmul.f32 v20, v22;
	v24 =	vmul.f32 v24, v24;
	v21 =	vor.u32 $0xC, v14;
	v8 =	vld.idx.msk [tilespmem:v8+s1+$0x0], $0xffff  }
0x355: {  	v11 =	vadd.f32 v18, v11;
	v22 =	vor.u32 $0x3, v14;
	v2 =	vadd.f32 v3, v2;
	v59 =	vld.idx.msk [tilespmem:v15+s1+$0x0], $0xffff  }
0x356: {  	v3 =	vor.u32 $0x9, v14;
	v9 =	vmul.f32 v12, v9;
	v12 =	vmul.f32 v13, v27;
	v39 =	vld.idx.msk [tilespmem:v23+s1+$0x0], $0xffff  }
0x357: {  	v13 =	vor.u32 $0xB, v14;
	v2 =	vmul.f32 v2, v29;
	v16 =	vmul.f32 v16, v16;
	v30 =	vld.idx.msk [tilespmem:v25+s1+$0x0], $0xffff  }
0x358: {  	v17 =	vadd.f32 v17, v19;
	v18 =	vor.u32 $0x18, v14;
	v19 =	vor.u32 $0x19, v14;
	v15 =	vld.idx.msk [tilespmem:v26+s1+$0x0], $0xffff  }
0x359: {  	v27 =	vor.u32 $0x1, v14;
	v2 =	vadd.f32 v2, v11;
	v11 =	vld.idx.msk [tilespmem:v21+s1+$0x0], $0xffff;
	v16 =	vadd.f32 v24, v16  }
0x35a: {  	v36 =	vor.u32 $0x1B, v14;
	v48 =	vor.u32 $0x16, v14;
	v41 =	vor.u32 $0x1C, v14;
	v26 =	vld.idx.msk [tilespmem:v22+s1+$0x0], $0xffff  }
0x35b: {  	v9 =	vadd.f32 v12, v9;
	v23 =	vmul.f32 v16, v29;
	v16 =	vld.idx.msk [tilespmem:v3+s1+$0x0], $0xffff;
	v3 =	vor.u32 $0x4, v14  }
0x35c: {  	v21 =	vor.u32 $0x13, v14;
	v12 =	vld.idx.msk [tilespmem:v13+s1+$0x0], $0xffff;
	v13 =	vadd.f32 v17, v20;
	v7 =	vadd.f32 v2, v7  }
0x35d: {  	v17 =	vld.idx.msk [tilespmem:v18+s1+$0x0], $0xffff;
	v2 =	vor.u32 $0x14, v14;
	v9 =	vadd.f32 v23, v9;
	v18 =	vsub.f32 v8, v39  }
0x35e: {  	v46 =	vor.u32 $0x11, v14;
	v27 =	vld.idx.msk [tilespmem:v27+s1+$0x0], $0xffff;
	v4 =	vadd.f32 v13, v4;
	v13 =	vor.u32 $0x6, v14  }
0x35f: {  	v44 =	vor.u32 $0x12, v14;
	[tilespmem:$0x1FF20] =	vst v18;
	v18 =	vld.idx.msk [tilespmem:v19+s1+$0x0], $0xffff;
	v6 =	vadd.f32 v9, v6;
	v9 =	vor.u32 $0x7, v14  }
0x360: {  	p0 =	sne.s32 s20, $0x30;
	v43 =	vor.u32 $0x17, v14;
	v22 =	vor.u32 $0x10, v14;
	v19 =	vld.idx.msk [tilespmem:v3+s1+$0x0], $0xffff;
	v3 =	vor.u32 $0x2, v14  }
.Ltmp9:
0x361: {  	v20 =	vor.u32 $0x5, v14;
	v24 =	vor.u32 $0xA, v14;
	v63 =	vsub.f32 v59, v30;
	v28 =	vld.idx.msk [tilespmem:v21+s1+$0x0], $0xffff;
	(pc) =	sbr.rel @p0 .LBB2_20-.Ltmp9, $4  }
0x362: {  	v32 =	vmax.f32 v8, $0.0e+00;
	v33 =	vmax.f32 v59, $0.0e+00;
	v31 =	vmax.f32 v39, $0.0e+00;
	v21 =	vld.idx.msk [tilespmem:v2+s1+$0x0], $0xffff  }
0x363: {  	v35 =	vmax.f32 v15, $0.0e+00;
	v34 =	vmax.f32 v30, $0.0e+00;
	v47 =	vmax.f32 v26, $0.0e+00;
	v23 =	vld.idx.msk [tilespmem:v13+s1+$0x0], $0xffff  }
0x364: {  	v45 =	vmul.f32 $5.000000000e-01, v8;
	v42 =	vmul.f32 $5.000000000e-01, v59;
	v38 =	vmax.f32 v17, $0.0e+00;
	v25 =	vld.idx.msk [tilespmem:v9+s1+$0x0], $0xffff  }
0x365: {  	s20 =	sadd.s32 $0x10, s20;
	v37 =	vmax.f32 v16, $0.0e+00;
	v40 =	vmax.f32 v18, $0.0e+00;
	v29 =	vld.idx.msk [tilespmem:v3+s1+$0x0], $0xffff;
	v49 =	vmax.f32 v19, $0.0e+00  }
0x366: {  	_ =	sdelay $0x3  }
0x367: {  	v2 =	vld.idx.msk [tilespmem:v36+s1+$0x0], $0xffff;
	v8 =	vmul.f32 $5.000000000e-01, v39;
	v13 =	vmul.f32 $5.000000000e-01, v15  }
0x368: {  	v3 =	vmax.f32 v28, $0.0e+00;
	v36 =	vmul.f32 $5.000000000e-01, v16;
	v39 =	vld.idx.msk [tilespmem:v48+s1+$0x0], $0xffff;
	v48 =	vmul.f32 $5.000000000e-01, v17  }
0x369: {  	v50 =	vadd.f32 v12, v10;
	v51 =	vmul.f32 $5.000000000e-01, v26;
	v52 =	vmul.f32 $5.000000000e-01, v19  }
0x36a: {  	v53 =	vadd.f32 v11, v1;
	v55 =	vmul.f32 $5.000000000e-01, v28;
	v57 =	vadd.f32 v27, v10  }
0x36b: {  	v32 =	vmul.f32 v33, v32;
	v31 =	vmul.f32 v34, v31;
	v9 =	vmax.f32 v21, $0.0e+00  }
0x36c: {  	v47 =	vmul.f32 v49, v47;
	v54 =	vadd.f32 v23, v10;
	v3 =	vmul.f32 v9, v3  }
0x36d: {  	v60 =	vmul.f32 v50, v0;
	v53 =	vmul.f32 v53, v0;
	v31 =	vadd.f32 v31, v32  }
0x36e: {  	v46 =	vld.idx.msk [tilespmem:v46+s1+$0x0], $0xffff;
	v57 =	vmul.f32 v57, v0;
	v56 =	vadd.f32 v25, v1;
	v58 =	vadd.f32 v29, v1  }
0x36f: {  	v14 =	vld.idx.msk [tilespmem:v14+s1+$0x0], $0xffff;
	v3 =	vadd.f32 v3, v47;
	v47 =	vmul.f32 v54, v0;
	v54 =	vsub.f32 v60, v45  }
0x370: {  	v35 =	vmul.f32 v37, v35;
	v24 =	vld.idx.msk [tilespmem:v24+s1+$0x0], $0xffff;
	v9 =	vadd.f32 v45, v60;
	v45 =	vsub.f32 v53, v42  }
0x371: {  	v38 =	vmul.f32 v40, v38;
	v42 =	vadd.f32 v42, v53;
	v37 =	vadd.f32 v51, v57  }
0x372: {  	v30 =	vmul.f32 $5.000000000e-01, v30;
	v59 =	vadd.f32 v8, v2;
	v49 =	vadd.f32 v48, v39  }
0x373: {  	v50 =	vsub.f32 v46, v55;
	v55 =	vadd.f32 v55, v46;
	v56 =	vmul.f32 v56, v0  }
0x374: {  	v48 =	vsub.f32 v39, v48;
	v8 =	vsub.f32 v2, v8;
	v2 =	vmul.f32 $2.800000000e+01, v2  }
0x375: {  	v41 =	vld.idx.msk [tilespmem:v41+s1+$0x0], $0xffff;
	vm0 =	vgt.f32 v24, v14;
	vm2 =	vge.f32 v14, v24;
	v60 =	vsub.f32 v47, v13  }
0x376: {  	v44 =	vld.idx.msk [tilespmem:v44+s1+$0x0], $0xffff;
	v53 =	vmul.f32 v58, v0;
	v13 =	vadd.f32 v13, v47;
	v47 =	vsub.f32 v56, v36  }
0x377: {  	v58 =	vmul.f32 $5.000000000e-01, v21;
	v36 =	vadd.f32 v36, v56;
	v56 =	vsub.f32 v57, v51  }
0x378: {  	v9 =	vmin.f32 v9, v59;
	v8 =	vmax.f32 v54, v8;
	v54 =	vadd.f32 v38, v35  }
0x379: {  	v37 =	vmin.f32 v37, v55;
	v55 =	vsub.f32 v26, v28;
	v2 =	vsub.f32 v2, v10  }
0x37a: {  	v40 =	vld.idx.msk [tilespmem:v43+s1+$0x0], $0xffff;
	v38 =	vmul.f32 $2.800000000e+01, v41;
	v51 =	vsub.f32 v53, v52;
	v43 =	vadd.f32 v52, v53  }
0x37b: {  	v57 =	vadd.f32 v58, v44;
	v59 =	vsub.f32 v44, v58;
	v13 =	vmin.f32 v13, v49  }
0x37c: {  	v58 =	vmul.f32 $5.000000000e-01, v18;
	v48 =	vmax.f32 v60, v48;
	v60 =	vadd.f32 v30, v41  }
0x37d: {  	v30 =	vsub.f32 v41, v30;
	v8 =	vsub.f32 v9, v8;
	v56 =	vmax.f32 v56, v50  }
0x37e: {  	v13 =	vsub.f32 v13, v48;
	v2 =	vsub.f32 v12, v2;
	v43 =	vmin.f32 v43, v57  }
0x37f: {  	v57 =	vmax.f32 v51, v59;
	v37 =	vsub.f32 v37, v56;
	v59 =	vsub.f32 v40, v58  }
0x380: {  	v51 =	vadd.f32 v58, v40;
	v42 =	vmin.f32 v42, v60;
	v30 =	vmax.f32 v45, v30  }
0x381: {  	v8 =	vmax.f32 v8, $0.0e+00;
	v56 =	vmul.f32 $2.800000000e+01, v46;
	v58 =	vmul.f32 $2.800000000e+01, v39  }
0x382: {  	v39 =	vsub.f32 v15, v17;
	v43 =	vsub.f32 v43, v57;
	v52 =	vmax.f32 v13, $0.0e+00  }
0x383: {  	v57 =	vmul.f32 $2.800000000e+01, v44;
	v36 =	vmin.f32 v36, v51;
	v47 =	vmax.f32 v47, v59  }
0x384: {  	v37 =	vmax.f32 v37, $0.0e+00;
	v36 =	vsub.f32 v36, v47;
	v43 =	vmax.f32 v43, $0.0e+00  }
0x385: {  	v30 =	vsub.f32 v42, v30;
	v2 =	vmul.f32 v2, v2;
	v37 =	vmul.f32 v43, v37  }
0x386: {  	v59 =	vmul.f32 $2.800000000e+01, v40;
	v26 =	vsub.f32 v56, v10;
	v53 =	vmax.f32 v36, $0.0e+00  }
0x387: {  	v60 =	vsub.f32 v58, v10;
	v9 =	vmul.f32 v53, v52;
	v3 =	vsub.f32 v3, v37  }
0x388: {  	v40 =	vsub.f32 v16, v18;
	v30 =	vmax.f32 v30, $0.0e+00;
	v28 =	vsub.f32 v57, v1  }
0x389: {  	v8 =	vmul.f32 v30, v8;
	v13 =	vsub.f32 v54, v9;
	v3 =	vadd.f32 $1.000000010e-10, v3  }
0x38a: {  	v15 =	vmul.f32 v39, v39;
	v33 =	vsub.f32 v59, v1;
	v26 =	vsub.f32 v27, v26  }
0x38b: {  	v57 =	vld [tilespmem:$0x1FF20];
	v13 =	vadd.f32 $1.000000010e-10, v13;
	(erf) = vrcp.f32 v3;
	v3 =	vsub.f32 v31, v8  }
0x38c: {  	v22 =	vld.idx.msk [tilespmem:v22+s1+$0x0], $0xffff;
	v16 =	vmul.f32 v40, v40;
	v34 =	vsub.f32 v29, v28;
	v36 =	vsub.f32 v19, v21  }
0x38d: {  	v19 =	vsub.f32 v38, v1;
	(erf) = vrcp.f32 v13;
	v3 =	vadd.f32 $1.000000010e-10, v3  }
0x38e: {  	v35 =	vsub.f32 v25, v33;
	v48 =	vmul.f32 v26, v26;
	v56 =	vadd.f32 v16, v15  }
0x38f: {  	v51 =	vmul.f32 v34, v34;
	v54 =	vsub.f32 v11, v19;
	(erf) = vrcp.f32 v3;
	v3 =	vld.idx.msk [tilespmem:v20+s1+$0x0], $0xffff  }
0x390: {  	v10 =	vmul.f32 v36, v36;
	v15 =	vmul.f32 v57, v57;
	v20 =	vsub.f32 v23, v60  }
0x391: {  	vm4 =	vgt.f32 v22, $0.0e+00;
	v11 =	vmul.f32 v54, v54;
	v13 =	vmul.f32 v55, v55  }
0x392: {  	v55 =	vadd.f32 v51, v48;
	v23 =	vmul.f32 v35, v35;
	v20 =	vmul.f32 v20, v20  }
0x393: {  	v2 =	vadd.f32 v11, v2;
	v10 =	vadd.f32 v10, v13;
	v60 =	vmul.f32 v63, v63  }
0x394: {  	v20 =	vadd.f32 v23, v20;
	v41 =	vpop (erf);
	vm1 =	vge.f32 v14, v3;
	vm3 =	vgt.f32 v3, v14  }
0x395: {  	vm13 =	vge.f32 v3, v24;
	vm15 =	vgt.f32 v24, v3;
	v17 =	vmul.f32 v41, v37  }
0x396: {  	vm1 =	vmand vm1, vm2;
	vm3 =	vmand vm3, vm4;
	vm0 =	vmand vm0, vm15;
	v42 =	vpop (erf)  }
0x397: {  	vm1 =	vmand vm1, vm4;
	v17 =	vsub.f32 v14, v17;
	v9 =	vmul.f32 v42, v9  }
0x398: {  	vm14 =	vmand vm3, vm13;
	vm0 =	vmand vm0, vm4;
	v43 =	vsel vm1, $0x3F800000, v62  }
0x399: {  	v46 =	vsel vm14, $0x3F800000, v62;
	v45 =	vmul.f32 v17, v43;
	v9 =	vsub.f32 v3, v9  }
0x39a: {  	v50 =	vsel vm0, $0x3F800000, v62;
	v49 =	vsub.f32 $1.000000000e+00, v43;
	v59 =	vmul.f32 v55, v43  }
0x39b: {  	v44 =	vpop (erf);
	v53 =	vsub.f32 $1.000000000e+00, v46;
	v17 =	vmul.f32 v45, v17;
	v47 =	vmul.f32 v9, v46  }
0x39c: {  	v58 =	vsub.f32 $1.000000000e+00, v50;
	v10 =	vmul.f32 v10, v43;
	v8 =	vmul.f32 v44, v8  }
0x39d: {  	v22 =	vmul.f32 v49, v14;
	v17 =	vadd.f32 $0.0e+00, v17;
	v9 =	vmul.f32 v47, v9  }
0x39e: {  	v62 =	vmul.f32 v20, v46;
	v13 =	vmul.f32 v56, v46;
	v8 =	vsub.f32 v24, v8  }
0x39f: {  	v14 =	vmul.f32 v22, v14;
	v9 =	vadd.f32 v9, v17;
	v17 =	vmul.f32 v53, v3  }
0x3a0: {  	v15 =	vadd.f32 v60, v15;
	v2 =	vmul.f32 v2, v50;
	v11 =	vmul.f32 v58, v24  }
0x3a1: {  	s19 =	sadd.s32 $0x1, s19;
	v52 =	vmul.f32 v8, v50;
	v14 =	vadd.f32 $0.0e+00, v14;
	v3 =	vmul.f32 v17, v3  }
0x3a2: {  	p0 =	sne.s32 s19, $0x4;
	v12 =	vmul.f32 v15, v50;
	v16 =	vadd.f32 v62, v59;
	v10 =	vadd.f32 v13, v10  }
.Ltmp10:
0x3a3: {  	v11 =	vmul.f32 v11, v24;
	v8 =	vmul.f32 v52, v8;
	v3 =	vadd.f32 v14, v3;
	(pc) =	sbr.rel @p0 .LBB2_19-.Ltmp10, $4  }
0x3a4: {  	v2 =	vadd.f32 v2, v16;
	v63 =	vadd.f32 v12, v10  }
0x3a5: {  	v8 =	vadd.f32 v8, v9;
	v3 =	vadd.f32 v3, v11  }
0x3a6: {  	v7 =	vadd.f32 v2, v7;
	v6 =	vadd.f32 v63, v6  }
0x3a7: {  	v5 =	vadd.f32 v8, v5;
	v4 =	vadd.f32 v3, v4  }
0x3a8: {  	s18 =	simm.s32 $0x0  }
0x3a9: {  	[tilespmem:s18], [sflag:$0x1] =	stream.linear.gather [hbm4b:s8+s18], $0x8000, $0x38;
	[tilespmem:$0x10080] =	vst v63  }
0x3aa: {  	_ =	swait.ge [sflag:s14], $0x8000  }
0x3ab: {  	[sflag:s14] =	ssyncset.done $0x0  }
0x3ac: {  	s19 =	simm.s32 $0x0;
	[sflag:s14] =	ssyncadd.s32 $0xFFFF8000  }
.LBB2_23:
0x3ad: {  	v2 =	vmov s18  }
0x3ae: {  	s20 =	sshll.u32 s19, $0xD;
	v2 =	vshll.u32 v2, $0x7  }
0x3af: {  	v3 =	vmov s20;
	v2 =	vor.u32 v61, v2  }
0x3b0: {  	v14 =	vadd.s32 v3, v2  }
0x3b1: {  	v2 =	vor.u32 $0xD, v14  }
0x3b2: {  	[tilespmem:$0x1FEE0] =	vst v3;
	v3 =	vor.u32 $0xE, v14  }
0x3b3: {  	v8 =	vor.u32 $0x1D, v14  }
0x3b4: {  	v9 =	vor.u32 $0x1E, v14  }
0x3b5: {  	v10 =	vor.u32 $0x8, v14  }
0x3b6: {  	v11 =	vor.u32 $0x9, v14;
	v2 =	vld.idx.msk [tilespmem:v2+s12+$0x0], $0xffff  }
0x3b7: {  	v12 =	vor.u32 $0xB, v14;
	v3 =	vld.idx.msk [tilespmem:v3+s12+$0x0], $0xffff  }
0x3b8: {  	v17 =	vor.u32 $0xC, v14;
	v39 =	vld.idx.msk [tilespmem:v8+s12+$0x0], $0xffff  }
0x3b9: {  	v18 =	vor.u32 $0x19, v14;
	v30 =	vld.idx.msk [tilespmem:v9+s12+$0x0], $0xffff  }
0x3ba: {  	v19 =	vor.u32 $0x3, v14;
	v15 =	vld.idx.msk [tilespmem:v10+s12+$0x0], $0xffff  }
0x3bb: {  	v21 =	vor.u32 $0x4, v14;
	v16 =	vld.idx.msk [tilespmem:v11+s12+$0x0], $0xffff  }
0x3bc: {  	v23 =	vor.u32 $0x13, v14;
	v12 =	vld.idx.msk [tilespmem:v12+s12+$0x0], $0xffff  }
0x3bd: {  	v25 =	vor.u32 $0x14, v14;
	v8 =	vor.u32 $0x18, v14;
	v11 =	vld.idx.msk [tilespmem:v17+s12+$0x0], $0xffff  }
0x3be: {  	s31 =	scvt.s32.f32 s19;
	v27 =	vor.u32 $0x6, v14;
	v20 =	vor.u32 $0x5, v14;
	v29 =	vor.u32 $0x7, v14;
	v18 =	vld.idx.msk [tilespmem:v18+s12+$0x0], $0xffff  }
0x3bf: {  	v22 =	vor.u32 $0x10, v14;
	v38 =	vor.u32 $0x1, v14;
	v24 =	vor.u32 $0xA, v14;
	v26 =	vld.idx.msk [tilespmem:v19+s12+$0x0], $0xffff  }
0x3c0: {  	v36 =	vor.u32 $0x1B, v14;
	v42 =	vor.u32 $0x2, v14;
	v9 =	vmov s31;
	v19 =	vld.idx.msk [tilespmem:v21+s12+$0x0], $0xffff  }
0x3c1: {  	v48 =	vor.u32 $0x16, v14;
	v41 =	vor.u32 $0x1C, v14;
	v28 =	vld.idx.msk [tilespmem:v23+s12+$0x0], $0xffff;
	v9 =	vadd.f32 $2.000000000e+01, v9  }
0x3c2: {  	v46 =	vor.u32 $0x11, v14;
	v44 =	vor.u32 $0x12, v14;
	v43 =	vor.u32 $0x17, v14;
	v17 =	vld.idx.msk [tilespmem:v8+s12+$0x0], $0xffff  }
0x3c3: {  	v21 =	vld.idx.msk [tilespmem:v25+s12+$0x0], $0xffff;
	v10 =	vbroadcast v9, $0x0;
	v8 =	vsub.f32 v2, v39;
	v63 =	vsub.f32 v3, v30  }
0x3c4: {  	v23 =	vld.idx.msk [tilespmem:v27+s12+$0x0], $0xffff;
	v32 =	vmax.f32 v2, $0.0e+00;
	v33 =	vmax.f32 v3, $0.0e+00;
	v31 =	vmax.f32 v39, $0.0e+00  }
0x3c5: {  	v25 =	vld.idx.msk [tilespmem:v29+s12+$0x0], $0xffff;
	v35 =	vmax.f32 v15, $0.0e+00;
	v37 =	vmax.f32 v16, $0.0e+00;
	v34 =	vmax.f32 v30, $0.0e+00  }
0x3c6: {  	v27 =	vld.idx.msk [tilespmem:v38+s12+$0x0], $0xffff;
	v47 =	vmax.f32 v26, $0.0e+00;
	v40 =	vmax.f32 v18, $0.0e+00;
	v49 =	vmax.f32 v19, $0.0e+00  }
0x3c7: {  	s20 =	simm.s32 $0x10;
	v29 =	vld.idx.msk [tilespmem:v42+s12+$0x0], $0xffff;
	v45 =	vmul.f32 $5.000000000e-01, v2;
	v42 =	vmul.f32 $5.000000000e-01, v3;
	[tilespmem:$0x1FEF0] =	vst v8;
	v38 =	vmax.f32 v17, $0.0e+00  }
.LBB2_24:
0x3c8: {  	v3 =	vmul.f32 $5.000000000e-01, v39  }
0x3c9: {  	v39 =	vmul.f32 $5.000000000e-01, v30;
	v50 =	vmul.f32 $5.000000000e-01, v15  }
0x3ca: {  	v51 =	vmul.f32 $5.000000000e-01, v16;
	v52 =	vmul.f32 $5.000000000e-01, v17  }
0x3cb: {  	v36 =	vld.idx.msk [tilespmem:v36+s12+$0x0], $0xffff;
	v53 =	vmul.f32 $5.000000000e-01, v18;
	v55 =	vmul.f32 $5.000000000e-01, v26  }
0x3cc: {  	v30 =	vld.idx.msk [tilespmem:v41+s12+$0x0], $0xffff;
	v54 =	vadd.f32 v12, v10;
	v56 =	vmul.f32 $5.000000000e-01, v19;
	v32 =	vmul.f32 v33, v32  }
0x3cd: {  	v48 =	vld.idx.msk [tilespmem:v48+s12+$0x0], $0xffff;
	v57 =	vadd.f32 v11, v1;
	v31 =	vmul.f32 v34, v31;
	v34 =	vmul.f32 v49, v47  }
0x3ce: {  	v43 =	vld.idx.msk [tilespmem:v43+s12+$0x0], $0xffff;
	v54 =	vmul.f32 v54, v0;
	v59 =	vadd.f32 v23, v10;
	v60 =	vadd.f32 v25, v1  }
0x3cf: {  	v46 =	vld.idx.msk [tilespmem:v46+s12+$0x0], $0xffff;
	v2 =	vmax.f32 v28, $0.0e+00;
	v61 =	vadd.f32 v27, v10;
	v62 =	vadd.f32 v29, v1  }
0x3d0: {  	v44 =	vld.idx.msk [tilespmem:v44+s12+$0x0], $0xffff;
	v41 =	vmax.f32 v21, $0.0e+00;
	v13 =	vsub.f32 v36, v3;
	v3 =	vadd.f32 v3, v36  }
0x3d1: {  	v58 =	vmul.f32 $5.000000000e-01, v28;
	v33 =	vsub.f32 v30, v39;
	v39 =	vadd.f32 v39, v30  }
0x3d2: {  	[tilespmem:$0x1FED0] =	vst v63;
	v63 =	vmul.f32 $5.000000000e-01, v21;
	v47 =	vsub.f32 v48, v52;
	v49 =	vadd.f32 v52, v48  }
0x3d3: {  	v2 =	vmul.f32 v41, v2;
	v41 =	vsub.f32 v43, v53;
	v52 =	vadd.f32 v53, v43  }
0x3d4: {  	v57 =	vmul.f32 v57, v0;
	v53 =	vsub.f32 v46, v58;
	v58 =	vadd.f32 v58, v46  }
0x3d5: {  	v8 =	vsub.f32 v44, v63;
	v63 =	vadd.f32 v63, v44;
	v61 =	vmul.f32 v61, v0  }
0x3d6: {  	v2 =	vadd.f32 v2, v34;
	v34 =	vmul.f32 v59, v0;
	v59 =	vsub.f32 v54, v45  }
0x3d7: {  	v60 =	vmul.f32 v60, v0;
	v45 =	vadd.f32 v45, v54;
	v54 =	vsub.f32 v57, v42  }
0x3d8: {  	v42 =	vadd.f32 v42, v57;
	v57 =	vmul.f32 v62, v0;
	v62 =	vsub.f32 v61, v55  }
0x3d9: {  	v35 =	vmul.f32 v37, v35;
	v37 =	vadd.f32 v55, v61;
	v9 =	vsub.f32 v34, v50  }
0x3da: {  	v34 =	vadd.f32 v50, v34;
	v50 =	vsub.f32 v60, v51  }
0x3db: {  	v38 =	vmul.f32 v40, v38;
	v51 =	vadd.f32 v51, v60;
	v55 =	vsub.f32 v57, v56  }
0x3dc: {  	v57 =	vadd.f32 v56, v57;
	v3 =	vmin.f32 v45, v3;
	v13 =	vmax.f32 v59, v13  }
0x3dd: {  	v39 =	vmin.f32 v42, v39;
	v37 =	vmin.f32 v37, v58;
	v45 =	vmax.f32 v62, v53  }
0x3de: {  	v34 =	vmin.f32 v34, v49;
	v40 =	vmin.f32 v57, v63;
	v8 =	vmax.f32 v55, v8  }
0x3df: {  	v37 =	vsub.f32 v37, v45;
	v9 =	vmax.f32 v9, v47;
	v8 =	vsub.f32 v40, v8  }
0x3e0: {  	v49 =	vmin.f32 v51, v52;
	v50 =	vmax.f32 v50, v41;
	v9 =	vsub.f32 v34, v9  }
0x3e1: {  	v34 =	vsub.f32 v49, v50;
	v37 =	vmax.f32 v37, $0.0e+00;
	v8 =	vmax.f32 v8, $0.0e+00  }
0x3e2: {  	v3 =	vsub.f32 v3, v13;
	v13 =	vmax.f32 v54, v33;
	v8 =	vmul.f32 v8, v37  }
0x3e3: {  	v13 =	vsub.f32 v39, v13;
	v9 =	vmax.f32 v9, $0.0e+00;
	v51 =	vmax.f32 v34, $0.0e+00  }
0x3e4: {  	v52 =	vadd.f32 v38, v35;
	v9 =	vmul.f32 v51, v9;
	v2 =	vsub.f32 v2, v8  }
0x3e5: {  	v31 =	vadd.f32 v31, v32;
	v3 =	vmax.f32 v3, $0.0e+00;
	v13 =	vmax.f32 v13, $0.0e+00  }
0x3e6: {  	v3 =	vmul.f32 v13, v3;
	v53 =	vsub.f32 v52, v9;
	v2 =	vadd.f32 $1.000000010e-10, v2  }
0x3e7: {  	v26 =	vsub.f32 v26, v28  }
0x3e8: {  	v31 =	vsub.f32 v31, v3;
	v28 =	vadd.f32 $1.000000010e-10, v53;
	(erf) = vrcp.f32 v2  }
0x3e9: {  	v14 =	vld.idx.msk [tilespmem:v14+s12+$0x0], $0xffff  }
0x3ea: {  	v20 =	vld.idx.msk [tilespmem:v20+s12+$0x0], $0xffff;
	v31 =	vadd.f32 $1.000000010e-10, v31;
	(erf) = vrcp.f32 v28  }
0x3eb: {  	v54 =	vmul.f32 $2.800000000e+01, v44;
	v2 =	vld.idx.msk [tilespmem:v22+s12+$0x0], $0xffff  }
0x3ec: {  	v15 =	vsub.f32 v15, v17;
	v13 =	vmul.f32 $2.800000000e+01, v46;
	v22 =	vld.idx.msk [tilespmem:v24+s12+$0x0], $0xffff;
	(erf) = vrcp.f32 v31  }
0x3ed: {  	v16 =	vsub.f32 v16, v18;
	v24 =	vsub.f32 v54, v1  }
0x3ee: {  	v19 =	vsub.f32 v19, v21;
	v13 =	vsub.f32 v13, v10  }
0x3ef: {  	vm1 =	vgt.f32 v20, v14;
	vm4 =	vge.f32 v14, v20;
	v24 =	vsub.f32 v29, v24  }
0x3f0: {  	v62 =	vimm.f32 $0.0e+00;
	v13 =	vsub.f32 v27, v13;
	v27 =	vmul.f32 $2.800000000e+01, v30  }
0x3f1: {  	v21 =	vmul.f32 v24, v24;
	vm0 =	vgt.f32 v22, v14;
	vm2 =	vgt.f32 v2, $0.0e+00;
	v2 =	vpop (erf)  }
0x3f2: {  	vm3 =	vgt.f32 v22, v20;
	vm5 =	vge.f32 v14, v22;
	v2 =	vmul.f32 v2, v8  }
0x3f3: {  	vm15 =	vge.f32 v20, v22;
	vm4 =	vmand vm4, vm5;
	vm1 =	vmand vm1, vm2;
	v8 =	vpop (erf)  }
0x3f4: {  	vm4 =	vmand vm4, vm2;
	v8 =	vmul.f32 v8, v9;
	v2 =	vsub.f32 v14, v2  }
0x3f5: {  	vm0 =	vmand vm0, vm3;
	vm1 =	vmand vm1, vm15;
	v9 =	vsel vm4, $0x3F800000, v62;
	v17 =	vpop (erf)  }
0x3f6: {  	v3 =	vmul.f32 v17, v3;
	v8 =	vsub.f32 v20, v8;
	v18 =	vmul.f32 v2, v9  }
0x3f7: {  	v24 =	vsub.f32 v27, v1;
	vm0 =	vmand vm0, vm2;
	v27 =	vsel vm1, $0x3F800000, v62  }
0x3f8: {  	v3 =	vsub.f32 v22, v3;
	v2 =	vmul.f32 v18, v2;
	v18 =	vmul.f32 v8, v27  }
0x3f9: {  	v56 =	vmul.f32 $2.800000000e+01, v43;
	v29 =	vsel vm0, $0x3F800000, v62  }
0x3fa: {  	v2 =	vadd.f32 $0.0e+00, v2;
	v8 =	vmul.f32 v18, v8;
	v18 =	vmul.f32 v3, v29  }
0x3fb: {  	v55 =	vmul.f32 $2.800000000e+01, v48;
	v57 =	vsub.f32 v56, v1  }
0x3fc: {  	v15 =	vmul.f32 v15, v15;
	v2 =	vadd.f32 v8, v2;
	v3 =	vmul.f32 v18, v3  }
0x3fd: {  	v16 =	vmul.f32 v16, v16;
	v25 =	vsub.f32 v25, v57;
	v28 =	vsub.f32 v55, v10  }
0x3fe: {  	v26 =	vmul.f32 v26, v26;
	v58 =	vmul.f32 $2.800000000e+01, v36;
	v2 =	vadd.f32 v3, v2  }
0x3ff: {  	v61 =	vld [tilespmem:$0x1FFF0];
	v25 =	vmul.f32 v25, v25;
	v23 =	vsub.f32 v23, v28;
	v17 =	vsub.f32 $1.000000000e+00, v9  }
0x400: {  	v13 =	vmul.f32 v13, v13;
	v28 =	vsub.f32 v58, v10;
	v5 =	vadd.f32 v2, v5;
	v2 =	vld [tilespmem:$0x1FEE0]  }
0x401: {  	v23 =	vmul.f32 v23, v23;
	v17 =	vmul.f32 v17, v14  }
0x402: {  	v12 =	vsub.f32 v12, v28;
	v30 =	vsub.f32 $1.000000000e+00, v27;
	v18 =	vmov s20  }
0x403: {  	v17 =	vmul.f32 v17, v14;
	v8 =	vsub.f32 v11, v24;
	v3 =	vshll.u32 v18, $0x7  }
0x404: {  	v11 =	vadd.f32 v21, v13;
	v13 =	vmul.f32 v19, v19;
	v3 =	vor.u32 v61, v3  }
0x405: {  	v19 =	vmul.f32 v30, v20;
	v21 =	vsub.f32 $1.000000000e+00, v29;
	v14 =	vadd.s32 v2, v3  }
0x406: {  	v24 =	vld [tilespmem:$0x1FED0];
	v2 =	vmul.f32 v12, v12;
	v3 =	vmul.f32 v8, v8;
	v8 =	vor.u32 $0xD, v14  }
0x407: {  	v12 =	vadd.f32 v13, v26;
	v13 =	vadd.f32 v16, v15;
	v15 =	vor.u32 $0xE, v14  }
0x408: {  	v17 =	vadd.f32 $0.0e+00, v17;
	v18 =	vadd.f32 v25, v23;
	v23 =	vor.u32 $0x1D, v14  }
0x409: {  	v19 =	vmul.f32 v19, v20;
	v20 =	vmul.f32 v21, v22;
	v16 =	vld [tilespmem:$0x1FEF0];
	v25 =	vor.u32 $0x1E, v14  }
0x40a: {  	v11 =	vmul.f32 v11, v9;
	v18 =	vmul.f32 v18, v27;
	v26 =	vor.u32 $0x8, v14  }
0x40b: {  	v20 =	vmul.f32 v20, v22;
	v24 =	vmul.f32 v24, v24;
	v21 =	vor.u32 $0xC, v14;
	v8 =	vld.idx.msk [tilespmem:v8+s12+$0x0], $0xffff  }
0x40c: {  	v11 =	vadd.f32 v18, v11;
	v22 =	vor.u32 $0x3, v14;
	v2 =	vadd.f32 v3, v2;
	v59 =	vld.idx.msk [tilespmem:v15+s12+$0x0], $0xffff  }
0x40d: {  	v3 =	vor.u32 $0x9, v14;
	v9 =	vmul.f32 v12, v9;
	v12 =	vmul.f32 v13, v27;
	v39 =	vld.idx.msk [tilespmem:v23+s12+$0x0], $0xffff  }
0x40e: {  	v13 =	vor.u32 $0xB, v14;
	v2 =	vmul.f32 v2, v29;
	v16 =	vmul.f32 v16, v16;
	v30 =	vld.idx.msk [tilespmem:v25+s12+$0x0], $0xffff  }
0x40f: {  	v17 =	vadd.f32 v17, v19;
	v18 =	vor.u32 $0x18, v14;
	v19 =	vor.u32 $0x19, v14;
	v15 =	vld.idx.msk [tilespmem:v26+s12+$0x0], $0xffff  }
0x410: {  	v27 =	vor.u32 $0x1, v14;
	v2 =	vadd.f32 v2, v11;
	v11 =	vld.idx.msk [tilespmem:v21+s12+$0x0], $0xffff;
	v16 =	vadd.f32 v24, v16  }
0x411: {  	v36 =	vor.u32 $0x1B, v14;
	v48 =	vor.u32 $0x16, v14;
	v41 =	vor.u32 $0x1C, v14;
	v26 =	vld.idx.msk [tilespmem:v22+s12+$0x0], $0xffff  }
0x412: {  	v9 =	vadd.f32 v12, v9;
	v23 =	vmul.f32 v16, v29;
	v16 =	vld.idx.msk [tilespmem:v3+s12+$0x0], $0xffff;
	v3 =	vor.u32 $0x4, v14  }
0x413: {  	v21 =	vor.u32 $0x13, v14;
	v12 =	vld.idx.msk [tilespmem:v13+s12+$0x0], $0xffff;
	v13 =	vadd.f32 v17, v20;
	v7 =	vadd.f32 v2, v7  }
0x414: {  	v17 =	vld.idx.msk [tilespmem:v18+s12+$0x0], $0xffff;
	v2 =	vor.u32 $0x14, v14;
	v9 =	vadd.f32 v23, v9;
	v18 =	vsub.f32 v8, v39  }
0x415: {  	v46 =	vor.u32 $0x11, v14;
	v27 =	vld.idx.msk [tilespmem:v27+s12+$0x0], $0xffff;
	v4 =	vadd.f32 v13, v4;
	v13 =	vor.u32 $0x6, v14  }
0x416: {  	v44 =	vor.u32 $0x12, v14;
	[tilespmem:$0x1FEF0] =	vst v18;
	v18 =	vld.idx.msk [tilespmem:v19+s12+$0x0], $0xffff;
	v6 =	vadd.f32 v9, v6;
	v9 =	vor.u32 $0x7, v14  }
0x417: {  	p0 =	sne.s32 s20, $0x30;
	v43 =	vor.u32 $0x17, v14;
	v22 =	vor.u32 $0x10, v14;
	v19 =	vld.idx.msk [tilespmem:v3+s12+$0x0], $0xffff;
	v3 =	vor.u32 $0x2, v14  }
.Ltmp11:
0x418: {  	v20 =	vor.u32 $0x5, v14;
	v24 =	vor.u32 $0xA, v14;
	v63 =	vsub.f32 v59, v30;
	v28 =	vld.idx.msk [tilespmem:v21+s12+$0x0], $0xffff;
	(pc) =	sbr.rel @p0 .LBB2_24-.Ltmp11, $4  }
0x419: {  	v32 =	vmax.f32 v8, $0.0e+00;
	v33 =	vmax.f32 v59, $0.0e+00;
	v31 =	vmax.f32 v39, $0.0e+00;
	v21 =	vld.idx.msk [tilespmem:v2+s12+$0x0], $0xffff  }
0x41a: {  	v35 =	vmax.f32 v15, $0.0e+00;
	v34 =	vmax.f32 v30, $0.0e+00;
	v47 =	vmax.f32 v26, $0.0e+00;
	v23 =	vld.idx.msk [tilespmem:v13+s12+$0x0], $0xffff  }
0x41b: {  	v45 =	vmul.f32 $5.000000000e-01, v8;
	v42 =	vmul.f32 $5.000000000e-01, v59;
	v38 =	vmax.f32 v17, $0.0e+00;
	v25 =	vld.idx.msk [tilespmem:v9+s12+$0x0], $0xffff  }
0x41c: {  	s20 =	sadd.s32 $0x10, s20;
	v37 =	vmax.f32 v16, $0.0e+00;
	v40 =	vmax.f32 v18, $0.0e+00;
	v29 =	vld.idx.msk [tilespmem:v3+s12+$0x0], $0xffff;
	v49 =	vmax.f32 v19, $0.0e+00  }
0x41d: {  	_ =	sdelay $0x3  }
0x41e: {  	v2 =	vld.idx.msk [tilespmem:v36+s12+$0x0], $0xffff;
	v8 =	vmul.f32 $5.000000000e-01, v39;
	v13 =	vmul.f32 $5.000000000e-01, v15  }
0x41f: {  	v3 =	vmax.f32 v28, $0.0e+00;
	v36 =	vmul.f32 $5.000000000e-01, v16;
	v39 =	vld.idx.msk [tilespmem:v48+s12+$0x0], $0xffff;
	v48 =	vmul.f32 $5.000000000e-01, v17  }
0x420: {  	v50 =	vadd.f32 v12, v10;
	v51 =	vmul.f32 $5.000000000e-01, v26;
	v52 =	vmul.f32 $5.000000000e-01, v19  }
0x421: {  	v53 =	vadd.f32 v11, v1;
	v55 =	vmul.f32 $5.000000000e-01, v28;
	v57 =	vadd.f32 v27, v10  }
0x422: {  	v32 =	vmul.f32 v33, v32;
	v31 =	vmul.f32 v34, v31;
	v9 =	vmax.f32 v21, $0.0e+00  }
0x423: {  	v47 =	vmul.f32 v49, v47;
	v54 =	vadd.f32 v23, v10;
	v3 =	vmul.f32 v9, v3  }
0x424: {  	v60 =	vmul.f32 v50, v0;
	v53 =	vmul.f32 v53, v0;
	v31 =	vadd.f32 v31, v32  }
0x425: {  	v46 =	vld.idx.msk [tilespmem:v46+s12+$0x0], $0xffff;
	v57 =	vmul.f32 v57, v0;
	v56 =	vadd.f32 v25, v1;
	v58 =	vadd.f32 v29, v1  }
0x426: {  	v14 =	vld.idx.msk [tilespmem:v14+s12+$0x0], $0xffff;
	v3 =	vadd.f32 v3, v47;
	v47 =	vmul.f32 v54, v0;
	v54 =	vsub.f32 v60, v45  }
0x427: {  	v35 =	vmul.f32 v37, v35;
	v24 =	vld.idx.msk [tilespmem:v24+s12+$0x0], $0xffff;
	v9 =	vadd.f32 v45, v60;
	v45 =	vsub.f32 v53, v42  }
0x428: {  	v38 =	vmul.f32 v40, v38;
	v42 =	vadd.f32 v42, v53;
	v37 =	vadd.f32 v51, v57  }
0x429: {  	v30 =	vmul.f32 $5.000000000e-01, v30;
	v59 =	vadd.f32 v8, v2;
	v49 =	vadd.f32 v48, v39  }
0x42a: {  	v50 =	vsub.f32 v46, v55;
	v55 =	vadd.f32 v55, v46;
	v56 =	vmul.f32 v56, v0  }
0x42b: {  	v48 =	vsub.f32 v39, v48;
	v8 =	vsub.f32 v2, v8;
	v2 =	vmul.f32 $2.800000000e+01, v2  }
0x42c: {  	v41 =	vld.idx.msk [tilespmem:v41+s12+$0x0], $0xffff;
	vm0 =	vgt.f32 v24, v14;
	vm2 =	vge.f32 v14, v24;
	v60 =	vsub.f32 v47, v13  }
0x42d: {  	v44 =	vld.idx.msk [tilespmem:v44+s12+$0x0], $0xffff;
	v53 =	vmul.f32 v58, v0;
	v13 =	vadd.f32 v13, v47;
	v47 =	vsub.f32 v56, v36  }
0x42e: {  	v58 =	vmul.f32 $5.000000000e-01, v21;
	v36 =	vadd.f32 v36, v56;
	v56 =	vsub.f32 v57, v51  }
0x42f: {  	v9 =	vmin.f32 v9, v59;
	v8 =	vmax.f32 v54, v8;
	v54 =	vadd.f32 v38, v35  }
0x430: {  	v37 =	vmin.f32 v37, v55;
	v55 =	vsub.f32 v26, v28;
	v2 =	vsub.f32 v2, v10  }
0x431: {  	v40 =	vld.idx.msk [tilespmem:v43+s12+$0x0], $0xffff;
	v38 =	vmul.f32 $2.800000000e+01, v41;
	v51 =	vsub.f32 v53, v52;
	v43 =	vadd.f32 v52, v53  }
0x432: {  	v57 =	vadd.f32 v58, v44;
	v59 =	vsub.f32 v44, v58;
	v13 =	vmin.f32 v13, v49  }
0x433: {  	v58 =	vmul.f32 $5.000000000e-01, v18;
	v48 =	vmax.f32 v60, v48;
	v60 =	vadd.f32 v30, v41  }
0x434: {  	v30 =	vsub.f32 v41, v30;
	v8 =	vsub.f32 v9, v8;
	v56 =	vmax.f32 v56, v50  }
0x435: {  	v13 =	vsub.f32 v13, v48;
	v2 =	vsub.f32 v12, v2;
	v43 =	vmin.f32 v43, v57  }
0x436: {  	v57 =	vmax.f32 v51, v59;
	v37 =	vsub.f32 v37, v56;
	v59 =	vsub.f32 v40, v58  }
0x437: {  	v51 =	vadd.f32 v58, v40;
	v42 =	vmin.f32 v42, v60;
	v30 =	vmax.f32 v45, v30  }
0x438: {  	v8 =	vmax.f32 v8, $0.0e+00;
	v56 =	vmul.f32 $2.800000000e+01, v46;
	v58 =	vmul.f32 $2.800000000e+01, v39  }
0x439: {  	v39 =	vsub.f32 v15, v17;
	v43 =	vsub.f32 v43, v57;
	v52 =	vmax.f32 v13, $0.0e+00  }
0x43a: {  	v57 =	vmul.f32 $2.800000000e+01, v44;
	v36 =	vmin.f32 v36, v51;
	v47 =	vmax.f32 v47, v59  }
0x43b: {  	v37 =	vmax.f32 v37, $0.0e+00;
	v36 =	vsub.f32 v36, v47;
	v43 =	vmax.f32 v43, $0.0e+00  }
0x43c: {  	v30 =	vsub.f32 v42, v30;
	v2 =	vmul.f32 v2, v2;
	v37 =	vmul.f32 v43, v37  }
0x43d: {  	v59 =	vmul.f32 $2.800000000e+01, v40;
	v26 =	vsub.f32 v56, v10;
	v53 =	vmax.f32 v36, $0.0e+00  }
0x43e: {  	v60 =	vsub.f32 v58, v10;
	v9 =	vmul.f32 v53, v52;
	v3 =	vsub.f32 v3, v37  }
0x43f: {  	v40 =	vsub.f32 v16, v18;
	v30 =	vmax.f32 v30, $0.0e+00;
	v28 =	vsub.f32 v57, v1  }
0x440: {  	v8 =	vmul.f32 v30, v8;
	v13 =	vsub.f32 v54, v9;
	v3 =	vadd.f32 $1.000000010e-10, v3  }
0x441: {  	v15 =	vmul.f32 v39, v39;
	v33 =	vsub.f32 v59, v1;
	v26 =	vsub.f32 v27, v26  }
0x442: {  	v57 =	vld [tilespmem:$0x1FEF0];
	v13 =	vadd.f32 $1.000000010e-10, v13;
	(erf) = vrcp.f32 v3;
	v3 =	vsub.f32 v31, v8  }
0x443: {  	v22 =	vld.idx.msk [tilespmem:v22+s12+$0x0], $0xffff;
	v16 =	vmul.f32 v40, v40;
	v34 =	vsub.f32 v29, v28;
	v36 =	vsub.f32 v19, v21  }
0x444: {  	v19 =	vsub.f32 v38, v1;
	(erf) = vrcp.f32 v13;
	v3 =	vadd.f32 $1.000000010e-10, v3  }
0x445: {  	v35 =	vsub.f32 v25, v33;
	v48 =	vmul.f32 v26, v26;
	v56 =	vadd.f32 v16, v15  }
0x446: {  	v51 =	vmul.f32 v34, v34;
	v54 =	vsub.f32 v11, v19;
	(erf) = vrcp.f32 v3;
	v3 =	vld.idx.msk [tilespmem:v20+s12+$0x0], $0xffff  }
0x447: {  	v10 =	vmul.f32 v36, v36;
	v15 =	vmul.f32 v57, v57;
	v20 =	vsub.f32 v23, v60  }
0x448: {  	vm4 =	vgt.f32 v22, $0.0e+00;
	v11 =	vmul.f32 v54, v54;
	v13 =	vmul.f32 v55, v55  }
0x449: {  	v55 =	vadd.f32 v51, v48;
	v23 =	vmul.f32 v35, v35;
	v20 =	vmul.f32 v20, v20  }
0x44a: {  	v2 =	vadd.f32 v11, v2;
	v10 =	vadd.f32 v10, v13;
	v60 =	vmul.f32 v63, v63  }
0x44b: {  	v20 =	vadd.f32 v23, v20;
	v41 =	vpop (erf);
	vm1 =	vge.f32 v14, v3;
	vm3 =	vgt.f32 v3, v14  }
0x44c: {  	vm13 =	vge.f32 v3, v24;
	vm15 =	vgt.f32 v24, v3;
	v17 =	vmul.f32 v41, v37  }
0x44d: {  	vm1 =	vmand vm1, vm2;
	vm3 =	vmand vm3, vm4;
	vm0 =	vmand vm0, vm15;
	v42 =	vpop (erf)  }
0x44e: {  	vm1 =	vmand vm1, vm4;
	v17 =	vsub.f32 v14, v17;
	v9 =	vmul.f32 v42, v9  }
0x44f: {  	vm14 =	vmand vm3, vm13;
	vm0 =	vmand vm0, vm4;
	v43 =	vsel vm1, $0x3F800000, v62  }
0x450: {  	v46 =	vsel vm14, $0x3F800000, v62;
	v45 =	vmul.f32 v17, v43;
	v9 =	vsub.f32 v3, v9  }
0x451: {  	v50 =	vsel vm0, $0x3F800000, v62;
	v49 =	vsub.f32 $1.000000000e+00, v43;
	v59 =	vmul.f32 v55, v43  }
0x452: {  	v44 =	vpop (erf);
	v53 =	vsub.f32 $1.000000000e+00, v46;
	v17 =	vmul.f32 v45, v17;
	v47 =	vmul.f32 v9, v46  }
0x453: {  	v58 =	vsub.f32 $1.000000000e+00, v50;
	v10 =	vmul.f32 v10, v43;
	v8 =	vmul.f32 v44, v8  }
0x454: {  	v22 =	vmul.f32 v49, v14;
	v17 =	vadd.f32 $0.0e+00, v17;
	v9 =	vmul.f32 v47, v9  }
0x455: {  	v62 =	vmul.f32 v20, v46;
	v13 =	vmul.f32 v56, v46;
	v8 =	vsub.f32 v24, v8  }
0x456: {  	v14 =	vmul.f32 v22, v14;
	v9 =	vadd.f32 v9, v17;
	v17 =	vmul.f32 v53, v3  }
0x457: {  	v15 =	vadd.f32 v60, v15;
	v2 =	vmul.f32 v2, v50;
	v11 =	vmul.f32 v58, v24  }
0x458: {  	s19 =	sadd.s32 $0x1, s19;
	v52 =	vmul.f32 v8, v50;
	v14 =	vadd.f32 $0.0e+00, v14;
	v3 =	vmul.f32 v17, v3  }
0x459: {  	p0 =	sne.s32 s19, $0x4;
	v12 =	vmul.f32 v15, v50;
	v16 =	vadd.f32 v62, v59;
	v10 =	vadd.f32 v13, v10  }
.Ltmp12:
0x45a: {  	v11 =	vmul.f32 v11, v24;
	v8 =	vmul.f32 v52, v8;
	v3 =	vadd.f32 v14, v3;
	(pc) =	sbr.rel @p0 .LBB2_23-.Ltmp12, $4  }
0x45b: {  	v2 =	vadd.f32 v2, v16;
	v63 =	vadd.f32 v12, v10  }
0x45c: {  	v8 =	vadd.f32 v8, v9;
	v3 =	vadd.f32 v3, v11  }
0x45d: {  	v7 =	vadd.f32 v2, v7;
	v6 =	vadd.f32 v63, v6  }
0x45e: {  	v5 =	vadd.f32 v8, v5;
	v4 =	vadd.f32 v3, v4  }
0x45f: {  	_ =	swait.ge [sflag:s13], $0x8000  }
0x460: {  	[sflag:s13] =	ssyncset.done $0x0  }
0x461: {  	s18 =	simm.s32 $0x0;
	s19 =	simm.s32 $0x0;
	[sflag:s13] =	ssyncadd.s32 $0xFFFF8000  }
.LBB2_27:
0x462: {  	v2 =	vmov s18  }
0x463: {  	s20 =	sshll.u32 s19, $0xD;
	v2 =	vshll.u32 v2, $0x7  }
0x464: {  	v3 =	vmov s20;
	v2 =	vor.u32 v61, v2  }
0x465: {  	v14 =	vadd.s32 v3, v2  }
0x466: {  	v2 =	vor.u32 $0xD, v14  }
0x467: {  	[tilespmem:$0x1FEB0] =	vst v3;
	v3 =	vor.u32 $0xE, v14  }
0x468: {  	v8 =	vor.u32 $0x1D, v14  }
0x469: {  	v9 =	vor.u32 $0x1E, v14  }
0x46a: {  	v10 =	vor.u32 $0x8, v14  }
0x46b: {  	v11 =	vor.u32 $0x9, v14;
	v2 =	vld.idx.msk [tilespmem:v2+s1+$0x0], $0xffff  }
0x46c: {  	v12 =	vor.u32 $0xB, v14;
	v3 =	vld.idx.msk [tilespmem:v3+s1+$0x0], $0xffff  }
0x46d: {  	v17 =	vor.u32 $0xC, v14;
	v39 =	vld.idx.msk [tilespmem:v8+s1+$0x0], $0xffff  }
0x46e: {  	v18 =	vor.u32 $0x19, v14;
	v30 =	vld.idx.msk [tilespmem:v9+s1+$0x0], $0xffff  }
0x46f: {  	v19 =	vor.u32 $0x3, v14;
	v15 =	vld.idx.msk [tilespmem:v10+s1+$0x0], $0xffff  }
0x470: {  	v21 =	vor.u32 $0x4, v14;
	v16 =	vld.idx.msk [tilespmem:v11+s1+$0x0], $0xffff  }
0x471: {  	v23 =	vor.u32 $0x13, v14;
	v12 =	vld.idx.msk [tilespmem:v12+s1+$0x0], $0xffff  }
0x472: {  	v25 =	vor.u32 $0x14, v14;
	v8 =	vor.u32 $0x18, v14;
	v11 =	vld.idx.msk [tilespmem:v17+s1+$0x0], $0xffff  }
0x473: {  	s31 =	scvt.s32.f32 s19;
	v27 =	vor.u32 $0x6, v14;
	v20 =	vor.u32 $0x5, v14;
	v29 =	vor.u32 $0x7, v14;
	v18 =	vld.idx.msk [tilespmem:v18+s1+$0x0], $0xffff  }
0x474: {  	v22 =	vor.u32 $0x10, v14;
	v38 =	vor.u32 $0x1, v14;
	v24 =	vor.u32 $0xA, v14;
	v26 =	vld.idx.msk [tilespmem:v19+s1+$0x0], $0xffff  }
0x475: {  	v36 =	vor.u32 $0x1B, v14;
	v42 =	vor.u32 $0x2, v14;
	v9 =	vmov s31;
	v19 =	vld.idx.msk [tilespmem:v21+s1+$0x0], $0xffff  }
0x476: {  	v48 =	vor.u32 $0x16, v14;
	v41 =	vor.u32 $0x1C, v14;
	v28 =	vld.idx.msk [tilespmem:v23+s1+$0x0], $0xffff;
	v9 =	vadd.f32 $2.400000000e+01, v9  }
0x477: {  	v46 =	vor.u32 $0x11, v14;
	v44 =	vor.u32 $0x12, v14;
	v43 =	vor.u32 $0x17, v14;
	v17 =	vld.idx.msk [tilespmem:v8+s1+$0x0], $0xffff  }
0x478: {  	v21 =	vld.idx.msk [tilespmem:v25+s1+$0x0], $0xffff;
	v10 =	vbroadcast v9, $0x0;
	v8 =	vsub.f32 v2, v39;
	v63 =	vsub.f32 v3, v30  }
0x479: {  	v23 =	vld.idx.msk [tilespmem:v27+s1+$0x0], $0xffff;
	v32 =	vmax.f32 v2, $0.0e+00;
	v33 =	vmax.f32 v3, $0.0e+00;
	v31 =	vmax.f32 v39, $0.0e+00  }
0x47a: {  	v25 =	vld.idx.msk [tilespmem:v29+s1+$0x0], $0xffff;
	v35 =	vmax.f32 v15, $0.0e+00;
	v37 =	vmax.f32 v16, $0.0e+00;
	v34 =	vmax.f32 v30, $0.0e+00  }
0x47b: {  	v27 =	vld.idx.msk [tilespmem:v38+s1+$0x0], $0xffff;
	v47 =	vmax.f32 v26, $0.0e+00;
	v40 =	vmax.f32 v18, $0.0e+00;
	v49 =	vmax.f32 v19, $0.0e+00  }
0x47c: {  	s20 =	simm.s32 $0x10;
	v29 =	vld.idx.msk [tilespmem:v42+s1+$0x0], $0xffff;
	v45 =	vmul.f32 $5.000000000e-01, v2;
	v42 =	vmul.f32 $5.000000000e-01, v3;
	[tilespmem:$0x1FEC0] =	vst v8;
	v38 =	vmax.f32 v17, $0.0e+00  }
.LBB2_28:
0x47d: {  	v3 =	vmul.f32 $5.000000000e-01, v39  }
0x47e: {  	v39 =	vmul.f32 $5.000000000e-01, v30;
	v50 =	vmul.f32 $5.000000000e-01, v15  }
0x47f: {  	v51 =	vmul.f32 $5.000000000e-01, v16;
	v52 =	vmul.f32 $5.000000000e-01, v17  }
0x480: {  	v36 =	vld.idx.msk [tilespmem:v36+s1+$0x0], $0xffff;
	v53 =	vmul.f32 $5.000000000e-01, v18;
	v55 =	vmul.f32 $5.000000000e-01, v26  }
0x481: {  	v30 =	vld.idx.msk [tilespmem:v41+s1+$0x0], $0xffff;
	v54 =	vadd.f32 v12, v10;
	v56 =	vmul.f32 $5.000000000e-01, v19;
	v32 =	vmul.f32 v33, v32  }
0x482: {  	v48 =	vld.idx.msk [tilespmem:v48+s1+$0x0], $0xffff;
	v57 =	vadd.f32 v11, v1;
	v31 =	vmul.f32 v34, v31;
	v34 =	vmul.f32 v49, v47  }
0x483: {  	v43 =	vld.idx.msk [tilespmem:v43+s1+$0x0], $0xffff;
	v54 =	vmul.f32 v54, v0;
	v59 =	vadd.f32 v23, v10;
	v60 =	vadd.f32 v25, v1  }
0x484: {  	v46 =	vld.idx.msk [tilespmem:v46+s1+$0x0], $0xffff;
	v2 =	vmax.f32 v28, $0.0e+00;
	v61 =	vadd.f32 v27, v10;
	v62 =	vadd.f32 v29, v1  }
0x485: {  	v44 =	vld.idx.msk [tilespmem:v44+s1+$0x0], $0xffff;
	v41 =	vmax.f32 v21, $0.0e+00;
	v13 =	vsub.f32 v36, v3;
	v3 =	vadd.f32 v3, v36  }
0x486: {  	v58 =	vmul.f32 $5.000000000e-01, v28;
	v33 =	vsub.f32 v30, v39;
	v39 =	vadd.f32 v39, v30  }
0x487: {  	[tilespmem:$0x1FEA0] =	vst v63;
	v63 =	vmul.f32 $5.000000000e-01, v21;
	v47 =	vsub.f32 v48, v52;
	v49 =	vadd.f32 v52, v48  }
0x488: {  	v2 =	vmul.f32 v41, v2;
	v41 =	vsub.f32 v43, v53;
	v52 =	vadd.f32 v53, v43  }
0x489: {  	v57 =	vmul.f32 v57, v0;
	v53 =	vsub.f32 v46, v58;
	v58 =	vadd.f32 v58, v46  }
0x48a: {  	v8 =	vsub.f32 v44, v63;
	v63 =	vadd.f32 v63, v44;
	v61 =	vmul.f32 v61, v0  }
0x48b: {  	v2 =	vadd.f32 v2, v34;
	v34 =	vmul.f32 v59, v0;
	v59 =	vsub.f32 v54, v45  }
0x48c: {  	v60 =	vmul.f32 v60, v0;
	v45 =	vadd.f32 v45, v54;
	v54 =	vsub.f32 v57, v42  }
0x48d: {  	v42 =	vadd.f32 v42, v57;
	v57 =	vmul.f32 v62, v0;
	v62 =	vsub.f32 v61, v55  }
0x48e: {  	v35 =	vmul.f32 v37, v35;
	v37 =	vadd.f32 v55, v61;
	v9 =	vsub.f32 v34, v50  }
0x48f: {  	v34 =	vadd.f32 v50, v34;
	v50 =	vsub.f32 v60, v51  }
0x490: {  	v38 =	vmul.f32 v40, v38;
	v51 =	vadd.f32 v51, v60;
	v55 =	vsub.f32 v57, v56  }
0x491: {  	v57 =	vadd.f32 v56, v57;
	v3 =	vmin.f32 v45, v3;
	v13 =	vmax.f32 v59, v13  }
0x492: {  	v39 =	vmin.f32 v42, v39;
	v37 =	vmin.f32 v37, v58;
	v45 =	vmax.f32 v62, v53  }
0x493: {  	v34 =	vmin.f32 v34, v49;
	v40 =	vmin.f32 v57, v63;
	v8 =	vmax.f32 v55, v8  }
0x494: {  	v37 =	vsub.f32 v37, v45;
	v9 =	vmax.f32 v9, v47;
	v8 =	vsub.f32 v40, v8  }
0x495: {  	v49 =	vmin.f32 v51, v52;
	v50 =	vmax.f32 v50, v41;
	v9 =	vsub.f32 v34, v9  }
0x496: {  	v34 =	vsub.f32 v49, v50;
	v37 =	vmax.f32 v37, $0.0e+00;
	v8 =	vmax.f32 v8, $0.0e+00  }
0x497: {  	v3 =	vsub.f32 v3, v13;
	v13 =	vmax.f32 v54, v33;
	v8 =	vmul.f32 v8, v37  }
0x498: {  	v13 =	vsub.f32 v39, v13;
	v9 =	vmax.f32 v9, $0.0e+00;
	v51 =	vmax.f32 v34, $0.0e+00  }
0x499: {  	v52 =	vadd.f32 v38, v35;
	v9 =	vmul.f32 v51, v9;
	v2 =	vsub.f32 v2, v8  }
0x49a: {  	v31 =	vadd.f32 v31, v32;
	v3 =	vmax.f32 v3, $0.0e+00;
	v13 =	vmax.f32 v13, $0.0e+00  }
0x49b: {  	v3 =	vmul.f32 v13, v3;
	v53 =	vsub.f32 v52, v9;
	v2 =	vadd.f32 $1.000000010e-10, v2  }
0x49c: {  	v26 =	vsub.f32 v26, v28  }
0x49d: {  	v31 =	vsub.f32 v31, v3;
	v28 =	vadd.f32 $1.000000010e-10, v53;
	(erf) = vrcp.f32 v2  }
0x49e: {  	v14 =	vld.idx.msk [tilespmem:v14+s1+$0x0], $0xffff  }
0x49f: {  	v20 =	vld.idx.msk [tilespmem:v20+s1+$0x0], $0xffff;
	v31 =	vadd.f32 $1.000000010e-10, v31;
	(erf) = vrcp.f32 v28  }
0x4a0: {  	v54 =	vmul.f32 $2.800000000e+01, v44;
	v2 =	vld.idx.msk [tilespmem:v22+s1+$0x0], $0xffff  }
0x4a1: {  	v15 =	vsub.f32 v15, v17;
	v13 =	vmul.f32 $2.800000000e+01, v46;
	v22 =	vld.idx.msk [tilespmem:v24+s1+$0x0], $0xffff;
	(erf) = vrcp.f32 v31  }
0x4a2: {  	v16 =	vsub.f32 v16, v18;
	v24 =	vsub.f32 v54, v1  }
0x4a3: {  	v19 =	vsub.f32 v19, v21;
	v13 =	vsub.f32 v13, v10  }
0x4a4: {  	vm1 =	vgt.f32 v20, v14;
	vm4 =	vge.f32 v14, v20;
	v24 =	vsub.f32 v29, v24  }
0x4a5: {  	v62 =	vimm.f32 $0.0e+00;
	v13 =	vsub.f32 v27, v13;
	v27 =	vmul.f32 $2.800000000e+01, v30  }
0x4a6: {  	v21 =	vmul.f32 v24, v24;
	vm0 =	vgt.f32 v22, v14;
	vm2 =	vgt.f32 v2, $0.0e+00;
	v2 =	vpop (erf)  }
0x4a7: {  	vm3 =	vgt.f32 v22, v20;
	vm5 =	vge.f32 v14, v22;
	v2 =	vmul.f32 v2, v8  }
0x4a8: {  	vm15 =	vge.f32 v20, v22;
	vm4 =	vmand vm4, vm5;
	vm1 =	vmand vm1, vm2;
	v8 =	vpop (erf)  }
0x4a9: {  	vm4 =	vmand vm4, vm2;
	v8 =	vmul.f32 v8, v9;
	v2 =	vsub.f32 v14, v2  }
0x4aa: {  	vm0 =	vmand vm0, vm3;
	vm1 =	vmand vm1, vm15;
	v9 =	vsel vm4, $0x3F800000, v62;
	v17 =	vpop (erf)  }
0x4ab: {  	v3 =	vmul.f32 v17, v3;
	v8 =	vsub.f32 v20, v8;
	v18 =	vmul.f32 v2, v9  }
0x4ac: {  	v24 =	vsub.f32 v27, v1;
	vm0 =	vmand vm0, vm2;
	v27 =	vsel vm1, $0x3F800000, v62  }
0x4ad: {  	v3 =	vsub.f32 v22, v3;
	v2 =	vmul.f32 v18, v2;
	v18 =	vmul.f32 v8, v27  }
0x4ae: {  	v56 =	vmul.f32 $2.800000000e+01, v43;
	v29 =	vsel vm0, $0x3F800000, v62  }
0x4af: {  	v2 =	vadd.f32 $0.0e+00, v2;
	v8 =	vmul.f32 v18, v8;
	v18 =	vmul.f32 v3, v29  }
0x4b0: {  	v55 =	vmul.f32 $2.800000000e+01, v48;
	v57 =	vsub.f32 v56, v1  }
0x4b1: {  	v15 =	vmul.f32 v15, v15;
	v2 =	vadd.f32 v8, v2;
	v3 =	vmul.f32 v18, v3  }
0x4b2: {  	v16 =	vmul.f32 v16, v16;
	v25 =	vsub.f32 v25, v57;
	v28 =	vsub.f32 v55, v10  }
0x4b3: {  	v26 =	vmul.f32 v26, v26;
	v58 =	vmul.f32 $2.800000000e+01, v36;
	v2 =	vadd.f32 v3, v2  }
0x4b4: {  	v61 =	vld [tilespmem:$0x1FFF0];
	v25 =	vmul.f32 v25, v25;
	v23 =	vsub.f32 v23, v28;
	v17 =	vsub.f32 $1.000000000e+00, v9  }
0x4b5: {  	v13 =	vmul.f32 v13, v13;
	v28 =	vsub.f32 v58, v10;
	v5 =	vadd.f32 v2, v5;
	v2 =	vld [tilespmem:$0x1FEB0]  }
0x4b6: {  	v23 =	vmul.f32 v23, v23;
	v17 =	vmul.f32 v17, v14  }
0x4b7: {  	v12 =	vsub.f32 v12, v28;
	v30 =	vsub.f32 $1.000000000e+00, v27;
	v18 =	vmov s20  }
0x4b8: {  	v17 =	vmul.f32 v17, v14;
	v8 =	vsub.f32 v11, v24;
	v3 =	vshll.u32 v18, $0x7  }
0x4b9: {  	v11 =	vadd.f32 v21, v13;
	v13 =	vmul.f32 v19, v19;
	v3 =	vor.u32 v61, v3  }
0x4ba: {  	v19 =	vmul.f32 v30, v20;
	v21 =	vsub.f32 $1.000000000e+00, v29;
	v14 =	vadd.s32 v2, v3  }
0x4bb: {  	v24 =	vld [tilespmem:$0x1FEA0];
	v2 =	vmul.f32 v12, v12;
	v3 =	vmul.f32 v8, v8;
	v8 =	vor.u32 $0xD, v14  }
0x4bc: {  	v12 =	vadd.f32 v13, v26;
	v13 =	vadd.f32 v16, v15;
	v15 =	vor.u32 $0xE, v14  }
0x4bd: {  	v17 =	vadd.f32 $0.0e+00, v17;
	v18 =	vadd.f32 v25, v23;
	v23 =	vor.u32 $0x1D, v14  }
0x4be: {  	v19 =	vmul.f32 v19, v20;
	v20 =	vmul.f32 v21, v22;
	v16 =	vld [tilespmem:$0x1FEC0];
	v25 =	vor.u32 $0x1E, v14  }
0x4bf: {  	v11 =	vmul.f32 v11, v9;
	v18 =	vmul.f32 v18, v27;
	v26 =	vor.u32 $0x8, v14  }
0x4c0: {  	v20 =	vmul.f32 v20, v22;
	v24 =	vmul.f32 v24, v24;
	v21 =	vor.u32 $0xC, v14;
	v8 =	vld.idx.msk [tilespmem:v8+s1+$0x0], $0xffff  }
0x4c1: {  	v11 =	vadd.f32 v18, v11;
	v22 =	vor.u32 $0x3, v14;
	v2 =	vadd.f32 v3, v2;
	v59 =	vld.idx.msk [tilespmem:v15+s1+$0x0], $0xffff  }
0x4c2: {  	v3 =	vor.u32 $0x9, v14;
	v9 =	vmul.f32 v12, v9;
	v12 =	vmul.f32 v13, v27;
	v39 =	vld.idx.msk [tilespmem:v23+s1+$0x0], $0xffff  }
0x4c3: {  	v13 =	vor.u32 $0xB, v14;
	v2 =	vmul.f32 v2, v29;
	v16 =	vmul.f32 v16, v16;
	v30 =	vld.idx.msk [tilespmem:v25+s1+$0x0], $0xffff  }
0x4c4: {  	v17 =	vadd.f32 v17, v19;
	v18 =	vor.u32 $0x18, v14;
	v19 =	vor.u32 $0x19, v14;
	v15 =	vld.idx.msk [tilespmem:v26+s1+$0x0], $0xffff  }
0x4c5: {  	v27 =	vor.u32 $0x1, v14;
	v2 =	vadd.f32 v2, v11;
	v11 =	vld.idx.msk [tilespmem:v21+s1+$0x0], $0xffff;
	v16 =	vadd.f32 v24, v16  }
0x4c6: {  	v36 =	vor.u32 $0x1B, v14;
	v48 =	vor.u32 $0x16, v14;
	v41 =	vor.u32 $0x1C, v14;
	v26 =	vld.idx.msk [tilespmem:v22+s1+$0x0], $0xffff  }
0x4c7: {  	v9 =	vadd.f32 v12, v9;
	v23 =	vmul.f32 v16, v29;
	v16 =	vld.idx.msk [tilespmem:v3+s1+$0x0], $0xffff;
	v3 =	vor.u32 $0x4, v14  }
0x4c8: {  	v21 =	vor.u32 $0x13, v14;
	v12 =	vld.idx.msk [tilespmem:v13+s1+$0x0], $0xffff;
	v13 =	vadd.f32 v17, v20;
	v7 =	vadd.f32 v2, v7  }
0x4c9: {  	v17 =	vld.idx.msk [tilespmem:v18+s1+$0x0], $0xffff;
	v2 =	vor.u32 $0x14, v14;
	v9 =	vadd.f32 v23, v9;
	v18 =	vsub.f32 v8, v39  }
0x4ca: {  	v46 =	vor.u32 $0x11, v14;
	v27 =	vld.idx.msk [tilespmem:v27+s1+$0x0], $0xffff;
	v4 =	vadd.f32 v13, v4;
	v13 =	vor.u32 $0x6, v14  }
0x4cb: {  	v44 =	vor.u32 $0x12, v14;
	[tilespmem:$0x1FEC0] =	vst v18;
	v18 =	vld.idx.msk [tilespmem:v19+s1+$0x0], $0xffff;
	v6 =	vadd.f32 v9, v6;
	v9 =	vor.u32 $0x7, v14  }
0x4cc: {  	p0 =	sne.s32 s20, $0x30;
	v43 =	vor.u32 $0x17, v14;
	v22 =	vor.u32 $0x10, v14;
	v19 =	vld.idx.msk [tilespmem:v3+s1+$0x0], $0xffff;
	v3 =	vor.u32 $0x2, v14  }
.Ltmp13:
0x4cd: {  	v20 =	vor.u32 $0x5, v14;
	v24 =	vor.u32 $0xA, v14;
	v63 =	vsub.f32 v59, v30;
	v28 =	vld.idx.msk [tilespmem:v21+s1+$0x0], $0xffff;
	(pc) =	sbr.rel @p0 .LBB2_28-.Ltmp13, $4  }
0x4ce: {  	v32 =	vmax.f32 v8, $0.0e+00;
	v33 =	vmax.f32 v59, $0.0e+00;
	v31 =	vmax.f32 v39, $0.0e+00;
	v21 =	vld.idx.msk [tilespmem:v2+s1+$0x0], $0xffff  }
0x4cf: {  	v35 =	vmax.f32 v15, $0.0e+00;
	v34 =	vmax.f32 v30, $0.0e+00;
	v47 =	vmax.f32 v26, $0.0e+00;
	v23 =	vld.idx.msk [tilespmem:v13+s1+$0x0], $0xffff  }
0x4d0: {  	v45 =	vmul.f32 $5.000000000e-01, v8;
	v42 =	vmul.f32 $5.000000000e-01, v59;
	v38 =	vmax.f32 v17, $0.0e+00;
	v25 =	vld.idx.msk [tilespmem:v9+s1+$0x0], $0xffff  }
0x4d1: {  	s20 =	sadd.s32 $0x10, s20;
	v37 =	vmax.f32 v16, $0.0e+00;
	v40 =	vmax.f32 v18, $0.0e+00;
	v29 =	vld.idx.msk [tilespmem:v3+s1+$0x0], $0xffff;
	v49 =	vmax.f32 v19, $0.0e+00  }
0x4d2: {  	_ =	sdelay $0x3  }
0x4d3: {  	v2 =	vld.idx.msk [tilespmem:v36+s1+$0x0], $0xffff;
	v8 =	vmul.f32 $5.000000000e-01, v39;
	v13 =	vmul.f32 $5.000000000e-01, v15  }
0x4d4: {  	v3 =	vmax.f32 v28, $0.0e+00;
	v36 =	vmul.f32 $5.000000000e-01, v16;
	v39 =	vld.idx.msk [tilespmem:v48+s1+$0x0], $0xffff;
	v48 =	vmul.f32 $5.000000000e-01, v17  }
0x4d5: {  	v50 =	vadd.f32 v12, v10;
	v51 =	vmul.f32 $5.000000000e-01, v26;
	v52 =	vmul.f32 $5.000000000e-01, v19  }
0x4d6: {  	v53 =	vadd.f32 v11, v1;
	v55 =	vmul.f32 $5.000000000e-01, v28;
	v57 =	vadd.f32 v27, v10  }
0x4d7: {  	v32 =	vmul.f32 v33, v32;
	v31 =	vmul.f32 v34, v31;
	v9 =	vmax.f32 v21, $0.0e+00  }
0x4d8: {  	v47 =	vmul.f32 v49, v47;
	v54 =	vadd.f32 v23, v10;
	v3 =	vmul.f32 v9, v3  }
0x4d9: {  	v60 =	vmul.f32 v50, v0;
	v53 =	vmul.f32 v53, v0;
	v31 =	vadd.f32 v31, v32  }
0x4da: {  	v46 =	vld.idx.msk [tilespmem:v46+s1+$0x0], $0xffff;
	v57 =	vmul.f32 v57, v0;
	v56 =	vadd.f32 v25, v1;
	v58 =	vadd.f32 v29, v1  }
0x4db: {  	v14 =	vld.idx.msk [tilespmem:v14+s1+$0x0], $0xffff;
	v3 =	vadd.f32 v3, v47;
	v47 =	vmul.f32 v54, v0;
	v54 =	vsub.f32 v60, v45  }
0x4dc: {  	v35 =	vmul.f32 v37, v35;
	v24 =	vld.idx.msk [tilespmem:v24+s1+$0x0], $0xffff;
	v9 =	vadd.f32 v45, v60;
	v45 =	vsub.f32 v53, v42  }
0x4dd: {  	v38 =	vmul.f32 v40, v38;
	v42 =	vadd.f32 v42, v53;
	v37 =	vadd.f32 v51, v57  }
0x4de: {  	v30 =	vmul.f32 $5.000000000e-01, v30;
	v59 =	vadd.f32 v8, v2;
	v49 =	vadd.f32 v48, v39  }
0x4df: {  	v50 =	vsub.f32 v46, v55;
	v55 =	vadd.f32 v55, v46;
	v56 =	vmul.f32 v56, v0  }
0x4e0: {  	v48 =	vsub.f32 v39, v48;
	v8 =	vsub.f32 v2, v8;
	v2 =	vmul.f32 $2.800000000e+01, v2  }
0x4e1: {  	v41 =	vld.idx.msk [tilespmem:v41+s1+$0x0], $0xffff;
	vm0 =	vgt.f32 v24, v14;
	vm2 =	vge.f32 v14, v24;
	v60 =	vsub.f32 v47, v13  }
0x4e2: {  	v44 =	vld.idx.msk [tilespmem:v44+s1+$0x0], $0xffff;
	v53 =	vmul.f32 v58, v0;
	v13 =	vadd.f32 v13, v47;
	v47 =	vsub.f32 v56, v36  }
0x4e3: {  	v58 =	vmul.f32 $5.000000000e-01, v21;
	v36 =	vadd.f32 v36, v56;
	v56 =	vsub.f32 v57, v51  }
0x4e4: {  	v9 =	vmin.f32 v9, v59;
	v8 =	vmax.f32 v54, v8;
	v54 =	vadd.f32 v38, v35  }
0x4e5: {  	v37 =	vmin.f32 v37, v55;
	v55 =	vsub.f32 v26, v28;
	v2 =	vsub.f32 v2, v10  }
0x4e6: {  	v40 =	vld.idx.msk [tilespmem:v43+s1+$0x0], $0xffff;
	v38 =	vmul.f32 $2.800000000e+01, v41;
	v51 =	vsub.f32 v53, v52;
	v43 =	vadd.f32 v52, v53  }
0x4e7: {  	v57 =	vadd.f32 v58, v44;
	v59 =	vsub.f32 v44, v58;
	v13 =	vmin.f32 v13, v49  }
0x4e8: {  	v58 =	vmul.f32 $5.000000000e-01, v18;
	v48 =	vmax.f32 v60, v48;
	v60 =	vadd.f32 v30, v41  }
0x4e9: {  	v30 =	vsub.f32 v41, v30;
	v8 =	vsub.f32 v9, v8;
	v56 =	vmax.f32 v56, v50  }
0x4ea: {  	v13 =	vsub.f32 v13, v48;
	v2 =	vsub.f32 v12, v2;
	v43 =	vmin.f32 v43, v57  }
0x4eb: {  	v57 =	vmax.f32 v51, v59;
	v37 =	vsub.f32 v37, v56;
	v59 =	vsub.f32 v40, v58  }
0x4ec: {  	v51 =	vadd.f32 v58, v40;
	v42 =	vmin.f32 v42, v60;
	v30 =	vmax.f32 v45, v30  }
0x4ed: {  	v8 =	vmax.f32 v8, $0.0e+00;
	v56 =	vmul.f32 $2.800000000e+01, v46;
	v58 =	vmul.f32 $2.800000000e+01, v39  }
0x4ee: {  	v39 =	vsub.f32 v15, v17;
	v43 =	vsub.f32 v43, v57;
	v52 =	vmax.f32 v13, $0.0e+00  }
0x4ef: {  	v57 =	vmul.f32 $2.800000000e+01, v44;
	v36 =	vmin.f32 v36, v51;
	v47 =	vmax.f32 v47, v59  }
0x4f0: {  	v37 =	vmax.f32 v37, $0.0e+00;
	v36 =	vsub.f32 v36, v47;
	v43 =	vmax.f32 v43, $0.0e+00  }
0x4f1: {  	v30 =	vsub.f32 v42, v30;
	v2 =	vmul.f32 v2, v2;
	v37 =	vmul.f32 v43, v37  }
0x4f2: {  	v59 =	vmul.f32 $2.800000000e+01, v40;
	v26 =	vsub.f32 v56, v10;
	v53 =	vmax.f32 v36, $0.0e+00  }
0x4f3: {  	v60 =	vsub.f32 v58, v10;
	v9 =	vmul.f32 v53, v52;
	v3 =	vsub.f32 v3, v37  }
0x4f4: {  	v40 =	vsub.f32 v16, v18;
	v30 =	vmax.f32 v30, $0.0e+00;
	v28 =	vsub.f32 v57, v1  }
0x4f5: {  	v8 =	vmul.f32 v30, v8;
	v13 =	vsub.f32 v54, v9;
	v3 =	vadd.f32 $1.000000010e-10, v3  }
0x4f6: {  	v15 =	vmul.f32 v39, v39;
	v33 =	vsub.f32 v59, v1;
	v26 =	vsub.f32 v27, v26  }
0x4f7: {  	v57 =	vld [tilespmem:$0x1FEC0];
	v13 =	vadd.f32 $1.000000010e-10, v13;
	(erf) = vrcp.f32 v3;
	v3 =	vsub.f32 v31, v8  }
0x4f8: {  	v22 =	vld.idx.msk [tilespmem:v22+s1+$0x0], $0xffff;
	v16 =	vmul.f32 v40, v40;
	v34 =	vsub.f32 v29, v28;
	v36 =	vsub.f32 v19, v21  }
0x4f9: {  	v19 =	vsub.f32 v38, v1;
	(erf) = vrcp.f32 v13;
	v3 =	vadd.f32 $1.000000010e-10, v3  }
0x4fa: {  	v35 =	vsub.f32 v25, v33;
	v48 =	vmul.f32 v26, v26;
	v56 =	vadd.f32 v16, v15  }
0x4fb: {  	v51 =	vmul.f32 v34, v34;
	v54 =	vsub.f32 v11, v19;
	(erf) = vrcp.f32 v3;
	v3 =	vld.idx.msk [tilespmem:v20+s1+$0x0], $0xffff  }
0x4fc: {  	v10 =	vmul.f32 v36, v36;
	v15 =	vmul.f32 v57, v57;
	v20 =	vsub.f32 v23, v60  }
0x4fd: {  	vm4 =	vgt.f32 v22, $0.0e+00;
	v11 =	vmul.f32 v54, v54;
	v13 =	vmul.f32 v55, v55  }
0x4fe: {  	v55 =	vadd.f32 v51, v48;
	v23 =	vmul.f32 v35, v35;
	v20 =	vmul.f32 v20, v20  }
0x4ff: {  	v2 =	vadd.f32 v11, v2;
	v10 =	vadd.f32 v10, v13;
	v60 =	vmul.f32 v63, v63  }
0x500: {  	v20 =	vadd.f32 v23, v20;
	v41 =	vpop (erf);
	vm1 =	vge.f32 v14, v3;
	vm3 =	vgt.f32 v3, v14  }
0x501: {  	vm13 =	vge.f32 v3, v24;
	vm15 =	vgt.f32 v24, v3;
	v17 =	vmul.f32 v41, v37  }
0x502: {  	vm1 =	vmand vm1, vm2;
	vm3 =	vmand vm3, vm4;
	vm0 =	vmand vm0, vm15;
	v42 =	vpop (erf)  }
0x503: {  	vm1 =	vmand vm1, vm4;
	v17 =	vsub.f32 v14, v17;
	v9 =	vmul.f32 v42, v9  }
0x504: {  	vm14 =	vmand vm3, vm13;
	vm0 =	vmand vm0, vm4;
	v43 =	vsel vm1, $0x3F800000, v62  }
0x505: {  	v46 =	vsel vm14, $0x3F800000, v62;
	v45 =	vmul.f32 v17, v43;
	v9 =	vsub.f32 v3, v9  }
0x506: {  	v50 =	vsel vm0, $0x3F800000, v62;
	v49 =	vsub.f32 $1.000000000e+00, v43;
	v59 =	vmul.f32 v55, v43  }
0x507: {  	v44 =	vpop (erf);
	v53 =	vsub.f32 $1.000000000e+00, v46;
	v17 =	vmul.f32 v45, v17;
	v47 =	vmul.f32 v9, v46  }
0x508: {  	v58 =	vsub.f32 $1.000000000e+00, v50;
	v10 =	vmul.f32 v10, v43;
	v8 =	vmul.f32 v44, v8  }
0x509: {  	v22 =	vmul.f32 v49, v14;
	v17 =	vadd.f32 $0.0e+00, v17;
	v9 =	vmul.f32 v47, v9  }
0x50a: {  	v62 =	vmul.f32 v20, v46;
	v13 =	vmul.f32 v56, v46;
	v8 =	vsub.f32 v24, v8  }
0x50b: {  	v14 =	vmul.f32 v22, v14;
	v9 =	vadd.f32 v9, v17;
	v17 =	vmul.f32 v53, v3  }
0x50c: {  	v15 =	vadd.f32 v60, v15;
	v2 =	vmul.f32 v2, v50;
	v11 =	vmul.f32 v58, v24  }
0x50d: {  	s19 =	sadd.s32 $0x1, s19;
	v52 =	vmul.f32 v8, v50;
	v14 =	vadd.f32 $0.0e+00, v14;
	v3 =	vmul.f32 v17, v3  }
0x50e: {  	p0 =	sne.s32 s19, $0x4;
	v12 =	vmul.f32 v15, v50;
	v16 =	vadd.f32 v62, v59;
	v10 =	vadd.f32 v13, v10  }
.Ltmp14:
0x50f: {  	v11 =	vmul.f32 v11, v24;
	v8 =	vmul.f32 v52, v8;
	v3 =	vadd.f32 v14, v3;
	(pc) =	sbr.rel @p0 .LBB2_27-.Ltmp14, $4  }
0x510: {  	v2 =	vadd.f32 v2, v16;
	v63 =	vadd.f32 v12, v10  }
0x511: {  	v8 =	vadd.f32 v8, v9;
	v3 =	vadd.f32 v3, v11  }
0x512: {  	v7 =	vadd.f32 v2, v7;
	v6 =	vadd.f32 v63, v6  }
0x513: {  	v5 =	vadd.f32 v8, v5;
	v4 =	vadd.f32 v3, v4  }
0x514: {  	[tilespmem:$0x10000] =	vst v7  }
0x515: {  	[tilespmem:$0x10010] =	vst v6;
	s17 =	sadd.s32 $0x1, s17  }
0x516: {  	[tilespmem:$0x10020] =	vst v5;
	p0 =	sne.s32 s17, s11  }
.Ltmp15:
0x517: {  	[tilespmem:$0x10030] =	vst v4;
	(pc) =	sbr.rel @p0 .LBB2_2-.Ltmp15, $4  }
0x518: {  	[hbm4b:s9+s1] =	stream.linear.scatter [tilespmem:s15], [sflag:$0x3], $0x80, $0x38;
	[tilespmem:$0x10080] =	vst v63  }
0x519: {  	_ =	swait.ge [sflag:s16], $0x80  }
0x51a: {  	[sflag:s16] =	ssyncset.done $0x0  }
0x51b: {  	[sflag:s16] =	ssyncadd.s32 $0xFFFFFF80  }
.LBB2_31:
0x51c: {  	_ =	sfence.sel $0x180000  }
0x51d: {  	[bflag:$0x0] =	sbarrier.arrive $0xFFFF  }
0x51e: {  	p0 =	sne.s32 s2, $0x0;
	_ =	strace $0x90000047  }
0x51f: {  	s0 =	sadd.s32 @!p0 $0x100000, s0;
	[bflag:$0x2] =	sbarrier.arrive $0xFFFF  }
0x520: {  	[sflag:s0] =	ssyncadd.tile.s32 @!p0 $0x1;
	_ =	shalt  }
.Lfunc_end2:
_tile_overlayer_lowered:
.L_overlay_start_2:
0x521: {  	(tag) =	ssettag $0x2  }
0x522: {  	s0 =	rddreg [dreg:$0x0];
	s2 =	stileid.u32  }
0x523: {  	s1 =	rddreg [dreg:$0x1];
	p0 =	sne.s32 s2, $0x0  }
0x524: {  	s3 =	rddreg [dreg:$0x2];
	[bflag:$0x3] =	sbarrier.arrive $0xFFFF;
	s2 =	simm.s32 @!p0 $0x1C04  }
0x525: {  	[timem:s3], [sflag:s2] =	dma.local @!p0 [hbm:s0], s1  }
0x526: {  	s0 =	simm.s32 @!p0 $0x4  }
0x527: {  	_ =	swait.ge @!p0 [sflag:s0], s1  }
0x528: {  	s1 =	ssub.s32 @!p0 $0x0, s1;
	[sflag:s0] =	ssyncset.done @!p0 $0x0  }
0x529: {  	[sflag:s0] =	ssyncadd.s32 @!p0 s1  }
0x52a: {  	[bflag:$0x3] =	sbarrier.arrive $0xFFFF  }
0x52b: {  	_ =	shalt  }

</sc_bundles>
